<compile_context>
chip_gen: v7x
topology: tpu7x:2x2x1
jax: 0.10.2.dev20260603
libtpu: 0.0.44.dev20260713+nightly
codegen_flags: <defaults>
</compile_context>

<pallas_src>
import functools

import jax
import jax.numpy as jnp
from jax import lax
from jax.experimental import pallas as pl
from jax.experimental.pallas import tpu as pltpu
from jax.experimental.pallas import tpu_sc as plsc

N = 1000
NP = 1024
C = 32
DC = 32
OUT_C = 64
E = 16000
SLICE = (NP * NP) // 16


def _build_adj_partials(edge_index, edge_weight):
    mesh = plsc.VectorSubcoreMesh(core_axis_name="c", subcore_axis_name="s")

    @functools.partial(
        pl.kernel,
        out_type=jax.ShapeDtypeStruct((2, NP, NP), jnp.float32),
        mesh=mesh,
        scratch_types=[
            pltpu.VMEM((512,), jnp.int32),
            pltpu.VMEM((512,), jnp.int32),
            pltpu.VMEM((512,), jnp.float32),
            pltpu.VMEM((4, 128), jnp.int32),
            pltpu.VMEM((4, 128), jnp.float32),
            pltpu.VMEM((8192,), jnp.float32),
            pltpu.VMEM_SHARED((NP * NP,), jnp.float32),
            pltpu.SemaphoreType.DMA,
        ],
    )
    def k(ei_hbm, ew_hbm, out_hbm,
          src_v, dst_v, w_v, idx_v, wm_v, zero_v, a_sh, sem):
        c = lax.axis_index("c")
        s = lax.axis_index("s")
        row = c * 16 + s
        base_e = row * 512

        @pl.when(row < 31)
        def _full():
            pltpu.sync_copy(ei_hbm.at[0, pl.ds(base_e, 512)], src_v)
            pltpu.sync_copy(ei_hbm.at[1, pl.ds(base_e, 512)], dst_v)
            pltpu.sync_copy(ew_hbm.at[pl.ds(base_e, 512)], w_v)

        @pl.when(row == 31)
        def _tail():
            pltpu.sync_copy(ei_hbm.at[0, pl.ds(base_e, 128)],
                            src_v.at[pl.ds(0, 128)])
            pltpu.sync_copy(ei_hbm.at[1, pl.ds(base_e, 128)],
                            dst_v.at[pl.ds(0, 128)])
            pltpu.sync_copy(ew_hbm.at[pl.ds(base_e, 128)],
                            w_v.at[pl.ds(0, 128)])

        def zfill(i, _):
            zero_v[pl.ds(i * 16, 16)] = jnp.zeros((16,), jnp.float32)
            return 0
        lax.fori_loop(0, 512, zfill, 0)
        base = s * SLICE
        def zdma(j, _):
            pltpu.sync_copy(zero_v, a_sh.at[pl.ds(base + j * 8192, 8192)])
            return 0
        lax.fori_loop(0, 8, zdma, 0)

        lane = lax.iota(jnp.int32, 16)
        for i in range(32):
            valid = (base_e + i * 16 + lane) < E
            sr = src_v[pl.ds(i * 16, 16)]
            d = dst_v[pl.ds(i * 16, 16)]
            wr = w_v[pl.ds(i * 16, 16)]
            idx_v[i // 8, pl.ds((i % 8) * 16, 16)] = jnp.where(
                valid, sr * NP + d, 0)
            wm_v[i // 8, pl.ds((i % 8) * 16, 16)] = jnp.where(valid, wr, 0.0)

        plsc.subcore_barrier()
        for ci in range(4):
            pltpu.sync_copy(wm_v.at[ci], a_sh.at[idx_v.at[ci]], add=True)
        plsc.subcore_barrier()

        rows_per = SLICE // NP
        row0 = s * rows_per
        descs = []
        for r in range(rows_per):
            descs.append(pltpu.async_copy(
                a_sh.at[pl.ds(base + r * NP, NP)],
                out_hbm.at[c, row0 + r], sem))
        for d in descs:
            d.wait()

    return k(edge_index, edge_weight)


def _conv_body(x_ref, wcat_ref, bcat_ref, p_ref):
    x = x_ref[0]
    tm = x.shape[0] - 1
    wcat = wcat_ref[...]
    bcat = bcat_ref[...]
    for t in range(tm):
        xst = jnp.concatenate([x[t], x[t + 1]], axis=0)
        a = jnp.dot(wcat, xst, preferred_element_type=jnp.float32) + bcat
        p_ref[0, t] = jnp.tanh(a[:DC]) * jax.nn.sigmoid(a[DC:])


def _gated_conv(xin, wcat, bcat, b, t):
    tm = t - 1
    return pl.pallas_call(
        _conv_body,
        grid=(b,),
        in_specs=[
            pl.BlockSpec((1, t, C, N), lambda i: (i, 0, 0, 0)),
            pl.BlockSpec((2 * DC, 2 * C), lambda i: (0, 0)),
            pl.BlockSpec((2 * DC, 1), lambda i: (0, 0)),
        ],
        out_specs=pl.BlockSpec((1, tm, DC, N), lambda i: (i, 0, 0, 0)),
        out_shape=jax.ShapeDtypeStruct((b, tm, DC, N), jnp.float32),
    )(xin, wcat, bcat)


BT_PER = 8


def _gcn_body(a2_ref, p_ref, wcomb_ref, fb_ref, y_ref, a_s, dinv_s):
    @pl.when(pl.program_id(0) == 0)
    def _init():
        asum = a2_ref[0] + a2_ref[1]
        a_s[...] = asum[:N, :].astype(jnp.bfloat16)
        deg = jnp.sum(asum, axis=0, keepdims=True) + 1.0
        dinv_s[...] = jnp.where(deg > 0, lax.rsqrt(deg), 0.0)

    dinv = dinv_s[...]
    dinv_n = dinv[:, :N]
    ps = p_ref[...].reshape(BT_PER * DC, N) * dinv_n
    t4 = jnp.dot(ps.astype(jnp.bfloat16), a_s[...],
                 preferred_element_type=jnp.float32)
    aggp = (t4[:, :N] + ps) * dinv_n
    wcomb = wcomb_ref[...]
    fb = fb_ref[...]
    for j in range(BT_PER):
        yj = jnp.dot(wcomb, aggp[j * DC:(j + 1) * DC],
                     preferred_element_type=jnp.float32) + fb
        y_ref[j] = yj


def _gcn_out(a2, p3, wcomb, fb, bt):
    steps = bt // BT_PER
    return pl.pallas_call(
        _gcn_body,
        grid=(steps,),
        in_specs=[
            pl.BlockSpec((2, NP, NP), lambda i: (0, 0, 0)),
            pl.BlockSpec((BT_PER, DC, N), lambda i: (i, 0, 0)),
            pl.BlockSpec((OUT_C, DC), lambda i: (0, 0)),
            pl.BlockSpec((OUT_C, 1), lambda i: (0, 0)),
        ],
        out_specs=pl.BlockSpec((BT_PER, OUT_C, N), lambda i: (i, 0, 0)),
        out_shape=jax.ShapeDtypeStruct((bt, OUT_C, N), jnp.float32),
        scratch_shapes=[
            pltpu.VMEM((N, NP), jnp.bfloat16),
            pltpu.VMEM((1, NP), jnp.float32),
        ],
    )(a2, p3, wcomb, fb)


def kernel(input, edge_index, edge_weight, gate1_W, gate1_b, gate2_W, gate2_b,
           gcn_W, gcn_b, out_W, out_b):
    b, t, n, c = input.shape
    tm = t - 1
    bt = b * tm

    w10, w11 = gate1_W[:, :, 0, 0], gate1_W[:, :, 0, 1]
    w20, w21 = gate2_W[:, :, 0, 0], gate2_W[:, :, 0, 1]
    wcat = jnp.concatenate([
        jnp.concatenate([w10, w11], axis=1),
        jnp.concatenate([w20, w21], axis=1),
    ], axis=0)
    bcat = jnp.concatenate([gate1_b, gate2_b]).reshape(2 * DC, 1)
    wo_m = out_W[:, :, 0, 0]
    wcomb = wo_m @ gcn_W
    fb = (wo_m @ gcn_b + out_b).reshape(OUT_C, 1)

    a2 = _build_adj_partials(edge_index, edge_weight)
    xin = jnp.transpose(input, (0, 1, 3, 2))
    p = _gated_conv(xin, wcat, bcat, b, t)
    y4 = _gcn_out(a2, p.reshape(bt, DC, n), wcomb, fb, bt)

    out1 = jnp.transpose(p, (0, 2, 3, 1))
    y = jnp.transpose(y4.reshape(b, tm, OUT_C, n), (0, 1, 3, 2))
    return (out1, y)

# --- scband reference (transcript-rebuilt; emitter-appended) ---
"""Pipeline reference for scband-spatial-temporal-68470368632977 (READ-ONLY COPY).

The authoritative reference and input builder live on the scoring server;
editing this copy changes nothing except your own understanding.
"""

import jax, jax.numpy as jnp
import numpy as np

B, T, N, C = 8, 13, 1000, 32
DC, OUT_C, E, DIL = 32, 64, 16000, 1

def setup_inputs(seed: int = 0):
    key = jax.random.key(seed)
    ks = jax.random.split(key, 12)
    def u(k, shape, fan_in):
        return jax.random.uniform(k, shape, jnp.float32, -1.0, 1.0) / np.sqrt(fan_in)
    inp = {}
    inp['input'] = jax.random.normal(ks[0], (B, T, N, C), dtype=jnp.float32)
    inp['edge_index'] = jax.random.randint(ks[1], (2, E), 0, N, dtype=jnp.int32)
    inp['edge_weight'] = jax.random.uniform(ks[2], (E,), dtype=jnp.float32)
    inp['gate1_W'] = u(ks[3], (DC, C, 1, 2), C * 2)
    inp['gate1_b'] = u(ks[4], (DC,), C * 2)
    inp['gate2_W'] = u(ks[5], (DC, C, 1, 2), C * 2)
    inp['gate2_b'] = u(ks[6], (DC,), C * 2)
    inp['gcn_W'] = u(ks[7], (C, DC), DC)
    inp['gcn_b'] = jnp.zeros((C,), jnp.float32)
    inp['out_W'] = u(ks[8], (OUT_C, C, 1, 1), C)
    inp['out_b'] = u(ks[9], (OUT_C,), C)
    return inp

def reference(input, edge_index, edge_weight, gate1_W, gate1_b, gate2_W, gate2_b, gcn_W, gcn_b, out_W, out_b):
    x = jnp.swapaxes(input, -3, -1)  # [B, C, N, T]
    def conv(W, b):
        a = jnp.einsum('bcnt,oc->bont', x[..., :-DIL], W[:, :, 0, 0])
        a = a + jnp.einsum('bcnt,oc->bont', x[..., DIL:], W[:, :, 0, 1])
        return a + b[None, :, None, None]
    g1 = jnp.tanh(conv(gate1_W, gate1_b))
    g2 = jax.nn.sigmoid(conv(gate2_W, gate2_b))
    out1 = g1 * g2  # [B, DC, N, T-DIL]
    g1t = jnp.swapaxes(g1, -3, -1)  # [B, T-DIL, N, DC]
    g2t = jnp.swapaxes(g2, -3, -1)
    Tout = g1t.shape[1]
    out2 = (g1t * g2t).reshape(B * Tout, N, DC)
    # GCNConv with edge weights: add self loops (weight 1), symmetric normalization
    src, dst = edge_index[0], edge_index[1]
    loop = jnp.arange(N, dtype=edge_index.dtype)
    src_f = jnp.concatenate([src, loop])
    dst_f = jnp.concatenate([dst, loop])
    w_f = jnp.concatenate([edge_weight, jnp.ones((N,), jnp.float32)])
    deg = jax.ops.segment_sum(w_f, dst_f, num_segments=N)
    dinv = jnp.where(deg > 0, deg ** -0.5, 0.0)
    norm = dinv[src_f] * w_f * dinv[dst_f]
    xW = out2 @ gcn_W.T  # [B*Tout, N, C]
    msgs = xW[:, src_f, :] * norm[None, :, None]
    agg = jax.vmap(lambda m: jax.ops.segment_sum(m, dst_f, num_segments=N))(msgs)
    gcn = agg + gcn_b[None, None, :]
    gcn = gcn.reshape(B, Tout, N, C)
    # dropout p=0.0 -> identity
    y = jnp.swapaxes(gcn, -3, -1)  # [B, C, N, Tout]
    y = jnp.einsum('bcnt,oc->bont', y, out_W[:, :, 0, 0]) + out_b[None, :, None, None]
    y = jnp.swapaxes(y, -3, -1)  # [B, Tout, N, OUT_C]
    return (out1, y)

if __name__ == "__main__":
    import jax
    _d = setup_inputs()
    print(jax.jit(kernel)(*tuple(_d.values())))

</pallas_src>

<mosaic_0001>
#map = affine_map<(d0, d1) -> (0, 0)>
#map1 = affine_map<(d0, d1) -> (0)>
#map2 = affine_map<(d0, d1) -> (0, 0, 0)>
module attributes {stable_mosaic.version = 14 : i64} {
  func.func @k(%arg0: i32, %arg1: i32, %arg2: memref<2x16000xi32, #tpu.memory_space<hbm>>, %arg3: memref<16000xf32, #tpu.memory_space<hbm>>, %arg4: memref<2x1024x1024xf32, #tpu.memory_space<hbm>>, %arg5: memref<512xi32, #tpu.memory_space<vmem>>, %arg6: memref<512xi32, #tpu.memory_space<vmem>>, %arg7: memref<512xf32, #tpu.memory_space<vmem>>, %arg8: memref<4x128xi32, #tpu.memory_space<vmem>>, %arg9: memref<4x128xf32, #tpu.memory_space<vmem>>, %arg10: memref<8192xf32, #tpu.memory_space<vmem>>, %arg11: memref<1048576xf32, #tpu.memory_space<vmem_shared>>, %arg12: memref<!tpu.dma_semaphore, #tpu.memory_space<semaphore_mem>>) attributes {dimension_semantics = [#tpu.dimension_semantics<core_parallel>, #tpu.dimension_semantics<subcore_parallel>], iteration_bounds = array<i64: 2, 16>, scalar_prefetch = 0 : i64, scratch_operands = 8 : i64, tpu.core_type = #tpu.core_type<sc_vector_subcore>, window_params = [{transform_indices = #map}, {transform_indices = #map1}, {transform_indices = #map2}]} {
    %mul3A = arith.constant 16 : i32
    %mul3A_0 = arith.muli %arg0, %mul3A : i32
    %add3A = arith.addi %mul3A_0, %arg1 : i32
    %mul3A_1 = arith.constant 512 : i32
    %mul3A_2 = arith.muli %add3A, %mul3A_1 : i32
    %lt3A = arith.constant 31 : i32
    %lt3A_3 = arith.cmpi slt, %add3A, %lt3A : i32
    %convert_element_type3A = arith.extui %lt3A_3 : i1 to i32
    %cond3A = arith.constant 0 : i32
    %cond3A_4 = arith.cmpi ne, %convert_element_type3A, %cond3A : i32
    scf.if %cond3A_4 {
      %run_scoped3A_2011 = arith.constant 0 : i32
      "tpu.region"() ({
        %run_scoped3A_2013 = tpu.sem_alloc : memref<!tpu.dma_semaphore, #tpu.memory_space<semaphore_mem>>
        %dma_start3A_2014 = tpu.memref_slice %arg2[%run_scoped3A_2011, %mul3A_2] : memref<2x16000xi32, #tpu.memory_space<hbm>> -> memref<1x512xi32, #tpu.memory_space<hbm>>
        %dma_start3A_2015 = tpu.memref_squeeze %dma_start3A_2014 : memref<1x512xi32, #tpu.memory_space<hbm>> -> memref<512xi32, #tpu.memory_space<hbm>>
        %dma_start3A_2016 = tpu.memref_slice %arg2[%run_scoped3A_2011, %mul3A_2] : memref<2x16000xi32, #tpu.memory_space<hbm>> -> memref<1x512xi32, #tpu.memory_space<hbm>>
        %dma_start3A_2017 = tpu.memref_squeeze %dma_start3A_2016 : memref<1x512xi32, #tpu.memory_space<hbm>> -> memref<512xi32, #tpu.memory_space<hbm>>
        tpu.enqueue_dma source(%dma_start3A_2017 : memref<512xi32, #tpu.memory_space<hbm>>) target(%arg5 : memref<512xi32, #tpu.memory_space<vmem>>) target_semaphore(%run_scoped3A_2013 : memref<!tpu.dma_semaphore, #tpu.memory_space<semaphore_mem>>)
        %dma_wait3A_2018 = tpu.memref_slice %arg2[%run_scoped3A_2011, %mul3A_2] : memref<2x16000xi32, #tpu.memory_space<hbm>> -> memref<1x512xi32, #tpu.memory_space<hbm>>
        %dma_wait3A_2019 = tpu.memref_squeeze %dma_wait3A_2018 : memref<1x512xi32, #tpu.memory_space<hbm>> -> memref<512xi32, #tpu.memory_space<hbm>>
        %dma_wait3A_2020 = tpu.memref_slice %arg2[%run_scoped3A_2011, %mul3A_2] : memref<2x16000xi32, #tpu.memory_space<hbm>> -> memref<1x512xi32, #tpu.memory_space<hbm>>
        %dma_wait3A_2021 = tpu.memref_squeeze %dma_wait3A_2020 : memref<1x512xi32, #tpu.memory_space<hbm>> -> memref<512xi32, #tpu.memory_space<hbm>>
        tpu.wait_dma2 semaphore(%run_scoped3A_2013 : memref<!tpu.dma_semaphore, #tpu.memory_space<semaphore_mem>>) src(%dma_wait3A_2021 : memref<512xi32, #tpu.memory_space<hbm>>) dst(%arg5 : memref<512xi32, #tpu.memory_space<vmem>>)
        tpu.yield
      }) : () -> ()
      %run_scoped3A_2012 = arith.constant 1 : i32
      "tpu.region"() ({
        %run_scoped3A_2013 = tpu.sem_alloc : memref<!tpu.dma_semaphore, #tpu.memory_space<semaphore_mem>>
        %dma_start3A_2014 = tpu.memref_slice %arg2[%run_scoped3A_2012, %mul3A_2] : memref<2x16000xi32, #tpu.memory_space<hbm>> -> memref<1x512xi32, #tpu.memory_space<hbm>>
        %dma_start3A_2015 = tpu.memref_squeeze %dma_start3A_2014 : memref<1x512xi32, #tpu.memory_space<hbm>> -> memref<512xi32, #tpu.memory_space<hbm>>
        %dma_start3A_2016 = tpu.memref_slice %arg2[%run_scoped3A_2012, %mul3A_2] : memref<2x16000xi32, #tpu.memory_space<hbm>> -> memref<1x512xi32, #tpu.memory_space<hbm>>
        %dma_start3A_2017 = tpu.memref_squeeze %dma_start3A_2016 : memref<1x512xi32, #tpu.memory_space<hbm>> -> memref<512xi32, #tpu.memory_space<hbm>>
        tpu.enqueue_dma source(%dma_start3A_2017 : memref<512xi32, #tpu.memory_space<hbm>>) target(%arg6 : memref<512xi32, #tpu.memory_space<vmem>>) target_semaphore(%run_scoped3A_2013 : memref<!tpu.dma_semaphore, #tpu.memory_space<semaphore_mem>>)
        %dma_wait3A_2018 = tpu.memref_slice %arg2[%run_scoped3A_2012, %mul3A_2] : memref<2x16000xi32, #tpu.memory_space<hbm>> -> memref<1x512xi32, #tpu.memory_space<hbm>>
        %dma_wait3A_2019 = tpu.memref_squeeze %dma_wait3A_2018 : memref<1x512xi32, #tpu.memory_space<hbm>> -> memref<512xi32, #tpu.memory_space<hbm>>
        %dma_wait3A_2020 = tpu.memref_slice %arg2[%run_scoped3A_2012, %mul3A_2] : memref<2x16000xi32, #tpu.memory_space<hbm>> -> memref<1x512xi32, #tpu.memory_space<hbm>>
        %dma_wait3A_2021 = tpu.memref_squeeze %dma_wait3A_2020 : memref<1x512xi32, #tpu.memory_space<hbm>> -> memref<512xi32, #tpu.memory_space<hbm>>
        tpu.wait_dma2 semaphore(%run_scoped3A_2013 : memref<!tpu.dma_semaphore, #tpu.memory_space<semaphore_mem>>) src(%dma_wait3A_2021 : memref<512xi32, #tpu.memory_space<hbm>>) dst(%arg6 : memref<512xi32, #tpu.memory_space<vmem>>)
        tpu.yield
      }) : () -> ()
      "tpu.region"() ({
        %run_scoped3A_2013 = tpu.sem_alloc : memref<!tpu.dma_semaphore, #tpu.memory_space<semaphore_mem>>
        %dma_start3A_2014 = tpu.memref_slice %arg3[%mul3A_2] : memref<16000xf32, #tpu.memory_space<hbm>> -> memref<512xf32, #tpu.memory_space<hbm>>
        %dma_start3A_2015 = tpu.memref_slice %arg3[%mul3A_2] : memref<16000xf32, #tpu.memory_space<hbm>> -> memref<512xf32, #tpu.memory_space<hbm>>
        tpu.enqueue_dma source(%dma_start3A_2015 : memref<512xf32, #tpu.memory_space<hbm>>) target(%arg7 : memref<512xf32, #tpu.memory_space<vmem>>) target_semaphore(%run_scoped3A_2013 : memref<!tpu.dma_semaphore, #tpu.memory_space<semaphore_mem>>)
        %dma_wait3A_2016 = tpu.memref_slice %arg3[%mul3A_2] : memref<16000xf32, #tpu.memory_space<hbm>> -> memref<512xf32, #tpu.memory_space<hbm>>
        %dma_wait3A_2017 = tpu.memref_slice %arg3[%mul3A_2] : memref<16000xf32, #tpu.memory_space<hbm>> -> memref<512xf32, #tpu.memory_space<hbm>>
        tpu.wait_dma2 semaphore(%run_scoped3A_2013 : memref<!tpu.dma_semaphore, #tpu.memory_space<semaphore_mem>>) src(%dma_wait3A_2017 : memref<512xf32, #tpu.memory_space<hbm>>) dst(%arg7 : memref<512xf32, #tpu.memory_space<vmem>>)
        tpu.yield
      }) : () -> ()
    } else {
    }
    %eq3A = arith.constant 31 : i32
    %eq3A_5 = arith.cmpi eq, %add3A, %eq3A : i32
    %convert_element_type3A_6 = arith.extui %eq3A_5 : i1 to i32
    %cond3A_7 = arith.constant 0 : i32
    %cond3A_8 = arith.cmpi ne, %convert_element_type3A_6, %cond3A_7 : i32
    scf.if %cond3A_8 {
      %run_scoped3A_2011 = arith.constant 0 : i32
      "tpu.region"() ({
        %run_scoped3A_2013 = tpu.sem_alloc : memref<!tpu.dma_semaphore, #tpu.memory_space<semaphore_mem>>
        %dma_start3A_2014 = arith.constant 0 : i32
        %dma_start3A_2015 = tpu.memref_slice %arg5[%dma_start3A_2014] : memref<512xi32, #tpu.memory_space<vmem>> -> memref<128xi32, #tpu.memory_space<vmem>>
        %dma_start3A_2016 = tpu.memref_slice %arg2[%run_scoped3A_2011, %mul3A_2] : memref<2x16000xi32, #tpu.memory_space<hbm>> -> memref<1x128xi32, #tpu.memory_space<hbm>>
        %dma_start3A_2017 = tpu.memref_squeeze %dma_start3A_2016 : memref<1x128xi32, #tpu.memory_space<hbm>> -> memref<128xi32, #tpu.memory_space<hbm>>
        %dma_start3A_2018 = arith.constant 0 : i32
        %dma_start3A_2019 = tpu.memref_slice %arg5[%dma_start3A_2018] : memref<512xi32, #tpu.memory_space<vmem>> -> memref<128xi32, #tpu.memory_space<vmem>>
        %dma_start3A_2020 = tpu.memref_slice %arg2[%run_scoped3A_2011, %mul3A_2] : memref<2x16000xi32, #tpu.memory_space<hbm>> -> memref<1x128xi32, #tpu.memory_space<hbm>>
        %dma_start3A_2021 = tpu.memref_squeeze %dma_start3A_2020 : memref<1x128xi32, #tpu.memory_space<hbm>> -> memref<128xi32, #tpu.memory_space<hbm>>
        tpu.enqueue_dma source(%dma_start3A_2021 : memref<128xi32, #tpu.memory_space<hbm>>) target(%dma_start3A_2019 : memref<128xi32, #tpu.memory_space<vmem>>) target_semaphore(%run_scoped3A_2013 : memref<!tpu.dma_semaphore, #tpu.memory_space<semaphore_mem>>)
        %dma_wait3A_2022 = arith.constant 0 : i32
        %dma_wait3A_2023 = tpu.memref_slice %arg5[%dma_wait3A_2022] : memref<512xi32, #tpu.memory_space<vmem>> -> memref<128xi32, #tpu.memory_space<vmem>>
        %dma_wait3A_2024 = tpu.memref_slice %arg2[%run_scoped3A_2011, %mul3A_2] : memref<2x16000xi32, #tpu.memory_space<hbm>> -> memref<1x128xi32, #tpu.memory_space<hbm>>
        %dma_wait3A_2025 = tpu.memref_squeeze %dma_wait3A_2024 : memref<1x128xi32, #tpu.memory_space<hbm>> -> memref<128xi32, #tpu.memory_space<hbm>>
        %dma_wait3A_2026 = arith.constant 0 : i32
        %dma_wait3A_2027 = tpu.memref_slice %arg5[%dma_wait3A_2026] : memref<512xi32, #tpu.memory_space<vmem>> -> memref<128xi32, #tpu.memory_space<vmem>>
        %dma_wait3A_2028 = tpu.memref_slice %arg2[%run_scoped3A_2011, %mul3A_2] : memref<2x16000xi32, #tpu.memory_space<hbm>> -> memref<1x128xi32, #tpu.memory_space<hbm>>
        %dma_wait3A_2029 = tpu.memref_squeeze %dma_wait3A_2028 : memref<1x128xi32, #tpu.memory_space<hbm>> -> memref<128xi32, #tpu.memory_space<hbm>>
        tpu.wait_dma2 semaphore(%run_scoped3A_2013 : memref<!tpu.dma_semaphore, #tpu.memory_space<semaphore_mem>>) src(%dma_wait3A_2029 : memref<128xi32, #tpu.memory_space<hbm>>) dst(%dma_wait3A_2027 : memref<128xi32, #tpu.memory_space<vmem>>)
        tpu.yield
      }) : () -> ()
      %run_scoped3A_2012 = arith.constant 1 : i32
      "tpu.region"() ({
        %run_scoped3A_2013 = tpu.sem_alloc : memref<!tpu.dma_semaphore, #tpu.memory_space<semaphore_mem>>
        %dma_start3A_2014 = arith.constant 0 : i32
        %dma_start3A_2015 = tpu.memref_slice %arg6[%dma_start3A_2014] : memref<512xi32, #tpu.memory_space<vmem>> -> memref<128xi32, #tpu.memory_space<vmem>>
        %dma_start3A_2016 = tpu.memref_slice %arg2[%run_scoped3A_2012, %mul3A_2] : memref<2x16000xi32, #tpu.memory_space<hbm>> -> memref<1x128xi32, #tpu.memory_space<hbm>>
        %dma_start3A_2017 = tpu.memref_squeeze %dma_start3A_2016 : memref<1x128xi32, #tpu.memory_space<hbm>> -> memref<128xi32, #tpu.memory_space<hbm>>
        %dma_start3A_2018 = arith.constant 0 : i32
        %dma_start3A_2019 = tpu.memref_slice %arg6[%dma_start3A_2018] : memref<512xi32, #tpu.memory_space<vmem>> -> memref<128xi32, #tpu.memory_space<vmem>>
        %dma_start3A_2020 = tpu.memref_slice %arg2[%run_scoped3A_2012, %mul3A_2] : memref<2x16000xi32, #tpu.memory_space<hbm>> -> memref<1x128xi32, #tpu.memory_space<hbm>>
        %dma_start3A_2021 = tpu.memref_squeeze %dma_start3A_2020 : memref<1x128xi32, #tpu.memory_space<hbm>> -> memref<128xi32, #tpu.memory_space<hbm>>
        tpu.enqueue_dma source(%dma_start3A_2021 : memref<128xi32, #tpu.memory_space<hbm>>) target(%dma_start3A_2019 : memref<128xi32, #tpu.memory_space<vmem>>) target_semaphore(%run_scoped3A_2013 : memref<!tpu.dma_semaphore, #tpu.memory_space<semaphore_mem>>)
        %dma_wait3A_2022 = arith.constant 0 : i32
        %dma_wait3A_2023 = tpu.memref_slice %arg6[%dma_wait3A_2022] : memref<512xi32, #tpu.memory_space<vmem>> -> memref<128xi32, #tpu.memory_space<vmem>>
        %dma_wait3A_2024 = tpu.memref_slice %arg2[%run_scoped3A_2012, %mul3A_2] : memref<2x16000xi32, #tpu.memory_space<hbm>> -> memref<1x128xi32, #tpu.memory_space<hbm>>
        %dma_wait3A_2025 = tpu.memref_squeeze %dma_wait3A_2024 : memref<1x128xi32, #tpu.memory_space<hbm>> -> memref<128xi32, #tpu.memory_space<hbm>>
        %dma_wait3A_2026 = arith.constant 0 : i32
        %dma_wait3A_2027 = tpu.memref_slice %arg6[%dma_wait3A_2026] : memref<512xi32, #tpu.memory_space<vmem>> -> memref<128xi32, #tpu.memory_space<vmem>>
        %dma_wait3A_2028 = tpu.memref_slice %arg2[%run_scoped3A_2012, %mul3A_2] : memref<2x16000xi32, #tpu.memory_space<hbm>> -> memref<1x128xi32, #tpu.memory_space<hbm>>
        %dma_wait3A_2029 = tpu.memref_squeeze %dma_wait3A_2028 : memref<1x128xi32, #tpu.memory_space<hbm>> -> memref<128xi32, #tpu.memory_space<hbm>>
        tpu.wait_dma2 semaphore(%run_scoped3A_2013 : memref<!tpu.dma_semaphore, #tpu.memory_space<semaphore_mem>>) src(%dma_wait3A_2029 : memref<128xi32, #tpu.memory_space<hbm>>) dst(%dma_wait3A_2027 : memref<128xi32, #tpu.memory_space<vmem>>)
        tpu.yield
      }) : () -> ()
      "tpu.region"() ({
        %run_scoped3A_2013 = tpu.sem_alloc : memref<!tpu.dma_semaphore, #tpu.memory_space<semaphore_mem>>
        %dma_start3A_2014 = arith.constant 0 : i32
        %dma_start3A_2015 = tpu.memref_slice %arg7[%dma_start3A_2014] : memref<512xf32, #tpu.memory_space<vmem>> -> memref<128xf32, #tpu.memory_space<vmem>>
        %dma_start3A_2016 = tpu.memref_slice %arg3[%mul3A_2] : memref<16000xf32, #tpu.memory_space<hbm>> -> memref<128xf32, #tpu.memory_space<hbm>>
        %dma_start3A_2017 = arith.constant 0 : i32
        %dma_start3A_2018 = tpu.memref_slice %arg7[%dma_start3A_2017] : memref<512xf32, #tpu.memory_space<vmem>> -> memref<128xf32, #tpu.memory_space<vmem>>
        %dma_start3A_2019 = tpu.memref_slice %arg3[%mul3A_2] : memref<16000xf32, #tpu.memory_space<hbm>> -> memref<128xf32, #tpu.memory_space<hbm>>
        tpu.enqueue_dma source(%dma_start3A_2019 : memref<128xf32, #tpu.memory_space<hbm>>) target(%dma_start3A_2018 : memref<128xf32, #tpu.memory_space<vmem>>) target_semaphore(%run_scoped3A_2013 : memref<!tpu.dma_semaphore, #tpu.memory_space<semaphore_mem>>)
        %dma_wait3A_2020 = arith.constant 0 : i32
        %dma_wait3A_2021 = tpu.memref_slice %arg7[%dma_wait3A_2020] : memref<512xf32, #tpu.memory_space<vmem>> -> memref<128xf32, #tpu.memory_space<vmem>>
        %dma_wait3A_2022 = tpu.memref_slice %arg3[%mul3A_2] : memref<16000xf32, #tpu.memory_space<hbm>> -> memref<128xf32, #tpu.memory_space<hbm>>
        %dma_wait3A_2023 = arith.constant 0 : i32
        %dma_wait3A_2024 = tpu.memref_slice %arg7[%dma_wait3A_2023] : memref<512xf32, #tpu.memory_space<vmem>> -> memref<128xf32, #tpu.memory_space<vmem>>
        %dma_wait3A_2025 = tpu.memref_slice %arg3[%mul3A_2] : memref<16000xf32, #tpu.memory_space<hbm>> -> memref<128xf32, #tpu.memory_space<hbm>>
        tpu.wait_dma2 semaphore(%run_scoped3A_2013 : memref<!tpu.dma_semaphore, #tpu.memory_space<semaphore_mem>>) src(%dma_wait3A_2025 : memref<128xf32, #tpu.memory_space<hbm>>) dst(%dma_wait3A_2024 : memref<128xf32, #tpu.memory_space<vmem>>)
        tpu.yield
      }) : () -> ()
    } else {
    }
    %scan3A = arith.constant 0 : i32
    %scan3A_9 = arith.constant 0 : i32
    %scan3A_10 = arith.constant 512 : i32
    %scan3A_11 = arith.addi %scan3A_9, %scan3A_10 : i32
    %scan3A_12 = arith.constant 1 : i32
    %scan3A_13 = scf.for %scan3A_2011 = %scan3A_9 to %scan3A_11 step %scan3A_12 iter_args(%scan3A_2012 = %scan3A) -> (i32)  : i32 {
      %broadcast_in_dim3A_2013 = arith.constant 0.000000e+00 : f32
      %broadcast_in_dim3A_2014 = vector.broadcast %broadcast_in_dim3A_2013 : f32 to vector<16xf32>
      %mul3A_2015 = arith.constant 16 : i32
      %mul3A_2016 = arith.muli %scan3A_2011, %mul3A_2015 : i32
      %swap3A_2017 = arith.index_cast %mul3A_2016 : i32 to index
      %swap3A_2018 = tpu.vector_load %arg10[%swap3A_2017] {strides = array<i32>} : memref<8192xf32, #tpu.memory_space<vmem>>, vector<16xf32>,
      %swap3A_2019 = vector.shape_cast %swap3A_2018 : vector<16xf32> to vector<16xf32>
      %swap3A_2020 = vector.shape_cast %broadcast_in_dim3A_2014 : vector<16xf32> to vector<16xf32>
      tpu.vector_store %arg10[%swap3A_2017], %swap3A_2020 {strides = array<i32>} : memref<8192xf32, #tpu.memory_space<vmem>>, vector<16xf32>,
      %scan3A_2021 = arith.constant 0 : i32
      scf.yield %scan3A_2021 : i32
    }
    %scan3A_14 = arith.constant 512 : i32
    %mul3A_15 = arith.constant 65536 : i32
    %mul3A_16 = arith.muli %arg1, %mul3A_15 : i32
    %scan3A_17 = arith.constant 0 : i32
    %scan3A_18 = arith.constant 0 : i32
    %scan3A_19 = arith.constant 8 : i32
    %scan3A_20 = arith.addi %scan3A_18, %scan3A_19 : i32
    %scan3A_21 = arith.constant 1 : i32
    %scan3A_22 = scf.for %scan3A_2011 = %scan3A_18 to %scan3A_20 step %scan3A_21 iter_args(%scan3A_2012 = %scan3A_17) -> (i32)  : i32 {
      %mul3A_2013 = arith.constant 8192 : i32
      %mul3A_2014 = arith.muli %scan3A_2011, %mul3A_2013 : i32
      %add3A_2015 = arith.addi %mul3A_16, %mul3A_2014 : i32
      "tpu.region"() ({
        %run_scoped3A_2017 = tpu.sem_alloc : memref<!tpu.dma_semaphore, #tpu.memory_space<semaphore_mem>>
        %dma_start3A_2018 = tpu.memref_slice %arg11[%add3A_2015] : memref<1048576xf32, #tpu.memory_space<vmem_shared>> -> memref<8192xf32, #tpu.memory_space<vmem_shared>>
        %dma_start3A_2019 = tpu.memref_slice %arg11[%add3A_2015] : memref<1048576xf32, #tpu.memory_space<vmem_shared>> -> memref<8192xf32, #tpu.memory_space<vmem_shared>>
        tpu.enqueue_dma source(%arg10 : memref<8192xf32, #tpu.memory_space<vmem>>) target(%dma_start3A_2019 : memref<8192xf32, #tpu.memory_space<vmem_shared>>) target_semaphore(%run_scoped3A_2017 : memref<!tpu.dma_semaphore, #tpu.memory_space<semaphore_mem>>)
        %dma_wait3A_2020 = tpu.memref_slice %arg11[%add3A_2015] : memref<1048576xf32, #tpu.memory_space<vmem_shared>> -> memref<8192xf32, #tpu.memory_space<vmem_shared>>
        %dma_wait3A_2021 = tpu.memref_slice %arg11[%add3A_2015] : memref<1048576xf32, #tpu.memory_space<vmem_shared>> -> memref<8192xf32, #tpu.memory_space<vmem_shared>>
        tpu.wait_dma2 semaphore(%run_scoped3A_2017 : memref<!tpu.dma_semaphore, #tpu.memory_space<semaphore_mem>>) src(%arg10 : memref<8192xf32, #tpu.memory_space<vmem>>) dst(%dma_wait3A_2021 : memref<8192xf32, #tpu.memory_space<vmem_shared>>)
        tpu.yield
      }) : () -> ()
      %scan3A_2016 = arith.constant 0 : i32
      scf.yield %scan3A_2016 : i32
    }
    %scan3A_23 = arith.constant 8 : i32
    %iota3A = tpu.iota {dimensions = array<i32: 0>} : vector<16xi32>
    %add3A_24 = arith.constant 0 : i32
    %add3A_25 = arith.addi %mul3A_2, %add3A_24 : i32
    %add3A_26 = vector.broadcast %add3A_25 : i32 to vector<16xi32>
    %add3A_27 = arith.addi %add3A_26, %iota3A : vector<16xi32>
    %lt3A_28 = arith.constant 16000 : i32
    %lt3A_29 = vector.broadcast %lt3A_28 : i32 to vector<16xi32>
    %lt3A_30 = arith.cmpi slt, %add3A_27, %lt3A_29 : vector<16xi32>
    %get3A = arith.constant 0 : index
    %get3A_31 = tpu.vector_load %arg5[%get3A] {strides = array<i32>} : memref<512xi32, #tpu.memory_space<vmem>>, vector<16xi32>,
    %get3A_32 = vector.shape_cast %get3A_31 : vector<16xi32> to vector<16xi32>
    %get3A_33 = arith.constant 0 : index
    %get3A_34 = tpu.vector_load %arg6[%get3A_33] {strides = array<i32>} : memref<512xi32, #tpu.memory_space<vmem>>, vector<16xi32>,
    %get3A_35 = vector.shape_cast %get3A_34 : vector<16xi32> to vector<16xi32>
    %get3A_36 = arith.constant 0 : index
    %get3A_37 = tpu.vector_load %arg7[%get3A_36] {strides = array<i32>} : memref<512xf32, #tpu.memory_space<vmem>>, vector<16xf32>,
    %get3A_38 = vector.shape_cast %get3A_37 : vector<16xf32> to vector<16xf32>
    %mul3A_39 = arith.constant 1024 : i32
    %mul3A_40 = vector.broadcast %mul3A_39 : i32 to vector<16xi32>
    %mul3A_41 = arith.muli %get3A_32, %mul3A_40 : vector<16xi32>
    %add3A_42 = arith.addi %mul3A_41, %get3A_35 : vector<16xi32>
    %jit3A = arith.constant 0 : i32
    %broadcast_in_dim3A = vector.broadcast %jit3A : i32 to vector<16xi32>
    %select_n3A = arith.select %lt3A_30, %add3A_42, %broadcast_in_dim3A : vector<16xi1>, vector<16xi32>
    %swap3A = arith.constant 0 : i32
    %swap3A_43 = arith.index_cast %swap3A : i32 to index
    %swap3A_44 = arith.constant 0 : index
    %swap3A_45 = tpu.vector_load %arg8[%swap3A_43, %swap3A_44] {strides = array<i32>} : memref<4x128xi32, #tpu.memory_space<vmem>>, vector<1x16xi32>,
    %swap3A_46 = vector.shape_cast %swap3A_45 : vector<1x16xi32> to vector<16xi32>
    %swap3A_47 = vector.shape_cast %select_n3A : vector<16xi32> to vector<1x16xi32>
    tpu.vector_store %arg8[%swap3A_43, %swap3A_44], %swap3A_47 {strides = array<i32>} : memref<4x128xi32, #tpu.memory_space<vmem>>, vector<1x16xi32>,
    %jit3A_48 = arith.constant 0.000000e+00 : f32
    %broadcast_in_dim3A_49 = vector.broadcast %jit3A_48 : f32 to vector<16xf32>
    %select_n3A_50 = arith.select %lt3A_30, %get3A_38, %broadcast_in_dim3A_49 : vector<16xi1>, vector<16xf32>
    %swap3A_51 = arith.constant 0 : i32
    %swap3A_52 = arith.index_cast %swap3A_51 : i32 to index
    %swap3A_53 = arith.constant 0 : index
    %swap3A_54 = tpu.vector_load %arg9[%swap3A_52, %swap3A_53] {strides = array<i32>} : memref<4x128xf32, #tpu.memory_space<vmem>>, vector<1x16xf32>,
    %swap3A_55 = vector.shape_cast %swap3A_54 : vector<1x16xf32> to vector<16xf32>
    %swap3A_56 = vector.shape_cast %select_n3A_50 : vector<16xf32> to vector<1x16xf32>
    tpu.vector_store %arg9[%swap3A_52, %swap3A_53], %swap3A_56 {strides = array<i32>} : memref<4x128xf32, #tpu.memory_space<vmem>>, vector<1x16xf32>,
    %add3A_57 = arith.constant 16 : i32
    %add3A_58 = arith.addi %mul3A_2, %add3A_57 : i32
    %add3A_59 = vector.broadcast %add3A_58 : i32 to vector<16xi32>
    %add3A_60 = arith.addi %add3A_59, %iota3A : vector<16xi32>
    %lt3A_61 = arith.constant 16000 : i32
    %lt3A_62 = vector.broadcast %lt3A_61 : i32 to vector<16xi32>
    %lt3A_63 = arith.cmpi slt, %add3A_60, %lt3A_62 : vector<16xi32>
    %get3A_64 = arith.constant 16 : index
    %get3A_65 = tpu.vector_load %arg5[%get3A_64] {strides = array<i32>} : memref<512xi32, #tpu.memory_space<vmem>>, vector<16xi32>,
    %get3A_66 = vector.shape_cast %get3A_65 : vector<16xi32> to vector<16xi32>
    %get3A_67 = arith.constant 16 : index
    %get3A_68 = tpu.vector_load %arg6[%get3A_67] {strides = array<i32>} : memref<512xi32, #tpu.memory_space<vmem>>, vector<16xi32>,
    %get3A_69 = vector.shape_cast %get3A_68 : vector<16xi32> to vector<16xi32>
    %get3A_70 = arith.constant 16 : index
    %get3A_71 = tpu.vector_load %arg7[%get3A_70] {strides = array<i32>} : memref<512xf32, #tpu.memory_space<vmem>>, vector<16xf32>,
    %get3A_72 = vector.shape_cast %get3A_71 : vector<16xf32> to vector<16xf32>
    %mul3A_73 = arith.constant 1024 : i32
    %mul3A_74 = vector.broadcast %mul3A_73 : i32 to vector<16xi32>
    %mul3A_75 = arith.muli %get3A_66, %mul3A_74 : vector<16xi32>
    %add3A_76 = arith.addi %mul3A_75, %get3A_69 : vector<16xi32>
    %jit3A_77 = arith.constant 0 : i32
    %broadcast_in_dim3A_78 = vector.broadcast %jit3A_77 : i32 to vector<16xi32>
    %select_n3A_79 = arith.select %lt3A_63, %add3A_76, %broadcast_in_dim3A_78 : vector<16xi1>, vector<16xi32>
    %swap3A_80 = arith.constant 0 : i32
    %swap3A_81 = arith.index_cast %swap3A_80 : i32 to index
    %swap3A_82 = arith.constant 16 : index
    %swap3A_83 = tpu.vector_load %arg8[%swap3A_81, %swap3A_82] {strides = array<i32>} : memref<4x128xi32, #tpu.memory_space<vmem>>, vector<1x16xi32>,
    %swap3A_84 = vector.shape_cast %swap3A_83 : vector<1x16xi32> to vector<16xi32>
    %swap3A_85 = vector.shape_cast %select_n3A_79 : vector<16xi32> to vector<1x16xi32>
    tpu.vector_store %arg8[%swap3A_81, %swap3A_82], %swap3A_85 {strides = array<i32>} : memref<4x128xi32, #tpu.memory_space<vmem>>, vector<1x16xi32>,
    %jit3A_86 = arith.constant 0.000000e+00 : f32
    %broadcast_in_dim3A_87 = vector.broadcast %jit3A_86 : f32 to vector<16xf32>
    %select_n3A_88 = arith.select %lt3A_63, %get3A_72, %broadcast_in_dim3A_87 : vector<16xi1>, vector<16xf32>
    %swap3A_89 = arith.constant 0 : i32
    %swap3A_90 = arith.index_cast %swap3A_89 : i32 to index
    %swap3A_91 = arith.constant 16 : index
    %swap3A_92 = tpu.vector_load %arg9[%swap3A_90, %swap3A_91] {strides = array<i32>} : memref<4x128xf32, #tpu.memory_space<vmem>>, vector<1x16xf32>,
    %swap3A_93 = vector.shape_cast %swap3A_92 : vector<1x16xf32> to vector<16xf32>
    %swap3A_94 = vector.shape_cast %select_n3A_88 : vector<16xf32> to vector<1x16xf32>
    tpu.vector_store %arg9[%swap3A_90, %swap3A_91], %swap3A_94 {strides = array<i32>} : memref<4x128xf32, #tpu.memory_space<vmem>>, vector<1x16xf32>,
    %add3A_95 = arith.constant 32 : i32
    %add3A_96 = arith.addi %mul3A_2, %add3A_95 : i32
    %add3A_97 = vector.broadcast %add3A_96 : i32 to vector<16xi32>
    %add3A_98 = arith.addi %add3A_97, %iota3A : vector<16xi32>
    %lt3A_99 = arith.constant 16000 : i32
    %lt3A_100 = vector.broadcast %lt3A_99 : i32 to vector<16xi32>
    %lt3A_101 = arith.cmpi slt, %add3A_98, %lt3A_100 : vector<16xi32>
    %get3A_102 = arith.constant 32 : index
    %get3A_103 = tpu.vector_load %arg5[%get3A_102] {strides = array<i32>} : memref<512xi32, #tpu.memory_space<vmem>>, vector<16xi32>,
    %get3A_104 = vector.shape_cast %get3A_103 : vector<16xi32> to vector<16xi32>
    %get3A_105 = arith.constant 32 : index
    %get3A_106 = tpu.vector_load %arg6[%get3A_105] {strides = array<i32>} : memref<512xi32, #tpu.memory_space<vmem>>, vector<16xi32>,
    %get3A_107 = vector.shape_cast %get3A_106 : vector<16xi32> to vector<16xi32>
    %get3A_108 = arith.constant 32 : index
    %get3A_109 = tpu.vector_load %arg7[%get3A_108] {strides = array<i32>} : memref<512xf32, #tpu.memory_space<vmem>>, vector<16xf32>,
    %get3A_110 = vector.shape_cast %get3A_109 : vector<16xf32> to vector<16xf32>
    %mul3A_111 = arith.constant 1024 : i32
    %mul3A_112 = vector.broadcast %mul3A_111 : i32 to vector<16xi32>
    %mul3A_113 = arith.muli %get3A_104, %mul3A_112 : vector<16xi32>
    %add3A_114 = arith.addi %mul3A_113, %get3A_107 : vector<16xi32>
    %jit3A_115 = arith.constant 0 : i32
    %broadcast_in_dim3A_116 = vector.broadcast %jit3A_115 : i32 to vector<16xi32>
    %select_n3A_117 = arith.select %lt3A_101, %add3A_114, %broadcast_in_dim3A_116 : vector<16xi1>, vector<16xi32>
    %swap3A_118 = arith.constant 0 : i32
    %swap3A_119 = arith.index_cast %swap3A_118 : i32 to index
    %swap3A_120 = arith.constant 32 : index
    %swap3A_121 = tpu.vector_load %arg8[%swap3A_119, %swap3A_120] {strides = array<i32>} : memref<4x128xi32, #tpu.memory_space<vmem>>, vector<1x16xi32>,
    %swap3A_122 = vector.shape_cast %swap3A_121 : vector<1x16xi32> to vector<16xi32>
    %swap3A_123 = vector.shape_cast %select_n3A_117 : vector<16xi32> to vector<1x16xi32>
    tpu.vector_store %arg8[%swap3A_119, %swap3A_120], %swap3A_123 {strides = array<i32>} : memref<4x128xi32, #tpu.memory_space<vmem>>, vector<1x16xi32>,
    %jit3A_124 = arith.constant 0.000000e+00 : f32
    %broadcast_in_dim3A_125 = vector.broadcast %jit3A_124 : f32 to vector<16xf32>
    %select_n3A_126 = arith.select %lt3A_101, %get3A_110, %broadcast_in_dim3A_125 : vector<16xi1>, vector<16xf32>
    %swap3A_127 = arith.constant 0 : i32
    %swap3A_128 = arith.index_cast %swap3A_127 : i32 to index
    %swap3A_129 = arith.constant 32 : index
    %swap3A_130 = tpu.vector_load %arg9[%swap3A_128, %swap3A_129] {strides = array<i32>} : memref<4x128xf32, #tpu.memory_space<vmem>>, vector<1x16xf32>,
    %swap3A_131 = vector.shape_cast %swap3A_130 : vector<1x16xf32> to vector<16xf32>
    %swap3A_132 = vector.shape_cast %select_n3A_126 : vector<16xf32> to vector<1x16xf32>
    tpu.vector_store %arg9[%swap3A_128, %swap3A_129], %swap3A_132 {strides = array<i32>} : memref<4x128xf32, #tpu.memory_space<vmem>>, vector<1x16xf32>,
    %add3A_133 = arith.constant 48 : i32
    %add3A_134 = arith.addi %mul3A_2, %add3A_133 : i32
    %add3A_135 = vector.broadcast %add3A_134 : i32 to vector<16xi32>
    %add3A_136 = arith.addi %add3A_135, %iota3A : vector<16xi32>
    %lt3A_137 = arith.constant 16000 : i32
    %lt3A_138 = vector.broadcast %lt3A_137 : i32 to vector<16xi32>
    %lt3A_139 = arith.cmpi slt, %add3A_136, %lt3A_138 : vector<16xi32>
    %get3A_140 = arith.constant 48 : index
    %get3A_141 = tpu.vector_load %arg5[%get3A_140] {strides = array<i32>} : memref<512xi32, #tpu.memory_space<vmem>>, vector<16xi32>,
    %get3A_142 = vector.shape_cast %get3A_141 : vector<16xi32> to vector<16xi32>
    %get3A_143 = arith.constant 48 : index
    %get3A_144 = tpu.vector_load %arg6[%get3A_143] {strides = array<i32>} : memref<512xi32, #tpu.memory_space<vmem>>, vector<16xi32>,
    %get3A_145 = vector.shape_cast %get3A_144 : vector<16xi32> to vector<16xi32>
    %get3A_146 = arith.constant 48 : index
    %get3A_147 = tpu.vector_load %arg7[%get3A_146] {strides = array<i32>} : memref<512xf32, #tpu.memory_space<vmem>>, vector<16xf32>,
    %get3A_148 = vector.shape_cast %get3A_147 : vector<16xf32> to vector<16xf32>
    %mul3A_149 = arith.constant 1024 : i32
    %mul3A_150 = vector.broadcast %mul3A_149 : i32 to vector<16xi32>
    %mul3A_151 = arith.muli %get3A_142, %mul3A_150 : vector<16xi32>
    %add3A_152 = arith.addi %mul3A_151, %get3A_145 : vector<16xi32>
    %jit3A_153 = arith.constant 0 : i32
    %broadcast_in_dim3A_154 = vector.broadcast %jit3A_153 : i32 to vector<16xi32>
    %select_n3A_155 = arith.select %lt3A_139, %add3A_152, %broadcast_in_dim3A_154 : vector<16xi1>, vector<16xi32>
    %swap3A_156 = arith.constant 0 : i32
    %swap3A_157 = arith.index_cast %swap3A_156 : i32 to index
    %swap3A_158 = arith.constant 48 : index
    %swap3A_159 = tpu.vector_load %arg8[%swap3A_157, %swap3A_158] {strides = array<i32>} : memref<4x128xi32, #tpu.memory_space<vmem>>, vector<1x16xi32>,
    %swap3A_160 = vector.shape_cast %swap3A_159 : vector<1x16xi32> to vector<16xi32>
    %swap3A_161 = vector.shape_cast %select_n3A_155 : vector<16xi32> to vector<1x16xi32>
    tpu.vector_store %arg8[%swap3A_157, %swap3A_158], %swap3A_161 {strides = array<i32>} : memref<4x128xi32, #tpu.memory_space<vmem>>, vector<1x16xi32>,
    %jit3A_162 = arith.constant 0.000000e+00 : f32
    %broadcast_in_dim3A_163 = vector.broadcast %jit3A_162 : f32 to vector<16xf32>
    %select_n3A_164 = arith.select %lt3A_139, %get3A_148, %broadcast_in_dim3A_163 : vector<16xi1>, vector<16xf32>
    %swap3A_165 = arith.constant 0 : i32
    %swap3A_166 = arith.index_cast %swap3A_165 : i32 to index
    %swap3A_167 = arith.constant 48 : index
    %swap3A_168 = tpu.vector_load %arg9[%swap3A_166, %swap3A_167] {strides = array<i32>} : memref<4x128xf32, #tpu.memory_space<vmem>>, vector<1x16xf32>,
    %swap3A_169 = vector.shape_cast %swap3A_168 : vector<1x16xf32> to vector<16xf32>
    %swap3A_170 = vector.shape_cast %select_n3A_164 : vector<16xf32> to vector<1x16xf32>
    tpu.vector_store %arg9[%swap3A_166, %swap3A_167], %swap3A_170 {strides = array<i32>} : memref<4x128xf32, #tpu.memory_space<vmem>>, vector<1x16xf32>,
    %add3A_171 = arith.constant 64 : i32
    %add3A_172 = arith.addi %mul3A_2, %add3A_171 : i32
    %add3A_173 = vector.broadcast %add3A_172 : i32 to vector<16xi32>
    %add3A_174 = arith.addi %add3A_173, %iota3A : vector<16xi32>
    %lt3A_175 = arith.constant 16000 : i32
    %lt3A_176 = vector.broadcast %lt3A_175 : i32 to vector<16xi32>
    %lt3A_177 = arith.cmpi slt, %add3A_174, %lt3A_176 : vector<16xi32>
    %get3A_178 = arith.constant 64 : index
    %get3A_179 = tpu.vector_load %arg5[%get3A_178] {strides = array<i32>} : memref<512xi32, #tpu.memory_space<vmem>>, vector<16xi32>,
    %get3A_180 = vector.shape_cast %get3A_179 : vector<16xi32> to vector<16xi32>
    %get3A_181 = arith.constant 64 : index
    %get3A_182 = tpu.vector_load %arg6[%get3A_181] {strides = array<i32>} : memref<512xi32, #tpu.memory_space<vmem>>, vector<16xi32>,
    %get3A_183 = vector.shape_cast %get3A_182 : vector<16xi32> to vector<16xi32>
    %get3A_184 = arith.constant 64 : index
    %get3A_185 = tpu.vector_load %arg7[%get3A_184] {strides = array<i32>} : memref<512xf32, #tpu.memory_space<vmem>>, vector<16xf32>,
    %get3A_186 = vector.shape_cast %get3A_185 : vector<16xf32> to vector<16xf32>
    %mul3A_187 = arith.constant 1024 : i32
    %mul3A_188 = vector.broadcast %mul3A_187 : i32 to vector<16xi32>
    %mul3A_189 = arith.muli %get3A_180, %mul3A_188 : vector<16xi32>
    %add3A_190 = arith.addi %mul3A_189, %get3A_183 : vector<16xi32>
    %jit3A_191 = arith.constant 0 : i32
    %broadcast_in_dim3A_192 = vector.broadcast %jit3A_191 : i32 to vector<16xi32>
    %select_n3A_193 = arith.select %lt3A_177, %add3A_190, %broadcast_in_dim3A_192 : vector<16xi1>, vector<16xi32>
    %swap3A_194 = arith.constant 0 : i32
    %swap3A_195 = arith.index_cast %swap3A_194 : i32 to index
    %swap3A_196 = arith.constant 64 : index
    %swap3A_197 = tpu.vector_load %arg8[%swap3A_195, %swap3A_196] {strides = array<i32>} : memref<4x128xi32, #tpu.memory_space<vmem>>, vector<1x16xi32>,
    %swap3A_198 = vector.shape_cast %swap3A_197 : vector<1x16xi32> to vector<16xi32>
    %swap3A_199 = vector.shape_cast %select_n3A_193 : vector<16xi32> to vector<1x16xi32>
    tpu.vector_store %arg8[%swap3A_195, %swap3A_196], %swap3A_199 {strides = array<i32>} : memref<4x128xi32, #tpu.memory_space<vmem>>, vector<1x16xi32>,
    %jit3A_200 = arith.constant 0.000000e+00 : f32
    %broadcast_in_dim3A_201 = vector.broadcast %jit3A_200 : f32 to vector<16xf32>
    %select_n3A_202 = arith.select %lt3A_177, %get3A_186, %broadcast_in_dim3A_201 : vector<16xi1>, vector<16xf32>
    %swap3A_203 = arith.constant 0 : i32
    %swap3A_204 = arith.index_cast %swap3A_203 : i32 to index
    %swap3A_205 = arith.constant 64 : index
    %swap3A_206 = tpu.vector_load %arg9[%swap3A_204, %swap3A_205] {strides = array<i32>} : memref<4x128xf32, #tpu.memory_space<vmem>>, vector<1x16xf32>,
    %swap3A_207 = vector.shape_cast %swap3A_206 : vector<1x16xf32> to vector<16xf32>
    %swap3A_208 = vector.shape_cast %select_n3A_202 : vector<16xf32> to vector<1x16xf32>
    tpu.vector_store %arg9[%swap3A_204, %swap3A_205], %swap3A_208 {strides = array<i32>} : memref<4x128xf32, #tpu.memory_space<vmem>>, vector<1x16xf32>,
    %add3A_209 = arith.constant 80 : i32
    %add3A_210 = arith.addi %mul3A_2, %add3A_209 : i32
    %add3A_211 = vector.broadcast %add3A_210 : i32 to vector<16xi32>
    %add3A_212 = arith.addi %add3A_211, %iota3A : vector<16xi32>
    %lt3A_213 = arith.constant 16000 : i32
    %lt3A_214 = vector.broadcast %lt3A_213 : i32 to vector<16xi32>
    %lt3A_215 = arith.cmpi slt, %add3A_212, %lt3A_214 : vector<16xi32>
    %get3A_216 = arith.constant 80 : index
    %get3A_217 = tpu.vector_load %arg5[%get3A_216] {strides = array<i32>} : memref<512xi32, #tpu.memory_space<vmem>>, vector<16xi32>,
    %get3A_218 = vector.shape_cast %get3A_217 : vector<16xi32> to vector<16xi32>
    %get3A_219 = arith.constant 80 : index
    %get3A_220 = tpu.vector_load %arg6[%get3A_219] {strides = array<i32>} : memref<512xi32, #tpu.memory_space<vmem>>, vector<16xi32>,
    %get3A_221 = vector.shape_cast %get3A_220 : vector<16xi32> to vector<16xi32>
    %get3A_222 = arith.constant 80 : index
    %get3A_223 = tpu.vector_load %arg7[%get3A_222] {strides = array<i32>} : memref<512xf32, #tpu.memory_space<vmem>>, vector<16xf32>,
    %get3A_224 = vector.shape_cast %get3A_223 : vector<16xf32> to vector<16xf32>
    %mul3A_225 = arith.constant 1024 : i32
    %mul3A_226 = vector.broadcast %mul3A_225 : i32 to vector<16xi32>
    %mul3A_227 = arith.muli %get3A_218, %mul3A_226 : vector<16xi32>
    %add3A_228 = arith.addi %mul3A_227, %get3A_221 : vector<16xi32>
    %jit3A_229 = arith.constant 0 : i32
    %broadcast_in_dim3A_230 = vector.broadcast %jit3A_229 : i32 to vector<16xi32>
    %select_n3A_231 = arith.select %lt3A_215, %add3A_228, %broadcast_in_dim3A_230 : vector<16xi1>, vector<16xi32>
    %swap3A_232 = arith.constant 0 : i32
    %swap3A_233 = arith.index_cast %swap3A_232 : i32 to index
    %swap3A_234 = arith.constant 80 : index
    %swap3A_235 = tpu.vector_load %arg8[%swap3A_233, %swap3A_234] {strides = array<i32>} : memref<4x128xi32, #tpu.memory_space<vmem>>, vector<1x16xi32>,
    %swap3A_236 = vector.shape_cast %swap3A_235 : vector<1x16xi32> to vector<16xi32>
    %swap3A_237 = vector.shape_cast %select_n3A_231 : vector<16xi32> to vector<1x16xi32>
    tpu.vector_store %arg8[%swap3A_233, %swap3A_234], %swap3A_237 {strides = array<i32>} : memref<4x128xi32, #tpu.memory_space<vmem>>, vector<1x16xi32>,
    %jit3A_238 = arith.constant 0.000000e+00 : f32
    %broadcast_in_dim3A_239 = vector.broadcast %jit3A_238 : f32 to vector<16xf32>
    %select_n3A_240 = arith.select %lt3A_215, %get3A_224, %broadcast_in_dim3A_239 : vector<16xi1>, vector<16xf32>
    %swap3A_241 = arith.constant 0 : i32
    %swap3A_242 = arith.index_cast %swap3A_241 : i32 to index
    %swap3A_243 = arith.constant 80 : index
    %swap3A_244 = tpu.vector_load %arg9[%swap3A_242, %swap3A_243] {strides = array<i32>} : memref<4x128xf32, #tpu.memory_space<vmem>>, vector<1x16xf32>,
    %swap3A_245 = vector.shape_cast %swap3A_244 : vector<1x16xf32> to vector<16xf32>
    %swap3A_246 = vector.shape_cast %select_n3A_240 : vector<16xf32> to vector<1x16xf32>
    tpu.vector_store %arg9[%swap3A_242, %swap3A_243], %swap3A_246 {strides = array<i32>} : memref<4x128xf32, #tpu.memory_space<vmem>>, vector<1x16xf32>,
    %add3A_247 = arith.constant 96 : i32
    %add3A_248 = arith.addi %mul3A_2, %add3A_247 : i32
    %add3A_249 = vector.broadcast %add3A_248 : i32 to vector<16xi32>
    %add3A_250 = arith.addi %add3A_249, %iota3A : vector<16xi32>
    %lt3A_251 = arith.constant 16000 : i32
    %lt3A_252 = vector.broadcast %lt3A_251 : i32 to vector<16xi32>
    %lt3A_253 = arith.cmpi slt, %add3A_250, %lt3A_252 : vector<16xi32>
    %get3A_254 = arith.constant 96 : index
    %get3A_255 = tpu.vector_load %arg5[%get3A_254] {strides = array<i32>} : memref<512xi32, #tpu.memory_space<vmem>>, vector<16xi32>,
    %get3A_256 = vector.shape_cast %get3A_255 : vector<16xi32> to vector<16xi32>
    %get3A_257 = arith.constant 96 : index
    %get3A_258 = tpu.vector_load %arg6[%get3A_257] {strides = array<i32>} : memref<512xi32, #tpu.memory_space<vmem>>, vector<16xi32>,
    %get3A_259 = vector.shape_cast %get3A_258 : vector<16xi32> to vector<16xi32>
    %get3A_260 = arith.constant 96 : index
    %get3A_261 = tpu.vector_load %arg7[%get3A_260] {strides = array<i32>} : memref<512xf32, #tpu.memory_space<vmem>>, vector<16xf32>,
    %get3A_262 = vector.shape_cast %get3A_261 : vector<16xf32> to vector<16xf32>
    %mul3A_263 = arith.constant 1024 : i32
    %mul3A_264 = vector.broadcast %mul3A_263 : i32 to vector<16xi32>
    %mul3A_265 = arith.muli %get3A_256, %mul3A_264 : vector<16xi32>
    %add3A_266 = arith.addi %mul3A_265, %get3A_259 : vector<16xi32>
    %jit3A_267 = arith.constant 0 : i32
    %broadcast_in_dim3A_268 = vector.broadcast %jit3A_267 : i32 to vector<16xi32>
    %select_n3A_269 = arith.select %lt3A_253, %add3A_266, %broadcast_in_dim3A_268 : vector<16xi1>, vector<16xi32>
    %swap3A_270 = arith.constant 0 : i32
    %swap3A_271 = arith.index_cast %swap3A_270 : i32 to index
    %swap3A_272 = arith.constant 96 : index
    %swap3A_273 = tpu.vector_load %arg8[%swap3A_271, %swap3A_272] {strides = array<i32>} : memref<4x128xi32, #tpu.memory_space<vmem>>, vector<1x16xi32>,
    %swap3A_274 = vector.shape_cast %swap3A_273 : vector<1x16xi32> to vector<16xi32>
    %swap3A_275 = vector.shape_cast %select_n3A_269 : vector<16xi32> to vector<1x16xi32>
    tpu.vector_store %arg8[%swap3A_271, %swap3A_272], %swap3A_275 {strides = array<i32>} : memref<4x128xi32, #tpu.memory_space<vmem>>, vector<1x16xi32>,
    %jit3A_276 = arith.constant 0.000000e+00 : f32
    %broadcast_in_dim3A_277 = vector.broadcast %jit3A_276 : f32 to vector<16xf32>
    %select_n3A_278 = arith.select %lt3A_253, %get3A_262, %broadcast_in_dim3A_277 : vector<16xi1>, vector<16xf32>
    %swap3A_279 = arith.constant 0 : i32
    %swap3A_280 = arith.index_cast %swap3A_279 : i32 to index
    %swap3A_281 = arith.constant 96 : index
    %swap3A_282 = tpu.vector_load %arg9[%swap3A_280, %swap3A_281] {strides = array<i32>} : memref<4x128xf32, #tpu.memory_space<vmem>>, vector<1x16xf32>,
    %swap3A_283 = vector.shape_cast %swap3A_282 : vector<1x16xf32> to vector<16xf32>
    %swap3A_284 = vector.shape_cast %select_n3A_278 : vector<16xf32> to vector<1x16xf32>
    tpu.vector_store %arg9[%swap3A_280, %swap3A_281], %swap3A_284 {strides = array<i32>} : memref<4x128xf32, #tpu.memory_space<vmem>>, vector<1x16xf32>,
    %add3A_285 = arith.constant 112 : i32
    %add3A_286 = arith.addi %mul3A_2, %add3A_285 : i32
    %add3A_287 = vector.broadcast %add3A_286 : i32 to vector<16xi32>
    %add3A_288 = arith.addi %add3A_287, %iota3A : vector<16xi32>
    %lt3A_289 = arith.constant 16000 : i32
    %lt3A_290 = vector.broadcast %lt3A_289 : i32 to vector<16xi32>
    %lt3A_291 = arith.cmpi slt, %add3A_288, %lt3A_290 : vector<16xi32>
    %get3A_292 = arith.constant 112 : index
    %get3A_293 = tpu.vector_load %arg5[%get3A_292] {strides = array<i32>} : memref<512xi32, #tpu.memory_space<vmem>>, vector<16xi32>,
    %get3A_294 = vector.shape_cast %get3A_293 : vector<16xi32> to vector<16xi32>
    %get3A_295 = arith.constant 112 : index
    %get3A_296 = tpu.vector_load %arg6[%get3A_295] {strides = array<i32>} : memref<512xi32, #tpu.memory_space<vmem>>, vector<16xi32>,
    %get3A_297 = vector.shape_cast %get3A_296 : vector<16xi32> to vector<16xi32>
    %get3A_298 = arith.constant 112 : index
    %get3A_299 = tpu.vector_load %arg7[%get3A_298] {strides = array<i32>} : memref<512xf32, #tpu.memory_space<vmem>>, vector<16xf32>,
    %get3A_300 = vector.shape_cast %get3A_299 : vector<16xf32> to vector<16xf32>
    %mul3A_301 = arith.constant 1024 : i32
    %mul3A_302 = vector.broadcast %mul3A_301 : i32 to vector<16xi32>
    %mul3A_303 = arith.muli %get3A_294, %mul3A_302 : vector<16xi32>
    %add3A_304 = arith.addi %mul3A_303, %get3A_297 : vector<16xi32>
    %jit3A_305 = arith.constant 0 : i32
    %broadcast_in_dim3A_306 = vector.broadcast %jit3A_305 : i32 to vector<16xi32>
    %select_n3A_307 = arith.select %lt3A_291, %add3A_304, %broadcast_in_dim3A_306 : vector<16xi1>, vector<16xi32>
    %swap3A_308 = arith.constant 0 : i32
    %swap3A_309 = arith.index_cast %swap3A_308 : i32 to index
    %swap3A_310 = arith.constant 112 : index
    %swap3A_311 = tpu.vector_load %arg8[%swap3A_309, %swap3A_310] {strides = array<i32>} : memref<4x128xi32, #tpu.memory_space<vmem>>, vector<1x16xi32>,
    %swap3A_312 = vector.shape_cast %swap3A_311 : vector<1x16xi32> to vector<16xi32>
    %swap3A_313 = vector.shape_cast %select_n3A_307 : vector<16xi32> to vector<1x16xi32>
    tpu.vector_store %arg8[%swap3A_309, %swap3A_310], %swap3A_313 {strides = array<i32>} : memref<4x128xi32, #tpu.memory_space<vmem>>, vector<1x16xi32>,
    %jit3A_314 = arith.constant 0.000000e+00 : f32
    %broadcast_in_dim3A_315 = vector.broadcast %jit3A_314 : f32 to vector<16xf32>
    %select_n3A_316 = arith.select %lt3A_291, %get3A_300, %broadcast_in_dim3A_315 : vector<16xi1>, vector<16xf32>
    %swap3A_317 = arith.constant 0 : i32
    %swap3A_318 = arith.index_cast %swap3A_317 : i32 to index
    %swap3A_319 = arith.constant 112 : index
    %swap3A_320 = tpu.vector_load %arg9[%swap3A_318, %swap3A_319] {strides = array<i32>} : memref<4x128xf32, #tpu.memory_space<vmem>>, vector<1x16xf32>,
    %swap3A_321 = vector.shape_cast %swap3A_320 : vector<1x16xf32> to vector<16xf32>
    %swap3A_322 = vector.shape_cast %select_n3A_316 : vector<16xf32> to vector<1x16xf32>
    tpu.vector_store %arg9[%swap3A_318, %swap3A_319], %swap3A_322 {strides = array<i32>} : memref<4x128xf32, #tpu.memory_space<vmem>>, vector<1x16xf32>,
    %add3A_323 = arith.constant 128 : i32
    %add3A_324 = arith.addi %mul3A_2, %add3A_323 : i32
    %add3A_325 = vector.broadcast %add3A_324 : i32 to vector<16xi32>
    %add3A_326 = arith.addi %add3A_325, %iota3A : vector<16xi32>
    %lt3A_327 = arith.constant 16000 : i32
    %lt3A_328 = vector.broadcast %lt3A_327 : i32 to vector<16xi32>
    %lt3A_329 = arith.cmpi slt, %add3A_326, %lt3A_328 : vector<16xi32>
    %get3A_330 = arith.constant 128 : index
    %get3A_331 = tpu.vector_load %arg5[%get3A_330] {strides = array<i32>} : memref<512xi32, #tpu.memory_space<vmem>>, vector<16xi32>,
    %get3A_332 = vector.shape_cast %get3A_331 : vector<16xi32> to vector<16xi32>
    %get3A_333 = arith.constant 128 : index
    %get3A_334 = tpu.vector_load %arg6[%get3A_333] {strides = array<i32>} : memref<512xi32, #tpu.memory_space<vmem>>, vector<16xi32>,
    %get3A_335 = vector.shape_cast %get3A_334 : vector<16xi32> to vector<16xi32>
    %get3A_336 = arith.constant 128 : index
    %get3A_337 = tpu.vector_load %arg7[%get3A_336] {strides = array<i32>} : memref<512xf32, #tpu.memory_space<vmem>>, vector<16xf32>,
    %get3A_338 = vector.shape_cast %get3A_337 : vector<16xf32> to vector<16xf32>
    %mul3A_339 = arith.constant 1024 : i32
    %mul3A_340 = vector.broadcast %mul3A_339 : i32 to vector<16xi32>
    %mul3A_341 = arith.muli %get3A_332, %mul3A_340 : vector<16xi32>
    %add3A_342 = arith.addi %mul3A_341, %get3A_335 : vector<16xi32>
    %jit3A_343 = arith.constant 0 : i32
    %broadcast_in_dim3A_344 = vector.broadcast %jit3A_343 : i32 to vector<16xi32>
    %select_n3A_345 = arith.select %lt3A_329, %add3A_342, %broadcast_in_dim3A_344 : vector<16xi1>, vector<16xi32>
    %swap3A_346 = arith.constant 1 : i32
    %swap3A_347 = arith.index_cast %swap3A_346 : i32 to index
    %swap3A_348 = arith.constant 0 : index
    %swap3A_349 = tpu.vector_load %arg8[%swap3A_347, %swap3A_348] {strides = array<i32>} : memref<4x128xi32, #tpu.memory_space<vmem>>, vector<1x16xi32>,
    %swap3A_350 = vector.shape_cast %swap3A_349 : vector<1x16xi32> to vector<16xi32>
    %swap3A_351 = vector.shape_cast %select_n3A_345 : vector<16xi32> to vector<1x16xi32>
    tpu.vector_store %arg8[%swap3A_347, %swap3A_348], %swap3A_351 {strides = array<i32>} : memref<4x128xi32, #tpu.memory_space<vmem>>, vector<1x16xi32>,
    %jit3A_352 = arith.constant 0.000000e+00 : f32
    %broadcast_in_dim3A_353 = vector.broadcast %jit3A_352 : f32 to vector<16xf32>
    %select_n3A_354 = arith.select %lt3A_329, %get3A_338, %broadcast_in_dim3A_353 : vector<16xi1>, vector<16xf32>
    %swap3A_355 = arith.constant 1 : i32
    %swap3A_356 = arith.index_cast %swap3A_355 : i32 to index
    %swap3A_357 = arith.constant 0 : index
    %swap3A_358 = tpu.vector_load %arg9[%swap3A_356, %swap3A_357] {strides = array<i32>} : memref<4x128xf32, #tpu.memory_space<vmem>>, vector<1x16xf32>,
    %swap3A_359 = vector.shape_cast %swap3A_358 : vector<1x16xf32> to vector<16xf32>
    %swap3A_360 = vector.shape_cast %select_n3A_354 : vector<16xf32> to vector<1x16xf32>
    tpu.vector_store %arg9[%swap3A_356, %swap3A_357], %swap3A_360 {strides = array<i32>} : memref<4x128xf32, #tpu.memory_space<vmem>>, vector<1x16xf32>,
    %add3A_361 = arith.constant 144 : i32
    %add3A_362 = arith.addi %mul3A_2, %add3A_361 : i32
    %add3A_363 = vector.broadcast %add3A_362 : i32 to vector<16xi32>
    %add3A_364 = arith.addi %add3A_363, %iota3A : vector<16xi32>
    %lt3A_365 = arith.constant 16000 : i32
    %lt3A_366 = vector.broadcast %lt3A_365 : i32 to vector<16xi32>
    %lt3A_367 = arith.cmpi slt, %add3A_364, %lt3A_366 : vector<16xi32>
    %get3A_368 = arith.constant 144 : index
    %get3A_369 = tpu.vector_load %arg5[%get3A_368] {strides = array<i32>} : memref<512xi32, #tpu.memory_space<vmem>>, vector<16xi32>,
    %get3A_370 = vector.shape_cast %get3A_369 : vector<16xi32> to vector<16xi32>
    %get3A_371 = arith.constant 144 : index
    %get3A_372 = tpu.vector_load %arg6[%get3A_371] {strides = array<i32>} : memref<512xi32, #tpu.memory_space<vmem>>, vector<16xi32>,
    %get3A_373 = vector.shape_cast %get3A_372 : vector<16xi32> to vector<16xi32>
    %get3A_374 = arith.constant 144 : index
    %get3A_375 = tpu.vector_load %arg7[%get3A_374] {strides = array<i32>} : memref<512xf32, #tpu.memory_space<vmem>>, vector<16xf32>,
    %get3A_376 = vector.shape_cast %get3A_375 : vector<16xf32> to vector<16xf32>
    %mul3A_377 = arith.constant 1024 : i32
    %mul3A_378 = vector.broadcast %mul3A_377 : i32 to vector<16xi32>
    %mul3A_379 = arith.muli %get3A_370, %mul3A_378 : vector<16xi32>
    %add3A_380 = arith.addi %mul3A_379, %get3A_373 : vector<16xi32>
    %jit3A_381 = arith.constant 0 : i32
    %broadcast_in_dim3A_382 = vector.broadcast %jit3A_381 : i32 to vector<16xi32>
    %select_n3A_383 = arith.select %lt3A_367, %add3A_380, %broadcast_in_dim3A_382 : vector<16xi1>, vector<16xi32>
    %swap3A_384 = arith.constant 1 : i32
    %swap3A_385 = arith.index_cast %swap3A_384 : i32 to index
    %swap3A_386 = arith.constant 16 : index
    %swap3A_387 = tpu.vector_load %arg8[%swap3A_385, %swap3A_386] {strides = array<i32>} : memref<4x128xi32, #tpu.memory_space<vmem>>, vector<1x16xi32>,
    %swap3A_388 = vector.shape_cast %swap3A_387 : vector<1x16xi32> to vector<16xi32>
    %swap3A_389 = vector.shape_cast %select_n3A_383 : vector<16xi32> to vector<1x16xi32>
    tpu.vector_store %arg8[%swap3A_385, %swap3A_386], %swap3A_389 {strides = array<i32>} : memref<4x128xi32, #tpu.memory_space<vmem>>, vector<1x16xi32>,
    %jit3A_390 = arith.constant 0.000000e+00 : f32
    %broadcast_in_dim3A_391 = vector.broadcast %jit3A_390 : f32 to vector<16xf32>
    %select_n3A_392 = arith.select %lt3A_367, %get3A_376, %broadcast_in_dim3A_391 : vector<16xi1>, vector<16xf32>
    %swap3A_393 = arith.constant 1 : i32
    %swap3A_394 = arith.index_cast %swap3A_393 : i32 to index
    %swap3A_395 = arith.constant 16 : index
    %swap3A_396 = tpu.vector_load %arg9[%swap3A_394, %swap3A_395] {strides = array<i32>} : memref<4x128xf32, #tpu.memory_space<vmem>>, vector<1x16xf32>,
    %swap3A_397 = vector.shape_cast %swap3A_396 : vector<1x16xf32> to vector<16xf32>
    %swap3A_398 = vector.shape_cast %select_n3A_392 : vector<16xf32> to vector<1x16xf32>
    tpu.vector_store %arg9[%swap3A_394, %swap3A_395], %swap3A_398 {strides = array<i32>} : memref<4x128xf32, #tpu.memory_space<vmem>>, vector<1x16xf32>,
    %add3A_399 = arith.constant 160 : i32
    %add3A_400 = arith.addi %mul3A_2, %add3A_399 : i32
    %add3A_401 = vector.broadcast %add3A_400 : i32 to vector<16xi32>
    %add3A_402 = arith.addi %add3A_401, %iota3A : vector<16xi32>
    %lt3A_403 = arith.constant 16000 : i32
    %lt3A_404 = vector.broadcast %lt3A_403 : i32 to vector<16xi32>
    %lt3A_405 = arith.cmpi slt, %add3A_402, %lt3A_404 : vector<16xi32>
    %get3A_406 = arith.constant 160 : index
    %get3A_407 = tpu.vector_load %arg5[%get3A_406] {strides = array<i32>} : memref<512xi32, #tpu.memory_space<vmem>>, vector<16xi32>,
    %get3A_408 = vector.shape_cast %get3A_407 : vector<16xi32> to vector<16xi32>
    %get3A_409 = arith.constant 160 : index
    %get3A_410 = tpu.vector_load %arg6[%get3A_409] {strides = array<i32>} : memref<512xi32, #tpu.memory_space<vmem>>, vector<16xi32>,
    %get3A_411 = vector.shape_cast %get3A_410 : vector<16xi32> to vector<16xi32>
    %get3A_412 = arith.constant 160 : index
    %get3A_413 = tpu.vector_load %arg7[%get3A_412] {strides = array<i32>} : memref<512xf32, #tpu.memory_space<vmem>>, vector<16xf32>,
    %get3A_414 = vector.shape_cast %get3A_413 : vector<16xf32> to vector<16xf32>
    %mul3A_415 = arith.constant 1024 : i32
    %mul3A_416 = vector.broadcast %mul3A_415 : i32 to vector<16xi32>
    %mul3A_417 = arith.muli %get3A_408, %mul3A_416 : vector<16xi32>
    %add3A_418 = arith.addi %mul3A_417, %get3A_411 : vector<16xi32>
    %jit3A_419 = arith.constant 0 : i32
    %broadcast_in_dim3A_420 = vector.broadcast %jit3A_419 : i32 to vector<16xi32>
    %select_n3A_421 = arith.select %lt3A_405, %add3A_418, %broadcast_in_dim3A_420 : vector<16xi1>, vector<16xi32>
    %swap3A_422 = arith.constant 1 : i32
    %swap3A_423 = arith.index_cast %swap3A_422 : i32 to index
    %swap3A_424 = arith.constant 32 : index
    %swap3A_425 = tpu.vector_load %arg8[%swap3A_423, %swap3A_424] {strides = array<i32>} : memref<4x128xi32, #tpu.memory_space<vmem>>, vector<1x16xi32>,
    %swap3A_426 = vector.shape_cast %swap3A_425 : vector<1x16xi32> to vector<16xi32>
    %swap3A_427 = vector.shape_cast %select_n3A_421 : vector<16xi32> to vector<1x16xi32>
    tpu.vector_store %arg8[%swap3A_423, %swap3A_424], %swap3A_427 {strides = array<i32>} : memref<4x128xi32, #tpu.memory_space<vmem>>, vector<1x16xi32>,
    %jit3A_428 = arith.constant 0.000000e+00 : f32
    %broadcast_in_dim3A_429 = vector.broadcast %jit3A_428 : f32 to vector<16xf32>
    %select_n3A_430 = arith.select %lt3A_405, %get3A_414, %broadcast_in_dim3A_429 : vector<16xi1>, vector<16xf32>
    %swap3A_431 = arith.constant 1 : i32
    %swap3A_432 = arith.index_cast %swap3A_431 : i32 to index
    %swap3A_433 = arith.constant 32 : index
    %swap3A_434 = tpu.vector_load %arg9[%swap3A_432, %swap3A_433] {strides = array<i32>} : memref<4x128xf32, #tpu.memory_space<vmem>>, vector<1x16xf32>,
    %swap3A_435 = vector.shape_cast %swap3A_434 : vector<1x16xf32> to vector<16xf32>
    %swap3A_436 = vector.shape_cast %select_n3A_430 : vector<16xf32> to vector<1x16xf32>
    tpu.vector_store %arg9[%swap3A_432, %swap3A_433], %swap3A_436 {strides = array<i32>} : memref<4x128xf32, #tpu.memory_space<vmem>>, vector<1x16xf32>,
    %add3A_437 = arith.constant 176 : i32
    %add3A_438 = arith.addi %mul3A_2, %add3A_437 : i32
    %add3A_439 = vector.broadcast %add3A_438 : i32 to vector<16xi32>
    %add3A_440 = arith.addi %add3A_439, %iota3A : vector<16xi32>
    %lt3A_441 = arith.constant 16000 : i32
    %lt3A_442 = vector.broadcast %lt3A_441 : i32 to vector<16xi32>
    %lt3A_443 = arith.cmpi slt, %add3A_440, %lt3A_442 : vector<16xi32>
    %get3A_444 = arith.constant 176 : index
    %get3A_445 = tpu.vector_load %arg5[%get3A_444] {strides = array<i32>} : memref<512xi32, #tpu.memory_space<vmem>>, vector<16xi32>,
    %get3A_446 = vector.shape_cast %get3A_445 : vector<16xi32> to vector<16xi32>
    %get3A_447 = arith.constant 176 : index
    %get3A_448 = tpu.vector_load %arg6[%get3A_447] {strides = array<i32>} : memref<512xi32, #tpu.memory_space<vmem>>, vector<16xi32>,
    %get3A_449 = vector.shape_cast %get3A_448 : vector<16xi32> to vector<16xi32>
    %get3A_450 = arith.constant 176 : index
    %get3A_451 = tpu.vector_load %arg7[%get3A_450] {strides = array<i32>} : memref<512xf32, #tpu.memory_space<vmem>>, vector<16xf32>,
    %get3A_452 = vector.shape_cast %get3A_451 : vector<16xf32> to vector<16xf32>
    %mul3A_453 = arith.constant 1024 : i32
    %mul3A_454 = vector.broadcast %mul3A_453 : i32 to vector<16xi32>
    %mul3A_455 = arith.muli %get3A_446, %mul3A_454 : vector<16xi32>
    %add3A_456 = arith.addi %mul3A_455, %get3A_449 : vector<16xi32>
    %jit3A_457 = arith.constant 0 : i32
    %broadcast_in_dim3A_458 = vector.broadcast %jit3A_457 : i32 to vector<16xi32>
    %select_n3A_459 = arith.select %lt3A_443, %add3A_456, %broadcast_in_dim3A_458 : vector<16xi1>, vector<16xi32>
    %swap3A_460 = arith.constant 1 : i32
    %swap3A_461 = arith.index_cast %swap3A_460 : i32 to index
    %swap3A_462 = arith.constant 48 : index
    %swap3A_463 = tpu.vector_load %arg8[%swap3A_461, %swap3A_462] {strides = array<i32>} : memref<4x128xi32, #tpu.memory_space<vmem>>, vector<1x16xi32>,
    %swap3A_464 = vector.shape_cast %swap3A_463 : vector<1x16xi32> to vector<16xi32>
    %swap3A_465 = vector.shape_cast %select_n3A_459 : vector<16xi32> to vector<1x16xi32>
    tpu.vector_store %arg8[%swap3A_461, %swap3A_462], %swap3A_465 {strides = array<i32>} : memref<4x128xi32, #tpu.memory_space<vmem>>, vector<1x16xi32>,
    %jit3A_466 = arith.constant 0.000000e+00 : f32
    %broadcast_in_dim3A_467 = vector.broadcast %jit3A_466 : f32 to vector<16xf32>
    %select_n3A_468 = arith.select %lt3A_443, %get3A_452, %broadcast_in_dim3A_467 : vector<16xi1>, vector<16xf32>
    %swap3A_469 = arith.constant 1 : i32
    %swap3A_470 = arith.index_cast %swap3A_469 : i32 to index
    %swap3A_471 = arith.constant 48 : index
    %swap3A_472 = tpu.vector_load %arg9[%swap3A_470, %swap3A_471] {strides = array<i32>} : memref<4x128xf32, #tpu.memory_space<vmem>>, vector<1x16xf32>,
    %swap3A_473 = vector.shape_cast %swap3A_472 : vector<1x16xf32> to vector<16xf32>
    %swap3A_474 = vector.shape_cast %select_n3A_468 : vector<16xf32> to vector<1x16xf32>
    tpu.vector_store %arg9[%swap3A_470, %swap3A_471], %swap3A_474 {strides = array<i32>} : memref<4x128xf32, #tpu.memory_space<vmem>>, vector<1x16xf32>,
    %add3A_475 = arith.constant 192 : i32
    %add3A_476 = arith.addi %mul3A_2, %add3A_475 : i32
    %add3A_477 = vector.broadcast %add3A_476 : i32 to vector<16xi32>
    %add3A_478 = arith.addi %add3A_477, %iota3A : vector<16xi32>
    %lt3A_479 = arith.constant 16000 : i32
    %lt3A_480 = vector.broadcast %lt3A_479 : i32 to vector<16xi32>
    %lt3A_481 = arith.cmpi slt, %add3A_478, %lt3A_480 : vector<16xi32>
    %get3A_482 = arith.constant 192 : index
    %get3A_483 = tpu.vector_load %arg5[%get3A_482] {strides = array<i32>} : memref<512xi32, #tpu.memory_space<vmem>>, vector<16xi32>,
    %get3A_484 = vector.shape_cast %get3A_483 : vector<16xi32> to vector<16xi32>
    %get3A_485 = arith.constant 192 : index
    %get3A_486 = tpu.vector_load %arg6[%get3A_485] {strides = array<i32>} : memref<512xi32, #tpu.memory_space<vmem>>, vector<16xi32>,
    %get3A_487 = vector.shape_cast %get3A_486 : vector<16xi32> to vector<16xi32>
    %get3A_488 = arith.constant 192 : index
    %get3A_489 = tpu.vector_load %arg7[%get3A_488] {strides = array<i32>} : memref<512xf32, #tpu.memory_space<vmem>>, vector<16xf32>,
    %get3A_490 = vector.shape_cast %get3A_489 : vector<16xf32> to vector<16xf32>
    %mul3A_491 = arith.constant 1024 : i32
    %mul3A_492 = vector.broadcast %mul3A_491 : i32 to vector<16xi32>
    %mul3A_493 = arith.muli %get3A_484, %mul3A_492 : vector<16xi32>
    %add3A_494 = arith.addi %mul3A_493, %get3A_487 : vector<16xi32>
    %jit3A_495 = arith.constant 0 : i32
    %broadcast_in_dim3A_496 = vector.broadcast %jit3A_495 : i32 to vector<16xi32>
    %select_n3A_497 = arith.select %lt3A_481, %add3A_494, %broadcast_in_dim3A_496 : vector<16xi1>, vector<16xi32>
    %swap3A_498 = arith.constant 1 : i32
    %swap3A_499 = arith.index_cast %swap3A_498 : i32 to index
    %swap3A_500 = arith.constant 64 : index
    %swap3A_501 = tpu.vector_load %arg8[%swap3A_499, %swap3A_500] {strides = array<i32>} : memref<4x128xi32, #tpu.memory_space<vmem>>, vector<1x16xi32>,
    %swap3A_502 = vector.shape_cast %swap3A_501 : vector<1x16xi32> to vector<16xi32>
    %swap3A_503 = vector.shape_cast %select_n3A_497 : vector<16xi32> to vector<1x16xi32>
    tpu.vector_store %arg8[%swap3A_499, %swap3A_500], %swap3A_503 {strides = array<i32>} : memref<4x128xi32, #tpu.memory_space<vmem>>, vector<1x16xi32>,
    %jit3A_504 = arith.constant 0.000000e+00 : f32
    %broadcast_in_dim3A_505 = vector.broadcast %jit3A_504 : f32 to vector<16xf32>
    %select_n3A_506 = arith.select %lt3A_481, %get3A_490, %broadcast_in_dim3A_505 : vector<16xi1>, vector<16xf32>
    %swap3A_507 = arith.constant 1 : i32
    %swap3A_508 = arith.index_cast %swap3A_507 : i32 to index
    %swap3A_509 = arith.constant 64 : index
    %swap3A_510 = tpu.vector_load %arg9[%swap3A_508, %swap3A_509] {strides = array<i32>} : memref<4x128xf32, #tpu.memory_space<vmem>>, vector<1x16xf32>,
    %swap3A_511 = vector.shape_cast %swap3A_510 : vector<1x16xf32> to vector<16xf32>
    %swap3A_512 = vector.shape_cast %select_n3A_506 : vector<16xf32> to vector<1x16xf32>
    tpu.vector_store %arg9[%swap3A_508, %swap3A_509], %swap3A_512 {strides = array<i32>} : memref<4x128xf32, #tpu.memory_space<vmem>>, vector<1x16xf32>,
    %add3A_513 = arith.constant 208 : i32
    %add3A_514 = arith.addi %mul3A_2, %add3A_513 : i32
    %add3A_515 = vector.broadcast %add3A_514 : i32 to vector<16xi32>
    %add3A_516 = arith.addi %add3A_515, %iota3A : vector<16xi32>
    %lt3A_517 = arith.constant 16000 : i32
    %lt3A_518 = vector.broadcast %lt3A_517 : i32 to vector<16xi32>
    %lt3A_519 = arith.cmpi slt, %add3A_516, %lt3A_518 : vector<16xi32>
    %get3A_520 = arith.constant 208 : index
    %get3A_521 = tpu.vector_load %arg5[%get3A_520] {strides = array<i32>} : memref<512xi32, #tpu.memory_space<vmem>>, vector<16xi32>,
    %get3A_522 = vector.shape_cast %get3A_521 : vector<16xi32> to vector<16xi32>
    %get3A_523 = arith.constant 208 : index
    %get3A_524 = tpu.vector_load %arg6[%get3A_523] {strides = array<i32>} : memref<512xi32, #tpu.memory_space<vmem>>, vector<16xi32>,
    %get3A_525 = vector.shape_cast %get3A_524 : vector<16xi32> to vector<16xi32>
    %get3A_526 = arith.constant 208 : index
    %get3A_527 = tpu.vector_load %arg7[%get3A_526] {strides = array<i32>} : memref<512xf32, #tpu.memory_space<vmem>>, vector<16xf32>,
    %get3A_528 = vector.shape_cast %get3A_527 : vector<16xf32> to vector<16xf32>
    %mul3A_529 = arith.constant 1024 : i32
    %mul3A_530 = vector.broadcast %mul3A_529 : i32 to vector<16xi32>
    %mul3A_531 = arith.muli %get3A_522, %mul3A_530 : vector<16xi32>
    %add3A_532 = arith.addi %mul3A_531, %get3A_525 : vector<16xi32>
    %jit3A_533 = arith.constant 0 : i32
    %broadcast_in_dim3A_534 = vector.broadcast %jit3A_533 : i32 to vector<16xi32>
    %select_n3A_535 = arith.select %lt3A_519, %add3A_532, %broadcast_in_dim3A_534 : vector<16xi1>, vector<16xi32>
    %swap3A_536 = arith.constant 1 : i32
    %swap3A_537 = arith.index_cast %swap3A_536 : i32 to index
    %swap3A_538 = arith.constant 80 : index
    %swap3A_539 = tpu.vector_load %arg8[%swap3A_537, %swap3A_538] {strides = array<i32>} : memref<4x128xi32, #tpu.memory_space<vmem>>, vector<1x16xi32>,
    %swap3A_540 = vector.shape_cast %swap3A_539 : vector<1x16xi32> to vector<16xi32>
    %swap3A_541 = vector.shape_cast %select_n3A_535 : vector<16xi32> to vector<1x16xi32>
    tpu.vector_store %arg8[%swap3A_537, %swap3A_538], %swap3A_541 {strides = array<i32>} : memref<4x128xi32, #tpu.memory_space<vmem>>, vector<1x16xi32>,
    %jit3A_542 = arith.constant 0.000000e+00 : f32
    %broadcast_in_dim3A_543 = vector.broadcast %jit3A_542 : f32 to vector<16xf32>
    %select_n3A_544 = arith.select %lt3A_519, %get3A_528, %broadcast_in_dim3A_543 : vector<16xi1>, vector<16xf32>
    %swap3A_545 = arith.constant 1 : i32
    %swap3A_546 = arith.index_cast %swap3A_545 : i32 to index
    %swap3A_547 = arith.constant 80 : index
    %swap3A_548 = tpu.vector_load %arg9[%swap3A_546, %swap3A_547] {strides = array<i32>} : memref<4x128xf32, #tpu.memory_space<vmem>>, vector<1x16xf32>,
    %swap3A_549 = vector.shape_cast %swap3A_548 : vector<1x16xf32> to vector<16xf32>
    %swap3A_550 = vector.shape_cast %select_n3A_544 : vector<16xf32> to vector<1x16xf32>
    tpu.vector_store %arg9[%swap3A_546, %swap3A_547], %swap3A_550 {strides = array<i32>} : memref<4x128xf32, #tpu.memory_space<vmem>>, vector<1x16xf32>,
    %add3A_551 = arith.constant 224 : i32
    %add3A_552 = arith.addi %mul3A_2, %add3A_551 : i32
    %add3A_553 = vector.broadcast %add3A_552 : i32 to vector<16xi32>
    %add3A_554 = arith.addi %add3A_553, %iota3A : vector<16xi32>
    %lt3A_555 = arith.constant 16000 : i32
    %lt3A_556 = vector.broadcast %lt3A_555 : i32 to vector<16xi32>
    %lt3A_557 = arith.cmpi slt, %add3A_554, %lt3A_556 : vector<16xi32>
    %get3A_558 = arith.constant 224 : index
    %get3A_559 = tpu.vector_load %arg5[%get3A_558] {strides = array<i32>} : memref<512xi32, #tpu.memory_space<vmem>>, vector<16xi32>,
    %get3A_560 = vector.shape_cast %get3A_559 : vector<16xi32> to vector<16xi32>
    %get3A_561 = arith.constant 224 : index
    %get3A_562 = tpu.vector_load %arg6[%get3A_561] {strides = array<i32>} : memref<512xi32, #tpu.memory_space<vmem>>, vector<16xi32>,
    %get3A_563 = vector.shape_cast %get3A_562 : vector<16xi32> to vector<16xi32>
    %get3A_564 = arith.constant 224 : index
    %get3A_565 = tpu.vector_load %arg7[%get3A_564] {strides = array<i32>} : memref<512xf32, #tpu.memory_space<vmem>>, vector<16xf32>,
    %get3A_566 = vector.shape_cast %get3A_565 : vector<16xf32> to vector<16xf32>
    %mul3A_567 = arith.constant 1024 : i32
    %mul3A_568 = vector.broadcast %mul3A_567 : i32 to vector<16xi32>
    %mul3A_569 = arith.muli %get3A_560, %mul3A_568 : vector<16xi32>
    %add3A_570 = arith.addi %mul3A_569, %get3A_563 : vector<16xi32>
    %jit3A_571 = arith.constant 0 : i32
    %broadcast_in_dim3A_572 = vector.broadcast %jit3A_571 : i32 to vector<16xi32>
    %select_n3A_573 = arith.select %lt3A_557, %add3A_570, %broadcast_in_dim3A_572 : vector<16xi1>, vector<16xi32>
    %swap3A_574 = arith.constant 1 : i32
    %swap3A_575 = arith.index_cast %swap3A_574 : i32 to index
    %swap3A_576 = arith.constant 96 : index
    %swap3A_577 = tpu.vector_load %arg8[%swap3A_575, %swap3A_576] {strides = array<i32>} : memref<4x128xi32, #tpu.memory_space<vmem>>, vector<1x16xi32>,
    %swap3A_578 = vector.shape_cast %swap3A_577 : vector<1x16xi32> to vector<16xi32>
    %swap3A_579 = vector.shape_cast %select_n3A_573 : vector<16xi32> to vector<1x16xi32>
    tpu.vector_store %arg8[%swap3A_575, %swap3A_576], %swap3A_579 {strides = array<i32>} : memref<4x128xi32, #tpu.memory_space<vmem>>, vector<1x16xi32>,
    %jit3A_580 = arith.constant 0.000000e+00 : f32
    %broadcast_in_dim3A_581 = vector.broadcast %jit3A_580 : f32 to vector<16xf32>
    %select_n3A_582 = arith.select %lt3A_557, %get3A_566, %broadcast_in_dim3A_581 : vector<16xi1>, vector<16xf32>
    %swap3A_583 = arith.constant 1 : i32
    %swap3A_584 = arith.index_cast %swap3A_583 : i32 to index
    %swap3A_585 = arith.constant 96 : index
    %swap3A_586 = tpu.vector_load %arg9[%swap3A_584, %swap3A_585] {strides = array<i32>} : memref<4x128xf32, #tpu.memory_space<vmem>>, vector<1x16xf32>,
    %swap3A_587 = vector.shape_cast %swap3A_586 : vector<1x16xf32> to vector<16xf32>
    %swap3A_588 = vector.shape_cast %select_n3A_582 : vector<16xf32> to vector<1x16xf32>
    tpu.vector_store %arg9[%swap3A_584, %swap3A_585], %swap3A_588 {strides = array<i32>} : memref<4x128xf32, #tpu.memory_space<vmem>>, vector<1x16xf32>,
    %add3A_589 = arith.constant 240 : i32
    %add3A_590 = arith.addi %mul3A_2, %add3A_589 : i32
    %add3A_591 = vector.broadcast %add3A_590 : i32 to vector<16xi32>
    %add3A_592 = arith.addi %add3A_591, %iota3A : vector<16xi32>
    %lt3A_593 = arith.constant 16000 : i32
    %lt3A_594 = vector.broadcast %lt3A_593 : i32 to vector<16xi32>
    %lt3A_595 = arith.cmpi slt, %add3A_592, %lt3A_594 : vector<16xi32>
    %get3A_596 = arith.constant 240 : index
    %get3A_597 = tpu.vector_load %arg5[%get3A_596] {strides = array<i32>} : memref<512xi32, #tpu.memory_space<vmem>>, vector<16xi32>,
    %get3A_598 = vector.shape_cast %get3A_597 : vector<16xi32> to vector<16xi32>
    %get3A_599 = arith.constant 240 : index
    %get3A_600 = tpu.vector_load %arg6[%get3A_599] {strides = array<i32>} : memref<512xi32, #tpu.memory_space<vmem>>, vector<16xi32>,
    %get3A_601 = vector.shape_cast %get3A_600 : vector<16xi32> to vector<16xi32>
    %get3A_602 = arith.constant 240 : index
    %get3A_603 = tpu.vector_load %arg7[%get3A_602] {strides = array<i32>} : memref<512xf32, #tpu.memory_space<vmem>>, vector<16xf32>,
    %get3A_604 = vector.shape_cast %get3A_603 : vector<16xf32> to vector<16xf32>
    %mul3A_605 = arith.constant 1024 : i32
    %mul3A_606 = vector.broadcast %mul3A_605 : i32 to vector<16xi32>
    %mul3A_607 = arith.muli %get3A_598, %mul3A_606 : vector<16xi32>
    %add3A_608 = arith.addi %mul3A_607, %get3A_601 : vector<16xi32>
    %jit3A_609 = arith.constant 0 : i32
    %broadcast_in_dim3A_610 = vector.broadcast %jit3A_609 : i32 to vector<16xi32>
    %select_n3A_611 = arith.select %lt3A_595, %add3A_608, %broadcast_in_dim3A_610 : vector<16xi1>, vector<16xi32>
    %swap3A_612 = arith.constant 1 : i32
    %swap3A_613 = arith.index_cast %swap3A_612 : i32 to index
    %swap3A_614 = arith.constant 112 : index
    %swap3A_615 = tpu.vector_load %arg8[%swap3A_613, %swap3A_614] {strides = array<i32>} : memref<4x128xi32, #tpu.memory_space<vmem>>, vector<1x16xi32>,
    %swap3A_616 = vector.shape_cast %swap3A_615 : vector<1x16xi32> to vector<16xi32>
    %swap3A_617 = vector.shape_cast %select_n3A_611 : vector<16xi32> to vector<1x16xi32>
    tpu.vector_store %arg8[%swap3A_613, %swap3A_614], %swap3A_617 {strides = array<i32>} : memref<4x128xi32, #tpu.memory_space<vmem>>, vector<1x16xi32>,
    %jit3A_618 = arith.constant 0.000000e+00 : f32
    %broadcast_in_dim3A_619 = vector.broadcast %jit3A_618 : f32 to vector<16xf32>
    %select_n3A_620 = arith.select %lt3A_595, %get3A_604, %broadcast_in_dim3A_619 : vector<16xi1>, vector<16xf32>
    %swap3A_621 = arith.constant 1 : i32
    %swap3A_622 = arith.index_cast %swap3A_621 : i32 to index
    %swap3A_623 = arith.constant 112 : index
    %swap3A_624 = tpu.vector_load %arg9[%swap3A_622, %swap3A_623] {strides = array<i32>} : memref<4x128xf32, #tpu.memory_space<vmem>>, vector<1x16xf32>,
    %swap3A_625 = vector.shape_cast %swap3A_624 : vector<1x16xf32> to vector<16xf32>
    %swap3A_626 = vector.shape_cast %select_n3A_620 : vector<16xf32> to vector<1x16xf32>
    tpu.vector_store %arg9[%swap3A_622, %swap3A_623], %swap3A_626 {strides = array<i32>} : memref<4x128xf32, #tpu.memory_space<vmem>>, vector<1x16xf32>,
    %add3A_627 = arith.constant 256 : i32
    %add3A_628 = arith.addi %mul3A_2, %add3A_627 : i32
    %add3A_629 = vector.broadcast %add3A_628 : i32 to vector<16xi32>
    %add3A_630 = arith.addi %add3A_629, %iota3A : vector<16xi32>
    %lt3A_631 = arith.constant 16000 : i32
    %lt3A_632 = vector.broadcast %lt3A_631 : i32 to vector<16xi32>
    %lt3A_633 = arith.cmpi slt, %add3A_630, %lt3A_632 : vector<16xi32>
    %get3A_634 = arith.constant 256 : index
    %get3A_635 = tpu.vector_load %arg5[%get3A_634] {strides = array<i32>} : memref<512xi32, #tpu.memory_space<vmem>>, vector<16xi32>,
    %get3A_636 = vector.shape_cast %get3A_635 : vector<16xi32> to vector<16xi32>
    %get3A_637 = arith.constant 256 : index
    %get3A_638 = tpu.vector_load %arg6[%get3A_637] {strides = array<i32>} : memref<512xi32, #tpu.memory_space<vmem>>, vector<16xi32>,
    %get3A_639 = vector.shape_cast %get3A_638 : vector<16xi32> to vector<16xi32>
    %get3A_640 = arith.constant 256 : index
    %get3A_641 = tpu.vector_load %arg7[%get3A_640] {strides = array<i32>} : memref<512xf32, #tpu.memory_space<vmem>>, vector<16xf32>,
    %get3A_642 = vector.shape_cast %get3A_641 : vector<16xf32> to vector<16xf32>
    %mul3A_643 = arith.constant 1024 : i32
    %mul3A_644 = vector.broadcast %mul3A_643 : i32 to vector<16xi32>
    %mul3A_645 = arith.muli %get3A_636, %mul3A_644 : vector<16xi32>
    %add3A_646 = arith.addi %mul3A_645, %get3A_639 : vector<16xi32>
    %jit3A_647 = arith.constant 0 : i32
    %broadcast_in_dim3A_648 = vector.broadcast %jit3A_647 : i32 to vector<16xi32>
    %select_n3A_649 = arith.select %lt3A_633, %add3A_646, %broadcast_in_dim3A_648 : vector<16xi1>, vector<16xi32>
    %swap3A_650 = arith.constant 2 : i32
    %swap3A_651 = arith.index_cast %swap3A_650 : i32 to index
    %swap3A_652 = arith.constant 0 : index
    %swap3A_653 = tpu.vector_load %arg8[%swap3A_651, %swap3A_652] {strides = array<i32>} : memref<4x128xi32, #tpu.memory_space<vmem>>, vector<1x16xi32>,
    %swap3A_654 = vector.shape_cast %swap3A_653 : vector<1x16xi32> to vector<16xi32>
    %swap3A_655 = vector.shape_cast %select_n3A_649 : vector<16xi32> to vector<1x16xi32>
    tpu.vector_store %arg8[%swap3A_651, %swap3A_652], %swap3A_655 {strides = array<i32>} : memref<4x128xi32, #tpu.memory_space<vmem>>, vector<1x16xi32>,
    %jit3A_656 = arith.constant 0.000000e+00 : f32
    %broadcast_in_dim3A_657 = vector.broadcast %jit3A_656 : f32 to vector<16xf32>
    %select_n3A_658 = arith.select %lt3A_633, %get3A_642, %broadcast_in_dim3A_657 : vector<16xi1>, vector<16xf32>
    %swap3A_659 = arith.constant 2 : i32
    %swap3A_660 = arith.index_cast %swap3A_659 : i32 to index
    %swap3A_661 = arith.constant 0 : index
    %swap3A_662 = tpu.vector_load %arg9[%swap3A_660, %swap3A_661] {strides = array<i32>} : memref<4x128xf32, #tpu.memory_space<vmem>>, vector<1x16xf32>,
    %swap3A_663 = vector.shape_cast %swap3A_662 : vector<1x16xf32> to vector<16xf32>
    %swap3A_664 = vector.shape_cast %select_n3A_658 : vector<16xf32> to vector<1x16xf32>
    tpu.vector_store %arg9[%swap3A_660, %swap3A_661], %swap3A_664 {strides = array<i32>} : memref<4x128xf32, #tpu.memory_space<vmem>>, vector<1x16xf32>,
    %add3A_665 = arith.constant 272 : i32
    %add3A_666 = arith.addi %mul3A_2, %add3A_665 : i32
    %add3A_667 = vector.broadcast %add3A_666 : i32 to vector<16xi32>
    %add3A_668 = arith.addi %add3A_667, %iota3A : vector<16xi32>
    %lt3A_669 = arith.constant 16000 : i32
    %lt3A_670 = vector.broadcast %lt3A_669 : i32 to vector<16xi32>
    %lt3A_671 = arith.cmpi slt, %add3A_668, %lt3A_670 : vector<16xi32>
    %get3A_672 = arith.constant 272 : index
    %get3A_673 = tpu.vector_load %arg5[%get3A_672] {strides = array<i32>} : memref<512xi32, #tpu.memory_space<vmem>>, vector<16xi32>,
    %get3A_674 = vector.shape_cast %get3A_673 : vector<16xi32> to vector<16xi32>
    %get3A_675 = arith.constant 272 : index
    %get3A_676 = tpu.vector_load %arg6[%get3A_675] {strides = array<i32>} : memref<512xi32, #tpu.memory_space<vmem>>, vector<16xi32>,
    %get3A_677 = vector.shape_cast %get3A_676 : vector<16xi32> to vector<16xi32>
    %get3A_678 = arith.constant 272 : index
    %get3A_679 = tpu.vector_load %arg7[%get3A_678] {strides = array<i32>} : memref<512xf32, #tpu.memory_space<vmem>>, vector<16xf32>,
    %get3A_680 = vector.shape_cast %get3A_679 : vector<16xf32> to vector<16xf32>
    %mul3A_681 = arith.constant 1024 : i32
    %mul3A_682 = vector.broadcast %mul3A_681 : i32 to vector<16xi32>
    %mul3A_683 = arith.muli %get3A_674, %mul3A_682 : vector<16xi32>
    %add3A_684 = arith.addi %mul3A_683, %get3A_677 : vector<16xi32>
    %jit3A_685 = arith.constant 0 : i32
    %broadcast_in_dim3A_686 = vector.broadcast %jit3A_685 : i32 to vector<16xi32>
    %select_n3A_687 = arith.select %lt3A_671, %add3A_684, %broadcast_in_dim3A_686 : vector<16xi1>, vector<16xi32>
    %swap3A_688 = arith.constant 2 : i32
    %swap3A_689 = arith.index_cast %swap3A_688 : i32 to index
    %swap3A_690 = arith.constant 16 : index
    %swap3A_691 = tpu.vector_load %arg8[%swap3A_689, %swap3A_690] {strides = array<i32>} : memref<4x128xi32, #tpu.memory_space<vmem>>, vector<1x16xi32>,
    %swap3A_692 = vector.shape_cast %swap3A_691 : vector<1x16xi32> to vector<16xi32>
    %swap3A_693 = vector.shape_cast %select_n3A_687 : vector<16xi32> to vector<1x16xi32>
    tpu.vector_store %arg8[%swap3A_689, %swap3A_690], %swap3A_693 {strides = array<i32>} : memref<4x128xi32, #tpu.memory_space<vmem>>, vector<1x16xi32>,
    %jit3A_694 = arith.constant 0.000000e+00 : f32
    %broadcast_in_dim3A_695 = vector.broadcast %jit3A_694 : f32 to vector<16xf32>
    %select_n3A_696 = arith.select %lt3A_671, %get3A_680, %broadcast_in_dim3A_695 : vector<16xi1>, vector<16xf32>
    %swap3A_697 = arith.constant 2 : i32
    %swap3A_698 = arith.index_cast %swap3A_697 : i32 to index
    %swap3A_699 = arith.constant 16 : index
    %swap3A_700 = tpu.vector_load %arg9[%swap3A_698, %swap3A_699] {strides = array<i32>} : memref<4x128xf32, #tpu.memory_space<vmem>>, vector<1x16xf32>,
    %swap3A_701 = vector.shape_cast %swap3A_700 : vector<1x16xf32> to vector<16xf32>
    %swap3A_702 = vector.shape_cast %select_n3A_696 : vector<16xf32> to vector<1x16xf32>
    tpu.vector_store %arg9[%swap3A_698, %swap3A_699], %swap3A_702 {strides = array<i32>} : memref<4x128xf32, #tpu.memory_space<vmem>>, vector<1x16xf32>,
    %add3A_703 = arith.constant 288 : i32
    %add3A_704 = arith.addi %mul3A_2, %add3A_703 : i32
    %add3A_705 = vector.broadcast %add3A_704 : i32 to vector<16xi32>
    %add3A_706 = arith.addi %add3A_705, %iota3A : vector<16xi32>
    %lt3A_707 = arith.constant 16000 : i32
    %lt3A_708 = vector.broadcast %lt3A_707 : i32 to vector<16xi32>
    %lt3A_709 = arith.cmpi slt, %add3A_706, %lt3A_708 : vector<16xi32>
    %get3A_710 = arith.constant 288 : index
    %get3A_711 = tpu.vector_load %arg5[%get3A_710] {strides = array<i32>} : memref<512xi32, #tpu.memory_space<vmem>>, vector<16xi32>,
    %get3A_712 = vector.shape_cast %get3A_711 : vector<16xi32> to vector<16xi32>
    %get3A_713 = arith.constant 288 : index
    %get3A_714 = tpu.vector_load %arg6[%get3A_713] {strides = array<i32>} : memref<512xi32, #tpu.memory_space<vmem>>, vector<16xi32>,
    %get3A_715 = vector.shape_cast %get3A_714 : vector<16xi32> to vector<16xi32>
    %get3A_716 = arith.constant 288 : index
    %get3A_717 = tpu.vector_load %arg7[%get3A_716] {strides = array<i32>} : memref<512xf32, #tpu.memory_space<vmem>>, vector<16xf32>,
    %get3A_718 = vector.shape_cast %get3A_717 : vector<16xf32> to vector<16xf32>
    %mul3A_719 = arith.constant 1024 : i32
    %mul3A_720 = vector.broadcast %mul3A_719 : i32 to vector<16xi32>
    %mul3A_721 = arith.muli %get3A_712, %mul3A_720 : vector<16xi32>
    %add3A_722 = arith.addi %mul3A_721, %get3A_715 : vector<16xi32>
    %jit3A_723 = arith.constant 0 : i32
    %broadcast_in_dim3A_724 = vector.broadcast %jit3A_723 : i32 to vector<16xi32>
    %select_n3A_725 = arith.select %lt3A_709, %add3A_722, %broadcast_in_dim3A_724 : vector<16xi1>, vector<16xi32>
    %swap3A_726 = arith.constant 2 : i32
    %swap3A_727 = arith.index_cast %swap3A_726 : i32 to index
    %swap3A_728 = arith.constant 32 : index
    %swap3A_729 = tpu.vector_load %arg8[%swap3A_727, %swap3A_728] {strides = array<i32>} : memref<4x128xi32, #tpu.memory_space<vmem>>, vector<1x16xi32>,
    %swap3A_730 = vector.shape_cast %swap3A_729 : vector<1x16xi32> to vector<16xi32>
    %swap3A_731 = vector.shape_cast %select_n3A_725 : vector<16xi32> to vector<1x16xi32>
    tpu.vector_store %arg8[%swap3A_727, %swap3A_728], %swap3A_731 {strides = array<i32>} : memref<4x128xi32, #tpu.memory_space<vmem>>, vector<1x16xi32>,
    %jit3A_732 = arith.constant 0.000000e+00 : f32
    %broadcast_in_dim3A_733 = vector.broadcast %jit3A_732 : f32 to vector<16xf32>
    %select_n3A_734 = arith.select %lt3A_709, %get3A_718, %broadcast_in_dim3A_733 : vector<16xi1>, vector<16xf32>
    %swap3A_735 = arith.constant 2 : i32
    %swap3A_736 = arith.index_cast %swap3A_735 : i32 to index
    %swap3A_737 = arith.constant 32 : index
    %swap3A_738 = tpu.vector_load %arg9[%swap3A_736, %swap3A_737] {strides = array<i32>} : memref<4x128xf32, #tpu.memory_space<vmem>>, vector<1x16xf32>,
    %swap3A_739 = vector.shape_cast %swap3A_738 : vector<1x16xf32> to vector<16xf32>
    %swap3A_740 = vector.shape_cast %select_n3A_734 : vector<16xf32> to vector<1x16xf32>
    tpu.vector_store %arg9[%swap3A_736, %swap3A_737], %swap3A_740 {strides = array<i32>} : memref<4x128xf32, #tpu.memory_space<vmem>>, vector<1x16xf32>,
    %add3A_741 = arith.constant 304 : i32
    %add3A_742 = arith.addi %mul3A_2, %add3A_741 : i32
    %add3A_743 = vector.broadcast %add3A_742 : i32 to vector<16xi32>
    %add3A_744 = arith.addi %add3A_743, %iota3A : vector<16xi32>
    %lt3A_745 = arith.constant 16000 : i32
    %lt3A_746 = vector.broadcast %lt3A_745 : i32 to vector<16xi32>
    %lt3A_747 = arith.cmpi slt, %add3A_744, %lt3A_746 : vector<16xi32>
    %get3A_748 = arith.constant 304 : index
    %get3A_749 = tpu.vector_load %arg5[%get3A_748] {strides = array<i32>} : memref<512xi32, #tpu.memory_space<vmem>>, vector<16xi32>,
    %get3A_750 = vector.shape_cast %get3A_749 : vector<16xi32> to vector<16xi32>
    %get3A_751 = arith.constant 304 : index
    %get3A_752 = tpu.vector_load %arg6[%get3A_751] {strides = array<i32>} : memref<512xi32, #tpu.memory_space<vmem>>, vector<16xi32>,
    %get3A_753 = vector.shape_cast %get3A_752 : vector<16xi32> to vector<16xi32>
    %get3A_754 = arith.constant 304 : index
    %get3A_755 = tpu.vector_load %arg7[%get3A_754] {strides = array<i32>} : memref<512xf32, #tpu.memory_space<vmem>>, vector<16xf32>,
    %get3A_756 = vector.shape_cast %get3A_755 : vector<16xf32> to vector<16xf32>
    %mul3A_757 = arith.constant 1024 : i32
    %mul3A_758 = vector.broadcast %mul3A_757 : i32 to vector<16xi32>
    %mul3A_759 = arith.muli %get3A_750, %mul3A_758 : vector<16xi32>
    %add3A_760 = arith.addi %mul3A_759, %get3A_753 : vector<16xi32>
    %jit3A_761 = arith.constant 0 : i32
    %broadcast_in_dim3A_762 = vector.broadcast %jit3A_761 : i32 to vector<16xi32>
    %select_n3A_763 = arith.select %lt3A_747, %add3A_760, %broadcast_in_dim3A_762 : vector<16xi1>, vector<16xi32>
    %swap3A_764 = arith.constant 2 : i32
    %swap3A_765 = arith.index_cast %swap3A_764 : i32 to index
    %swap3A_766 = arith.constant 48 : index
    %swap3A_767 = tpu.vector_load %arg8[%swap3A_765, %swap3A_766] {strides = array<i32>} : memref<4x128xi32, #tpu.memory_space<vmem>>, vector<1x16xi32>,
    %swap3A_768 = vector.shape_cast %swap3A_767 : vector<1x16xi32> to vector<16xi32>
    %swap3A_769 = vector.shape_cast %select_n3A_763 : vector<16xi32> to vector<1x16xi32>
    tpu.vector_store %arg8[%swap3A_765, %swap3A_766], %swap3A_769 {strides = array<i32>} : memref<4x128xi32, #tpu.memory_space<vmem>>, vector<1x16xi32>,
    %jit3A_770 = arith.constant 0.000000e+00 : f32
    %broadcast_in_dim3A_771 = vector.broadcast %jit3A_770 : f32 to vector<16xf32>
    %select_n3A_772 = arith.select %lt3A_747, %get3A_756, %broadcast_in_dim3A_771 : vector<16xi1>, vector<16xf32>
    %swap3A_773 = arith.constant 2 : i32
    %swap3A_774 = arith.index_cast %swap3A_773 : i32 to index
    %swap3A_775 = arith.constant 48 : index
    %swap3A_776 = tpu.vector_load %arg9[%swap3A_774, %swap3A_775] {strides = array<i32>} : memref<4x128xf32, #tpu.memory_space<vmem>>, vector<1x16xf32>,
    %swap3A_777 = vector.shape_cast %swap3A_776 : vector<1x16xf32> to vector<16xf32>
    %swap3A_778 = vector.shape_cast %select_n3A_772 : vector<16xf32> to vector<1x16xf32>
    tpu.vector_store %arg9[%swap3A_774, %swap3A_775], %swap3A_778 {strides = array<i32>} : memref<4x128xf32, #tpu.memory_space<vmem>>, vector<1x16xf32>,
    %add3A_779 = arith.constant 320 : i32
    %add3A_780 = arith.addi %mul3A_2, %add3A_779 : i32
    %add3A_781 = vector.broadcast %add3A_780 : i32 to vector<16xi32>
    %add3A_782 = arith.addi %add3A_781, %iota3A : vector<16xi32>
    %lt3A_783 = arith.constant 16000 : i32
    %lt3A_784 = vector.broadcast %lt3A_783 : i32 to vector<16xi32>
    %lt3A_785 = arith.cmpi slt, %add3A_782, %lt3A_784 : vector<16xi32>
    %get3A_786 = arith.constant 320 : index
    %get3A_787 = tpu.vector_load %arg5[%get3A_786] {strides = array<i32>} : memref<512xi32, #tpu.memory_space<vmem>>, vector<16xi32>,
    %get3A_788 = vector.shape_cast %get3A_787 : vector<16xi32> to vector<16xi32>
    %get3A_789 = arith.constant 320 : index
    %get3A_790 = tpu.vector_load %arg6[%get3A_789] {strides = array<i32>} : memref<512xi32, #tpu.memory_space<vmem>>, vector<16xi32>,
    %get3A_791 = vector.shape_cast %get3A_790 : vector<16xi32> to vector<16xi32>
    %get3A_792 = arith.constant 320 : index
    %get3A_793 = tpu.vector_load %arg7[%get3A_792] {strides = array<i32>} : memref<512xf32, #tpu.memory_space<vmem>>, vector<16xf32>,
    %get3A_794 = vector.shape_cast %get3A_793 : vector<16xf32> to vector<16xf32>
    %mul3A_795 = arith.constant 1024 : i32
    %mul3A_796 = vector.broadcast %mul3A_795 : i32 to vector<16xi32>
    %mul3A_797 = arith.muli %get3A_788, %mul3A_796 : vector<16xi32>
    %add3A_798 = arith.addi %mul3A_797, %get3A_791 : vector<16xi32>
    %jit3A_799 = arith.constant 0 : i32
    %broadcast_in_dim3A_800 = vector.broadcast %jit3A_799 : i32 to vector<16xi32>
    %select_n3A_801 = arith.select %lt3A_785, %add3A_798, %broadcast_in_dim3A_800 : vector<16xi1>, vector<16xi32>
    %swap3A_802 = arith.constant 2 : i32
    %swap3A_803 = arith.index_cast %swap3A_802 : i32 to index
    %swap3A_804 = arith.constant 64 : index
    %swap3A_805 = tpu.vector_load %arg8[%swap3A_803, %swap3A_804] {strides = array<i32>} : memref<4x128xi32, #tpu.memory_space<vmem>>, vector<1x16xi32>,
    %swap3A_806 = vector.shape_cast %swap3A_805 : vector<1x16xi32> to vector<16xi32>
    %swap3A_807 = vector.shape_cast %select_n3A_801 : vector<16xi32> to vector<1x16xi32>
    tpu.vector_store %arg8[%swap3A_803, %swap3A_804], %swap3A_807 {strides = array<i32>} : memref<4x128xi32, #tpu.memory_space<vmem>>, vector<1x16xi32>,
    %jit3A_808 = arith.constant 0.000000e+00 : f32
    %broadcast_in_dim3A_809 = vector.broadcast %jit3A_808 : f32 to vector<16xf32>
    %select_n3A_810 = arith.select %lt3A_785, %get3A_794, %broadcast_in_dim3A_809 : vector<16xi1>, vector<16xf32>
    %swap3A_811 = arith.constant 2 : i32
    %swap3A_812 = arith.index_cast %swap3A_811 : i32 to index
    %swap3A_813 = arith.constant 64 : index
    %swap3A_814 = tpu.vector_load %arg9[%swap3A_812, %swap3A_813] {strides = array<i32>} : memref<4x128xf32, #tpu.memory_space<vmem>>, vector<1x16xf32>,
    %swap3A_815 = vector.shape_cast %swap3A_814 : vector<1x16xf32> to vector<16xf32>
    %swap3A_816 = vector.shape_cast %select_n3A_810 : vector<16xf32> to vector<1x16xf32>
    tpu.vector_store %arg9[%swap3A_812, %swap3A_813], %swap3A_816 {strides = array<i32>} : memref<4x128xf32, #tpu.memory_space<vmem>>, vector<1x16xf32>,
    %add3A_817 = arith.constant 336 : i32
    %add3A_818 = arith.addi %mul3A_2, %add3A_817 : i32
    %add3A_819 = vector.broadcast %add3A_818 : i32 to vector<16xi32>
    %add3A_820 = arith.addi %add3A_819, %iota3A : vector<16xi32>
    %lt3A_821 = arith.constant 16000 : i32
    %lt3A_822 = vector.broadcast %lt3A_821 : i32 to vector<16xi32>
    %lt3A_823 = arith.cmpi slt, %add3A_820, %lt3A_822 : vector<16xi32>
    %get3A_824 = arith.constant 336 : index
    %get3A_825 = tpu.vector_load %arg5[%get3A_824] {strides = array<i32>} : memref<512xi32, #tpu.memory_space<vmem>>, vector<16xi32>,
    %get3A_826 = vector.shape_cast %get3A_825 : vector<16xi32> to vector<16xi32>
    %get3A_827 = arith.constant 336 : index
    %get3A_828 = tpu.vector_load %arg6[%get3A_827] {strides = array<i32>} : memref<512xi32, #tpu.memory_space<vmem>>, vector<16xi32>,
    %get3A_829 = vector.shape_cast %get3A_828 : vector<16xi32> to vector<16xi32>
    %get3A_830 = arith.constant 336 : index
    %get3A_831 = tpu.vector_load %arg7[%get3A_830] {strides = array<i32>} : memref<512xf32, #tpu.memory_space<vmem>>, vector<16xf32>,
    %get3A_832 = vector.shape_cast %get3A_831 : vector<16xf32> to vector<16xf32>
    %mul3A_833 = arith.constant 1024 : i32
    %mul3A_834 = vector.broadcast %mul3A_833 : i32 to vector<16xi32>
    %mul3A_835 = arith.muli %get3A_826, %mul3A_834 : vector<16xi32>
    %add3A_836 = arith.addi %mul3A_835, %get3A_829 : vector<16xi32>
    %jit3A_837 = arith.constant 0 : i32
    %broadcast_in_dim3A_838 = vector.broadcast %jit3A_837 : i32 to vector<16xi32>
    %select_n3A_839 = arith.select %lt3A_823, %add3A_836, %broadcast_in_dim3A_838 : vector<16xi1>, vector<16xi32>
    %swap3A_840 = arith.constant 2 : i32
    %swap3A_841 = arith.index_cast %swap3A_840 : i32 to index
    %swap3A_842 = arith.constant 80 : index
    %swap3A_843 = tpu.vector_load %arg8[%swap3A_841, %swap3A_842] {strides = array<i32>} : memref<4x128xi32, #tpu.memory_space<vmem>>, vector<1x16xi32>,
    %swap3A_844 = vector.shape_cast %swap3A_843 : vector<1x16xi32> to vector<16xi32>
    %swap3A_845 = vector.shape_cast %select_n3A_839 : vector<16xi32> to vector<1x16xi32>
    tpu.vector_store %arg8[%swap3A_841, %swap3A_842], %swap3A_845 {strides = array<i32>} : memref<4x128xi32, #tpu.memory_space<vmem>>, vector<1x16xi32>,
    %jit3A_846 = arith.constant 0.000000e+00 : f32
    %broadcast_in_dim3A_847 = vector.broadcast %jit3A_846 : f32 to vector<16xf32>
    %select_n3A_848 = arith.select %lt3A_823, %get3A_832, %broadcast_in_dim3A_847 : vector<16xi1>, vector<16xf32>
    %swap3A_849 = arith.constant 2 : i32
    %swap3A_850 = arith.index_cast %swap3A_849 : i32 to index
    %swap3A_851 = arith.constant 80 : index
    %swap3A_852 = tpu.vector_load %arg9[%swap3A_850, %swap3A_851] {strides = array<i32>} : memref<4x128xf32, #tpu.memory_space<vmem>>, vector<1x16xf32>,
    %swap3A_853 = vector.shape_cast %swap3A_852 : vector<1x16xf32> to vector<16xf32>
    %swap3A_854 = vector.shape_cast %select_n3A_848 : vector<16xf32> to vector<1x16xf32>
    tpu.vector_store %arg9[%swap3A_850, %swap3A_851], %swap3A_854 {strides = array<i32>} : memref<4x128xf32, #tpu.memory_space<vmem>>, vector<1x16xf32>,
    %add3A_855 = arith.constant 352 : i32
    %add3A_856 = arith.addi %mul3A_2, %add3A_855 : i32
    %add3A_857 = vector.broadcast %add3A_856 : i32 to vector<16xi32>
    %add3A_858 = arith.addi %add3A_857, %iota3A : vector<16xi32>
    %lt3A_859 = arith.constant 16000 : i32
    %lt3A_860 = vector.broadcast %lt3A_859 : i32 to vector<16xi32>
    %lt3A_861 = arith.cmpi slt, %add3A_858, %lt3A_860 : vector<16xi32>
    %get3A_862 = arith.constant 352 : index
    %get3A_863 = tpu.vector_load %arg5[%get3A_862] {strides = array<i32>} : memref<512xi32, #tpu.memory_space<vmem>>, vector<16xi32>,
    %get3A_864 = vector.shape_cast %get3A_863 : vector<16xi32> to vector<16xi32>
    %get3A_865 = arith.constant 352 : index
    %get3A_866 = tpu.vector_load %arg6[%get3A_865] {strides = array<i32>} : memref<512xi32, #tpu.memory_space<vmem>>, vector<16xi32>,
    %get3A_867 = vector.shape_cast %get3A_866 : vector<16xi32> to vector<16xi32>
    %get3A_868 = arith.constant 352 : index
    %get3A_869 = tpu.vector_load %arg7[%get3A_868] {strides = array<i32>} : memref<512xf32, #tpu.memory_space<vmem>>, vector<16xf32>,
    %get3A_870 = vector.shape_cast %get3A_869 : vector<16xf32> to vector<16xf32>
    %mul3A_871 = arith.constant 1024 : i32
    %mul3A_872 = vector.broadcast %mul3A_871 : i32 to vector<16xi32>
    %mul3A_873 = arith.muli %get3A_864, %mul3A_872 : vector<16xi32>
    %add3A_874 = arith.addi %mul3A_873, %get3A_867 : vector<16xi32>
    %jit3A_875 = arith.constant 0 : i32
    %broadcast_in_dim3A_876 = vector.broadcast %jit3A_875 : i32 to vector<16xi32>
    %select_n3A_877 = arith.select %lt3A_861, %add3A_874, %broadcast_in_dim3A_876 : vector<16xi1>, vector<16xi32>
    %swap3A_878 = arith.constant 2 : i32
    %swap3A_879 = arith.index_cast %swap3A_878 : i32 to index
    %swap3A_880 = arith.constant 96 : index
    %swap3A_881 = tpu.vector_load %arg8[%swap3A_879, %swap3A_880] {strides = array<i32>} : memref<4x128xi32, #tpu.memory_space<vmem>>, vector<1x16xi32>,
    %swap3A_882 = vector.shape_cast %swap3A_881 : vector<1x16xi32> to vector<16xi32>
    %swap3A_883 = vector.shape_cast %select_n3A_877 : vector<16xi32> to vector<1x16xi32>
    tpu.vector_store %arg8[%swap3A_879, %swap3A_880], %swap3A_883 {strides = array<i32>} : memref<4x128xi32, #tpu.memory_space<vmem>>, vector<1x16xi32>,
    %jit3A_884 = arith.constant 0.000000e+00 : f32
    %broadcast_in_dim3A_885 = vector.broadcast %jit3A_884 : f32 to vector<16xf32>
    %select_n3A_886 = arith.select %lt3A_861, %get3A_870, %broadcast_in_dim3A_885 : vector<16xi1>, vector<16xf32>
    %swap3A_887 = arith.constant 2 : i32
    %swap3A_888 = arith.index_cast %swap3A_887 : i32 to index
    %swap3A_889 = arith.constant 96 : index
    %swap3A_890 = tpu.vector_load %arg9[%swap3A_888, %swap3A_889] {strides = array<i32>} : memref<4x128xf32, #tpu.memory_space<vmem>>, vector<1x16xf32>,
    %swap3A_891 = vector.shape_cast %swap3A_890 : vector<1x16xf32> to vector<16xf32>
    %swap3A_892 = vector.shape_cast %select_n3A_886 : vector<16xf32> to vector<1x16xf32>
    tpu.vector_store %arg9[%swap3A_888, %swap3A_889], %swap3A_892 {strides = array<i32>} : memref<4x128xf32, #tpu.memory_space<vmem>>, vector<1x16xf32>,
    %add3A_893 = arith.constant 368 : i32
    %add3A_894 = arith.addi %mul3A_2, %add3A_893 : i32
    %add3A_895 = vector.broadcast %add3A_894 : i32 to vector<16xi32>
    %add3A_896 = arith.addi %add3A_895, %iota3A : vector<16xi32>
    %lt3A_897 = arith.constant 16000 : i32
    %lt3A_898 = vector.broadcast %lt3A_897 : i32 to vector<16xi32>
    %lt3A_899 = arith.cmpi slt, %add3A_896, %lt3A_898 : vector<16xi32>
    %get3A_900 = arith.constant 368 : index
    %get3A_901 = tpu.vector_load %arg5[%get3A_900] {strides = array<i32>} : memref<512xi32, #tpu.memory_space<vmem>>, vector<16xi32>,
    %get3A_902 = vector.shape_cast %get3A_901 : vector<16xi32> to vector<16xi32>
    %get3A_903 = arith.constant 368 : index
    %get3A_904 = tpu.vector_load %arg6[%get3A_903] {strides = array<i32>} : memref<512xi32, #tpu.memory_space<vmem>>, vector<16xi32>,
    %get3A_905 = vector.shape_cast %get3A_904 : vector<16xi32> to vector<16xi32>
    %get3A_906 = arith.constant 368 : index
    %get3A_907 = tpu.vector_load %arg7[%get3A_906] {strides = array<i32>} : memref<512xf32, #tpu.memory_space<vmem>>, vector<16xf32>,
    %get3A_908 = vector.shape_cast %get3A_907 : vector<16xf32> to vector<16xf32>
    %mul3A_909 = arith.constant 1024 : i32
    %mul3A_910 = vector.broadcast %mul3A_909 : i32 to vector<16xi32>
    %mul3A_911 = arith.muli %get3A_902, %mul3A_910 : vector<16xi32>
    %add3A_912 = arith.addi %mul3A_911, %get3A_905 : vector<16xi32>
    %jit3A_913 = arith.constant 0 : i32
    %broadcast_in_dim3A_914 = vector.broadcast %jit3A_913 : i32 to vector<16xi32>
    %select_n3A_915 = arith.select %lt3A_899, %add3A_912, %broadcast_in_dim3A_914 : vector<16xi1>, vector<16xi32>
    %swap3A_916 = arith.constant 2 : i32
    %swap3A_917 = arith.index_cast %swap3A_916 : i32 to index
    %swap3A_918 = arith.constant 112 : index
    %swap3A_919 = tpu.vector_load %arg8[%swap3A_917, %swap3A_918] {strides = array<i32>} : memref<4x128xi32, #tpu.memory_space<vmem>>, vector<1x16xi32>,
    %swap3A_920 = vector.shape_cast %swap3A_919 : vector<1x16xi32> to vector<16xi32>
    %swap3A_921 = vector.shape_cast %select_n3A_915 : vector<16xi32> to vector<1x16xi32>
    tpu.vector_store %arg8[%swap3A_917, %swap3A_918], %swap3A_921 {strides = array<i32>} : memref<4x128xi32, #tpu.memory_space<vmem>>, vector<1x16xi32>,
    %jit3A_922 = arith.constant 0.000000e+00 : f32
    %broadcast_in_dim3A_923 = vector.broadcast %jit3A_922 : f32 to vector<16xf32>
    %select_n3A_924 = arith.select %lt3A_899, %get3A_908, %broadcast_in_dim3A_923 : vector<16xi1>, vector<16xf32>
    %swap3A_925 = arith.constant 2 : i32
    %swap3A_926 = arith.index_cast %swap3A_925 : i32 to index
    %swap3A_927 = arith.constant 112 : index
    %swap3A_928 = tpu.vector_load %arg9[%swap3A_926, %swap3A_927] {strides = array<i32>} : memref<4x128xf32, #tpu.memory_space<vmem>>, vector<1x16xf32>,
    %swap3A_929 = vector.shape_cast %swap3A_928 : vector<1x16xf32> to vector<16xf32>
    %swap3A_930 = vector.shape_cast %select_n3A_924 : vector<16xf32> to vector<1x16xf32>
    tpu.vector_store %arg9[%swap3A_926, %swap3A_927], %swap3A_930 {strides = array<i32>} : memref<4x128xf32, #tpu.memory_space<vmem>>, vector<1x16xf32>,
    %add3A_931 = arith.constant 384 : i32
    %add3A_932 = arith.addi %mul3A_2, %add3A_931 : i32
    %add3A_933 = vector.broadcast %add3A_932 : i32 to vector<16xi32>
    %add3A_934 = arith.addi %add3A_933, %iota3A : vector<16xi32>
    %lt3A_935 = arith.constant 16000 : i32
    %lt3A_936 = vector.broadcast %lt3A_935 : i32 to vector<16xi32>
    %lt3A_937 = arith.cmpi slt, %add3A_934, %lt3A_936 : vector<16xi32>
    %get3A_938 = arith.constant 384 : index
    %get3A_939 = tpu.vector_load %arg5[%get3A_938] {strides = array<i32>} : memref<512xi32, #tpu.memory_space<vmem>>, vector<16xi32>,
    %get3A_940 = vector.shape_cast %get3A_939 : vector<16xi32> to vector<16xi32>
    %get3A_941 = arith.constant 384 : index
    %get3A_942 = tpu.vector_load %arg6[%get3A_941] {strides = array<i32>} : memref<512xi32, #tpu.memory_space<vmem>>, vector<16xi32>,
    %get3A_943 = vector.shape_cast %get3A_942 : vector<16xi32> to vector<16xi32>
    %get3A_944 = arith.constant 384 : index
    %get3A_945 = tpu.vector_load %arg7[%get3A_944] {strides = array<i32>} : memref<512xf32, #tpu.memory_space<vmem>>, vector<16xf32>,
    %get3A_946 = vector.shape_cast %get3A_945 : vector<16xf32> to vector<16xf32>
    %mul3A_947 = arith.constant 1024 : i32
    %mul3A_948 = vector.broadcast %mul3A_947 : i32 to vector<16xi32>
    %mul3A_949 = arith.muli %get3A_940, %mul3A_948 : vector<16xi32>
    %add3A_950 = arith.addi %mul3A_949, %get3A_943 : vector<16xi32>
    %jit3A_951 = arith.constant 0 : i32
    %broadcast_in_dim3A_952 = vector.broadcast %jit3A_951 : i32 to vector<16xi32>
    %select_n3A_953 = arith.select %lt3A_937, %add3A_950, %broadcast_in_dim3A_952 : vector<16xi1>, vector<16xi32>
    %swap3A_954 = arith.constant 3 : i32
    %swap3A_955 = arith.index_cast %swap3A_954 : i32 to index
    %swap3A_956 = arith.constant 0 : index
    %swap3A_957 = tpu.vector_load %arg8[%swap3A_955, %swap3A_956] {strides = array<i32>} : memref<4x128xi32, #tpu.memory_space<vmem>>, vector<1x16xi32>,
    %swap3A_958 = vector.shape_cast %swap3A_957 : vector<1x16xi32> to vector<16xi32>
    %swap3A_959 = vector.shape_cast %select_n3A_953 : vector<16xi32> to vector<1x16xi32>
    tpu.vector_store %arg8[%swap3A_955, %swap3A_956], %swap3A_959 {strides = array<i32>} : memref<4x128xi32, #tpu.memory_space<vmem>>, vector<1x16xi32>,
    %jit3A_960 = arith.constant 0.000000e+00 : f32
    %broadcast_in_dim3A_961 = vector.broadcast %jit3A_960 : f32 to vector<16xf32>
    %select_n3A_962 = arith.select %lt3A_937, %get3A_946, %broadcast_in_dim3A_961 : vector<16xi1>, vector<16xf32>
    %swap3A_963 = arith.constant 3 : i32
    %swap3A_964 = arith.index_cast %swap3A_963 : i32 to index
    %swap3A_965 = arith.constant 0 : index
    %swap3A_966 = tpu.vector_load %arg9[%swap3A_964, %swap3A_965] {strides = array<i32>} : memref<4x128xf32, #tpu.memory_space<vmem>>, vector<1x16xf32>,
    %swap3A_967 = vector.shape_cast %swap3A_966 : vector<1x16xf32> to vector<16xf32>
    %swap3A_968 = vector.shape_cast %select_n3A_962 : vector<16xf32> to vector<1x16xf32>
    tpu.vector_store %arg9[%swap3A_964, %swap3A_965], %swap3A_968 {strides = array<i32>} : memref<4x128xf32, #tpu.memory_space<vmem>>, vector<1x16xf32>,
    %add3A_969 = arith.constant 400 : i32
    %add3A_970 = arith.addi %mul3A_2, %add3A_969 : i32
    %add3A_971 = vector.broadcast %add3A_970 : i32 to vector<16xi32>
    %add3A_972 = arith.addi %add3A_971, %iota3A : vector<16xi32>
    %lt3A_973 = arith.constant 16000 : i32
    %lt3A_974 = vector.broadcast %lt3A_973 : i32 to vector<16xi32>
    %lt3A_975 = arith.cmpi slt, %add3A_972, %lt3A_974 : vector<16xi32>
    %get3A_976 = arith.constant 400 : index
    %get3A_977 = tpu.vector_load %arg5[%get3A_976] {strides = array<i32>} : memref<512xi32, #tpu.memory_space<vmem>>, vector<16xi32>,
    %get3A_978 = vector.shape_cast %get3A_977 : vector<16xi32> to vector<16xi32>
    %get3A_979 = arith.constant 400 : index
    %get3A_980 = tpu.vector_load %arg6[%get3A_979] {strides = array<i32>} : memref<512xi32, #tpu.memory_space<vmem>>, vector<16xi32>,
    %get3A_981 = vector.shape_cast %get3A_980 : vector<16xi32> to vector<16xi32>
    %get3A_982 = arith.constant 400 : index
    %get3A_983 = tpu.vector_load %arg7[%get3A_982] {strides = array<i32>} : memref<512xf32, #tpu.memory_space<vmem>>, vector<16xf32>,
    %get3A_984 = vector.shape_cast %get3A_983 : vector<16xf32> to vector<16xf32>
    %mul3A_985 = arith.constant 1024 : i32
    %mul3A_986 = vector.broadcast %mul3A_985 : i32 to vector<16xi32>
    %mul3A_987 = arith.muli %get3A_978, %mul3A_986 : vector<16xi32>
    %add3A_988 = arith.addi %mul3A_987, %get3A_981 : vector<16xi32>
    %jit3A_989 = arith.constant 0 : i32
    %broadcast_in_dim3A_990 = vector.broadcast %jit3A_989 : i32 to vector<16xi32>
    %select_n3A_991 = arith.select %lt3A_975, %add3A_988, %broadcast_in_dim3A_990 : vector<16xi1>, vector<16xi32>
    %swap3A_992 = arith.constant 3 : i32
    %swap3A_993 = arith.index_cast %swap3A_992 : i32 to index
    %swap3A_994 = arith.constant 16 : index
    %swap3A_995 = tpu.vector_load %arg8[%swap3A_993, %swap3A_994] {strides = array<i32>} : memref<4x128xi32, #tpu.memory_space<vmem>>, vector<1x16xi32>,
    %swap3A_996 = vector.shape_cast %swap3A_995 : vector<1x16xi32> to vector<16xi32>
    %swap3A_997 = vector.shape_cast %select_n3A_991 : vector<16xi32> to vector<1x16xi32>
    tpu.vector_store %arg8[%swap3A_993, %swap3A_994], %swap3A_997 {strides = array<i32>} : memref<4x128xi32, #tpu.memory_space<vmem>>, vector<1x16xi32>,
    %jit3A_998 = arith.constant 0.000000e+00 : f32
    %broadcast_in_dim3A_999 = vector.broadcast %jit3A_998 : f32 to vector<16xf32>
    %select_n3A_1000 = arith.select %lt3A_975, %get3A_984, %broadcast_in_dim3A_999 : vector<16xi1>, vector<16xf32>
    %swap3A_1001 = arith.constant 3 : i32
    %swap3A_1002 = arith.index_cast %swap3A_1001 : i32 to index
    %swap3A_1003 = arith.constant 16 : index
    %swap3A_1004 = tpu.vector_load %arg9[%swap3A_1002, %swap3A_1003] {strides = array<i32>} : memref<4x128xf32, #tpu.memory_space<vmem>>, vector<1x16xf32>,
    %swap3A_1005 = vector.shape_cast %swap3A_1004 : vector<1x16xf32> to vector<16xf32>
    %swap3A_1006 = vector.shape_cast %select_n3A_1000 : vector<16xf32> to vector<1x16xf32>
    tpu.vector_store %arg9[%swap3A_1002, %swap3A_1003], %swap3A_1006 {strides = array<i32>} : memref<4x128xf32, #tpu.memory_space<vmem>>, vector<1x16xf32>,
    %add3A_1007 = arith.constant 416 : i32
    %add3A_1008 = arith.addi %mul3A_2, %add3A_1007 : i32
    %add3A_1009 = vector.broadcast %add3A_1008 : i32 to vector<16xi32>
    %add3A_1010 = arith.addi %add3A_1009, %iota3A : vector<16xi32>
    %lt3A_1011 = arith.constant 16000 : i32
    %lt3A_1012 = vector.broadcast %lt3A_1011 : i32 to vector<16xi32>
    %lt3A_1013 = arith.cmpi slt, %add3A_1010, %lt3A_1012 : vector<16xi32>
    %get3A_1014 = arith.constant 416 : index
    %get3A_1015 = tpu.vector_load %arg5[%get3A_1014] {strides = array<i32>} : memref<512xi32, #tpu.memory_space<vmem>>, vector<16xi32>,
    %get3A_1016 = vector.shape_cast %get3A_1015 : vector<16xi32> to vector<16xi32>
    %get3A_1017 = arith.constant 416 : index
    %get3A_1018 = tpu.vector_load %arg6[%get3A_1017] {strides = array<i32>} : memref<512xi32, #tpu.memory_space<vmem>>, vector<16xi32>,
    %get3A_1019 = vector.shape_cast %get3A_1018 : vector<16xi32> to vector<16xi32>
    %get3A_1020 = arith.constant 416 : index
    %get3A_1021 = tpu.vector_load %arg7[%get3A_1020] {strides = array<i32>} : memref<512xf32, #tpu.memory_space<vmem>>, vector<16xf32>,
    %get3A_1022 = vector.shape_cast %get3A_1021 : vector<16xf32> to vector<16xf32>
    %mul3A_1023 = arith.constant 1024 : i32
    %mul3A_1024 = vector.broadcast %mul3A_1023 : i32 to vector<16xi32>
    %mul3A_1025 = arith.muli %get3A_1016, %mul3A_1024 : vector<16xi32>
    %add3A_1026 = arith.addi %mul3A_1025, %get3A_1019 : vector<16xi32>
    %jit3A_1027 = arith.constant 0 : i32
    %broadcast_in_dim3A_1028 = vector.broadcast %jit3A_1027 : i32 to vector<16xi32>
    %select_n3A_1029 = arith.select %lt3A_1013, %add3A_1026, %broadcast_in_dim3A_1028 : vector<16xi1>, vector<16xi32>
    %swap3A_1030 = arith.constant 3 : i32
    %swap3A_1031 = arith.index_cast %swap3A_1030 : i32 to index
    %swap3A_1032 = arith.constant 32 : index
    %swap3A_1033 = tpu.vector_load %arg8[%swap3A_1031, %swap3A_1032] {strides = array<i32>} : memref<4x128xi32, #tpu.memory_space<vmem>>, vector<1x16xi32>,
    %swap3A_1034 = vector.shape_cast %swap3A_1033 : vector<1x16xi32> to vector<16xi32>
    %swap3A_1035 = vector.shape_cast %select_n3A_1029 : vector<16xi32> to vector<1x16xi32>
    tpu.vector_store %arg8[%swap3A_1031, %swap3A_1032], %swap3A_1035 {strides = array<i32>} : memref<4x128xi32, #tpu.memory_space<vmem>>, vector<1x16xi32>,
    %jit3A_1036 = arith.constant 0.000000e+00 : f32
    %broadcast_in_dim3A_1037 = vector.broadcast %jit3A_1036 : f32 to vector<16xf32>
    %select_n3A_1038 = arith.select %lt3A_1013, %get3A_1022, %broadcast_in_dim3A_1037 : vector<16xi1>, vector<16xf32>
    %swap3A_1039 = arith.constant 3 : i32
    %swap3A_1040 = arith.index_cast %swap3A_1039 : i32 to index
    %swap3A_1041 = arith.constant 32 : index
    %swap3A_1042 = tpu.vector_load %arg9[%swap3A_1040, %swap3A_1041] {strides = array<i32>} : memref<4x128xf32, #tpu.memory_space<vmem>>, vector<1x16xf32>,
    %swap3A_1043 = vector.shape_cast %swap3A_1042 : vector<1x16xf32> to vector<16xf32>
    %swap3A_1044 = vector.shape_cast %select_n3A_1038 : vector<16xf32> to vector<1x16xf32>
    tpu.vector_store %arg9[%swap3A_1040, %swap3A_1041], %swap3A_1044 {strides = array<i32>} : memref<4x128xf32, #tpu.memory_space<vmem>>, vector<1x16xf32>,
    %add3A_1045 = arith.constant 432 : i32
    %add3A_1046 = arith.addi %mul3A_2, %add3A_1045 : i32
    %add3A_1047 = vector.broadcast %add3A_1046 : i32 to vector<16xi32>
    %add3A_1048 = arith.addi %add3A_1047, %iota3A : vector<16xi32>
    %lt3A_1049 = arith.constant 16000 : i32
    %lt3A_1050 = vector.broadcast %lt3A_1049 : i32 to vector<16xi32>
    %lt3A_1051 = arith.cmpi slt, %add3A_1048, %lt3A_1050 : vector<16xi32>
    %get3A_1052 = arith.constant 432 : index
    %get3A_1053 = tpu.vector_load %arg5[%get3A_1052] {strides = array<i32>} : memref<512xi32, #tpu.memory_space<vmem>>, vector<16xi32>,
    %get3A_1054 = vector.shape_cast %get3A_1053 : vector<16xi32> to vector<16xi32>
    %get3A_1055 = arith.constant 432 : index
    %get3A_1056 = tpu.vector_load %arg6[%get3A_1055] {strides = array<i32>} : memref<512xi32, #tpu.memory_space<vmem>>, vector<16xi32>,
    %get3A_1057 = vector.shape_cast %get3A_1056 : vector<16xi32> to vector<16xi32>
    %get3A_1058 = arith.constant 432 : index
    %get3A_1059 = tpu.vector_load %arg7[%get3A_1058] {strides = array<i32>} : memref<512xf32, #tpu.memory_space<vmem>>, vector<16xf32>,
    %get3A_1060 = vector.shape_cast %get3A_1059 : vector<16xf32> to vector<16xf32>
    %mul3A_1061 = arith.constant 1024 : i32
    %mul3A_1062 = vector.broadcast %mul3A_1061 : i32 to vector<16xi32>
    %mul3A_1063 = arith.muli %get3A_1054, %mul3A_1062 : vector<16xi32>
    %add3A_1064 = arith.addi %mul3A_1063, %get3A_1057 : vector<16xi32>
    %jit3A_1065 = arith.constant 0 : i32
    %broadcast_in_dim3A_1066 = vector.broadcast %jit3A_1065 : i32 to vector<16xi32>
    %select_n3A_1067 = arith.select %lt3A_1051, %add3A_1064, %broadcast_in_dim3A_1066 : vector<16xi1>, vector<16xi32>
    %swap3A_1068 = arith.constant 3 : i32
    %swap3A_1069 = arith.index_cast %swap3A_1068 : i32 to index
    %swap3A_1070 = arith.constant 48 : index
    %swap3A_1071 = tpu.vector_load %arg8[%swap3A_1069, %swap3A_1070] {strides = array<i32>} : memref<4x128xi32, #tpu.memory_space<vmem>>, vector<1x16xi32>,
    %swap3A_1072 = vector.shape_cast %swap3A_1071 : vector<1x16xi32> to vector<16xi32>
    %swap3A_1073 = vector.shape_cast %select_n3A_1067 : vector<16xi32> to vector<1x16xi32>
    tpu.vector_store %arg8[%swap3A_1069, %swap3A_1070], %swap3A_1073 {strides = array<i32>} : memref<4x128xi32, #tpu.memory_space<vmem>>, vector<1x16xi32>,
    %jit3A_1074 = arith.constant 0.000000e+00 : f32
    %broadcast_in_dim3A_1075 = vector.broadcast %jit3A_1074 : f32 to vector<16xf32>
    %select_n3A_1076 = arith.select %lt3A_1051, %get3A_1060, %broadcast_in_dim3A_1075 : vector<16xi1>, vector<16xf32>
    %swap3A_1077 = arith.constant 3 : i32
    %swap3A_1078 = arith.index_cast %swap3A_1077 : i32 to index
    %swap3A_1079 = arith.constant 48 : index
    %swap3A_1080 = tpu.vector_load %arg9[%swap3A_1078, %swap3A_1079] {strides = array<i32>} : memref<4x128xf32, #tpu.memory_space<vmem>>, vector<1x16xf32>,
    %swap3A_1081 = vector.shape_cast %swap3A_1080 : vector<1x16xf32> to vector<16xf32>
    %swap3A_1082 = vector.shape_cast %select_n3A_1076 : vector<16xf32> to vector<1x16xf32>
    tpu.vector_store %arg9[%swap3A_1078, %swap3A_1079], %swap3A_1082 {strides = array<i32>} : memref<4x128xf32, #tpu.memory_space<vmem>>, vector<1x16xf32>,
    %add3A_1083 = arith.constant 448 : i32
    %add3A_1084 = arith.addi %mul3A_2, %add3A_1083 : i32
    %add3A_1085 = vector.broadcast %add3A_1084 : i32 to vector<16xi32>
    %add3A_1086 = arith.addi %add3A_1085, %iota3A : vector<16xi32>
    %lt3A_1087 = arith.constant 16000 : i32
    %lt3A_1088 = vector.broadcast %lt3A_1087 : i32 to vector<16xi32>
    %lt3A_1089 = arith.cmpi slt, %add3A_1086, %lt3A_1088 : vector<16xi32>
    %get3A_1090 = arith.constant 448 : index
    %get3A_1091 = tpu.vector_load %arg5[%get3A_1090] {strides = array<i32>} : memref<512xi32, #tpu.memory_space<vmem>>, vector<16xi32>,
    %get3A_1092 = vector.shape_cast %get3A_1091 : vector<16xi32> to vector<16xi32>
    %get3A_1093 = arith.constant 448 : index
    %get3A_1094 = tpu.vector_load %arg6[%get3A_1093] {strides = array<i32>} : memref<512xi32, #tpu.memory_space<vmem>>, vector<16xi32>,
    %get3A_1095 = vector.shape_cast %get3A_1094 : vector<16xi32> to vector<16xi32>
    %get3A_1096 = arith.constant 448 : index
    %get3A_1097 = tpu.vector_load %arg7[%get3A_1096] {strides = array<i32>} : memref<512xf32, #tpu.memory_space<vmem>>, vector<16xf32>,
    %get3A_1098 = vector.shape_cast %get3A_1097 : vector<16xf32> to vector<16xf32>
    %mul3A_1099 = arith.constant 1024 : i32
    %mul3A_1100 = vector.broadcast %mul3A_1099 : i32 to vector<16xi32>
    %mul3A_1101 = arith.muli %get3A_1092, %mul3A_1100 : vector<16xi32>
    %add3A_1102 = arith.addi %mul3A_1101, %get3A_1095 : vector<16xi32>
    %jit3A_1103 = arith.constant 0 : i32
    %broadcast_in_dim3A_1104 = vector.broadcast %jit3A_1103 : i32 to vector<16xi32>
    %select_n3A_1105 = arith.select %lt3A_1089, %add3A_1102, %broadcast_in_dim3A_1104 : vector<16xi1>, vector<16xi32>
    %swap3A_1106 = arith.constant 3 : i32
    %swap3A_1107 = arith.index_cast %swap3A_1106 : i32 to index
    %swap3A_1108 = arith.constant 64 : index
    %swap3A_1109 = tpu.vector_load %arg8[%swap3A_1107, %swap3A_1108] {strides = array<i32>} : memref<4x128xi32, #tpu.memory_space<vmem>>, vector<1x16xi32>,
    %swap3A_1110 = vector.shape_cast %swap3A_1109 : vector<1x16xi32> to vector<16xi32>
    %swap3A_1111 = vector.shape_cast %select_n3A_1105 : vector<16xi32> to vector<1x16xi32>
    tpu.vector_store %arg8[%swap3A_1107, %swap3A_1108], %swap3A_1111 {strides = array<i32>} : memref<4x128xi32, #tpu.memory_space<vmem>>, vector<1x16xi32>,
    %jit3A_1112 = arith.constant 0.000000e+00 : f32
    %broadcast_in_dim3A_1113 = vector.broadcast %jit3A_1112 : f32 to vector<16xf32>
    %select_n3A_1114 = arith.select %lt3A_1089, %get3A_1098, %broadcast_in_dim3A_1113 : vector<16xi1>, vector<16xf32>
    %swap3A_1115 = arith.constant 3 : i32
    %swap3A_1116 = arith.index_cast %swap3A_1115 : i32 to index
    %swap3A_1117 = arith.constant 64 : index
    %swap3A_1118 = tpu.vector_load %arg9[%swap3A_1116, %swap3A_1117] {strides = array<i32>} : memref<4x128xf32, #tpu.memory_space<vmem>>, vector<1x16xf32>,
    %swap3A_1119 = vector.shape_cast %swap3A_1118 : vector<1x16xf32> to vector<16xf32>
    %swap3A_1120 = vector.shape_cast %select_n3A_1114 : vector<16xf32> to vector<1x16xf32>
    tpu.vector_store %arg9[%swap3A_1116, %swap3A_1117], %swap3A_1120 {strides = array<i32>} : memref<4x128xf32, #tpu.memory_space<vmem>>, vector<1x16xf32>,
    %add3A_1121 = arith.constant 464 : i32
    %add3A_1122 = arith.addi %mul3A_2, %add3A_1121 : i32
    %add3A_1123 = vector.broadcast %add3A_1122 : i32 to vector<16xi32>
    %add3A_1124 = arith.addi %add3A_1123, %iota3A : vector<16xi32>
    %lt3A_1125 = arith.constant 16000 : i32
    %lt3A_1126 = vector.broadcast %lt3A_1125 : i32 to vector<16xi32>
    %lt3A_1127 = arith.cmpi slt, %add3A_1124, %lt3A_1126 : vector<16xi32>
    %get3A_1128 = arith.constant 464 : index
    %get3A_1129 = tpu.vector_load %arg5[%get3A_1128] {strides = array<i32>} : memref<512xi32, #tpu.memory_space<vmem>>, vector<16xi32>,
    %get3A_1130 = vector.shape_cast %get3A_1129 : vector<16xi32> to vector<16xi32>
    %get3A_1131 = arith.constant 464 : index
    %get3A_1132 = tpu.vector_load %arg6[%get3A_1131] {strides = array<i32>} : memref<512xi32, #tpu.memory_space<vmem>>, vector<16xi32>,
    %get3A_1133 = vector.shape_cast %get3A_1132 : vector<16xi32> to vector<16xi32>
    %get3A_1134 = arith.constant 464 : index
    %get3A_1135 = tpu.vector_load %arg7[%get3A_1134] {strides = array<i32>} : memref<512xf32, #tpu.memory_space<vmem>>, vector<16xf32>,
    %get3A_1136 = vector.shape_cast %get3A_1135 : vector<16xf32> to vector<16xf32>
    %mul3A_1137 = arith.constant 1024 : i32
    %mul3A_1138 = vector.broadcast %mul3A_1137 : i32 to vector<16xi32>
    %mul3A_1139 = arith.muli %get3A_1130, %mul3A_1138 : vector<16xi32>
    %add3A_1140 = arith.addi %mul3A_1139, %get3A_1133 : vector<16xi32>
    %jit3A_1141 = arith.constant 0 : i32
    %broadcast_in_dim3A_1142 = vector.broadcast %jit3A_1141 : i32 to vector<16xi32>
    %select_n3A_1143 = arith.select %lt3A_1127, %add3A_1140, %broadcast_in_dim3A_1142 : vector<16xi1>, vector<16xi32>
    %swap3A_1144 = arith.constant 3 : i32
    %swap3A_1145 = arith.index_cast %swap3A_1144 : i32 to index
    %swap3A_1146 = arith.constant 80 : index
    %swap3A_1147 = tpu.vector_load %arg8[%swap3A_1145, %swap3A_1146] {strides = array<i32>} : memref<4x128xi32, #tpu.memory_space<vmem>>, vector<1x16xi32>,
    %swap3A_1148 = vector.shape_cast %swap3A_1147 : vector<1x16xi32> to vector<16xi32>
    %swap3A_1149 = vector.shape_cast %select_n3A_1143 : vector<16xi32> to vector<1x16xi32>
    tpu.vector_store %arg8[%swap3A_1145, %swap3A_1146], %swap3A_1149 {strides = array<i32>} : memref<4x128xi32, #tpu.memory_space<vmem>>, vector<1x16xi32>,
    %jit3A_1150 = arith.constant 0.000000e+00 : f32
    %broadcast_in_dim3A_1151 = vector.broadcast %jit3A_1150 : f32 to vector<16xf32>
    %select_n3A_1152 = arith.select %lt3A_1127, %get3A_1136, %broadcast_in_dim3A_1151 : vector<16xi1>, vector<16xf32>
    %swap3A_1153 = arith.constant 3 : i32
    %swap3A_1154 = arith.index_cast %swap3A_1153 : i32 to index
    %swap3A_1155 = arith.constant 80 : index
    %swap3A_1156 = tpu.vector_load %arg9[%swap3A_1154, %swap3A_1155] {strides = array<i32>} : memref<4x128xf32, #tpu.memory_space<vmem>>, vector<1x16xf32>,
    %swap3A_1157 = vector.shape_cast %swap3A_1156 : vector<1x16xf32> to vector<16xf32>
    %swap3A_1158 = vector.shape_cast %select_n3A_1152 : vector<16xf32> to vector<1x16xf32>
    tpu.vector_store %arg9[%swap3A_1154, %swap3A_1155], %swap3A_1158 {strides = array<i32>} : memref<4x128xf32, #tpu.memory_space<vmem>>, vector<1x16xf32>,
    %add3A_1159 = arith.constant 480 : i32
    %add3A_1160 = arith.addi %mul3A_2, %add3A_1159 : i32
    %add3A_1161 = vector.broadcast %add3A_1160 : i32 to vector<16xi32>
    %add3A_1162 = arith.addi %add3A_1161, %iota3A : vector<16xi32>
    %lt3A_1163 = arith.constant 16000 : i32
    %lt3A_1164 = vector.broadcast %lt3A_1163 : i32 to vector<16xi32>
    %lt3A_1165 = arith.cmpi slt, %add3A_1162, %lt3A_1164 : vector<16xi32>
    %get3A_1166 = arith.constant 480 : index
    %get3A_1167 = tpu.vector_load %arg5[%get3A_1166] {strides = array<i32>} : memref<512xi32, #tpu.memory_space<vmem>>, vector<16xi32>,
    %get3A_1168 = vector.shape_cast %get3A_1167 : vector<16xi32> to vector<16xi32>
    %get3A_1169 = arith.constant 480 : index
    %get3A_1170 = tpu.vector_load %arg6[%get3A_1169] {strides = array<i32>} : memref<512xi32, #tpu.memory_space<vmem>>, vector<16xi32>,
    %get3A_1171 = vector.shape_cast %get3A_1170 : vector<16xi32> to vector<16xi32>
    %get3A_1172 = arith.constant 480 : index
    %get3A_1173 = tpu.vector_load %arg7[%get3A_1172] {strides = array<i32>} : memref<512xf32, #tpu.memory_space<vmem>>, vector<16xf32>,
    %get3A_1174 = vector.shape_cast %get3A_1173 : vector<16xf32> to vector<16xf32>
    %mul3A_1175 = arith.constant 1024 : i32
    %mul3A_1176 = vector.broadcast %mul3A_1175 : i32 to vector<16xi32>
    %mul3A_1177 = arith.muli %get3A_1168, %mul3A_1176 : vector<16xi32>
    %add3A_1178 = arith.addi %mul3A_1177, %get3A_1171 : vector<16xi32>
    %jit3A_1179 = arith.constant 0 : i32
    %broadcast_in_dim3A_1180 = vector.broadcast %jit3A_1179 : i32 to vector<16xi32>
    %select_n3A_1181 = arith.select %lt3A_1165, %add3A_1178, %broadcast_in_dim3A_1180 : vector<16xi1>, vector<16xi32>
    %swap3A_1182 = arith.constant 3 : i32
    %swap3A_1183 = arith.index_cast %swap3A_1182 : i32 to index
    %swap3A_1184 = arith.constant 96 : index
    %swap3A_1185 = tpu.vector_load %arg8[%swap3A_1183, %swap3A_1184] {strides = array<i32>} : memref<4x128xi32, #tpu.memory_space<vmem>>, vector<1x16xi32>,
    %swap3A_1186 = vector.shape_cast %swap3A_1185 : vector<1x16xi32> to vector<16xi32>
    %swap3A_1187 = vector.shape_cast %select_n3A_1181 : vector<16xi32> to vector<1x16xi32>
    tpu.vector_store %arg8[%swap3A_1183, %swap3A_1184], %swap3A_1187 {strides = array<i32>} : memref<4x128xi32, #tpu.memory_space<vmem>>, vector<1x16xi32>,
    %jit3A_1188 = arith.constant 0.000000e+00 : f32
    %broadcast_in_dim3A_1189 = vector.broadcast %jit3A_1188 : f32 to vector<16xf32>
    %select_n3A_1190 = arith.select %lt3A_1165, %get3A_1174, %broadcast_in_dim3A_1189 : vector<16xi1>, vector<16xf32>
    %swap3A_1191 = arith.constant 3 : i32
    %swap3A_1192 = arith.index_cast %swap3A_1191 : i32 to index
    %swap3A_1193 = arith.constant 96 : index
    %swap3A_1194 = tpu.vector_load %arg9[%swap3A_1192, %swap3A_1193] {strides = array<i32>} : memref<4x128xf32, #tpu.memory_space<vmem>>, vector<1x16xf32>,
    %swap3A_1195 = vector.shape_cast %swap3A_1194 : vector<1x16xf32> to vector<16xf32>
    %swap3A_1196 = vector.shape_cast %select_n3A_1190 : vector<16xf32> to vector<1x16xf32>
    tpu.vector_store %arg9[%swap3A_1192, %swap3A_1193], %swap3A_1196 {strides = array<i32>} : memref<4x128xf32, #tpu.memory_space<vmem>>, vector<1x16xf32>,
    %add3A_1197 = arith.constant 496 : i32
    %add3A_1198 = arith.addi %mul3A_2, %add3A_1197 : i32
    %add3A_1199 = vector.broadcast %add3A_1198 : i32 to vector<16xi32>
    %add3A_1200 = arith.addi %add3A_1199, %iota3A : vector<16xi32>
    %lt3A_1201 = arith.constant 16000 : i32
    %lt3A_1202 = vector.broadcast %lt3A_1201 : i32 to vector<16xi32>
    %lt3A_1203 = arith.cmpi slt, %add3A_1200, %lt3A_1202 : vector<16xi32>
    %get3A_1204 = arith.constant 496 : index
    %get3A_1205 = tpu.vector_load %arg5[%get3A_1204] {strides = array<i32>} : memref<512xi32, #tpu.memory_space<vmem>>, vector<16xi32>,
    %get3A_1206 = vector.shape_cast %get3A_1205 : vector<16xi32> to vector<16xi32>
    %get3A_1207 = arith.constant 496 : index
    %get3A_1208 = tpu.vector_load %arg6[%get3A_1207] {strides = array<i32>} : memref<512xi32, #tpu.memory_space<vmem>>, vector<16xi32>,
    %get3A_1209 = vector.shape_cast %get3A_1208 : vector<16xi32> to vector<16xi32>
    %get3A_1210 = arith.constant 496 : index
    %get3A_1211 = tpu.vector_load %arg7[%get3A_1210] {strides = array<i32>} : memref<512xf32, #tpu.memory_space<vmem>>, vector<16xf32>,
    %get3A_1212 = vector.shape_cast %get3A_1211 : vector<16xf32> to vector<16xf32>
    %mul3A_1213 = arith.constant 1024 : i32
    %mul3A_1214 = vector.broadcast %mul3A_1213 : i32 to vector<16xi32>
    %mul3A_1215 = arith.muli %get3A_1206, %mul3A_1214 : vector<16xi32>
    %add3A_1216 = arith.addi %mul3A_1215, %get3A_1209 : vector<16xi32>
    %jit3A_1217 = arith.constant 0 : i32
    %broadcast_in_dim3A_1218 = vector.broadcast %jit3A_1217 : i32 to vector<16xi32>
    %select_n3A_1219 = arith.select %lt3A_1203, %add3A_1216, %broadcast_in_dim3A_1218 : vector<16xi1>, vector<16xi32>
    %swap3A_1220 = arith.constant 3 : i32
    %swap3A_1221 = arith.index_cast %swap3A_1220 : i32 to index
    %swap3A_1222 = arith.constant 112 : index
    %swap3A_1223 = tpu.vector_load %arg8[%swap3A_1221, %swap3A_1222] {strides = array<i32>} : memref<4x128xi32, #tpu.memory_space<vmem>>, vector<1x16xi32>,
    %swap3A_1224 = vector.shape_cast %swap3A_1223 : vector<1x16xi32> to vector<16xi32>
    %swap3A_1225 = vector.shape_cast %select_n3A_1219 : vector<16xi32> to vector<1x16xi32>
    tpu.vector_store %arg8[%swap3A_1221, %swap3A_1222], %swap3A_1225 {strides = array<i32>} : memref<4x128xi32, #tpu.memory_space<vmem>>, vector<1x16xi32>,
    %jit3A_1226 = arith.constant 0.000000e+00 : f32
    %broadcast_in_dim3A_1227 = vector.broadcast %jit3A_1226 : f32 to vector<16xf32>
    %select_n3A_1228 = arith.select %lt3A_1203, %get3A_1212, %broadcast_in_dim3A_1227 : vector<16xi1>, vector<16xf32>
    %swap3A_1229 = arith.constant 3 : i32
    %swap3A_1230 = arith.index_cast %swap3A_1229 : i32 to index
    %swap3A_1231 = arith.constant 112 : index
    %swap3A_1232 = tpu.vector_load %arg9[%swap3A_1230, %swap3A_1231] {strides = array<i32>} : memref<4x128xf32, #tpu.memory_space<vmem>>, vector<1x16xf32>,
    %swap3A_1233 = vector.shape_cast %swap3A_1232 : vector<1x16xf32> to vector<16xf32>
    %swap3A_1234 = vector.shape_cast %select_n3A_1228 : vector<16xf32> to vector<1x16xf32>
    tpu.vector_store %arg9[%swap3A_1230, %swap3A_1231], %swap3A_1234 {strides = array<i32>} : memref<4x128xf32, #tpu.memory_space<vmem>>, vector<1x16xf32>,
    %barrier3A = arith.constant 0 : index
    tpu.barrier barrier_id(%barrier3A)
    %run_scoped3A = arith.constant 0 : i32
    %run_scoped3A_1235 = arith.constant 0 : i32
    "tpu.region"() ({
      %run_scoped3A_2011 = tpu.sem_alloc : memref<!tpu.dma_semaphore, #tpu.memory_space<semaphore_mem>>
      %dma_start3A_2012 = arith.constant 0 : i32
      %dma_start3A_2013 = tpu.memref_slice %arg9[%run_scoped3A, %dma_start3A_2012] : memref<4x128xf32, #tpu.memory_space<vmem>> -> memref<1x128xf32, #tpu.memory_space<vmem>>
      %dma_start3A_2014 = tpu.memref_squeeze %dma_start3A_2013 : memref<1x128xf32, #tpu.memory_space<vmem>> -> memref<128xf32, #tpu.memory_space<vmem>>
      %dma_start3A_2015 = arith.constant 0 : i32
      %dma_start3A_2016 = tpu.memref_slice %arg8[%run_scoped3A_1235, %dma_start3A_2015] : memref<4x128xi32, #tpu.memory_space<vmem>> -> memref<1x128xi32, #tpu.memory_space<vmem>>
      %dma_start3A_2017 = tpu.memref_squeeze %dma_start3A_2016 : memref<1x128xi32, #tpu.memory_space<vmem>> -> memref<128xi32, #tpu.memory_space<vmem>>
      %dma_start3A_2018 = arith.constant 0 : i32
      %dma_start3A_2019 = tpu.memref_slice %arg11[%dma_start3A_2018] : memref<1048576xf32, #tpu.memory_space<vmem_shared>> -> memref<1048576xf32, #tpu.memory_space<vmem_shared>>
      tpu.enqueue_indirect_dma source(%dma_start3A_2014 : memref<128xf32, #tpu.memory_space<vmem>>) target(%dma_start3A_2019 : memref<1048576xf32, #tpu.memory_space<vmem_shared>>) offsets(%dma_start3A_2017 : memref<128xi32, #tpu.memory_space<vmem>>) semaphore(%run_scoped3A_2011 : memref<!tpu.dma_semaphore, #tpu.memory_space<semaphore_mem>>) {add = true}
      %dma_wait3A_2020 = arith.constant 0 : i32
      %dma_wait3A_2021 = tpu.memref_slice %arg9[%run_scoped3A, %dma_wait3A_2020] : memref<4x128xf32, #tpu.memory_space<vmem>> -> memref<1x128xf32, #tpu.memory_space<vmem>>
      %dma_wait3A_2022 = tpu.memref_squeeze %dma_wait3A_2021 : memref<1x128xf32, #tpu.memory_space<vmem>> -> memref<128xf32, #tpu.memory_space<vmem>>
      %dma_wait3A_2023 = arith.constant 0 : i32
      %dma_wait3A_2024 = tpu.memref_slice %arg8[%run_scoped3A_1235, %dma_wait3A_2023] : memref<4x128xi32, #tpu.memory_space<vmem>> -> memref<1x128xi32, #tpu.memory_space<vmem>>
      %dma_wait3A_2025 = tpu.memref_squeeze %dma_wait3A_2024 : memref<1x128xi32, #tpu.memory_space<vmem>> -> memref<128xi32, #tpu.memory_space<vmem>>
      %dma_wait3A_2026 = arith.constant 0 : i32
      %dma_wait3A_2027 = tpu.memref_slice %arg11[%dma_wait3A_2026] : memref<1048576xf32, #tpu.memory_space<vmem_shared>> -> memref<1048576xf32, #tpu.memory_space<vmem_shared>>
      tpu.wait_indirect_dma semaphore(%run_scoped3A_2011 : memref<!tpu.dma_semaphore, #tpu.memory_space<semaphore_mem>>) src(%dma_wait3A_2022 : memref<128xf32, #tpu.memory_space<vmem>>) dst(%dma_wait3A_2027 : memref<1048576xf32, #tpu.memory_space<vmem_shared>>)
      tpu.yield
    }) : () -> ()
    %run_scoped3A_1236 = arith.constant 1 : i32
    %run_scoped3A_1237 = arith.constant 1 : i32
    "tpu.region"() ({
      %run_scoped3A_2011 = tpu.sem_alloc : memref<!tpu.dma_semaphore, #tpu.memory_space<semaphore_mem>>
      %dma_start3A_2012 = arith.constant 0 : i32
      %dma_start3A_2013 = tpu.memref_slice %arg9[%run_scoped3A_1236, %dma_start3A_2012] : memref<4x128xf32, #tpu.memory_space<vmem>> -> memref<1x128xf32, #tpu.memory_space<vmem>>
      %dma_start3A_2014 = tpu.memref_squeeze %dma_start3A_2013 : memref<1x128xf32, #tpu.memory_space<vmem>> -> memref<128xf32, #tpu.memory_space<vmem>>
      %dma_start3A_2015 = arith.constant 0 : i32
      %dma_start3A_2016 = tpu.memref_slice %arg8[%run_scoped3A_1237, %dma_start3A_2015] : memref<4x128xi32, #tpu.memory_space<vmem>> -> memref<1x128xi32, #tpu.memory_space<vmem>>
      %dma_start3A_2017 = tpu.memref_squeeze %dma_start3A_2016 : memref<1x128xi32, #tpu.memory_space<vmem>> -> memref<128xi32, #tpu.memory_space<vmem>>
      %dma_start3A_2018 = arith.constant 0 : i32
      %dma_start3A_2019 = tpu.memref_slice %arg11[%dma_start3A_2018] : memref<1048576xf32, #tpu.memory_space<vmem_shared>> -> memref<1048576xf32, #tpu.memory_space<vmem_shared>>
      tpu.enqueue_indirect_dma source(%dma_start3A_2014 : memref<128xf32, #tpu.memory_space<vmem>>) target(%dma_start3A_2019 : memref<1048576xf32, #tpu.memory_space<vmem_shared>>) offsets(%dma_start3A_2017 : memref<128xi32, #tpu.memory_space<vmem>>) semaphore(%run_scoped3A_2011 : memref<!tpu.dma_semaphore, #tpu.memory_space<semaphore_mem>>) {add = true}
      %dma_wait3A_2020 = arith.constant 0 : i32
      %dma_wait3A_2021 = tpu.memref_slice %arg9[%run_scoped3A_1236, %dma_wait3A_2020] : memref<4x128xf32, #tpu.memory_space<vmem>> -> memref<1x128xf32, #tpu.memory_space<vmem>>
      %dma_wait3A_2022 = tpu.memref_squeeze %dma_wait3A_2021 : memref<1x128xf32, #tpu.memory_space<vmem>> -> memref<128xf32, #tpu.memory_space<vmem>>
      %dma_wait3A_2023 = arith.constant 0 : i32
      %dma_wait3A_2024 = tpu.memref_slice %arg8[%run_scoped3A_1237, %dma_wait3A_2023] : memref<4x128xi32, #tpu.memory_space<vmem>> -> memref<1x128xi32, #tpu.memory_space<vmem>>
      %dma_wait3A_2025 = tpu.memref_squeeze %dma_wait3A_2024 : memref<1x128xi32, #tpu.memory_space<vmem>> -> memref<128xi32, #tpu.memory_space<vmem>>
      %dma_wait3A_2026 = arith.constant 0 : i32
      %dma_wait3A_2027 = tpu.memref_slice %arg11[%dma_wait3A_2026] : memref<1048576xf32, #tpu.memory_space<vmem_shared>> -> memref<1048576xf32, #tpu.memory_space<vmem_shared>>
      tpu.wait_indirect_dma semaphore(%run_scoped3A_2011 : memref<!tpu.dma_semaphore, #tpu.memory_space<semaphore_mem>>) src(%dma_wait3A_2022 : memref<128xf32, #tpu.memory_space<vmem>>) dst(%dma_wait3A_2027 : memref<1048576xf32, #tpu.memory_space<vmem_shared>>)
      tpu.yield
    }) : () -> ()
    %run_scoped3A_1238 = arith.constant 2 : i32
    %run_scoped3A_1239 = arith.constant 2 : i32
    "tpu.region"() ({
      %run_scoped3A_2011 = tpu.sem_alloc : memref<!tpu.dma_semaphore, #tpu.memory_space<semaphore_mem>>
      %dma_start3A_2012 = arith.constant 0 : i32
      %dma_start3A_2013 = tpu.memref_slice %arg9[%run_scoped3A_1238, %dma_start3A_2012] : memref<4x128xf32, #tpu.memory_space<vmem>> -> memref<1x128xf32, #tpu.memory_space<vmem>>
      %dma_start3A_2014 = tpu.memref_squeeze %dma_start3A_2013 : memref<1x128xf32, #tpu.memory_space<vmem>> -> memref<128xf32, #tpu.memory_space<vmem>>
      %dma_start3A_2015 = arith.constant 0 : i32
      %dma_start3A_2016 = tpu.memref_slice %arg8[%run_scoped3A_1239, %dma_start3A_2015] : memref<4x128xi32, #tpu.memory_space<vmem>> -> memref<1x128xi32, #tpu.memory_space<vmem>>
      %dma_start3A_2017 = tpu.memref_squeeze %dma_start3A_2016 : memref<1x128xi32, #tpu.memory_space<vmem>> -> memref<128xi32, #tpu.memory_space<vmem>>
      %dma_start3A_2018 = arith.constant 0 : i32
      %dma_start3A_2019 = tpu.memref_slice %arg11[%dma_start3A_2018] : memref<1048576xf32, #tpu.memory_space<vmem_shared>> -> memref<1048576xf32, #tpu.memory_space<vmem_shared>>
      tpu.enqueue_indirect_dma source(%dma_start3A_2014 : memref<128xf32, #tpu.memory_space<vmem>>) target(%dma_start3A_2019 : memref<1048576xf32, #tpu.memory_space<vmem_shared>>) offsets(%dma_start3A_2017 : memref<128xi32, #tpu.memory_space<vmem>>) semaphore(%run_scoped3A_2011 : memref<!tpu.dma_semaphore, #tpu.memory_space<semaphore_mem>>) {add = true}
      %dma_wait3A_2020 = arith.constant 0 : i32
      %dma_wait3A_2021 = tpu.memref_slice %arg9[%run_scoped3A_1238, %dma_wait3A_2020] : memref<4x128xf32, #tpu.memory_space<vmem>> -> memref<1x128xf32, #tpu.memory_space<vmem>>
      %dma_wait3A_2022 = tpu.memref_squeeze %dma_wait3A_2021 : memref<1x128xf32, #tpu.memory_space<vmem>> -> memref<128xf32, #tpu.memory_space<vmem>>
      %dma_wait3A_2023 = arith.constant 0 : i32
      %dma_wait3A_2024 = tpu.memref_slice %arg8[%run_scoped3A_1239, %dma_wait3A_2023] : memref<4x128xi32, #tpu.memory_space<vmem>> -> memref<1x128xi32, #tpu.memory_space<vmem>>
      %dma_wait3A_2025 = tpu.memref_squeeze %dma_wait3A_2024 : memref<1x128xi32, #tpu.memory_space<vmem>> -> memref<128xi32, #tpu.memory_space<vmem>>
      %dma_wait3A_2026 = arith.constant 0 : i32
      %dma_wait3A_2027 = tpu.memref_slice %arg11[%dma_wait3A_2026] : memref<1048576xf32, #tpu.memory_space<vmem_shared>> -> memref<1048576xf32, #tpu.memory_space<vmem_shared>>
      tpu.wait_indirect_dma semaphore(%run_scoped3A_2011 : memref<!tpu.dma_semaphore, #tpu.memory_space<semaphore_mem>>) src(%dma_wait3A_2022 : memref<128xf32, #tpu.memory_space<vmem>>) dst(%dma_wait3A_2027 : memref<1048576xf32, #tpu.memory_space<vmem_shared>>)
      tpu.yield
    }) : () -> ()
    %run_scoped3A_1240 = arith.constant 3 : i32
    %run_scoped3A_1241 = arith.constant 3 : i32
    "tpu.region"() ({
      %run_scoped3A_2011 = tpu.sem_alloc : memref<!tpu.dma_semaphore, #tpu.memory_space<semaphore_mem>>
      %dma_start3A_2012 = arith.constant 0 : i32
      %dma_start3A_2013 = tpu.memref_slice %arg9[%run_scoped3A_1240, %dma_start3A_2012] : memref<4x128xf32, #tpu.memory_space<vmem>> -> memref<1x128xf32, #tpu.memory_space<vmem>>
      %dma_start3A_2014 = tpu.memref_squeeze %dma_start3A_2013 : memref<1x128xf32, #tpu.memory_space<vmem>> -> memref<128xf32, #tpu.memory_space<vmem>>
      %dma_start3A_2015 = arith.constant 0 : i32
      %dma_start3A_2016 = tpu.memref_slice %arg8[%run_scoped3A_1241, %dma_start3A_2015] : memref<4x128xi32, #tpu.memory_space<vmem>> -> memref<1x128xi32, #tpu.memory_space<vmem>>
      %dma_start3A_2017 = tpu.memref_squeeze %dma_start3A_2016 : memref<1x128xi32, #tpu.memory_space<vmem>> -> memref<128xi32, #tpu.memory_space<vmem>>
      %dma_start3A_2018 = arith.constant 0 : i32
      %dma_start3A_2019 = tpu.memref_slice %arg11[%dma_start3A_2018] : memref<1048576xf32, #tpu.memory_space<vmem_shared>> -> memref<1048576xf32, #tpu.memory_space<vmem_shared>>
      tpu.enqueue_indirect_dma source(%dma_start3A_2014 : memref<128xf32, #tpu.memory_space<vmem>>) target(%dma_start3A_2019 : memref<1048576xf32, #tpu.memory_space<vmem_shared>>) offsets(%dma_start3A_2017 : memref<128xi32, #tpu.memory_space<vmem>>) semaphore(%run_scoped3A_2011 : memref<!tpu.dma_semaphore, #tpu.memory_space<semaphore_mem>>) {add = true}
      %dma_wait3A_2020 = arith.constant 0 : i32
      %dma_wait3A_2021 = tpu.memref_slice %arg9[%run_scoped3A_1240, %dma_wait3A_2020] : memref<4x128xf32, #tpu.memory_space<vmem>> -> memref<1x128xf32, #tpu.memory_space<vmem>>
      %dma_wait3A_2022 = tpu.memref_squeeze %dma_wait3A_2021 : memref<1x128xf32, #tpu.memory_space<vmem>> -> memref<128xf32, #tpu.memory_space<vmem>>
      %dma_wait3A_2023 = arith.constant 0 : i32
      %dma_wait3A_2024 = tpu.memref_slice %arg8[%run_scoped3A_1241, %dma_wait3A_2023] : memref<4x128xi32, #tpu.memory_space<vmem>> -> memref<1x128xi32, #tpu.memory_space<vmem>>
      %dma_wait3A_2025 = tpu.memref_squeeze %dma_wait3A_2024 : memref<1x128xi32, #tpu.memory_space<vmem>> -> memref<128xi32, #tpu.memory_space<vmem>>
      %dma_wait3A_2026 = arith.constant 0 : i32
      %dma_wait3A_2027 = tpu.memref_slice %arg11[%dma_wait3A_2026] : memref<1048576xf32, #tpu.memory_space<vmem_shared>> -> memref<1048576xf32, #tpu.memory_space<vmem_shared>>
      tpu.wait_indirect_dma semaphore(%run_scoped3A_2011 : memref<!tpu.dma_semaphore, #tpu.memory_space<semaphore_mem>>) src(%dma_wait3A_2022 : memref<128xf32, #tpu.memory_space<vmem>>) dst(%dma_wait3A_2027 : memref<1048576xf32, #tpu.memory_space<vmem_shared>>)
      tpu.yield
    }) : () -> ()
    %barrier3A_1242 = arith.constant 0 : index
    tpu.barrier barrier_id(%barrier3A_1242)
    %mul3A_1243 = arith.constant 64 : i32
    %mul3A_1244 = arith.muli %arg1, %mul3A_1243 : i32
    %add3A_1245 = arith.constant 0 : i32
    %add3A_1246 = arith.addi %mul3A_16, %add3A_1245 : i32
    %add3A_1247 = arith.constant 0 : i32
    %add3A_1248 = arith.addi %mul3A_1244, %add3A_1247 : i32
    %dma_start3A = arith.constant 0 : i32
    %dma_start3A_1249 = tpu.memref_slice %arg4[%arg0, %add3A_1248, %dma_start3A] : memref<2x1024x1024xf32, #tpu.memory_space<hbm>> -> memref<1x1x1024xf32, #tpu.memory_space<hbm>>
    %dma_start3A_1250 = tpu.memref_squeeze %dma_start3A_1249 : memref<1x1x1024xf32, #tpu.memory_space<hbm>> -> memref<1024xf32, #tpu.memory_space<hbm>>
    %dma_start3A_1251 = tpu.memref_slice %arg11[%add3A_1246] : memref<1048576xf32, #tpu.memory_space<vmem_shared>> -> memref<1024xf32, #tpu.memory_space<vmem_shared>>
    tpu.enqueue_dma source(%dma_start3A_1251 : memref<1024xf32, #tpu.memory_space<vmem_shared>>) target(%dma_start3A_1250 : memref<1024xf32, #tpu.memory_space<hbm>>) target_semaphore(%arg12 : memref<!tpu.dma_semaphore, #tpu.memory_space<semaphore_mem>>)
    %add3A_1252 = arith.constant 1024 : i32
    %add3A_1253 = arith.addi %mul3A_16, %add3A_1252 : i32
    %add3A_1254 = arith.constant 1 : i32
    %add3A_1255 = arith.addi %mul3A_1244, %add3A_1254 : i32
    %dma_start3A_1256 = arith.constant 0 : i32
    %dma_start3A_1257 = tpu.memref_slice %arg4[%arg0, %add3A_1255, %dma_start3A_1256] : memref<2x1024x1024xf32, #tpu.memory_space<hbm>> -> memref<1x1x1024xf32, #tpu.memory_space<hbm>>
    %dma_start3A_1258 = tpu.memref_squeeze %dma_start3A_1257 : memref<1x1x1024xf32, #tpu.memory_space<hbm>> -> memref<1024xf32, #tpu.memory_space<hbm>>
    %dma_start3A_1259 = tpu.memref_slice %arg11[%add3A_1253] : memref<1048576xf32, #tpu.memory_space<vmem_shared>> -> memref<1024xf32, #tpu.memory_space<vmem_shared>>
    tpu.enqueue_dma source(%dma_start3A_1259 : memref<1024xf32, #tpu.memory_space<vmem_shared>>) target(%dma_start3A_1258 : memref<1024xf32, #tpu.memory_space<hbm>>) target_semaphore(%arg12 : memref<!tpu.dma_semaphore, #tpu.memory_space<semaphore_mem>>)
    %add3A_1260 = arith.constant 2048 : i32
    %add3A_1261 = arith.addi %mul3A_16, %add3A_1260 : i32
    %add3A_1262 = arith.constant 2 : i32
    %add3A_1263 = arith.addi %mul3A_1244, %add3A_1262 : i32
    %dma_start3A_1264 = arith.constant 0 : i32
    %dma_start3A_1265 = tpu.memref_slice %arg4[%arg0, %add3A_1263, %dma_start3A_1264] : memref<2x1024x1024xf32, #tpu.memory_space<hbm>> -> memref<1x1x1024xf32, #tpu.memory_space<hbm>>
    %dma_start3A_1266 = tpu.memref_squeeze %dma_start3A_1265 : memref<1x1x1024xf32, #tpu.memory_space<hbm>> -> memref<1024xf32, #tpu.memory_space<hbm>>
    %dma_start3A_1267 = tpu.memref_slice %arg11[%add3A_1261] : memref<1048576xf32, #tpu.memory_space<vmem_shared>> -> memref<1024xf32, #tpu.memory_space<vmem_shared>>
    tpu.enqueue_dma source(%dma_start3A_1267 : memref<1024xf32, #tpu.memory_space<vmem_shared>>) target(%dma_start3A_1266 : memref<1024xf32, #tpu.memory_space<hbm>>) target_semaphore(%arg12 : memref<!tpu.dma_semaphore, #tpu.memory_space<semaphore_mem>>)
    %add3A_1268 = arith.constant 3072 : i32
    %add3A_1269 = arith.addi %mul3A_16, %add3A_1268 : i32
    %add3A_1270 = arith.constant 3 : i32
    %add3A_1271 = arith.addi %mul3A_1244, %add3A_1270 : i32
    %dma_start3A_1272 = arith.constant 0 : i32
    %dma_start3A_1273 = tpu.memref_slice %arg4[%arg0, %add3A_1271, %dma_start3A_1272] : memref<2x1024x1024xf32, #tpu.memory_space<hbm>> -> memref<1x1x1024xf32, #tpu.memory_space<hbm>>
    %dma_start3A_1274 = tpu.memref_squeeze %dma_start3A_1273 : memref<1x1x1024xf32, #tpu.memory_space<hbm>> -> memref<1024xf32, #tpu.memory_space<hbm>>
    %dma_start3A_1275 = tpu.memref_slice %arg11[%add3A_1269] : memref<1048576xf32, #tpu.memory_space<vmem_shared>> -> memref<1024xf32, #tpu.memory_space<vmem_shared>>
    tpu.enqueue_dma source(%dma_start3A_1275 : memref<1024xf32, #tpu.memory_space<vmem_shared>>) target(%dma_start3A_1274 : memref<1024xf32, #tpu.memory_space<hbm>>) target_semaphore(%arg12 : memref<!tpu.dma_semaphore, #tpu.memory_space<semaphore_mem>>)
    %add3A_1276 = arith.constant 4096 : i32
    %add3A_1277 = arith.addi %mul3A_16, %add3A_1276 : i32
    %add3A_1278 = arith.constant 4 : i32
    %add3A_1279 = arith.addi %mul3A_1244, %add3A_1278 : i32
    %dma_start3A_1280 = arith.constant 0 : i32
    %dma_start3A_1281 = tpu.memref_slice %arg4[%arg0, %add3A_1279, %dma_start3A_1280] : memref<2x1024x1024xf32, #tpu.memory_space<hbm>> -> memref<1x1x1024xf32, #tpu.memory_space<hbm>>
    %dma_start3A_1282 = tpu.memref_squeeze %dma_start3A_1281 : memref<1x1x1024xf32, #tpu.memory_space<hbm>> -> memref<1024xf32, #tpu.memory_space<hbm>>
    %dma_start3A_1283 = tpu.memref_slice %arg11[%add3A_1277] : memref<1048576xf32, #tpu.memory_space<vmem_shared>> -> memref<1024xf32, #tpu.memory_space<vmem_shared>>
    tpu.enqueue_dma source(%dma_start3A_1283 : memref<1024xf32, #tpu.memory_space<vmem_shared>>) target(%dma_start3A_1282 : memref<1024xf32, #tpu.memory_space<hbm>>) target_semaphore(%arg12 : memref<!tpu.dma_semaphore, #tpu.memory_space<semaphore_mem>>)
    %add3A_1284 = arith.constant 5120 : i32
    %add3A_1285 = arith.addi %mul3A_16, %add3A_1284 : i32
    %add3A_1286 = arith.constant 5 : i32
    %add3A_1287 = arith.addi %mul3A_1244, %add3A_1286 : i32
    %dma_start3A_1288 = arith.constant 0 : i32
    %dma_start3A_1289 = tpu.memref_slice %arg4[%arg0, %add3A_1287, %dma_start3A_1288] : memref<2x1024x1024xf32, #tpu.memory_space<hbm>> -> memref<1x1x1024xf32, #tpu.memory_space<hbm>>
    %dma_start3A_1290 = tpu.memref_squeeze %dma_start3A_1289 : memref<1x1x1024xf32, #tpu.memory_space<hbm>> -> memref<1024xf32, #tpu.memory_space<hbm>>
    %dma_start3A_1291 = tpu.memref_slice %arg11[%add3A_1285] : memref<1048576xf32, #tpu.memory_space<vmem_shared>> -> memref<1024xf32, #tpu.memory_space<vmem_shared>>
    tpu.enqueue_dma source(%dma_start3A_1291 : memref<1024xf32, #tpu.memory_space<vmem_shared>>) target(%dma_start3A_1290 : memref<1024xf32, #tpu.memory_space<hbm>>) target_semaphore(%arg12 : memref<!tpu.dma_semaphore, #tpu.memory_space<semaphore_mem>>)
    %add3A_1292 = arith.constant 6144 : i32
    %add3A_1293 = arith.addi %mul3A_16, %add3A_1292 : i32
    %add3A_1294 = arith.constant 6 : i32
    %add3A_1295 = arith.addi %mul3A_1244, %add3A_1294 : i32
    %dma_start3A_1296 = arith.constant 0 : i32
    %dma_start3A_1297 = tpu.memref_slice %arg4[%arg0, %add3A_1295, %dma_start3A_1296] : memref<2x1024x1024xf32, #tpu.memory_space<hbm>> -> memref<1x1x1024xf32, #tpu.memory_space<hbm>>
    %dma_start3A_1298 = tpu.memref_squeeze %dma_start3A_1297 : memref<1x1x1024xf32, #tpu.memory_space<hbm>> -> memref<1024xf32, #tpu.memory_space<hbm>>
    %dma_start3A_1299 = tpu.memref_slice %arg11[%add3A_1293] : memref<1048576xf32, #tpu.memory_space<vmem_shared>> -> memref<1024xf32, #tpu.memory_space<vmem_shared>>
    tpu.enqueue_dma source(%dma_start3A_1299 : memref<1024xf32, #tpu.memory_space<vmem_shared>>) target(%dma_start3A_1298 : memref<1024xf32, #tpu.memory_space<hbm>>) target_semaphore(%arg12 : memref<!tpu.dma_semaphore, #tpu.memory_space<semaphore_mem>>)
    %add3A_1300 = arith.constant 7168 : i32
    %add3A_1301 = arith.addi %mul3A_16, %add3A_1300 : i32
    %add3A_1302 = arith.constant 7 : i32
    %add3A_1303 = arith.addi %mul3A_1244, %add3A_1302 : i32
    %dma_start3A_1304 = arith.constant 0 : i32
    %dma_start3A_1305 = tpu.memref_slice %arg4[%arg0, %add3A_1303, %dma_start3A_1304] : memref<2x1024x1024xf32, #tpu.memory_space<hbm>> -> memref<1x1x1024xf32, #tpu.memory_space<hbm>>
    %dma_start3A_1306 = tpu.memref_squeeze %dma_start3A_1305 : memref<1x1x1024xf32, #tpu.memory_space<hbm>> -> memref<1024xf32, #tpu.memory_space<hbm>>
    %dma_start3A_1307 = tpu.memref_slice %arg11[%add3A_1301] : memref<1048576xf32, #tpu.memory_space<vmem_shared>> -> memref<1024xf32, #tpu.memory_space<vmem_shared>>
    tpu.enqueue_dma source(%dma_start3A_1307 : memref<1024xf32, #tpu.memory_space<vmem_shared>>) target(%dma_start3A_1306 : memref<1024xf32, #tpu.memory_space<hbm>>) target_semaphore(%arg12 : memref<!tpu.dma_semaphore, #tpu.memory_space<semaphore_mem>>)
    %add3A_1308 = arith.constant 8192 : i32
    %add3A_1309 = arith.addi %mul3A_16, %add3A_1308 : i32
    %add3A_1310 = arith.constant 8 : i32
    %add3A_1311 = arith.addi %mul3A_1244, %add3A_1310 : i32
    %dma_start3A_1312 = arith.constant 0 : i32
    %dma_start3A_1313 = tpu.memref_slice %arg4[%arg0, %add3A_1311, %dma_start3A_1312] : memref<2x1024x1024xf32, #tpu.memory_space<hbm>> -> memref<1x1x1024xf32, #tpu.memory_space<hbm>>
    %dma_start3A_1314 = tpu.memref_squeeze %dma_start3A_1313 : memref<1x1x1024xf32, #tpu.memory_space<hbm>> -> memref<1024xf32, #tpu.memory_space<hbm>>
    %dma_start3A_1315 = tpu.memref_slice %arg11[%add3A_1309] : memref<1048576xf32, #tpu.memory_space<vmem_shared>> -> memref<1024xf32, #tpu.memory_space<vmem_shared>>
    tpu.enqueue_dma source(%dma_start3A_1315 : memref<1024xf32, #tpu.memory_space<vmem_shared>>) target(%dma_start3A_1314 : memref<1024xf32, #tpu.memory_space<hbm>>) target_semaphore(%arg12 : memref<!tpu.dma_semaphore, #tpu.memory_space<semaphore_mem>>)
    %add3A_1316 = arith.constant 9216 : i32
    %add3A_1317 = arith.addi %mul3A_16, %add3A_1316 : i32
    %add3A_1318 = arith.constant 9 : i32
    %add3A_1319 = arith.addi %mul3A_1244, %add3A_1318 : i32
    %dma_start3A_1320 = arith.constant 0 : i32
    %dma_start3A_1321 = tpu.memref_slice %arg4[%arg0, %add3A_1319, %dma_start3A_1320] : memref<2x1024x1024xf32, #tpu.memory_space<hbm>> -> memref<1x1x1024xf32, #tpu.memory_space<hbm>>
    %dma_start3A_1322 = tpu.memref_squeeze %dma_start3A_1321 : memref<1x1x1024xf32, #tpu.memory_space<hbm>> -> memref<1024xf32, #tpu.memory_space<hbm>>
    %dma_start3A_1323 = tpu.memref_slice %arg11[%add3A_1317] : memref<1048576xf32, #tpu.memory_space<vmem_shared>> -> memref<1024xf32, #tpu.memory_space<vmem_shared>>
    tpu.enqueue_dma source(%dma_start3A_1323 : memref<1024xf32, #tpu.memory_space<vmem_shared>>) target(%dma_start3A_1322 : memref<1024xf32, #tpu.memory_space<hbm>>) target_semaphore(%arg12 : memref<!tpu.dma_semaphore, #tpu.memory_space<semaphore_mem>>)
    %add3A_1324 = arith.constant 10240 : i32
    %add3A_1325 = arith.addi %mul3A_16, %add3A_1324 : i32
    %add3A_1326 = arith.constant 10 : i32
    %add3A_1327 = arith.addi %mul3A_1244, %add3A_1326 : i32
    %dma_start3A_1328 = arith.constant 0 : i32
    %dma_start3A_1329 = tpu.memref_slice %arg4[%arg0, %add3A_1327, %dma_start3A_1328] : memref<2x1024x1024xf32, #tpu.memory_space<hbm>> -> memref<1x1x1024xf32, #tpu.memory_space<hbm>>
    %dma_start3A_1330 = tpu.memref_squeeze %dma_start3A_1329 : memref<1x1x1024xf32, #tpu.memory_space<hbm>> -> memref<1024xf32, #tpu.memory_space<hbm>>
    %dma_start3A_1331 = tpu.memref_slice %arg11[%add3A_1325] : memref<1048576xf32, #tpu.memory_space<vmem_shared>> -> memref<1024xf32, #tpu.memory_space<vmem_shared>>
    tpu.enqueue_dma source(%dma_start3A_1331 : memref<1024xf32, #tpu.memory_space<vmem_shared>>) target(%dma_start3A_1330 : memref<1024xf32, #tpu.memory_space<hbm>>) target_semaphore(%arg12 : memref<!tpu.dma_semaphore, #tpu.memory_space<semaphore_mem>>)
    %add3A_1332 = arith.constant 11264 : i32
    %add3A_1333 = arith.addi %mul3A_16, %add3A_1332 : i32
    %add3A_1334 = arith.constant 11 : i32
    %add3A_1335 = arith.addi %mul3A_1244, %add3A_1334 : i32
    %dma_start3A_1336 = arith.constant 0 : i32
    %dma_start3A_1337 = tpu.memref_slice %arg4[%arg0, %add3A_1335, %dma_start3A_1336] : memref<2x1024x1024xf32, #tpu.memory_space<hbm>> -> memref<1x1x1024xf32, #tpu.memory_space<hbm>>
    %dma_start3A_1338 = tpu.memref_squeeze %dma_start3A_1337 : memref<1x1x1024xf32, #tpu.memory_space<hbm>> -> memref<1024xf32, #tpu.memory_space<hbm>>
    %dma_start3A_1339 = tpu.memref_slice %arg11[%add3A_1333] : memref<1048576xf32, #tpu.memory_space<vmem_shared>> -> memref<1024xf32, #tpu.memory_space<vmem_shared>>
    tpu.enqueue_dma source(%dma_start3A_1339 : memref<1024xf32, #tpu.memory_space<vmem_shared>>) target(%dma_start3A_1338 : memref<1024xf32, #tpu.memory_space<hbm>>) target_semaphore(%arg12 : memref<!tpu.dma_semaphore, #tpu.memory_space<semaphore_mem>>)
    %add3A_1340 = arith.constant 12288 : i32
    %add3A_1341 = arith.addi %mul3A_16, %add3A_1340 : i32
    %add3A_1342 = arith.constant 12 : i32
    %add3A_1343 = arith.addi %mul3A_1244, %add3A_1342 : i32
    %dma_start3A_1344 = arith.constant 0 : i32
    %dma_start3A_1345 = tpu.memref_slice %arg4[%arg0, %add3A_1343, %dma_start3A_1344] : memref<2x1024x1024xf32, #tpu.memory_space<hbm>> -> memref<1x1x1024xf32, #tpu.memory_space<hbm>>
    %dma_start3A_1346 = tpu.memref_squeeze %dma_start3A_1345 : memref<1x1x1024xf32, #tpu.memory_space<hbm>> -> memref<1024xf32, #tpu.memory_space<hbm>>
    %dma_start3A_1347 = tpu.memref_slice %arg11[%add3A_1341] : memref<1048576xf32, #tpu.memory_space<vmem_shared>> -> memref<1024xf32, #tpu.memory_space<vmem_shared>>
    tpu.enqueue_dma source(%dma_start3A_1347 : memref<1024xf32, #tpu.memory_space<vmem_shared>>) target(%dma_start3A_1346 : memref<1024xf32, #tpu.memory_space<hbm>>) target_semaphore(%arg12 : memref<!tpu.dma_semaphore, #tpu.memory_space<semaphore_mem>>)
    %add3A_1348 = arith.constant 13312 : i32
    %add3A_1349 = arith.addi %mul3A_16, %add3A_1348 : i32
    %add3A_1350 = arith.constant 13 : i32
    %add3A_1351 = arith.addi %mul3A_1244, %add3A_1350 : i32
    %dma_start3A_1352 = arith.constant 0 : i32
    %dma_start3A_1353 = tpu.memref_slice %arg4[%arg0, %add3A_1351, %dma_start3A_1352] : memref<2x1024x1024xf32, #tpu.memory_space<hbm>> -> memref<1x1x1024xf32, #tpu.memory_space<hbm>>
    %dma_start3A_1354 = tpu.memref_squeeze %dma_start3A_1353 : memref<1x1x1024xf32, #tpu.memory_space<hbm>> -> memref<1024xf32, #tpu.memory_space<hbm>>
    %dma_start3A_1355 = tpu.memref_slice %arg11[%add3A_1349] : memref<1048576xf32, #tpu.memory_space<vmem_shared>> -> memref<1024xf32, #tpu.memory_space<vmem_shared>>
    tpu.enqueue_dma source(%dma_start3A_1355 : memref<1024xf32, #tpu.memory_space<vmem_shared>>) target(%dma_start3A_1354 : memref<1024xf32, #tpu.memory_space<hbm>>) target_semaphore(%arg12 : memref<!tpu.dma_semaphore, #tpu.memory_space<semaphore_mem>>)
    %add3A_1356 = arith.constant 14336 : i32
    %add3A_1357 = arith.addi %mul3A_16, %add3A_1356 : i32
    %add3A_1358 = arith.constant 14 : i32
    %add3A_1359 = arith.addi %mul3A_1244, %add3A_1358 : i32
    %dma_start3A_1360 = arith.constant 0 : i32
    %dma_start3A_1361 = tpu.memref_slice %arg4[%arg0, %add3A_1359, %dma_start3A_1360] : memref<2x1024x1024xf32, #tpu.memory_space<hbm>> -> memref<1x1x1024xf32, #tpu.memory_space<hbm>>
    %dma_start3A_1362 = tpu.memref_squeeze %dma_start3A_1361 : memref<1x1x1024xf32, #tpu.memory_space<hbm>> -> memref<1024xf32, #tpu.memory_space<hbm>>
    %dma_start3A_1363 = tpu.memref_slice %arg11[%add3A_1357] : memref<1048576xf32, #tpu.memory_space<vmem_shared>> -> memref<1024xf32, #tpu.memory_space<vmem_shared>>
    tpu.enqueue_dma source(%dma_start3A_1363 : memref<1024xf32, #tpu.memory_space<vmem_shared>>) target(%dma_start3A_1362 : memref<1024xf32, #tpu.memory_space<hbm>>) target_semaphore(%arg12 : memref<!tpu.dma_semaphore, #tpu.memory_space<semaphore_mem>>)
    %add3A_1364 = arith.constant 15360 : i32
    %add3A_1365 = arith.addi %mul3A_16, %add3A_1364 : i32
    %add3A_1366 = arith.constant 15 : i32
    %add3A_1367 = arith.addi %mul3A_1244, %add3A_1366 : i32
    %dma_start3A_1368 = arith.constant 0 : i32
    %dma_start3A_1369 = tpu.memref_slice %arg4[%arg0, %add3A_1367, %dma_start3A_1368] : memref<2x1024x1024xf32, #tpu.memory_space<hbm>> -> memref<1x1x1024xf32, #tpu.memory_space<hbm>>
    %dma_start3A_1370 = tpu.memref_squeeze %dma_start3A_1369 : memref<1x1x1024xf32, #tpu.memory_space<hbm>> -> memref<1024xf32, #tpu.memory_space<hbm>>
    %dma_start3A_1371 = tpu.memref_slice %arg11[%add3A_1365] : memref<1048576xf32, #tpu.memory_space<vmem_shared>> -> memref<1024xf32, #tpu.memory_space<vmem_shared>>
    tpu.enqueue_dma source(%dma_start3A_1371 : memref<1024xf32, #tpu.memory_space<vmem_shared>>) target(%dma_start3A_1370 : memref<1024xf32, #tpu.memory_space<hbm>>) target_semaphore(%arg12 : memref<!tpu.dma_semaphore, #tpu.memory_space<semaphore_mem>>)
    %add3A_1372 = arith.constant 16384 : i32
    %add3A_1373 = arith.addi %mul3A_16, %add3A_1372 : i32
    %add3A_1374 = arith.constant 16 : i32
    %add3A_1375 = arith.addi %mul3A_1244, %add3A_1374 : i32
    %dma_start3A_1376 = arith.constant 0 : i32
    %dma_start3A_1377 = tpu.memref_slice %arg4[%arg0, %add3A_1375, %dma_start3A_1376] : memref<2x1024x1024xf32, #tpu.memory_space<hbm>> -> memref<1x1x1024xf32, #tpu.memory_space<hbm>>
    %dma_start3A_1378 = tpu.memref_squeeze %dma_start3A_1377 : memref<1x1x1024xf32, #tpu.memory_space<hbm>> -> memref<1024xf32, #tpu.memory_space<hbm>>
    %dma_start3A_1379 = tpu.memref_slice %arg11[%add3A_1373] : memref<1048576xf32, #tpu.memory_space<vmem_shared>> -> memref<1024xf32, #tpu.memory_space<vmem_shared>>
    tpu.enqueue_dma source(%dma_start3A_1379 : memref<1024xf32, #tpu.memory_space<vmem_shared>>) target(%dma_start3A_1378 : memref<1024xf32, #tpu.memory_space<hbm>>) target_semaphore(%arg12 : memref<!tpu.dma_semaphore, #tpu.memory_space<semaphore_mem>>)
    %add3A_1380 = arith.constant 17408 : i32
    %add3A_1381 = arith.addi %mul3A_16, %add3A_1380 : i32
    %add3A_1382 = arith.constant 17 : i32
    %add3A_1383 = arith.addi %mul3A_1244, %add3A_1382 : i32
    %dma_start3A_1384 = arith.constant 0 : i32
    %dma_start3A_1385 = tpu.memref_slice %arg4[%arg0, %add3A_1383, %dma_start3A_1384] : memref<2x1024x1024xf32, #tpu.memory_space<hbm>> -> memref<1x1x1024xf32, #tpu.memory_space<hbm>>
    %dma_start3A_1386 = tpu.memref_squeeze %dma_start3A_1385 : memref<1x1x1024xf32, #tpu.memory_space<hbm>> -> memref<1024xf32, #tpu.memory_space<hbm>>
    %dma_start3A_1387 = tpu.memref_slice %arg11[%add3A_1381] : memref<1048576xf32, #tpu.memory_space<vmem_shared>> -> memref<1024xf32, #tpu.memory_space<vmem_shared>>
    tpu.enqueue_dma source(%dma_start3A_1387 : memref<1024xf32, #tpu.memory_space<vmem_shared>>) target(%dma_start3A_1386 : memref<1024xf32, #tpu.memory_space<hbm>>) target_semaphore(%arg12 : memref<!tpu.dma_semaphore, #tpu.memory_space<semaphore_mem>>)
    %add3A_1388 = arith.constant 18432 : i32
    %add3A_1389 = arith.addi %mul3A_16, %add3A_1388 : i32
    %add3A_1390 = arith.constant 18 : i32
    %add3A_1391 = arith.addi %mul3A_1244, %add3A_1390 : i32
    %dma_start3A_1392 = arith.constant 0 : i32
    %dma_start3A_1393 = tpu.memref_slice %arg4[%arg0, %add3A_1391, %dma_start3A_1392] : memref<2x1024x1024xf32, #tpu.memory_space<hbm>> -> memref<1x1x1024xf32, #tpu.memory_space<hbm>>
    %dma_start3A_1394 = tpu.memref_squeeze %dma_start3A_1393 : memref<1x1x1024xf32, #tpu.memory_space<hbm>> -> memref<1024xf32, #tpu.memory_space<hbm>>
    %dma_start3A_1395 = tpu.memref_slice %arg11[%add3A_1389] : memref<1048576xf32, #tpu.memory_space<vmem_shared>> -> memref<1024xf32, #tpu.memory_space<vmem_shared>>
    tpu.enqueue_dma source(%dma_start3A_1395 : memref<1024xf32, #tpu.memory_space<vmem_shared>>) target(%dma_start3A_1394 : memref<1024xf32, #tpu.memory_space<hbm>>) target_semaphore(%arg12 : memref<!tpu.dma_semaphore, #tpu.memory_space<semaphore_mem>>)
    %add3A_1396 = arith.constant 19456 : i32
    %add3A_1397 = arith.addi %mul3A_16, %add3A_1396 : i32
    %add3A_1398 = arith.constant 19 : i32
    %add3A_1399 = arith.addi %mul3A_1244, %add3A_1398 : i32
    %dma_start3A_1400 = arith.constant 0 : i32
    %dma_start3A_1401 = tpu.memref_slice %arg4[%arg0, %add3A_1399, %dma_start3A_1400] : memref<2x1024x1024xf32, #tpu.memory_space<hbm>> -> memref<1x1x1024xf32, #tpu.memory_space<hbm>>
    %dma_start3A_1402 = tpu.memref_squeeze %dma_start3A_1401 : memref<1x1x1024xf32, #tpu.memory_space<hbm>> -> memref<1024xf32, #tpu.memory_space<hbm>>
    %dma_start3A_1403 = tpu.memref_slice %arg11[%add3A_1397] : memref<1048576xf32, #tpu.memory_space<vmem_shared>> -> memref<1024xf32, #tpu.memory_space<vmem_shared>>
    tpu.enqueue_dma source(%dma_start3A_1403 : memref<1024xf32, #tpu.memory_space<vmem_shared>>) target(%dma_start3A_1402 : memref<1024xf32, #tpu.memory_space<hbm>>) target_semaphore(%arg12 : memref<!tpu.dma_semaphore, #tpu.memory_space<semaphore_mem>>)
    %add3A_1404 = arith.constant 20480 : i32
    %add3A_1405 = arith.addi %mul3A_16, %add3A_1404 : i32
    %add3A_1406 = arith.constant 20 : i32
    %add3A_1407 = arith.addi %mul3A_1244, %add3A_1406 : i32
    %dma_start3A_1408 = arith.constant 0 : i32
    %dma_start3A_1409 = tpu.memref_slice %arg4[%arg0, %add3A_1407, %dma_start3A_1408] : memref<2x1024x1024xf32, #tpu.memory_space<hbm>> -> memref<1x1x1024xf32, #tpu.memory_space<hbm>>
    %dma_start3A_1410 = tpu.memref_squeeze %dma_start3A_1409 : memref<1x1x1024xf32, #tpu.memory_space<hbm>> -> memref<1024xf32, #tpu.memory_space<hbm>>
    %dma_start3A_1411 = tpu.memref_slice %arg11[%add3A_1405] : memref<1048576xf32, #tpu.memory_space<vmem_shared>> -> memref<1024xf32, #tpu.memory_space<vmem_shared>>
    tpu.enqueue_dma source(%dma_start3A_1411 : memref<1024xf32, #tpu.memory_space<vmem_shared>>) target(%dma_start3A_1410 : memref<1024xf32, #tpu.memory_space<hbm>>) target_semaphore(%arg12 : memref<!tpu.dma_semaphore, #tpu.memory_space<semaphore_mem>>)
    %add3A_1412 = arith.constant 21504 : i32
    %add3A_1413 = arith.addi %mul3A_16, %add3A_1412 : i32
    %add3A_1414 = arith.constant 21 : i32
    %add3A_1415 = arith.addi %mul3A_1244, %add3A_1414 : i32
    %dma_start3A_1416 = arith.constant 0 : i32
    %dma_start3A_1417 = tpu.memref_slice %arg4[%arg0, %add3A_1415, %dma_start3A_1416] : memref<2x1024x1024xf32, #tpu.memory_space<hbm>> -> memref<1x1x1024xf32, #tpu.memory_space<hbm>>
    %dma_start3A_1418 = tpu.memref_squeeze %dma_start3A_1417 : memref<1x1x1024xf32, #tpu.memory_space<hbm>> -> memref<1024xf32, #tpu.memory_space<hbm>>
    %dma_start3A_1419 = tpu.memref_slice %arg11[%add3A_1413] : memref<1048576xf32, #tpu.memory_space<vmem_shared>> -> memref<1024xf32, #tpu.memory_space<vmem_shared>>
    tpu.enqueue_dma source(%dma_start3A_1419 : memref<1024xf32, #tpu.memory_space<vmem_shared>>) target(%dma_start3A_1418 : memref<1024xf32, #tpu.memory_space<hbm>>) target_semaphore(%arg12 : memref<!tpu.dma_semaphore, #tpu.memory_space<semaphore_mem>>)
    %add3A_1420 = arith.constant 22528 : i32
    %add3A_1421 = arith.addi %mul3A_16, %add3A_1420 : i32
    %add3A_1422 = arith.constant 22 : i32
    %add3A_1423 = arith.addi %mul3A_1244, %add3A_1422 : i32
    %dma_start3A_1424 = arith.constant 0 : i32
    %dma_start3A_1425 = tpu.memref_slice %arg4[%arg0, %add3A_1423, %dma_start3A_1424] : memref<2x1024x1024xf32, #tpu.memory_space<hbm>> -> memref<1x1x1024xf32, #tpu.memory_space<hbm>>
    %dma_start3A_1426 = tpu.memref_squeeze %dma_start3A_1425 : memref<1x1x1024xf32, #tpu.memory_space<hbm>> -> memref<1024xf32, #tpu.memory_space<hbm>>
    %dma_start3A_1427 = tpu.memref_slice %arg11[%add3A_1421] : memref<1048576xf32, #tpu.memory_space<vmem_shared>> -> memref<1024xf32, #tpu.memory_space<vmem_shared>>
    tpu.enqueue_dma source(%dma_start3A_1427 : memref<1024xf32, #tpu.memory_space<vmem_shared>>) target(%dma_start3A_1426 : memref<1024xf32, #tpu.memory_space<hbm>>) target_semaphore(%arg12 : memref<!tpu.dma_semaphore, #tpu.memory_space<semaphore_mem>>)
    %add3A_1428 = arith.constant 23552 : i32
    %add3A_1429 = arith.addi %mul3A_16, %add3A_1428 : i32
    %add3A_1430 = arith.constant 23 : i32
    %add3A_1431 = arith.addi %mul3A_1244, %add3A_1430 : i32
    %dma_start3A_1432 = arith.constant 0 : i32
    %dma_start3A_1433 = tpu.memref_slice %arg4[%arg0, %add3A_1431, %dma_start3A_1432] : memref<2x1024x1024xf32, #tpu.memory_space<hbm>> -> memref<1x1x1024xf32, #tpu.memory_space<hbm>>
    %dma_start3A_1434 = tpu.memref_squeeze %dma_start3A_1433 : memref<1x1x1024xf32, #tpu.memory_space<hbm>> -> memref<1024xf32, #tpu.memory_space<hbm>>
    %dma_start3A_1435 = tpu.memref_slice %arg11[%add3A_1429] : memref<1048576xf32, #tpu.memory_space<vmem_shared>> -> memref<1024xf32, #tpu.memory_space<vmem_shared>>
    tpu.enqueue_dma source(%dma_start3A_1435 : memref<1024xf32, #tpu.memory_space<vmem_shared>>) target(%dma_start3A_1434 : memref<1024xf32, #tpu.memory_space<hbm>>) target_semaphore(%arg12 : memref<!tpu.dma_semaphore, #tpu.memory_space<semaphore_mem>>)
    %add3A_1436 = arith.constant 24576 : i32
    %add3A_1437 = arith.addi %mul3A_16, %add3A_1436 : i32
    %add3A_1438 = arith.constant 24 : i32
    %add3A_1439 = arith.addi %mul3A_1244, %add3A_1438 : i32
    %dma_start3A_1440 = arith.constant 0 : i32
    %dma_start3A_1441 = tpu.memref_slice %arg4[%arg0, %add3A_1439, %dma_start3A_1440] : memref<2x1024x1024xf32, #tpu.memory_space<hbm>> -> memref<1x1x1024xf32, #tpu.memory_space<hbm>>
    %dma_start3A_1442 = tpu.memref_squeeze %dma_start3A_1441 : memref<1x1x1024xf32, #tpu.memory_space<hbm>> -> memref<1024xf32, #tpu.memory_space<hbm>>
    %dma_start3A_1443 = tpu.memref_slice %arg11[%add3A_1437] : memref<1048576xf32, #tpu.memory_space<vmem_shared>> -> memref<1024xf32, #tpu.memory_space<vmem_shared>>
    tpu.enqueue_dma source(%dma_start3A_1443 : memref<1024xf32, #tpu.memory_space<vmem_shared>>) target(%dma_start3A_1442 : memref<1024xf32, #tpu.memory_space<hbm>>) target_semaphore(%arg12 : memref<!tpu.dma_semaphore, #tpu.memory_space<semaphore_mem>>)
    %add3A_1444 = arith.constant 25600 : i32
    %add3A_1445 = arith.addi %mul3A_16, %add3A_1444 : i32
    %add3A_1446 = arith.constant 25 : i32
    %add3A_1447 = arith.addi %mul3A_1244, %add3A_1446 : i32
    %dma_start3A_1448 = arith.constant 0 : i32
    %dma_start3A_1449 = tpu.memref_slice %arg4[%arg0, %add3A_1447, %dma_start3A_1448] : memref<2x1024x1024xf32, #tpu.memory_space<hbm>> -> memref<1x1x1024xf32, #tpu.memory_space<hbm>>
    %dma_start3A_1450 = tpu.memref_squeeze %dma_start3A_1449 : memref<1x1x1024xf32, #tpu.memory_space<hbm>> -> memref<1024xf32, #tpu.memory_space<hbm>>
    %dma_start3A_1451 = tpu.memref_slice %arg11[%add3A_1445] : memref<1048576xf32, #tpu.memory_space<vmem_shared>> -> memref<1024xf32, #tpu.memory_space<vmem_shared>>
    tpu.enqueue_dma source(%dma_start3A_1451 : memref<1024xf32, #tpu.memory_space<vmem_shared>>) target(%dma_start3A_1450 : memref<1024xf32, #tpu.memory_space<hbm>>) target_semaphore(%arg12 : memref<!tpu.dma_semaphore, #tpu.memory_space<semaphore_mem>>)
    %add3A_1452 = arith.constant 26624 : i32
    %add3A_1453 = arith.addi %mul3A_16, %add3A_1452 : i32
    %add3A_1454 = arith.constant 26 : i32
    %add3A_1455 = arith.addi %mul3A_1244, %add3A_1454 : i32
    %dma_start3A_1456 = arith.constant 0 : i32
    %dma_start3A_1457 = tpu.memref_slice %arg4[%arg0, %add3A_1455, %dma_start3A_1456] : memref<2x1024x1024xf32, #tpu.memory_space<hbm>> -> memref<1x1x1024xf32, #tpu.memory_space<hbm>>
    %dma_start3A_1458 = tpu.memref_squeeze %dma_start3A_1457 : memref<1x1x1024xf32, #tpu.memory_space<hbm>> -> memref<1024xf32, #tpu.memory_space<hbm>>
    %dma_start3A_1459 = tpu.memref_slice %arg11[%add3A_1453] : memref<1048576xf32, #tpu.memory_space<vmem_shared>> -> memref<1024xf32, #tpu.memory_space<vmem_shared>>
    tpu.enqueue_dma source(%dma_start3A_1459 : memref<1024xf32, #tpu.memory_space<vmem_shared>>) target(%dma_start3A_1458 : memref<1024xf32, #tpu.memory_space<hbm>>) target_semaphore(%arg12 : memref<!tpu.dma_semaphore, #tpu.memory_space<semaphore_mem>>)
    %add3A_1460 = arith.constant 27648 : i32
    %add3A_1461 = arith.addi %mul3A_16, %add3A_1460 : i32
    %add3A_1462 = arith.constant 27 : i32
    %add3A_1463 = arith.addi %mul3A_1244, %add3A_1462 : i32
    %dma_start3A_1464 = arith.constant 0 : i32
    %dma_start3A_1465 = tpu.memref_slice %arg4[%arg0, %add3A_1463, %dma_start3A_1464] : memref<2x1024x1024xf32, #tpu.memory_space<hbm>> -> memref<1x1x1024xf32, #tpu.memory_space<hbm>>
    %dma_start3A_1466 = tpu.memref_squeeze %dma_start3A_1465 : memref<1x1x1024xf32, #tpu.memory_space<hbm>> -> memref<1024xf32, #tpu.memory_space<hbm>>
    %dma_start3A_1467 = tpu.memref_slice %arg11[%add3A_1461] : memref<1048576xf32, #tpu.memory_space<vmem_shared>> -> memref<1024xf32, #tpu.memory_space<vmem_shared>>
    tpu.enqueue_dma source(%dma_start3A_1467 : memref<1024xf32, #tpu.memory_space<vmem_shared>>) target(%dma_start3A_1466 : memref<1024xf32, #tpu.memory_space<hbm>>) target_semaphore(%arg12 : memref<!tpu.dma_semaphore, #tpu.memory_space<semaphore_mem>>)
    %add3A_1468 = arith.constant 28672 : i32
    %add3A_1469 = arith.addi %mul3A_16, %add3A_1468 : i32
    %add3A_1470 = arith.constant 28 : i32
    %add3A_1471 = arith.addi %mul3A_1244, %add3A_1470 : i32
    %dma_start3A_1472 = arith.constant 0 : i32
    %dma_start3A_1473 = tpu.memref_slice %arg4[%arg0, %add3A_1471, %dma_start3A_1472] : memref<2x1024x1024xf32, #tpu.memory_space<hbm>> -> memref<1x1x1024xf32, #tpu.memory_space<hbm>>
    %dma_start3A_1474 = tpu.memref_squeeze %dma_start3A_1473 : memref<1x1x1024xf32, #tpu.memory_space<hbm>> -> memref<1024xf32, #tpu.memory_space<hbm>>
    %dma_start3A_1475 = tpu.memref_slice %arg11[%add3A_1469] : memref<1048576xf32, #tpu.memory_space<vmem_shared>> -> memref<1024xf32, #tpu.memory_space<vmem_shared>>
    tpu.enqueue_dma source(%dma_start3A_1475 : memref<1024xf32, #tpu.memory_space<vmem_shared>>) target(%dma_start3A_1474 : memref<1024xf32, #tpu.memory_space<hbm>>) target_semaphore(%arg12 : memref<!tpu.dma_semaphore, #tpu.memory_space<semaphore_mem>>)
    %add3A_1476 = arith.constant 29696 : i32
    %add3A_1477 = arith.addi %mul3A_16, %add3A_1476 : i32
    %add3A_1478 = arith.constant 29 : i32
    %add3A_1479 = arith.addi %mul3A_1244, %add3A_1478 : i32
    %dma_start3A_1480 = arith.constant 0 : i32
    %dma_start3A_1481 = tpu.memref_slice %arg4[%arg0, %add3A_1479, %dma_start3A_1480] : memref<2x1024x1024xf32, #tpu.memory_space<hbm>> -> memref<1x1x1024xf32, #tpu.memory_space<hbm>>
    %dma_start3A_1482 = tpu.memref_squeeze %dma_start3A_1481 : memref<1x1x1024xf32, #tpu.memory_space<hbm>> -> memref<1024xf32, #tpu.memory_space<hbm>>
    %dma_start3A_1483 = tpu.memref_slice %arg11[%add3A_1477] : memref<1048576xf32, #tpu.memory_space<vmem_shared>> -> memref<1024xf32, #tpu.memory_space<vmem_shared>>
    tpu.enqueue_dma source(%dma_start3A_1483 : memref<1024xf32, #tpu.memory_space<vmem_shared>>) target(%dma_start3A_1482 : memref<1024xf32, #tpu.memory_space<hbm>>) target_semaphore(%arg12 : memref<!tpu.dma_semaphore, #tpu.memory_space<semaphore_mem>>)
    %add3A_1484 = arith.constant 30720 : i32
    %add3A_1485 = arith.addi %mul3A_16, %add3A_1484 : i32
    %add3A_1486 = arith.constant 30 : i32
    %add3A_1487 = arith.addi %mul3A_1244, %add3A_1486 : i32
    %dma_start3A_1488 = arith.constant 0 : i32
    %dma_start3A_1489 = tpu.memref_slice %arg4[%arg0, %add3A_1487, %dma_start3A_1488] : memref<2x1024x1024xf32, #tpu.memory_space<hbm>> -> memref<1x1x1024xf32, #tpu.memory_space<hbm>>
    %dma_start3A_1490 = tpu.memref_squeeze %dma_start3A_1489 : memref<1x1x1024xf32, #tpu.memory_space<hbm>> -> memref<1024xf32, #tpu.memory_space<hbm>>
    %dma_start3A_1491 = tpu.memref_slice %arg11[%add3A_1485] : memref<1048576xf32, #tpu.memory_space<vmem_shared>> -> memref<1024xf32, #tpu.memory_space<vmem_shared>>
    tpu.enqueue_dma source(%dma_start3A_1491 : memref<1024xf32, #tpu.memory_space<vmem_shared>>) target(%dma_start3A_1490 : memref<1024xf32, #tpu.memory_space<hbm>>) target_semaphore(%arg12 : memref<!tpu.dma_semaphore, #tpu.memory_space<semaphore_mem>>)
    %add3A_1492 = arith.constant 31744 : i32
    %add3A_1493 = arith.addi %mul3A_16, %add3A_1492 : i32
    %add3A_1494 = arith.constant 31 : i32
    %add3A_1495 = arith.addi %mul3A_1244, %add3A_1494 : i32
    %dma_start3A_1496 = arith.constant 0 : i32
    %dma_start3A_1497 = tpu.memref_slice %arg4[%arg0, %add3A_1495, %dma_start3A_1496] : memref<2x1024x1024xf32, #tpu.memory_space<hbm>> -> memref<1x1x1024xf32, #tpu.memory_space<hbm>>
    %dma_start3A_1498 = tpu.memref_squeeze %dma_start3A_1497 : memref<1x1x1024xf32, #tpu.memory_space<hbm>> -> memref<1024xf32, #tpu.memory_space<hbm>>
    %dma_start3A_1499 = tpu.memref_slice %arg11[%add3A_1493] : memref<1048576xf32, #tpu.memory_space<vmem_shared>> -> memref<1024xf32, #tpu.memory_space<vmem_shared>>
    tpu.enqueue_dma source(%dma_start3A_1499 : memref<1024xf32, #tpu.memory_space<vmem_shared>>) target(%dma_start3A_1498 : memref<1024xf32, #tpu.memory_space<hbm>>) target_semaphore(%arg12 : memref<!tpu.dma_semaphore, #tpu.memory_space<semaphore_mem>>)
    %add3A_1500 = arith.constant 32768 : i32
    %add3A_1501 = arith.addi %mul3A_16, %add3A_1500 : i32
    %add3A_1502 = arith.constant 32 : i32
    %add3A_1503 = arith.addi %mul3A_1244, %add3A_1502 : i32
    %dma_start3A_1504 = arith.constant 0 : i32
    %dma_start3A_1505 = tpu.memref_slice %arg4[%arg0, %add3A_1503, %dma_start3A_1504] : memref<2x1024x1024xf32, #tpu.memory_space<hbm>> -> memref<1x1x1024xf32, #tpu.memory_space<hbm>>
    %dma_start3A_1506 = tpu.memref_squeeze %dma_start3A_1505 : memref<1x1x1024xf32, #tpu.memory_space<hbm>> -> memref<1024xf32, #tpu.memory_space<hbm>>
    %dma_start3A_1507 = tpu.memref_slice %arg11[%add3A_1501] : memref<1048576xf32, #tpu.memory_space<vmem_shared>> -> memref<1024xf32, #tpu.memory_space<vmem_shared>>
    tpu.enqueue_dma source(%dma_start3A_1507 : memref<1024xf32, #tpu.memory_space<vmem_shared>>) target(%dma_start3A_1506 : memref<1024xf32, #tpu.memory_space<hbm>>) target_semaphore(%arg12 : memref<!tpu.dma_semaphore, #tpu.memory_space<semaphore_mem>>)
    %add3A_1508 = arith.constant 33792 : i32
    %add3A_1509 = arith.addi %mul3A_16, %add3A_1508 : i32
    %add3A_1510 = arith.constant 33 : i32
    %add3A_1511 = arith.addi %mul3A_1244, %add3A_1510 : i32
    %dma_start3A_1512 = arith.constant 0 : i32
    %dma_start3A_1513 = tpu.memref_slice %arg4[%arg0, %add3A_1511, %dma_start3A_1512] : memref<2x1024x1024xf32, #tpu.memory_space<hbm>> -> memref<1x1x1024xf32, #tpu.memory_space<hbm>>
    %dma_start3A_1514 = tpu.memref_squeeze %dma_start3A_1513 : memref<1x1x1024xf32, #tpu.memory_space<hbm>> -> memref<1024xf32, #tpu.memory_space<hbm>>
    %dma_start3A_1515 = tpu.memref_slice %arg11[%add3A_1509] : memref<1048576xf32, #tpu.memory_space<vmem_shared>> -> memref<1024xf32, #tpu.memory_space<vmem_shared>>
    tpu.enqueue_dma source(%dma_start3A_1515 : memref<1024xf32, #tpu.memory_space<vmem_shared>>) target(%dma_start3A_1514 : memref<1024xf32, #tpu.memory_space<hbm>>) target_semaphore(%arg12 : memref<!tpu.dma_semaphore, #tpu.memory_space<semaphore_mem>>)
    %add3A_1516 = arith.constant 34816 : i32
    %add3A_1517 = arith.addi %mul3A_16, %add3A_1516 : i32
    %add3A_1518 = arith.constant 34 : i32
    %add3A_1519 = arith.addi %mul3A_1244, %add3A_1518 : i32
    %dma_start3A_1520 = arith.constant 0 : i32
    %dma_start3A_1521 = tpu.memref_slice %arg4[%arg0, %add3A_1519, %dma_start3A_1520] : memref<2x1024x1024xf32, #tpu.memory_space<hbm>> -> memref<1x1x1024xf32, #tpu.memory_space<hbm>>
    %dma_start3A_1522 = tpu.memref_squeeze %dma_start3A_1521 : memref<1x1x1024xf32, #tpu.memory_space<hbm>> -> memref<1024xf32, #tpu.memory_space<hbm>>
    %dma_start3A_1523 = tpu.memref_slice %arg11[%add3A_1517] : memref<1048576xf32, #tpu.memory_space<vmem_shared>> -> memref<1024xf32, #tpu.memory_space<vmem_shared>>
    tpu.enqueue_dma source(%dma_start3A_1523 : memref<1024xf32, #tpu.memory_space<vmem_shared>>) target(%dma_start3A_1522 : memref<1024xf32, #tpu.memory_space<hbm>>) target_semaphore(%arg12 : memref<!tpu.dma_semaphore, #tpu.memory_space<semaphore_mem>>)
    %add3A_1524 = arith.constant 35840 : i32
    %add3A_1525 = arith.addi %mul3A_16, %add3A_1524 : i32
    %add3A_1526 = arith.constant 35 : i32
    %add3A_1527 = arith.addi %mul3A_1244, %add3A_1526 : i32
    %dma_start3A_1528 = arith.constant 0 : i32
    %dma_start3A_1529 = tpu.memref_slice %arg4[%arg0, %add3A_1527, %dma_start3A_1528] : memref<2x1024x1024xf32, #tpu.memory_space<hbm>> -> memref<1x1x1024xf32, #tpu.memory_space<hbm>>
    %dma_start3A_1530 = tpu.memref_squeeze %dma_start3A_1529 : memref<1x1x1024xf32, #tpu.memory_space<hbm>> -> memref<1024xf32, #tpu.memory_space<hbm>>
    %dma_start3A_1531 = tpu.memref_slice %arg11[%add3A_1525] : memref<1048576xf32, #tpu.memory_space<vmem_shared>> -> memref<1024xf32, #tpu.memory_space<vmem_shared>>
    tpu.enqueue_dma source(%dma_start3A_1531 : memref<1024xf32, #tpu.memory_space<vmem_shared>>) target(%dma_start3A_1530 : memref<1024xf32, #tpu.memory_space<hbm>>) target_semaphore(%arg12 : memref<!tpu.dma_semaphore, #tpu.memory_space<semaphore_mem>>)
    %add3A_1532 = arith.constant 36864 : i32
    %add3A_1533 = arith.addi %mul3A_16, %add3A_1532 : i32
    %add3A_1534 = arith.constant 36 : i32
    %add3A_1535 = arith.addi %mul3A_1244, %add3A_1534 : i32
    %dma_start3A_1536 = arith.constant 0 : i32
    %dma_start3A_1537 = tpu.memref_slice %arg4[%arg0, %add3A_1535, %dma_start3A_1536] : memref<2x1024x1024xf32, #tpu.memory_space<hbm>> -> memref<1x1x1024xf32, #tpu.memory_space<hbm>>
    %dma_start3A_1538 = tpu.memref_squeeze %dma_start3A_1537 : memref<1x1x1024xf32, #tpu.memory_space<hbm>> -> memref<1024xf32, #tpu.memory_space<hbm>>
    %dma_start3A_1539 = tpu.memref_slice %arg11[%add3A_1533] : memref<1048576xf32, #tpu.memory_space<vmem_shared>> -> memref<1024xf32, #tpu.memory_space<vmem_shared>>
    tpu.enqueue_dma source(%dma_start3A_1539 : memref<1024xf32, #tpu.memory_space<vmem_shared>>) target(%dma_start3A_1538 : memref<1024xf32, #tpu.memory_space<hbm>>) target_semaphore(%arg12 : memref<!tpu.dma_semaphore, #tpu.memory_space<semaphore_mem>>)
    %add3A_1540 = arith.constant 37888 : i32
    %add3A_1541 = arith.addi %mul3A_16, %add3A_1540 : i32
    %add3A_1542 = arith.constant 37 : i32
    %add3A_1543 = arith.addi %mul3A_1244, %add3A_1542 : i32
    %dma_start3A_1544 = arith.constant 0 : i32
    %dma_start3A_1545 = tpu.memref_slice %arg4[%arg0, %add3A_1543, %dma_start3A_1544] : memref<2x1024x1024xf32, #tpu.memory_space<hbm>> -> memref<1x1x1024xf32, #tpu.memory_space<hbm>>
    %dma_start3A_1546 = tpu.memref_squeeze %dma_start3A_1545 : memref<1x1x1024xf32, #tpu.memory_space<hbm>> -> memref<1024xf32, #tpu.memory_space<hbm>>
    %dma_start3A_1547 = tpu.memref_slice %arg11[%add3A_1541] : memref<1048576xf32, #tpu.memory_space<vmem_shared>> -> memref<1024xf32, #tpu.memory_space<vmem_shared>>
    tpu.enqueue_dma source(%dma_start3A_1547 : memref<1024xf32, #tpu.memory_space<vmem_shared>>) target(%dma_start3A_1546 : memref<1024xf32, #tpu.memory_space<hbm>>) target_semaphore(%arg12 : memref<!tpu.dma_semaphore, #tpu.memory_space<semaphore_mem>>)
    %add3A_1548 = arith.constant 38912 : i32
    %add3A_1549 = arith.addi %mul3A_16, %add3A_1548 : i32
    %add3A_1550 = arith.constant 38 : i32
    %add3A_1551 = arith.addi %mul3A_1244, %add3A_1550 : i32
    %dma_start3A_1552 = arith.constant 0 : i32
    %dma_start3A_1553 = tpu.memref_slice %arg4[%arg0, %add3A_1551, %dma_start3A_1552] : memref<2x1024x1024xf32, #tpu.memory_space<hbm>> -> memref<1x1x1024xf32, #tpu.memory_space<hbm>>
    %dma_start3A_1554 = tpu.memref_squeeze %dma_start3A_1553 : memref<1x1x1024xf32, #tpu.memory_space<hbm>> -> memref<1024xf32, #tpu.memory_space<hbm>>
    %dma_start3A_1555 = tpu.memref_slice %arg11[%add3A_1549] : memref<1048576xf32, #tpu.memory_space<vmem_shared>> -> memref<1024xf32, #tpu.memory_space<vmem_shared>>
    tpu.enqueue_dma source(%dma_start3A_1555 : memref<1024xf32, #tpu.memory_space<vmem_shared>>) target(%dma_start3A_1554 : memref<1024xf32, #tpu.memory_space<hbm>>) target_semaphore(%arg12 : memref<!tpu.dma_semaphore, #tpu.memory_space<semaphore_mem>>)
    %add3A_1556 = arith.constant 39936 : i32
    %add3A_1557 = arith.addi %mul3A_16, %add3A_1556 : i32
    %add3A_1558 = arith.constant 39 : i32
    %add3A_1559 = arith.addi %mul3A_1244, %add3A_1558 : i32
    %dma_start3A_1560 = arith.constant 0 : i32
    %dma_start3A_1561 = tpu.memref_slice %arg4[%arg0, %add3A_1559, %dma_start3A_1560] : memref<2x1024x1024xf32, #tpu.memory_space<hbm>> -> memref<1x1x1024xf32, #tpu.memory_space<hbm>>
    %dma_start3A_1562 = tpu.memref_squeeze %dma_start3A_1561 : memref<1x1x1024xf32, #tpu.memory_space<hbm>> -> memref<1024xf32, #tpu.memory_space<hbm>>
    %dma_start3A_1563 = tpu.memref_slice %arg11[%add3A_1557] : memref<1048576xf32, #tpu.memory_space<vmem_shared>> -> memref<1024xf32, #tpu.memory_space<vmem_shared>>
    tpu.enqueue_dma source(%dma_start3A_1563 : memref<1024xf32, #tpu.memory_space<vmem_shared>>) target(%dma_start3A_1562 : memref<1024xf32, #tpu.memory_space<hbm>>) target_semaphore(%arg12 : memref<!tpu.dma_semaphore, #tpu.memory_space<semaphore_mem>>)
    %add3A_1564 = arith.constant 40960 : i32
    %add3A_1565 = arith.addi %mul3A_16, %add3A_1564 : i32
    %add3A_1566 = arith.constant 40 : i32
    %add3A_1567 = arith.addi %mul3A_1244, %add3A_1566 : i32
    %dma_start3A_1568 = arith.constant 0 : i32
    %dma_start3A_1569 = tpu.memref_slice %arg4[%arg0, %add3A_1567, %dma_start3A_1568] : memref<2x1024x1024xf32, #tpu.memory_space<hbm>> -> memref<1x1x1024xf32, #tpu.memory_space<hbm>>
    %dma_start3A_1570 = tpu.memref_squeeze %dma_start3A_1569 : memref<1x1x1024xf32, #tpu.memory_space<hbm>> -> memref<1024xf32, #tpu.memory_space<hbm>>
    %dma_start3A_1571 = tpu.memref_slice %arg11[%add3A_1565] : memref<1048576xf32, #tpu.memory_space<vmem_shared>> -> memref<1024xf32, #tpu.memory_space<vmem_shared>>
    tpu.enqueue_dma source(%dma_start3A_1571 : memref<1024xf32, #tpu.memory_space<vmem_shared>>) target(%dma_start3A_1570 : memref<1024xf32, #tpu.memory_space<hbm>>) target_semaphore(%arg12 : memref<!tpu.dma_semaphore, #tpu.memory_space<semaphore_mem>>)
    %add3A_1572 = arith.constant 41984 : i32
    %add3A_1573 = arith.addi %mul3A_16, %add3A_1572 : i32
    %add3A_1574 = arith.constant 41 : i32
    %add3A_1575 = arith.addi %mul3A_1244, %add3A_1574 : i32
    %dma_start3A_1576 = arith.constant 0 : i32
    %dma_start3A_1577 = tpu.memref_slice %arg4[%arg0, %add3A_1575, %dma_start3A_1576] : memref<2x1024x1024xf32, #tpu.memory_space<hbm>> -> memref<1x1x1024xf32, #tpu.memory_space<hbm>>
    %dma_start3A_1578 = tpu.memref_squeeze %dma_start3A_1577 : memref<1x1x1024xf32, #tpu.memory_space<hbm>> -> memref<1024xf32, #tpu.memory_space<hbm>>
    %dma_start3A_1579 = tpu.memref_slice %arg11[%add3A_1573] : memref<1048576xf32, #tpu.memory_space<vmem_shared>> -> memref<1024xf32, #tpu.memory_space<vmem_shared>>
    tpu.enqueue_dma source(%dma_start3A_1579 : memref<1024xf32, #tpu.memory_space<vmem_shared>>) target(%dma_start3A_1578 : memref<1024xf32, #tpu.memory_space<hbm>>) target_semaphore(%arg12 : memref<!tpu.dma_semaphore, #tpu.memory_space<semaphore_mem>>)
    %add3A_1580 = arith.constant 43008 : i32
    %add3A_1581 = arith.addi %mul3A_16, %add3A_1580 : i32
    %add3A_1582 = arith.constant 42 : i32
    %add3A_1583 = arith.addi %mul3A_1244, %add3A_1582 : i32
    %dma_start3A_1584 = arith.constant 0 : i32
    %dma_start3A_1585 = tpu.memref_slice %arg4[%arg0, %add3A_1583, %dma_start3A_1584] : memref<2x1024x1024xf32, #tpu.memory_space<hbm>> -> memref<1x1x1024xf32, #tpu.memory_space<hbm>>
    %dma_start3A_1586 = tpu.memref_squeeze %dma_start3A_1585 : memref<1x1x1024xf32, #tpu.memory_space<hbm>> -> memref<1024xf32, #tpu.memory_space<hbm>>
    %dma_start3A_1587 = tpu.memref_slice %arg11[%add3A_1581] : memref<1048576xf32, #tpu.memory_space<vmem_shared>> -> memref<1024xf32, #tpu.memory_space<vmem_shared>>
    tpu.enqueue_dma source(%dma_start3A_1587 : memref<1024xf32, #tpu.memory_space<vmem_shared>>) target(%dma_start3A_1586 : memref<1024xf32, #tpu.memory_space<hbm>>) target_semaphore(%arg12 : memref<!tpu.dma_semaphore, #tpu.memory_space<semaphore_mem>>)
    %add3A_1588 = arith.constant 44032 : i32
    %add3A_1589 = arith.addi %mul3A_16, %add3A_1588 : i32
    %add3A_1590 = arith.constant 43 : i32
    %add3A_1591 = arith.addi %mul3A_1244, %add3A_1590 : i32
    %dma_start3A_1592 = arith.constant 0 : i32
    %dma_start3A_1593 = tpu.memref_slice %arg4[%arg0, %add3A_1591, %dma_start3A_1592] : memref<2x1024x1024xf32, #tpu.memory_space<hbm>> -> memref<1x1x1024xf32, #tpu.memory_space<hbm>>
    %dma_start3A_1594 = tpu.memref_squeeze %dma_start3A_1593 : memref<1x1x1024xf32, #tpu.memory_space<hbm>> -> memref<1024xf32, #tpu.memory_space<hbm>>
    %dma_start3A_1595 = tpu.memref_slice %arg11[%add3A_1589] : memref<1048576xf32, #tpu.memory_space<vmem_shared>> -> memref<1024xf32, #tpu.memory_space<vmem_shared>>
    tpu.enqueue_dma source(%dma_start3A_1595 : memref<1024xf32, #tpu.memory_space<vmem_shared>>) target(%dma_start3A_1594 : memref<1024xf32, #tpu.memory_space<hbm>>) target_semaphore(%arg12 : memref<!tpu.dma_semaphore, #tpu.memory_space<semaphore_mem>>)
    %add3A_1596 = arith.constant 45056 : i32
    %add3A_1597 = arith.addi %mul3A_16, %add3A_1596 : i32
    %add3A_1598 = arith.constant 44 : i32
    %add3A_1599 = arith.addi %mul3A_1244, %add3A_1598 : i32
    %dma_start3A_1600 = arith.constant 0 : i32
    %dma_start3A_1601 = tpu.memref_slice %arg4[%arg0, %add3A_1599, %dma_start3A_1600] : memref<2x1024x1024xf32, #tpu.memory_space<hbm>> -> memref<1x1x1024xf32, #tpu.memory_space<hbm>>
    %dma_start3A_1602 = tpu.memref_squeeze %dma_start3A_1601 : memref<1x1x1024xf32, #tpu.memory_space<hbm>> -> memref<1024xf32, #tpu.memory_space<hbm>>
    %dma_start3A_1603 = tpu.memref_slice %arg11[%add3A_1597] : memref<1048576xf32, #tpu.memory_space<vmem_shared>> -> memref<1024xf32, #tpu.memory_space<vmem_shared>>
    tpu.enqueue_dma source(%dma_start3A_1603 : memref<1024xf32, #tpu.memory_space<vmem_shared>>) target(%dma_start3A_1602 : memref<1024xf32, #tpu.memory_space<hbm>>) target_semaphore(%arg12 : memref<!tpu.dma_semaphore, #tpu.memory_space<semaphore_mem>>)
    %add3A_1604 = arith.constant 46080 : i32
    %add3A_1605 = arith.addi %mul3A_16, %add3A_1604 : i32
    %add3A_1606 = arith.constant 45 : i32
    %add3A_1607 = arith.addi %mul3A_1244, %add3A_1606 : i32
    %dma_start3A_1608 = arith.constant 0 : i32
    %dma_start3A_1609 = tpu.memref_slice %arg4[%arg0, %add3A_1607, %dma_start3A_1608] : memref<2x1024x1024xf32, #tpu.memory_space<hbm>> -> memref<1x1x1024xf32, #tpu.memory_space<hbm>>
    %dma_start3A_1610 = tpu.memref_squeeze %dma_start3A_1609 : memref<1x1x1024xf32, #tpu.memory_space<hbm>> -> memref<1024xf32, #tpu.memory_space<hbm>>
    %dma_start3A_1611 = tpu.memref_slice %arg11[%add3A_1605] : memref<1048576xf32, #tpu.memory_space<vmem_shared>> -> memref<1024xf32, #tpu.memory_space<vmem_shared>>
    tpu.enqueue_dma source(%dma_start3A_1611 : memref<1024xf32, #tpu.memory_space<vmem_shared>>) target(%dma_start3A_1610 : memref<1024xf32, #tpu.memory_space<hbm>>) target_semaphore(%arg12 : memref<!tpu.dma_semaphore, #tpu.memory_space<semaphore_mem>>)
    %add3A_1612 = arith.constant 47104 : i32
    %add3A_1613 = arith.addi %mul3A_16, %add3A_1612 : i32
    %add3A_1614 = arith.constant 46 : i32
    %add3A_1615 = arith.addi %mul3A_1244, %add3A_1614 : i32
    %dma_start3A_1616 = arith.constant 0 : i32
    %dma_start3A_1617 = tpu.memref_slice %arg4[%arg0, %add3A_1615, %dma_start3A_1616] : memref<2x1024x1024xf32, #tpu.memory_space<hbm>> -> memref<1x1x1024xf32, #tpu.memory_space<hbm>>
    %dma_start3A_1618 = tpu.memref_squeeze %dma_start3A_1617 : memref<1x1x1024xf32, #tpu.memory_space<hbm>> -> memref<1024xf32, #tpu.memory_space<hbm>>
    %dma_start3A_1619 = tpu.memref_slice %arg11[%add3A_1613] : memref<1048576xf32, #tpu.memory_space<vmem_shared>> -> memref<1024xf32, #tpu.memory_space<vmem_shared>>
    tpu.enqueue_dma source(%dma_start3A_1619 : memref<1024xf32, #tpu.memory_space<vmem_shared>>) target(%dma_start3A_1618 : memref<1024xf32, #tpu.memory_space<hbm>>) target_semaphore(%arg12 : memref<!tpu.dma_semaphore, #tpu.memory_space<semaphore_mem>>)
    %add3A_1620 = arith.constant 48128 : i32
    %add3A_1621 = arith.addi %mul3A_16, %add3A_1620 : i32
    %add3A_1622 = arith.constant 47 : i32
    %add3A_1623 = arith.addi %mul3A_1244, %add3A_1622 : i32
    %dma_start3A_1624 = arith.constant 0 : i32
    %dma_start3A_1625 = tpu.memref_slice %arg4[%arg0, %add3A_1623, %dma_start3A_1624] : memref<2x1024x1024xf32, #tpu.memory_space<hbm>> -> memref<1x1x1024xf32, #tpu.memory_space<hbm>>
    %dma_start3A_1626 = tpu.memref_squeeze %dma_start3A_1625 : memref<1x1x1024xf32, #tpu.memory_space<hbm>> -> memref<1024xf32, #tpu.memory_space<hbm>>
    %dma_start3A_1627 = tpu.memref_slice %arg11[%add3A_1621] : memref<1048576xf32, #tpu.memory_space<vmem_shared>> -> memref<1024xf32, #tpu.memory_space<vmem_shared>>
    tpu.enqueue_dma source(%dma_start3A_1627 : memref<1024xf32, #tpu.memory_space<vmem_shared>>) target(%dma_start3A_1626 : memref<1024xf32, #tpu.memory_space<hbm>>) target_semaphore(%arg12 : memref<!tpu.dma_semaphore, #tpu.memory_space<semaphore_mem>>)
    %add3A_1628 = arith.constant 49152 : i32
    %add3A_1629 = arith.addi %mul3A_16, %add3A_1628 : i32
    %add3A_1630 = arith.constant 48 : i32
    %add3A_1631 = arith.addi %mul3A_1244, %add3A_1630 : i32
    %dma_start3A_1632 = arith.constant 0 : i32
    %dma_start3A_1633 = tpu.memref_slice %arg4[%arg0, %add3A_1631, %dma_start3A_1632] : memref<2x1024x1024xf32, #tpu.memory_space<hbm>> -> memref<1x1x1024xf32, #tpu.memory_space<hbm>>
    %dma_start3A_1634 = tpu.memref_squeeze %dma_start3A_1633 : memref<1x1x1024xf32, #tpu.memory_space<hbm>> -> memref<1024xf32, #tpu.memory_space<hbm>>
    %dma_start3A_1635 = tpu.memref_slice %arg11[%add3A_1629] : memref<1048576xf32, #tpu.memory_space<vmem_shared>> -> memref<1024xf32, #tpu.memory_space<vmem_shared>>
    tpu.enqueue_dma source(%dma_start3A_1635 : memref<1024xf32, #tpu.memory_space<vmem_shared>>) target(%dma_start3A_1634 : memref<1024xf32, #tpu.memory_space<hbm>>) target_semaphore(%arg12 : memref<!tpu.dma_semaphore, #tpu.memory_space<semaphore_mem>>)
    %add3A_1636 = arith.constant 50176 : i32
    %add3A_1637 = arith.addi %mul3A_16, %add3A_1636 : i32
    %add3A_1638 = arith.constant 49 : i32
    %add3A_1639 = arith.addi %mul3A_1244, %add3A_1638 : i32
    %dma_start3A_1640 = arith.constant 0 : i32
    %dma_start3A_1641 = tpu.memref_slice %arg4[%arg0, %add3A_1639, %dma_start3A_1640] : memref<2x1024x1024xf32, #tpu.memory_space<hbm>> -> memref<1x1x1024xf32, #tpu.memory_space<hbm>>
    %dma_start3A_1642 = tpu.memref_squeeze %dma_start3A_1641 : memref<1x1x1024xf32, #tpu.memory_space<hbm>> -> memref<1024xf32, #tpu.memory_space<hbm>>
    %dma_start3A_1643 = tpu.memref_slice %arg11[%add3A_1637] : memref<1048576xf32, #tpu.memory_space<vmem_shared>> -> memref<1024xf32, #tpu.memory_space<vmem_shared>>
    tpu.enqueue_dma source(%dma_start3A_1643 : memref<1024xf32, #tpu.memory_space<vmem_shared>>) target(%dma_start3A_1642 : memref<1024xf32, #tpu.memory_space<hbm>>) target_semaphore(%arg12 : memref<!tpu.dma_semaphore, #tpu.memory_space<semaphore_mem>>)
    %add3A_1644 = arith.constant 51200 : i32
    %add3A_1645 = arith.addi %mul3A_16, %add3A_1644 : i32
    %add3A_1646 = arith.constant 50 : i32
    %add3A_1647 = arith.addi %mul3A_1244, %add3A_1646 : i32
    %dma_start3A_1648 = arith.constant 0 : i32
    %dma_start3A_1649 = tpu.memref_slice %arg4[%arg0, %add3A_1647, %dma_start3A_1648] : memref<2x1024x1024xf32, #tpu.memory_space<hbm>> -> memref<1x1x1024xf32, #tpu.memory_space<hbm>>
    %dma_start3A_1650 = tpu.memref_squeeze %dma_start3A_1649 : memref<1x1x1024xf32, #tpu.memory_space<hbm>> -> memref<1024xf32, #tpu.memory_space<hbm>>
    %dma_start3A_1651 = tpu.memref_slice %arg11[%add3A_1645] : memref<1048576xf32, #tpu.memory_space<vmem_shared>> -> memref<1024xf32, #tpu.memory_space<vmem_shared>>
    tpu.enqueue_dma source(%dma_start3A_1651 : memref<1024xf32, #tpu.memory_space<vmem_shared>>) target(%dma_start3A_1650 : memref<1024xf32, #tpu.memory_space<hbm>>) target_semaphore(%arg12 : memref<!tpu.dma_semaphore, #tpu.memory_space<semaphore_mem>>)
    %add3A_1652 = arith.constant 52224 : i32
    %add3A_1653 = arith.addi %mul3A_16, %add3A_1652 : i32
    %add3A_1654 = arith.constant 51 : i32
    %add3A_1655 = arith.addi %mul3A_1244, %add3A_1654 : i32
    %dma_start3A_1656 = arith.constant 0 : i32
    %dma_start3A_1657 = tpu.memref_slice %arg4[%arg0, %add3A_1655, %dma_start3A_1656] : memref<2x1024x1024xf32, #tpu.memory_space<hbm>> -> memref<1x1x1024xf32, #tpu.memory_space<hbm>>
    %dma_start3A_1658 = tpu.memref_squeeze %dma_start3A_1657 : memref<1x1x1024xf32, #tpu.memory_space<hbm>> -> memref<1024xf32, #tpu.memory_space<hbm>>
    %dma_start3A_1659 = tpu.memref_slice %arg11[%add3A_1653] : memref<1048576xf32, #tpu.memory_space<vmem_shared>> -> memref<1024xf32, #tpu.memory_space<vmem_shared>>
    tpu.enqueue_dma source(%dma_start3A_1659 : memref<1024xf32, #tpu.memory_space<vmem_shared>>) target(%dma_start3A_1658 : memref<1024xf32, #tpu.memory_space<hbm>>) target_semaphore(%arg12 : memref<!tpu.dma_semaphore, #tpu.memory_space<semaphore_mem>>)
    %add3A_1660 = arith.constant 53248 : i32
    %add3A_1661 = arith.addi %mul3A_16, %add3A_1660 : i32
    %add3A_1662 = arith.constant 52 : i32
    %add3A_1663 = arith.addi %mul3A_1244, %add3A_1662 : i32
    %dma_start3A_1664 = arith.constant 0 : i32
    %dma_start3A_1665 = tpu.memref_slice %arg4[%arg0, %add3A_1663, %dma_start3A_1664] : memref<2x1024x1024xf32, #tpu.memory_space<hbm>> -> memref<1x1x1024xf32, #tpu.memory_space<hbm>>
    %dma_start3A_1666 = tpu.memref_squeeze %dma_start3A_1665 : memref<1x1x1024xf32, #tpu.memory_space<hbm>> -> memref<1024xf32, #tpu.memory_space<hbm>>
    %dma_start3A_1667 = tpu.memref_slice %arg11[%add3A_1661] : memref<1048576xf32, #tpu.memory_space<vmem_shared>> -> memref<1024xf32, #tpu.memory_space<vmem_shared>>
    tpu.enqueue_dma source(%dma_start3A_1667 : memref<1024xf32, #tpu.memory_space<vmem_shared>>) target(%dma_start3A_1666 : memref<1024xf32, #tpu.memory_space<hbm>>) target_semaphore(%arg12 : memref<!tpu.dma_semaphore, #tpu.memory_space<semaphore_mem>>)
    %add3A_1668 = arith.constant 54272 : i32
    %add3A_1669 = arith.addi %mul3A_16, %add3A_1668 : i32
    %add3A_1670 = arith.constant 53 : i32
    %add3A_1671 = arith.addi %mul3A_1244, %add3A_1670 : i32
    %dma_start3A_1672 = arith.constant 0 : i32
    %dma_start3A_1673 = tpu.memref_slice %arg4[%arg0, %add3A_1671, %dma_start3A_1672] : memref<2x1024x1024xf32, #tpu.memory_space<hbm>> -> memref<1x1x1024xf32, #tpu.memory_space<hbm>>
    %dma_start3A_1674 = tpu.memref_squeeze %dma_start3A_1673 : memref<1x1x1024xf32, #tpu.memory_space<hbm>> -> memref<1024xf32, #tpu.memory_space<hbm>>
    %dma_start3A_1675 = tpu.memref_slice %arg11[%add3A_1669] : memref<1048576xf32, #tpu.memory_space<vmem_shared>> -> memref<1024xf32, #tpu.memory_space<vmem_shared>>
    tpu.enqueue_dma source(%dma_start3A_1675 : memref<1024xf32, #tpu.memory_space<vmem_shared>>) target(%dma_start3A_1674 : memref<1024xf32, #tpu.memory_space<hbm>>) target_semaphore(%arg12 : memref<!tpu.dma_semaphore, #tpu.memory_space<semaphore_mem>>)
    %add3A_1676 = arith.constant 55296 : i32
    %add3A_1677 = arith.addi %mul3A_16, %add3A_1676 : i32
    %add3A_1678 = arith.constant 54 : i32
    %add3A_1679 = arith.addi %mul3A_1244, %add3A_1678 : i32
    %dma_start3A_1680 = arith.constant 0 : i32
    %dma_start3A_1681 = tpu.memref_slice %arg4[%arg0, %add3A_1679, %dma_start3A_1680] : memref<2x1024x1024xf32, #tpu.memory_space<hbm>> -> memref<1x1x1024xf32, #tpu.memory_space<hbm>>
    %dma_start3A_1682 = tpu.memref_squeeze %dma_start3A_1681 : memref<1x1x1024xf32, #tpu.memory_space<hbm>> -> memref<1024xf32, #tpu.memory_space<hbm>>
    %dma_start3A_1683 = tpu.memref_slice %arg11[%add3A_1677] : memref<1048576xf32, #tpu.memory_space<vmem_shared>> -> memref<1024xf32, #tpu.memory_space<vmem_shared>>
    tpu.enqueue_dma source(%dma_start3A_1683 : memref<1024xf32, #tpu.memory_space<vmem_shared>>) target(%dma_start3A_1682 : memref<1024xf32, #tpu.memory_space<hbm>>) target_semaphore(%arg12 : memref<!tpu.dma_semaphore, #tpu.memory_space<semaphore_mem>>)
    %add3A_1684 = arith.constant 56320 : i32
    %add3A_1685 = arith.addi %mul3A_16, %add3A_1684 : i32
    %add3A_1686 = arith.constant 55 : i32
    %add3A_1687 = arith.addi %mul3A_1244, %add3A_1686 : i32
    %dma_start3A_1688 = arith.constant 0 : i32
    %dma_start3A_1689 = tpu.memref_slice %arg4[%arg0, %add3A_1687, %dma_start3A_1688] : memref<2x1024x1024xf32, #tpu.memory_space<hbm>> -> memref<1x1x1024xf32, #tpu.memory_space<hbm>>
    %dma_start3A_1690 = tpu.memref_squeeze %dma_start3A_1689 : memref<1x1x1024xf32, #tpu.memory_space<hbm>> -> memref<1024xf32, #tpu.memory_space<hbm>>
    %dma_start3A_1691 = tpu.memref_slice %arg11[%add3A_1685] : memref<1048576xf32, #tpu.memory_space<vmem_shared>> -> memref<1024xf32, #tpu.memory_space<vmem_shared>>
    tpu.enqueue_dma source(%dma_start3A_1691 : memref<1024xf32, #tpu.memory_space<vmem_shared>>) target(%dma_start3A_1690 : memref<1024xf32, #tpu.memory_space<hbm>>) target_semaphore(%arg12 : memref<!tpu.dma_semaphore, #tpu.memory_space<semaphore_mem>>)
    %add3A_1692 = arith.constant 57344 : i32
    %add3A_1693 = arith.addi %mul3A_16, %add3A_1692 : i32
    %add3A_1694 = arith.constant 56 : i32
    %add3A_1695 = arith.addi %mul3A_1244, %add3A_1694 : i32
    %dma_start3A_1696 = arith.constant 0 : i32
    %dma_start3A_1697 = tpu.memref_slice %arg4[%arg0, %add3A_1695, %dma_start3A_1696] : memref<2x1024x1024xf32, #tpu.memory_space<hbm>> -> memref<1x1x1024xf32, #tpu.memory_space<hbm>>
    %dma_start3A_1698 = tpu.memref_squeeze %dma_start3A_1697 : memref<1x1x1024xf32, #tpu.memory_space<hbm>> -> memref<1024xf32, #tpu.memory_space<hbm>>
    %dma_start3A_1699 = tpu.memref_slice %arg11[%add3A_1693] : memref<1048576xf32, #tpu.memory_space<vmem_shared>> -> memref<1024xf32, #tpu.memory_space<vmem_shared>>
    tpu.enqueue_dma source(%dma_start3A_1699 : memref<1024xf32, #tpu.memory_space<vmem_shared>>) target(%dma_start3A_1698 : memref<1024xf32, #tpu.memory_space<hbm>>) target_semaphore(%arg12 : memref<!tpu.dma_semaphore, #tpu.memory_space<semaphore_mem>>)
    %add3A_1700 = arith.constant 58368 : i32
    %add3A_1701 = arith.addi %mul3A_16, %add3A_1700 : i32
    %add3A_1702 = arith.constant 57 : i32
    %add3A_1703 = arith.addi %mul3A_1244, %add3A_1702 : i32
    %dma_start3A_1704 = arith.constant 0 : i32
    %dma_start3A_1705 = tpu.memref_slice %arg4[%arg0, %add3A_1703, %dma_start3A_1704] : memref<2x1024x1024xf32, #tpu.memory_space<hbm>> -> memref<1x1x1024xf32, #tpu.memory_space<hbm>>
    %dma_start3A_1706 = tpu.memref_squeeze %dma_start3A_1705 : memref<1x1x1024xf32, #tpu.memory_space<hbm>> -> memref<1024xf32, #tpu.memory_space<hbm>>
    %dma_start3A_1707 = tpu.memref_slice %arg11[%add3A_1701] : memref<1048576xf32, #tpu.memory_space<vmem_shared>> -> memref<1024xf32, #tpu.memory_space<vmem_shared>>
    tpu.enqueue_dma source(%dma_start3A_1707 : memref<1024xf32, #tpu.memory_space<vmem_shared>>) target(%dma_start3A_1706 : memref<1024xf32, #tpu.memory_space<hbm>>) target_semaphore(%arg12 : memref<!tpu.dma_semaphore, #tpu.memory_space<semaphore_mem>>)
    %add3A_1708 = arith.constant 59392 : i32
    %add3A_1709 = arith.addi %mul3A_16, %add3A_1708 : i32
    %add3A_1710 = arith.constant 58 : i32
    %add3A_1711 = arith.addi %mul3A_1244, %add3A_1710 : i32
    %dma_start3A_1712 = arith.constant 0 : i32
    %dma_start3A_1713 = tpu.memref_slice %arg4[%arg0, %add3A_1711, %dma_start3A_1712] : memref<2x1024x1024xf32, #tpu.memory_space<hbm>> -> memref<1x1x1024xf32, #tpu.memory_space<hbm>>
    %dma_start3A_1714 = tpu.memref_squeeze %dma_start3A_1713 : memref<1x1x1024xf32, #tpu.memory_space<hbm>> -> memref<1024xf32, #tpu.memory_space<hbm>>
    %dma_start3A_1715 = tpu.memref_slice %arg11[%add3A_1709] : memref<1048576xf32, #tpu.memory_space<vmem_shared>> -> memref<1024xf32, #tpu.memory_space<vmem_shared>>
    tpu.enqueue_dma source(%dma_start3A_1715 : memref<1024xf32, #tpu.memory_space<vmem_shared>>) target(%dma_start3A_1714 : memref<1024xf32, #tpu.memory_space<hbm>>) target_semaphore(%arg12 : memref<!tpu.dma_semaphore, #tpu.memory_space<semaphore_mem>>)
    %add3A_1716 = arith.constant 60416 : i32
    %add3A_1717 = arith.addi %mul3A_16, %add3A_1716 : i32
    %add3A_1718 = arith.constant 59 : i32
    %add3A_1719 = arith.addi %mul3A_1244, %add3A_1718 : i32
    %dma_start3A_1720 = arith.constant 0 : i32
    %dma_start3A_1721 = tpu.memref_slice %arg4[%arg0, %add3A_1719, %dma_start3A_1720] : memref<2x1024x1024xf32, #tpu.memory_space<hbm>> -> memref<1x1x1024xf32, #tpu.memory_space<hbm>>
    %dma_start3A_1722 = tpu.memref_squeeze %dma_start3A_1721 : memref<1x1x1024xf32, #tpu.memory_space<hbm>> -> memref<1024xf32, #tpu.memory_space<hbm>>
    %dma_start3A_1723 = tpu.memref_slice %arg11[%add3A_1717] : memref<1048576xf32, #tpu.memory_space<vmem_shared>> -> memref<1024xf32, #tpu.memory_space<vmem_shared>>
    tpu.enqueue_dma source(%dma_start3A_1723 : memref<1024xf32, #tpu.memory_space<vmem_shared>>) target(%dma_start3A_1722 : memref<1024xf32, #tpu.memory_space<hbm>>) target_semaphore(%arg12 : memref<!tpu.dma_semaphore, #tpu.memory_space<semaphore_mem>>)
    %add3A_1724 = arith.constant 61440 : i32
    %add3A_1725 = arith.addi %mul3A_16, %add3A_1724 : i32
    %add3A_1726 = arith.constant 60 : i32
    %add3A_1727 = arith.addi %mul3A_1244, %add3A_1726 : i32
    %dma_start3A_1728 = arith.constant 0 : i32
    %dma_start3A_1729 = tpu.memref_slice %arg4[%arg0, %add3A_1727, %dma_start3A_1728] : memref<2x1024x1024xf32, #tpu.memory_space<hbm>> -> memref<1x1x1024xf32, #tpu.memory_space<hbm>>
    %dma_start3A_1730 = tpu.memref_squeeze %dma_start3A_1729 : memref<1x1x1024xf32, #tpu.memory_space<hbm>> -> memref<1024xf32, #tpu.memory_space<hbm>>
    %dma_start3A_1731 = tpu.memref_slice %arg11[%add3A_1725] : memref<1048576xf32, #tpu.memory_space<vmem_shared>> -> memref<1024xf32, #tpu.memory_space<vmem_shared>>
    tpu.enqueue_dma source(%dma_start3A_1731 : memref<1024xf32, #tpu.memory_space<vmem_shared>>) target(%dma_start3A_1730 : memref<1024xf32, #tpu.memory_space<hbm>>) target_semaphore(%arg12 : memref<!tpu.dma_semaphore, #tpu.memory_space<semaphore_mem>>)
    %add3A_1732 = arith.constant 62464 : i32
    %add3A_1733 = arith.addi %mul3A_16, %add3A_1732 : i32
    %add3A_1734 = arith.constant 61 : i32
    %add3A_1735 = arith.addi %mul3A_1244, %add3A_1734 : i32
    %dma_start3A_1736 = arith.constant 0 : i32
    %dma_start3A_1737 = tpu.memref_slice %arg4[%arg0, %add3A_1735, %dma_start3A_1736] : memref<2x1024x1024xf32, #tpu.memory_space<hbm>> -> memref<1x1x1024xf32, #tpu.memory_space<hbm>>
    %dma_start3A_1738 = tpu.memref_squeeze %dma_start3A_1737 : memref<1x1x1024xf32, #tpu.memory_space<hbm>> -> memref<1024xf32, #tpu.memory_space<hbm>>
    %dma_start3A_1739 = tpu.memref_slice %arg11[%add3A_1733] : memref<1048576xf32, #tpu.memory_space<vmem_shared>> -> memref<1024xf32, #tpu.memory_space<vmem_shared>>
    tpu.enqueue_dma source(%dma_start3A_1739 : memref<1024xf32, #tpu.memory_space<vmem_shared>>) target(%dma_start3A_1738 : memref<1024xf32, #tpu.memory_space<hbm>>) target_semaphore(%arg12 : memref<!tpu.dma_semaphore, #tpu.memory_space<semaphore_mem>>)
    %add3A_1740 = arith.constant 63488 : i32
    %add3A_1741 = arith.addi %mul3A_16, %add3A_1740 : i32
    %add3A_1742 = arith.constant 62 : i32
    %add3A_1743 = arith.addi %mul3A_1244, %add3A_1742 : i32
    %dma_start3A_1744 = arith.constant 0 : i32
    %dma_start3A_1745 = tpu.memref_slice %arg4[%arg0, %add3A_1743, %dma_start3A_1744] : memref<2x1024x1024xf32, #tpu.memory_space<hbm>> -> memref<1x1x1024xf32, #tpu.memory_space<hbm>>
    %dma_start3A_1746 = tpu.memref_squeeze %dma_start3A_1745 : memref<1x1x1024xf32, #tpu.memory_space<hbm>> -> memref<1024xf32, #tpu.memory_space<hbm>>
    %dma_start3A_1747 = tpu.memref_slice %arg11[%add3A_1741] : memref<1048576xf32, #tpu.memory_space<vmem_shared>> -> memref<1024xf32, #tpu.memory_space<vmem_shared>>
    tpu.enqueue_dma source(%dma_start3A_1747 : memref<1024xf32, #tpu.memory_space<vmem_shared>>) target(%dma_start3A_1746 : memref<1024xf32, #tpu.memory_space<hbm>>) target_semaphore(%arg12 : memref<!tpu.dma_semaphore, #tpu.memory_space<semaphore_mem>>)
    %add3A_1748 = arith.constant 64512 : i32
    %add3A_1749 = arith.addi %mul3A_16, %add3A_1748 : i32
    %add3A_1750 = arith.constant 63 : i32
    %add3A_1751 = arith.addi %mul3A_1244, %add3A_1750 : i32
    %dma_start3A_1752 = arith.constant 0 : i32
    %dma_start3A_1753 = tpu.memref_slice %arg4[%arg0, %add3A_1751, %dma_start3A_1752] : memref<2x1024x1024xf32, #tpu.memory_space<hbm>> -> memref<1x1x1024xf32, #tpu.memory_space<hbm>>
    %dma_start3A_1754 = tpu.memref_squeeze %dma_start3A_1753 : memref<1x1x1024xf32, #tpu.memory_space<hbm>> -> memref<1024xf32, #tpu.memory_space<hbm>>
    %dma_start3A_1755 = tpu.memref_slice %arg11[%add3A_1749] : memref<1048576xf32, #tpu.memory_space<vmem_shared>> -> memref<1024xf32, #tpu.memory_space<vmem_shared>>
    tpu.enqueue_dma source(%dma_start3A_1755 : memref<1024xf32, #tpu.memory_space<vmem_shared>>) target(%dma_start3A_1754 : memref<1024xf32, #tpu.memory_space<hbm>>) target_semaphore(%arg12 : memref<!tpu.dma_semaphore, #tpu.memory_space<semaphore_mem>>)
    %dma_wait3A = arith.constant 0 : i32
    %dma_wait3A_1756 = tpu.memref_slice %arg4[%arg0, %add3A_1248, %dma_wait3A] : memref<2x1024x1024xf32, #tpu.memory_space<hbm>> -> memref<1x1x1024xf32, #tpu.memory_space<hbm>>
    %dma_wait3A_1757 = tpu.memref_squeeze %dma_wait3A_1756 : memref<1x1x1024xf32, #tpu.memory_space<hbm>> -> memref<1024xf32, #tpu.memory_space<hbm>>
    %dma_wait3A_1758 = tpu.memref_slice %arg11[%add3A_1246] : memref<1048576xf32, #tpu.memory_space<vmem_shared>> -> memref<1024xf32, #tpu.memory_space<vmem_shared>>
    tpu.wait_dma2 semaphore(%arg12 : memref<!tpu.dma_semaphore, #tpu.memory_space<semaphore_mem>>) src(%dma_wait3A_1758 : memref<1024xf32, #tpu.memory_space<vmem_shared>>) dst(%dma_wait3A_1757 : memref<1024xf32, #tpu.memory_space<hbm>>)
    %dma_wait3A_1759 = arith.constant 0 : i32
    %dma_wait3A_1760 = tpu.memref_slice %arg4[%arg0, %add3A_1255, %dma_wait3A_1759] : memref<2x1024x1024xf32, #tpu.memory_space<hbm>> -> memref<1x1x1024xf32, #tpu.memory_space<hbm>>
    %dma_wait3A_1761 = tpu.memref_squeeze %dma_wait3A_1760 : memref<1x1x1024xf32, #tpu.memory_space<hbm>> -> memref<1024xf32, #tpu.memory_space<hbm>>
    %dma_wait3A_1762 = tpu.memref_slice %arg11[%add3A_1253] : memref<1048576xf32, #tpu.memory_space<vmem_shared>> -> memref<1024xf32, #tpu.memory_space<vmem_shared>>
    tpu.wait_dma2 semaphore(%arg12 : memref<!tpu.dma_semaphore, #tpu.memory_space<semaphore_mem>>) src(%dma_wait3A_1762 : memref<1024xf32, #tpu.memory_space<vmem_shared>>) dst(%dma_wait3A_1761 : memref<1024xf32, #tpu.memory_space<hbm>>)
    %dma_wait3A_1763 = arith.constant 0 : i32
    %dma_wait3A_1764 = tpu.memref_slice %arg4[%arg0, %add3A_1263, %dma_wait3A_1763] : memref<2x1024x1024xf32, #tpu.memory_space<hbm>> -> memref<1x1x1024xf32, #tpu.memory_space<hbm>>
    %dma_wait3A_1765 = tpu.memref_squeeze %dma_wait3A_1764 : memref<1x1x1024xf32, #tpu.memory_space<hbm>> -> memref<1024xf32, #tpu.memory_space<hbm>>
    %dma_wait3A_1766 = tpu.memref_slice %arg11[%add3A_1261] : memref<1048576xf32, #tpu.memory_space<vmem_shared>> -> memref<1024xf32, #tpu.memory_space<vmem_shared>>
    tpu.wait_dma2 semaphore(%arg12 : memref<!tpu.dma_semaphore, #tpu.memory_space<semaphore_mem>>) src(%dma_wait3A_1766 : memref<1024xf32, #tpu.memory_space<vmem_shared>>) dst(%dma_wait3A_1765 : memref<1024xf32, #tpu.memory_space<hbm>>)
    %dma_wait3A_1767 = arith.constant 0 : i32
    %dma_wait3A_1768 = tpu.memref_slice %arg4[%arg0, %add3A_1271, %dma_wait3A_1767] : memref<2x1024x1024xf32, #tpu.memory_space<hbm>> -> memref<1x1x1024xf32, #tpu.memory_space<hbm>>
    %dma_wait3A_1769 = tpu.memref_squeeze %dma_wait3A_1768 : memref<1x1x1024xf32, #tpu.memory_space<hbm>> -> memref<1024xf32, #tpu.memory_space<hbm>>
    %dma_wait3A_1770 = tpu.memref_slice %arg11[%add3A_1269] : memref<1048576xf32, #tpu.memory_space<vmem_shared>> -> memref<1024xf32, #tpu.memory_space<vmem_shared>>
    tpu.wait_dma2 semaphore(%arg12 : memref<!tpu.dma_semaphore, #tpu.memory_space<semaphore_mem>>) src(%dma_wait3A_1770 : memref<1024xf32, #tpu.memory_space<vmem_shared>>) dst(%dma_wait3A_1769 : memref<1024xf32, #tpu.memory_space<hbm>>)
    %dma_wait3A_1771 = arith.constant 0 : i32
    %dma_wait3A_1772 = tpu.memref_slice %arg4[%arg0, %add3A_1279, %dma_wait3A_1771] : memref<2x1024x1024xf32, #tpu.memory_space<hbm>> -> memref<1x1x1024xf32, #tpu.memory_space<hbm>>
    %dma_wait3A_1773 = tpu.memref_squeeze %dma_wait3A_1772 : memref<1x1x1024xf32, #tpu.memory_space<hbm>> -> memref<1024xf32, #tpu.memory_space<hbm>>
    %dma_wait3A_1774 = tpu.memref_slice %arg11[%add3A_1277] : memref<1048576xf32, #tpu.memory_space<vmem_shared>> -> memref<1024xf32, #tpu.memory_space<vmem_shared>>
    tpu.wait_dma2 semaphore(%arg12 : memref<!tpu.dma_semaphore, #tpu.memory_space<semaphore_mem>>) src(%dma_wait3A_1774 : memref<1024xf32, #tpu.memory_space<vmem_shared>>) dst(%dma_wait3A_1773 : memref<1024xf32, #tpu.memory_space<hbm>>)
    %dma_wait3A_1775 = arith.constant 0 : i32
    %dma_wait3A_1776 = tpu.memref_slice %arg4[%arg0, %add3A_1287, %dma_wait3A_1775] : memref<2x1024x1024xf32, #tpu.memory_space<hbm>> -> memref<1x1x1024xf32, #tpu.memory_space<hbm>>
    %dma_wait3A_1777 = tpu.memref_squeeze %dma_wait3A_1776 : memref<1x1x1024xf32, #tpu.memory_space<hbm>> -> memref<1024xf32, #tpu.memory_space<hbm>>
    %dma_wait3A_1778 = tpu.memref_slice %arg11[%add3A_1285] : memref<1048576xf32, #tpu.memory_space<vmem_shared>> -> memref<1024xf32, #tpu.memory_space<vmem_shared>>
    tpu.wait_dma2 semaphore(%arg12 : memref<!tpu.dma_semaphore, #tpu.memory_space<semaphore_mem>>) src(%dma_wait3A_1778 : memref<1024xf32, #tpu.memory_space<vmem_shared>>) dst(%dma_wait3A_1777 : memref<1024xf32, #tpu.memory_space<hbm>>)
    %dma_wait3A_1779 = arith.constant 0 : i32
    %dma_wait3A_1780 = tpu.memref_slice %arg4[%arg0, %add3A_1295, %dma_wait3A_1779] : memref<2x1024x1024xf32, #tpu.memory_space<hbm>> -> memref<1x1x1024xf32, #tpu.memory_space<hbm>>
    %dma_wait3A_1781 = tpu.memref_squeeze %dma_wait3A_1780 : memref<1x1x1024xf32, #tpu.memory_space<hbm>> -> memref<1024xf32, #tpu.memory_space<hbm>>
    %dma_wait3A_1782 = tpu.memref_slice %arg11[%add3A_1293] : memref<1048576xf32, #tpu.memory_space<vmem_shared>> -> memref<1024xf32, #tpu.memory_space<vmem_shared>>
    tpu.wait_dma2 semaphore(%arg12 : memref<!tpu.dma_semaphore, #tpu.memory_space<semaphore_mem>>) src(%dma_wait3A_1782 : memref<1024xf32, #tpu.memory_space<vmem_shared>>) dst(%dma_wait3A_1781 : memref<1024xf32, #tpu.memory_space<hbm>>)
    %dma_wait3A_1783 = arith.constant 0 : i32
    %dma_wait3A_1784 = tpu.memref_slice %arg4[%arg0, %add3A_1303, %dma_wait3A_1783] : memref<2x1024x1024xf32, #tpu.memory_space<hbm>> -> memref<1x1x1024xf32, #tpu.memory_space<hbm>>
    %dma_wait3A_1785 = tpu.memref_squeeze %dma_wait3A_1784 : memref<1x1x1024xf32, #tpu.memory_space<hbm>> -> memref<1024xf32, #tpu.memory_space<hbm>>
    %dma_wait3A_1786 = tpu.memref_slice %arg11[%add3A_1301] : memref<1048576xf32, #tpu.memory_space<vmem_shared>> -> memref<1024xf32, #tpu.memory_space<vmem_shared>>
    tpu.wait_dma2 semaphore(%arg12 : memref<!tpu.dma_semaphore, #tpu.memory_space<semaphore_mem>>) src(%dma_wait3A_1786 : memref<1024xf32, #tpu.memory_space<vmem_shared>>) dst(%dma_wait3A_1785 : memref<1024xf32, #tpu.memory_space<hbm>>)
    %dma_wait3A_1787 = arith.constant 0 : i32
    %dma_wait3A_1788 = tpu.memref_slice %arg4[%arg0, %add3A_1311, %dma_wait3A_1787] : memref<2x1024x1024xf32, #tpu.memory_space<hbm>> -> memref<1x1x1024xf32, #tpu.memory_space<hbm>>
    %dma_wait3A_1789 = tpu.memref_squeeze %dma_wait3A_1788 : memref<1x1x1024xf32, #tpu.memory_space<hbm>> -> memref<1024xf32, #tpu.memory_space<hbm>>
    %dma_wait3A_1790 = tpu.memref_slice %arg11[%add3A_1309] : memref<1048576xf32, #tpu.memory_space<vmem_shared>> -> memref<1024xf32, #tpu.memory_space<vmem_shared>>
    tpu.wait_dma2 semaphore(%arg12 : memref<!tpu.dma_semaphore, #tpu.memory_space<semaphore_mem>>) src(%dma_wait3A_1790 : memref<1024xf32, #tpu.memory_space<vmem_shared>>) dst(%dma_wait3A_1789 : memref<1024xf32, #tpu.memory_space<hbm>>)
    %dma_wait3A_1791 = arith.constant 0 : i32
    %dma_wait3A_1792 = tpu.memref_slice %arg4[%arg0, %add3A_1319, %dma_wait3A_1791] : memref<2x1024x1024xf32, #tpu.memory_space<hbm>> -> memref<1x1x1024xf32, #tpu.memory_space<hbm>>
    %dma_wait3A_1793 = tpu.memref_squeeze %dma_wait3A_1792 : memref<1x1x1024xf32, #tpu.memory_space<hbm>> -> memref<1024xf32, #tpu.memory_space<hbm>>
    %dma_wait3A_1794 = tpu.memref_slice %arg11[%add3A_1317] : memref<1048576xf32, #tpu.memory_space<vmem_shared>> -> memref<1024xf32, #tpu.memory_space<vmem_shared>>
    tpu.wait_dma2 semaphore(%arg12 : memref<!tpu.dma_semaphore, #tpu.memory_space<semaphore_mem>>) src(%dma_wait3A_1794 : memref<1024xf32, #tpu.memory_space<vmem_shared>>) dst(%dma_wait3A_1793 : memref<1024xf32, #tpu.memory_space<hbm>>)
    %dma_wait3A_1795 = arith.constant 0 : i32
    %dma_wait3A_1796 = tpu.memref_slice %arg4[%arg0, %add3A_1327, %dma_wait3A_1795] : memref<2x1024x1024xf32, #tpu.memory_space<hbm>> -> memref<1x1x1024xf32, #tpu.memory_space<hbm>>
    %dma_wait3A_1797 = tpu.memref_squeeze %dma_wait3A_1796 : memref<1x1x1024xf32, #tpu.memory_space<hbm>> -> memref<1024xf32, #tpu.memory_space<hbm>>
    %dma_wait3A_1798 = tpu.memref_slice %arg11[%add3A_1325] : memref<1048576xf32, #tpu.memory_space<vmem_shared>> -> memref<1024xf32, #tpu.memory_space<vmem_shared>>
    tpu.wait_dma2 semaphore(%arg12 : memref<!tpu.dma_semaphore, #tpu.memory_space<semaphore_mem>>) src(%dma_wait3A_1798 : memref<1024xf32, #tpu.memory_space<vmem_shared>>) dst(%dma_wait3A_1797 : memref<1024xf32, #tpu.memory_space<hbm>>)
    %dma_wait3A_1799 = arith.constant 0 : i32
    %dma_wait3A_1800 = tpu.memref_slice %arg4[%arg0, %add3A_1335, %dma_wait3A_1799] : memref<2x1024x1024xf32, #tpu.memory_space<hbm>> -> memref<1x1x1024xf32, #tpu.memory_space<hbm>>
    %dma_wait3A_1801 = tpu.memref_squeeze %dma_wait3A_1800 : memref<1x1x1024xf32, #tpu.memory_space<hbm>> -> memref<1024xf32, #tpu.memory_space<hbm>>
    %dma_wait3A_1802 = tpu.memref_slice %arg11[%add3A_1333] : memref<1048576xf32, #tpu.memory_space<vmem_shared>> -> memref<1024xf32, #tpu.memory_space<vmem_shared>>
    tpu.wait_dma2 semaphore(%arg12 : memref<!tpu.dma_semaphore, #tpu.memory_space<semaphore_mem>>) src(%dma_wait3A_1802 : memref<1024xf32, #tpu.memory_space<vmem_shared>>) dst(%dma_wait3A_1801 : memref<1024xf32, #tpu.memory_space<hbm>>)
    %dma_wait3A_1803 = arith.constant 0 : i32
    %dma_wait3A_1804 = tpu.memref_slice %arg4[%arg0, %add3A_1343, %dma_wait3A_1803] : memref<2x1024x1024xf32, #tpu.memory_space<hbm>> -> memref<1x1x1024xf32, #tpu.memory_space<hbm>>
    %dma_wait3A_1805 = tpu.memref_squeeze %dma_wait3A_1804 : memref<1x1x1024xf32, #tpu.memory_space<hbm>> -> memref<1024xf32, #tpu.memory_space<hbm>>
    %dma_wait3A_1806 = tpu.memref_slice %arg11[%add3A_1341] : memref<1048576xf32, #tpu.memory_space<vmem_shared>> -> memref<1024xf32, #tpu.memory_space<vmem_shared>>
    tpu.wait_dma2 semaphore(%arg12 : memref<!tpu.dma_semaphore, #tpu.memory_space<semaphore_mem>>) src(%dma_wait3A_1806 : memref<1024xf32, #tpu.memory_space<vmem_shared>>) dst(%dma_wait3A_1805 : memref<1024xf32, #tpu.memory_space<hbm>>)
    %dma_wait3A_1807 = arith.constant 0 : i32
    %dma_wait3A_1808 = tpu.memref_slice %arg4[%arg0, %add3A_1351, %dma_wait3A_1807] : memref<2x1024x1024xf32, #tpu.memory_space<hbm>> -> memref<1x1x1024xf32, #tpu.memory_space<hbm>>
    %dma_wait3A_1809 = tpu.memref_squeeze %dma_wait3A_1808 : memref<1x1x1024xf32, #tpu.memory_space<hbm>> -> memref<1024xf32, #tpu.memory_space<hbm>>
    %dma_wait3A_1810 = tpu.memref_slice %arg11[%add3A_1349] : memref<1048576xf32, #tpu.memory_space<vmem_shared>> -> memref<1024xf32, #tpu.memory_space<vmem_shared>>
    tpu.wait_dma2 semaphore(%arg12 : memref<!tpu.dma_semaphore, #tpu.memory_space<semaphore_mem>>) src(%dma_wait3A_1810 : memref<1024xf32, #tpu.memory_space<vmem_shared>>) dst(%dma_wait3A_1809 : memref<1024xf32, #tpu.memory_space<hbm>>)
    %dma_wait3A_1811 = arith.constant 0 : i32
    %dma_wait3A_1812 = tpu.memref_slice %arg4[%arg0, %add3A_1359, %dma_wait3A_1811] : memref<2x1024x1024xf32, #tpu.memory_space<hbm>> -> memref<1x1x1024xf32, #tpu.memory_space<hbm>>
    %dma_wait3A_1813 = tpu.memref_squeeze %dma_wait3A_1812 : memref<1x1x1024xf32, #tpu.memory_space<hbm>> -> memref<1024xf32, #tpu.memory_space<hbm>>
    %dma_wait3A_1814 = tpu.memref_slice %arg11[%add3A_1357] : memref<1048576xf32, #tpu.memory_space<vmem_shared>> -> memref<1024xf32, #tpu.memory_space<vmem_shared>>
    tpu.wait_dma2 semaphore(%arg12 : memref<!tpu.dma_semaphore, #tpu.memory_space<semaphore_mem>>) src(%dma_wait3A_1814 : memref<1024xf32, #tpu.memory_space<vmem_shared>>) dst(%dma_wait3A_1813 : memref<1024xf32, #tpu.memory_space<hbm>>)
    %dma_wait3A_1815 = arith.constant 0 : i32
    %dma_wait3A_1816 = tpu.memref_slice %arg4[%arg0, %add3A_1367, %dma_wait3A_1815] : memref<2x1024x1024xf32, #tpu.memory_space<hbm>> -> memref<1x1x1024xf32, #tpu.memory_space<hbm>>
    %dma_wait3A_1817 = tpu.memref_squeeze %dma_wait3A_1816 : memref<1x1x1024xf32, #tpu.memory_space<hbm>> -> memref<1024xf32, #tpu.memory_space<hbm>>
    %dma_wait3A_1818 = tpu.memref_slice %arg11[%add3A_1365] : memref<1048576xf32, #tpu.memory_space<vmem_shared>> -> memref<1024xf32, #tpu.memory_space<vmem_shared>>
    tpu.wait_dma2 semaphore(%arg12 : memref<!tpu.dma_semaphore, #tpu.memory_space<semaphore_mem>>) src(%dma_wait3A_1818 : memref<1024xf32, #tpu.memory_space<vmem_shared>>) dst(%dma_wait3A_1817 : memref<1024xf32, #tpu.memory_space<hbm>>)
    %dma_wait3A_1819 = arith.constant 0 : i32
    %dma_wait3A_1820 = tpu.memref_slice %arg4[%arg0, %add3A_1375, %dma_wait3A_1819] : memref<2x1024x1024xf32, #tpu.memory_space<hbm>> -> memref<1x1x1024xf32, #tpu.memory_space<hbm>>
    %dma_wait3A_1821 = tpu.memref_squeeze %dma_wait3A_1820 : memref<1x1x1024xf32, #tpu.memory_space<hbm>> -> memref<1024xf32, #tpu.memory_space<hbm>>
    %dma_wait3A_1822 = tpu.memref_slice %arg11[%add3A_1373] : memref<1048576xf32, #tpu.memory_space<vmem_shared>> -> memref<1024xf32, #tpu.memory_space<vmem_shared>>
    tpu.wait_dma2 semaphore(%arg12 : memref<!tpu.dma_semaphore, #tpu.memory_space<semaphore_mem>>) src(%dma_wait3A_1822 : memref<1024xf32, #tpu.memory_space<vmem_shared>>) dst(%dma_wait3A_1821 : memref<1024xf32, #tpu.memory_space<hbm>>)
    %dma_wait3A_1823 = arith.constant 0 : i32
    %dma_wait3A_1824 = tpu.memref_slice %arg4[%arg0, %add3A_1383, %dma_wait3A_1823] : memref<2x1024x1024xf32, #tpu.memory_space<hbm>> -> memref<1x1x1024xf32, #tpu.memory_space<hbm>>
    %dma_wait3A_1825 = tpu.memref_squeeze %dma_wait3A_1824 : memref<1x1x1024xf32, #tpu.memory_space<hbm>> -> memref<1024xf32, #tpu.memory_space<hbm>>
    %dma_wait3A_1826 = tpu.memref_slice %arg11[%add3A_1381] : memref<1048576xf32, #tpu.memory_space<vmem_shared>> -> memref<1024xf32, #tpu.memory_space<vmem_shared>>
    tpu.wait_dma2 semaphore(%arg12 : memref<!tpu.dma_semaphore, #tpu.memory_space<semaphore_mem>>) src(%dma_wait3A_1826 : memref<1024xf32, #tpu.memory_space<vmem_shared>>) dst(%dma_wait3A_1825 : memref<1024xf32, #tpu.memory_space<hbm>>)
    %dma_wait3A_1827 = arith.constant 0 : i32
    %dma_wait3A_1828 = tpu.memref_slice %arg4[%arg0, %add3A_1391, %dma_wait3A_1827] : memref<2x1024x1024xf32, #tpu.memory_space<hbm>> -> memref<1x1x1024xf32, #tpu.memory_space<hbm>>
    %dma_wait3A_1829 = tpu.memref_squeeze %dma_wait3A_1828 : memref<1x1x1024xf32, #tpu.memory_space<hbm>> -> memref<1024xf32, #tpu.memory_space<hbm>>
    %dma_wait3A_1830 = tpu.memref_slice %arg11[%add3A_1389] : memref<1048576xf32, #tpu.memory_space<vmem_shared>> -> memref<1024xf32, #tpu.memory_space<vmem_shared>>
    tpu.wait_dma2 semaphore(%arg12 : memref<!tpu.dma_semaphore, #tpu.memory_space<semaphore_mem>>) src(%dma_wait3A_1830 : memref<1024xf32, #tpu.memory_space<vmem_shared>>) dst(%dma_wait3A_1829 : memref<1024xf32, #tpu.memory_space<hbm>>)
    %dma_wait3A_1831 = arith.constant 0 : i32
    %dma_wait3A_1832 = tpu.memref_slice %arg4[%arg0, %add3A_1399, %dma_wait3A_1831] : memref<2x1024x1024xf32, #tpu.memory_space<hbm>> -> memref<1x1x1024xf32, #tpu.memory_space<hbm>>
    %dma_wait3A_1833 = tpu.memref_squeeze %dma_wait3A_1832 : memref<1x1x1024xf32, #tpu.memory_space<hbm>> -> memref<1024xf32, #tpu.memory_space<hbm>>
    %dma_wait3A_1834 = tpu.memref_slice %arg11[%add3A_1397] : memref<1048576xf32, #tpu.memory_space<vmem_shared>> -> memref<1024xf32, #tpu.memory_space<vmem_shared>>
    tpu.wait_dma2 semaphore(%arg12 : memref<!tpu.dma_semaphore, #tpu.memory_space<semaphore_mem>>) src(%dma_wait3A_1834 : memref<1024xf32, #tpu.memory_space<vmem_shared>>) dst(%dma_wait3A_1833 : memref<1024xf32, #tpu.memory_space<hbm>>)
    %dma_wait3A_1835 = arith.constant 0 : i32
    %dma_wait3A_1836 = tpu.memref_slice %arg4[%arg0, %add3A_1407, %dma_wait3A_1835] : memref<2x1024x1024xf32, #tpu.memory_space<hbm>> -> memref<1x1x1024xf32, #tpu.memory_space<hbm>>
    %dma_wait3A_1837 = tpu.memref_squeeze %dma_wait3A_1836 : memref<1x1x1024xf32, #tpu.memory_space<hbm>> -> memref<1024xf32, #tpu.memory_space<hbm>>
    %dma_wait3A_1838 = tpu.memref_slice %arg11[%add3A_1405] : memref<1048576xf32, #tpu.memory_space<vmem_shared>> -> memref<1024xf32, #tpu.memory_space<vmem_shared>>
    tpu.wait_dma2 semaphore(%arg12 : memref<!tpu.dma_semaphore, #tpu.memory_space<semaphore_mem>>) src(%dma_wait3A_1838 : memref<1024xf32, #tpu.memory_space<vmem_shared>>) dst(%dma_wait3A_1837 : memref<1024xf32, #tpu.memory_space<hbm>>)
    %dma_wait3A_1839 = arith.constant 0 : i32
    %dma_wait3A_1840 = tpu.memref_slice %arg4[%arg0, %add3A_1415, %dma_wait3A_1839] : memref<2x1024x1024xf32, #tpu.memory_space<hbm>> -> memref<1x1x1024xf32, #tpu.memory_space<hbm>>
    %dma_wait3A_1841 = tpu.memref_squeeze %dma_wait3A_1840 : memref<1x1x1024xf32, #tpu.memory_space<hbm>> -> memref<1024xf32, #tpu.memory_space<hbm>>
    %dma_wait3A_1842 = tpu.memref_slice %arg11[%add3A_1413] : memref<1048576xf32, #tpu.memory_space<vmem_shared>> -> memref<1024xf32, #tpu.memory_space<vmem_shared>>
    tpu.wait_dma2 semaphore(%arg12 : memref<!tpu.dma_semaphore, #tpu.memory_space<semaphore_mem>>) src(%dma_wait3A_1842 : memref<1024xf32, #tpu.memory_space<vmem_shared>>) dst(%dma_wait3A_1841 : memref<1024xf32, #tpu.memory_space<hbm>>)
    %dma_wait3A_1843 = arith.constant 0 : i32
    %dma_wait3A_1844 = tpu.memref_slice %arg4[%arg0, %add3A_1423, %dma_wait3A_1843] : memref<2x1024x1024xf32, #tpu.memory_space<hbm>> -> memref<1x1x1024xf32, #tpu.memory_space<hbm>>
    %dma_wait3A_1845 = tpu.memref_squeeze %dma_wait3A_1844 : memref<1x1x1024xf32, #tpu.memory_space<hbm>> -> memref<1024xf32, #tpu.memory_space<hbm>>
    %dma_wait3A_1846 = tpu.memref_slice %arg11[%add3A_1421] : memref<1048576xf32, #tpu.memory_space<vmem_shared>> -> memref<1024xf32, #tpu.memory_space<vmem_shared>>
    tpu.wait_dma2 semaphore(%arg12 : memref<!tpu.dma_semaphore, #tpu.memory_space<semaphore_mem>>) src(%dma_wait3A_1846 : memref<1024xf32, #tpu.memory_space<vmem_shared>>) dst(%dma_wait3A_1845 : memref<1024xf32, #tpu.memory_space<hbm>>)
    %dma_wait3A_1847 = arith.constant 0 : i32
    %dma_wait3A_1848 = tpu.memref_slice %arg4[%arg0, %add3A_1431, %dma_wait3A_1847] : memref<2x1024x1024xf32, #tpu.memory_space<hbm>> -> memref<1x1x1024xf32, #tpu.memory_space<hbm>>
    %dma_wait3A_1849 = tpu.memref_squeeze %dma_wait3A_1848 : memref<1x1x1024xf32, #tpu.memory_space<hbm>> -> memref<1024xf32, #tpu.memory_space<hbm>>
    %dma_wait3A_1850 = tpu.memref_slice %arg11[%add3A_1429] : memref<1048576xf32, #tpu.memory_space<vmem_shared>> -> memref<1024xf32, #tpu.memory_space<vmem_shared>>
    tpu.wait_dma2 semaphore(%arg12 : memref<!tpu.dma_semaphore, #tpu.memory_space<semaphore_mem>>) src(%dma_wait3A_1850 : memref<1024xf32, #tpu.memory_space<vmem_shared>>) dst(%dma_wait3A_1849 : memref<1024xf32, #tpu.memory_space<hbm>>)
    %dma_wait3A_1851 = arith.constant 0 : i32
    %dma_wait3A_1852 = tpu.memref_slice %arg4[%arg0, %add3A_1439, %dma_wait3A_1851] : memref<2x1024x1024xf32, #tpu.memory_space<hbm>> -> memref<1x1x1024xf32, #tpu.memory_space<hbm>>
    %dma_wait3A_1853 = tpu.memref_squeeze %dma_wait3A_1852 : memref<1x1x1024xf32, #tpu.memory_space<hbm>> -> memref<1024xf32, #tpu.memory_space<hbm>>
    %dma_wait3A_1854 = tpu.memref_slice %arg11[%add3A_1437] : memref<1048576xf32, #tpu.memory_space<vmem_shared>> -> memref<1024xf32, #tpu.memory_space<vmem_shared>>
    tpu.wait_dma2 semaphore(%arg12 : memref<!tpu.dma_semaphore, #tpu.memory_space<semaphore_mem>>) src(%dma_wait3A_1854 : memref<1024xf32, #tpu.memory_space<vmem_shared>>) dst(%dma_wait3A_1853 : memref<1024xf32, #tpu.memory_space<hbm>>)
    %dma_wait3A_1855 = arith.constant 0 : i32
    %dma_wait3A_1856 = tpu.memref_slice %arg4[%arg0, %add3A_1447, %dma_wait3A_1855] : memref<2x1024x1024xf32, #tpu.memory_space<hbm>> -> memref<1x1x1024xf32, #tpu.memory_space<hbm>>
    %dma_wait3A_1857 = tpu.memref_squeeze %dma_wait3A_1856 : memref<1x1x1024xf32, #tpu.memory_space<hbm>> -> memref<1024xf32, #tpu.memory_space<hbm>>
    %dma_wait3A_1858 = tpu.memref_slice %arg11[%add3A_1445] : memref<1048576xf32, #tpu.memory_space<vmem_shared>> -> memref<1024xf32, #tpu.memory_space<vmem_shared>>
    tpu.wait_dma2 semaphore(%arg12 : memref<!tpu.dma_semaphore, #tpu.memory_space<semaphore_mem>>) src(%dma_wait3A_1858 : memref<1024xf32, #tpu.memory_space<vmem_shared>>) dst(%dma_wait3A_1857 : memref<1024xf32, #tpu.memory_space<hbm>>)
    %dma_wait3A_1859 = arith.constant 0 : i32
    %dma_wait3A_1860 = tpu.memref_slice %arg4[%arg0, %add3A_1455, %dma_wait3A_1859] : memref<2x1024x1024xf32, #tpu.memory_space<hbm>> -> memref<1x1x1024xf32, #tpu.memory_space<hbm>>
    %dma_wait3A_1861 = tpu.memref_squeeze %dma_wait3A_1860 : memref<1x1x1024xf32, #tpu.memory_space<hbm>> -> memref<1024xf32, #tpu.memory_space<hbm>>
    %dma_wait3A_1862 = tpu.memref_slice %arg11[%add3A_1453] : memref<1048576xf32, #tpu.memory_space<vmem_shared>> -> memref<1024xf32, #tpu.memory_space<vmem_shared>>
    tpu.wait_dma2 semaphore(%arg12 : memref<!tpu.dma_semaphore, #tpu.memory_space<semaphore_mem>>) src(%dma_wait3A_1862 : memref<1024xf32, #tpu.memory_space<vmem_shared>>) dst(%dma_wait3A_1861 : memref<1024xf32, #tpu.memory_space<hbm>>)
    %dma_wait3A_1863 = arith.constant 0 : i32
    %dma_wait3A_1864 = tpu.memref_slice %arg4[%arg0, %add3A_1463, %dma_wait3A_1863] : memref<2x1024x1024xf32, #tpu.memory_space<hbm>> -> memref<1x1x1024xf32, #tpu.memory_space<hbm>>
    %dma_wait3A_1865 = tpu.memref_squeeze %dma_wait3A_1864 : memref<1x1x1024xf32, #tpu.memory_space<hbm>> -> memref<1024xf32, #tpu.memory_space<hbm>>
    %dma_wait3A_1866 = tpu.memref_slice %arg11[%add3A_1461] : memref<1048576xf32, #tpu.memory_space<vmem_shared>> -> memref<1024xf32, #tpu.memory_space<vmem_shared>>
    tpu.wait_dma2 semaphore(%arg12 : memref<!tpu.dma_semaphore, #tpu.memory_space<semaphore_mem>>) src(%dma_wait3A_1866 : memref<1024xf32, #tpu.memory_space<vmem_shared>>) dst(%dma_wait3A_1865 : memref<1024xf32, #tpu.memory_space<hbm>>)
    %dma_wait3A_1867 = arith.constant 0 : i32
    %dma_wait3A_1868 = tpu.memref_slice %arg4[%arg0, %add3A_1471, %dma_wait3A_1867] : memref<2x1024x1024xf32, #tpu.memory_space<hbm>> -> memref<1x1x1024xf32, #tpu.memory_space<hbm>>
    %dma_wait3A_1869 = tpu.memref_squeeze %dma_wait3A_1868 : memref<1x1x1024xf32, #tpu.memory_space<hbm>> -> memref<1024xf32, #tpu.memory_space<hbm>>
    %dma_wait3A_1870 = tpu.memref_slice %arg11[%add3A_1469] : memref<1048576xf32, #tpu.memory_space<vmem_shared>> -> memref<1024xf32, #tpu.memory_space<vmem_shared>>
    tpu.wait_dma2 semaphore(%arg12 : memref<!tpu.dma_semaphore, #tpu.memory_space<semaphore_mem>>) src(%dma_wait3A_1870 : memref<1024xf32, #tpu.memory_space<vmem_shared>>) dst(%dma_wait3A_1869 : memref<1024xf32, #tpu.memory_space<hbm>>)
    %dma_wait3A_1871 = arith.constant 0 : i32
    %dma_wait3A_1872 = tpu.memref_slice %arg4[%arg0, %add3A_1479, %dma_wait3A_1871] : memref<2x1024x1024xf32, #tpu.memory_space<hbm>> -> memref<1x1x1024xf32, #tpu.memory_space<hbm>>
    %dma_wait3A_1873 = tpu.memref_squeeze %dma_wait3A_1872 : memref<1x1x1024xf32, #tpu.memory_space<hbm>> -> memref<1024xf32, #tpu.memory_space<hbm>>
    %dma_wait3A_1874 = tpu.memref_slice %arg11[%add3A_1477] : memref<1048576xf32, #tpu.memory_space<vmem_shared>> -> memref<1024xf32, #tpu.memory_space<vmem_shared>>
    tpu.wait_dma2 semaphore(%arg12 : memref<!tpu.dma_semaphore, #tpu.memory_space<semaphore_mem>>) src(%dma_wait3A_1874 : memref<1024xf32, #tpu.memory_space<vmem_shared>>) dst(%dma_wait3A_1873 : memref<1024xf32, #tpu.memory_space<hbm>>)
    %dma_wait3A_1875 = arith.constant 0 : i32
    %dma_wait3A_1876 = tpu.memref_slice %arg4[%arg0, %add3A_1487, %dma_wait3A_1875] : memref<2x1024x1024xf32, #tpu.memory_space<hbm>> -> memref<1x1x1024xf32, #tpu.memory_space<hbm>>
    %dma_wait3A_1877 = tpu.memref_squeeze %dma_wait3A_1876 : memref<1x1x1024xf32, #tpu.memory_space<hbm>> -> memref<1024xf32, #tpu.memory_space<hbm>>
    %dma_wait3A_1878 = tpu.memref_slice %arg11[%add3A_1485] : memref<1048576xf32, #tpu.memory_space<vmem_shared>> -> memref<1024xf32, #tpu.memory_space<vmem_shared>>
    tpu.wait_dma2 semaphore(%arg12 : memref<!tpu.dma_semaphore, #tpu.memory_space<semaphore_mem>>) src(%dma_wait3A_1878 : memref<1024xf32, #tpu.memory_space<vmem_shared>>) dst(%dma_wait3A_1877 : memref<1024xf32, #tpu.memory_space<hbm>>)
    %dma_wait3A_1879 = arith.constant 0 : i32
    %dma_wait3A_1880 = tpu.memref_slice %arg4[%arg0, %add3A_1495, %dma_wait3A_1879] : memref<2x1024x1024xf32, #tpu.memory_space<hbm>> -> memref<1x1x1024xf32, #tpu.memory_space<hbm>>
    %dma_wait3A_1881 = tpu.memref_squeeze %dma_wait3A_1880 : memref<1x1x1024xf32, #tpu.memory_space<hbm>> -> memref<1024xf32, #tpu.memory_space<hbm>>
    %dma_wait3A_1882 = tpu.memref_slice %arg11[%add3A_1493] : memref<1048576xf32, #tpu.memory_space<vmem_shared>> -> memref<1024xf32, #tpu.memory_space<vmem_shared>>
    tpu.wait_dma2 semaphore(%arg12 : memref<!tpu.dma_semaphore, #tpu.memory_space<semaphore_mem>>) src(%dma_wait3A_1882 : memref<1024xf32, #tpu.memory_space<vmem_shared>>) dst(%dma_wait3A_1881 : memref<1024xf32, #tpu.memory_space<hbm>>)
    %dma_wait3A_1883 = arith.constant 0 : i32
    %dma_wait3A_1884 = tpu.memref_slice %arg4[%arg0, %add3A_1503, %dma_wait3A_1883] : memref<2x1024x1024xf32, #tpu.memory_space<hbm>> -> memref<1x1x1024xf32, #tpu.memory_space<hbm>>
    %dma_wait3A_1885 = tpu.memref_squeeze %dma_wait3A_1884 : memref<1x1x1024xf32, #tpu.memory_space<hbm>> -> memref<1024xf32, #tpu.memory_space<hbm>>
    %dma_wait3A_1886 = tpu.memref_slice %arg11[%add3A_1501] : memref<1048576xf32, #tpu.memory_space<vmem_shared>> -> memref<1024xf32, #tpu.memory_space<vmem_shared>>
    tpu.wait_dma2 semaphore(%arg12 : memref<!tpu.dma_semaphore, #tpu.memory_space<semaphore_mem>>) src(%dma_wait3A_1886 : memref<1024xf32, #tpu.memory_space<vmem_shared>>) dst(%dma_wait3A_1885 : memref<1024xf32, #tpu.memory_space<hbm>>)
    %dma_wait3A_1887 = arith.constant 0 : i32
    %dma_wait3A_1888 = tpu.memref_slice %arg4[%arg0, %add3A_1511, %dma_wait3A_1887] : memref<2x1024x1024xf32, #tpu.memory_space<hbm>> -> memref<1x1x1024xf32, #tpu.memory_space<hbm>>
    %dma_wait3A_1889 = tpu.memref_squeeze %dma_wait3A_1888 : memref<1x1x1024xf32, #tpu.memory_space<hbm>> -> memref<1024xf32, #tpu.memory_space<hbm>>
    %dma_wait3A_1890 = tpu.memref_slice %arg11[%add3A_1509] : memref<1048576xf32, #tpu.memory_space<vmem_shared>> -> memref<1024xf32, #tpu.memory_space<vmem_shared>>
    tpu.wait_dma2 semaphore(%arg12 : memref<!tpu.dma_semaphore, #tpu.memory_space<semaphore_mem>>) src(%dma_wait3A_1890 : memref<1024xf32, #tpu.memory_space<vmem_shared>>) dst(%dma_wait3A_1889 : memref<1024xf32, #tpu.memory_space<hbm>>)
    %dma_wait3A_1891 = arith.constant 0 : i32
    %dma_wait3A_1892 = tpu.memref_slice %arg4[%arg0, %add3A_1519, %dma_wait3A_1891] : memref<2x1024x1024xf32, #tpu.memory_space<hbm>> -> memref<1x1x1024xf32, #tpu.memory_space<hbm>>
    %dma_wait3A_1893 = tpu.memref_squeeze %dma_wait3A_1892 : memref<1x1x1024xf32, #tpu.memory_space<hbm>> -> memref<1024xf32, #tpu.memory_space<hbm>>
    %dma_wait3A_1894 = tpu.memref_slice %arg11[%add3A_1517] : memref<1048576xf32, #tpu.memory_space<vmem_shared>> -> memref<1024xf32, #tpu.memory_space<vmem_shared>>
    tpu.wait_dma2 semaphore(%arg12 : memref<!tpu.dma_semaphore, #tpu.memory_space<semaphore_mem>>) src(%dma_wait3A_1894 : memref<1024xf32, #tpu.memory_space<vmem_shared>>) dst(%dma_wait3A_1893 : memref<1024xf32, #tpu.memory_space<hbm>>)
    %dma_wait3A_1895 = arith.constant 0 : i32
    %dma_wait3A_1896 = tpu.memref_slice %arg4[%arg0, %add3A_1527, %dma_wait3A_1895] : memref<2x1024x1024xf32, #tpu.memory_space<hbm>> -> memref<1x1x1024xf32, #tpu.memory_space<hbm>>
    %dma_wait3A_1897 = tpu.memref_squeeze %dma_wait3A_1896 : memref<1x1x1024xf32, #tpu.memory_space<hbm>> -> memref<1024xf32, #tpu.memory_space<hbm>>
    %dma_wait3A_1898 = tpu.memref_slice %arg11[%add3A_1525] : memref<1048576xf32, #tpu.memory_space<vmem_shared>> -> memref<1024xf32, #tpu.memory_space<vmem_shared>>
    tpu.wait_dma2 semaphore(%arg12 : memref<!tpu.dma_semaphore, #tpu.memory_space<semaphore_mem>>) src(%dma_wait3A_1898 : memref<1024xf32, #tpu.memory_space<vmem_shared>>) dst(%dma_wait3A_1897 : memref<1024xf32, #tpu.memory_space<hbm>>)
    %dma_wait3A_1899 = arith.constant 0 : i32
    %dma_wait3A_1900 = tpu.memref_slice %arg4[%arg0, %add3A_1535, %dma_wait3A_1899] : memref<2x1024x1024xf32, #tpu.memory_space<hbm>> -> memref<1x1x1024xf32, #tpu.memory_space<hbm>>
    %dma_wait3A_1901 = tpu.memref_squeeze %dma_wait3A_1900 : memref<1x1x1024xf32, #tpu.memory_space<hbm>> -> memref<1024xf32, #tpu.memory_space<hbm>>
    %dma_wait3A_1902 = tpu.memref_slice %arg11[%add3A_1533] : memref<1048576xf32, #tpu.memory_space<vmem_shared>> -> memref<1024xf32, #tpu.memory_space<vmem_shared>>
    tpu.wait_dma2 semaphore(%arg12 : memref<!tpu.dma_semaphore, #tpu.memory_space<semaphore_mem>>) src(%dma_wait3A_1902 : memref<1024xf32, #tpu.memory_space<vmem_shared>>) dst(%dma_wait3A_1901 : memref<1024xf32, #tpu.memory_space<hbm>>)
    %dma_wait3A_1903 = arith.constant 0 : i32
    %dma_wait3A_1904 = tpu.memref_slice %arg4[%arg0, %add3A_1543, %dma_wait3A_1903] : memref<2x1024x1024xf32, #tpu.memory_space<hbm>> -> memref<1x1x1024xf32, #tpu.memory_space<hbm>>
    %dma_wait3A_1905 = tpu.memref_squeeze %dma_wait3A_1904 : memref<1x1x1024xf32, #tpu.memory_space<hbm>> -> memref<1024xf32, #tpu.memory_space<hbm>>
    %dma_wait3A_1906 = tpu.memref_slice %arg11[%add3A_1541] : memref<1048576xf32, #tpu.memory_space<vmem_shared>> -> memref<1024xf32, #tpu.memory_space<vmem_shared>>
    tpu.wait_dma2 semaphore(%arg12 : memref<!tpu.dma_semaphore, #tpu.memory_space<semaphore_mem>>) src(%dma_wait3A_1906 : memref<1024xf32, #tpu.memory_space<vmem_shared>>) dst(%dma_wait3A_1905 : memref<1024xf32, #tpu.memory_space<hbm>>)
    %dma_wait3A_1907 = arith.constant 0 : i32
    %dma_wait3A_1908 = tpu.memref_slice %arg4[%arg0, %add3A_1551, %dma_wait3A_1907] : memref<2x1024x1024xf32, #tpu.memory_space<hbm>> -> memref<1x1x1024xf32, #tpu.memory_space<hbm>>
    %dma_wait3A_1909 = tpu.memref_squeeze %dma_wait3A_1908 : memref<1x1x1024xf32, #tpu.memory_space<hbm>> -> memref<1024xf32, #tpu.memory_space<hbm>>
    %dma_wait3A_1910 = tpu.memref_slice %arg11[%add3A_1549] : memref<1048576xf32, #tpu.memory_space<vmem_shared>> -> memref<1024xf32, #tpu.memory_space<vmem_shared>>
    tpu.wait_dma2 semaphore(%arg12 : memref<!tpu.dma_semaphore, #tpu.memory_space<semaphore_mem>>) src(%dma_wait3A_1910 : memref<1024xf32, #tpu.memory_space<vmem_shared>>) dst(%dma_wait3A_1909 : memref<1024xf32, #tpu.memory_space<hbm>>)
    %dma_wait3A_1911 = arith.constant 0 : i32
    %dma_wait3A_1912 = tpu.memref_slice %arg4[%arg0, %add3A_1559, %dma_wait3A_1911] : memref<2x1024x1024xf32, #tpu.memory_space<hbm>> -> memref<1x1x1024xf32, #tpu.memory_space<hbm>>
    %dma_wait3A_1913 = tpu.memref_squeeze %dma_wait3A_1912 : memref<1x1x1024xf32, #tpu.memory_space<hbm>> -> memref<1024xf32, #tpu.memory_space<hbm>>
    %dma_wait3A_1914 = tpu.memref_slice %arg11[%add3A_1557] : memref<1048576xf32, #tpu.memory_space<vmem_shared>> -> memref<1024xf32, #tpu.memory_space<vmem_shared>>
    tpu.wait_dma2 semaphore(%arg12 : memref<!tpu.dma_semaphore, #tpu.memory_space<semaphore_mem>>) src(%dma_wait3A_1914 : memref<1024xf32, #tpu.memory_space<vmem_shared>>) dst(%dma_wait3A_1913 : memref<1024xf32, #tpu.memory_space<hbm>>)
    %dma_wait3A_1915 = arith.constant 0 : i32
    %dma_wait3A_1916 = tpu.memref_slice %arg4[%arg0, %add3A_1567, %dma_wait3A_1915] : memref<2x1024x1024xf32, #tpu.memory_space<hbm>> -> memref<1x1x1024xf32, #tpu.memory_space<hbm>>
    %dma_wait3A_1917 = tpu.memref_squeeze %dma_wait3A_1916 : memref<1x1x1024xf32, #tpu.memory_space<hbm>> -> memref<1024xf32, #tpu.memory_space<hbm>>
    %dma_wait3A_1918 = tpu.memref_slice %arg11[%add3A_1565] : memref<1048576xf32, #tpu.memory_space<vmem_shared>> -> memref<1024xf32, #tpu.memory_space<vmem_shared>>
    tpu.wait_dma2 semaphore(%arg12 : memref<!tpu.dma_semaphore, #tpu.memory_space<semaphore_mem>>) src(%dma_wait3A_1918 : memref<1024xf32, #tpu.memory_space<vmem_shared>>) dst(%dma_wait3A_1917 : memref<1024xf32, #tpu.memory_space<hbm>>)
    %dma_wait3A_1919 = arith.constant 0 : i32
    %dma_wait3A_1920 = tpu.memref_slice %arg4[%arg0, %add3A_1575, %dma_wait3A_1919] : memref<2x1024x1024xf32, #tpu.memory_space<hbm>> -> memref<1x1x1024xf32, #tpu.memory_space<hbm>>
    %dma_wait3A_1921 = tpu.memref_squeeze %dma_wait3A_1920 : memref<1x1x1024xf32, #tpu.memory_space<hbm>> -> memref<1024xf32, #tpu.memory_space<hbm>>
    %dma_wait3A_1922 = tpu.memref_slice %arg11[%add3A_1573] : memref<1048576xf32, #tpu.memory_space<vmem_shared>> -> memref<1024xf32, #tpu.memory_space<vmem_shared>>
    tpu.wait_dma2 semaphore(%arg12 : memref<!tpu.dma_semaphore, #tpu.memory_space<semaphore_mem>>) src(%dma_wait3A_1922 : memref<1024xf32, #tpu.memory_space<vmem_shared>>) dst(%dma_wait3A_1921 : memref<1024xf32, #tpu.memory_space<hbm>>)
    %dma_wait3A_1923 = arith.constant 0 : i32
    %dma_wait3A_1924 = tpu.memref_slice %arg4[%arg0, %add3A_1583, %dma_wait3A_1923] : memref<2x1024x1024xf32, #tpu.memory_space<hbm>> -> memref<1x1x1024xf32, #tpu.memory_space<hbm>>
    %dma_wait3A_1925 = tpu.memref_squeeze %dma_wait3A_1924 : memref<1x1x1024xf32, #tpu.memory_space<hbm>> -> memref<1024xf32, #tpu.memory_space<hbm>>
    %dma_wait3A_1926 = tpu.memref_slice %arg11[%add3A_1581] : memref<1048576xf32, #tpu.memory_space<vmem_shared>> -> memref<1024xf32, #tpu.memory_space<vmem_shared>>
    tpu.wait_dma2 semaphore(%arg12 : memref<!tpu.dma_semaphore, #tpu.memory_space<semaphore_mem>>) src(%dma_wait3A_1926 : memref<1024xf32, #tpu.memory_space<vmem_shared>>) dst(%dma_wait3A_1925 : memref<1024xf32, #tpu.memory_space<hbm>>)
    %dma_wait3A_1927 = arith.constant 0 : i32
    %dma_wait3A_1928 = tpu.memref_slice %arg4[%arg0, %add3A_1591, %dma_wait3A_1927] : memref<2x1024x1024xf32, #tpu.memory_space<hbm>> -> memref<1x1x1024xf32, #tpu.memory_space<hbm>>
    %dma_wait3A_1929 = tpu.memref_squeeze %dma_wait3A_1928 : memref<1x1x1024xf32, #tpu.memory_space<hbm>> -> memref<1024xf32, #tpu.memory_space<hbm>>
    %dma_wait3A_1930 = tpu.memref_slice %arg11[%add3A_1589] : memref<1048576xf32, #tpu.memory_space<vmem_shared>> -> memref<1024xf32, #tpu.memory_space<vmem_shared>>
    tpu.wait_dma2 semaphore(%arg12 : memref<!tpu.dma_semaphore, #tpu.memory_space<semaphore_mem>>) src(%dma_wait3A_1930 : memref<1024xf32, #tpu.memory_space<vmem_shared>>) dst(%dma_wait3A_1929 : memref<1024xf32, #tpu.memory_space<hbm>>)
    %dma_wait3A_1931 = arith.constant 0 : i32
    %dma_wait3A_1932 = tpu.memref_slice %arg4[%arg0, %add3A_1599, %dma_wait3A_1931] : memref<2x1024x1024xf32, #tpu.memory_space<hbm>> -> memref<1x1x1024xf32, #tpu.memory_space<hbm>>
    %dma_wait3A_1933 = tpu.memref_squeeze %dma_wait3A_1932 : memref<1x1x1024xf32, #tpu.memory_space<hbm>> -> memref<1024xf32, #tpu.memory_space<hbm>>
    %dma_wait3A_1934 = tpu.memref_slice %arg11[%add3A_1597] : memref<1048576xf32, #tpu.memory_space<vmem_shared>> -> memref<1024xf32, #tpu.memory_space<vmem_shared>>
    tpu.wait_dma2 semaphore(%arg12 : memref<!tpu.dma_semaphore, #tpu.memory_space<semaphore_mem>>) src(%dma_wait3A_1934 : memref<1024xf32, #tpu.memory_space<vmem_shared>>) dst(%dma_wait3A_1933 : memref<1024xf32, #tpu.memory_space<hbm>>)
    %dma_wait3A_1935 = arith.constant 0 : i32
    %dma_wait3A_1936 = tpu.memref_slice %arg4[%arg0, %add3A_1607, %dma_wait3A_1935] : memref<2x1024x1024xf32, #tpu.memory_space<hbm>> -> memref<1x1x1024xf32, #tpu.memory_space<hbm>>
    %dma_wait3A_1937 = tpu.memref_squeeze %dma_wait3A_1936 : memref<1x1x1024xf32, #tpu.memory_space<hbm>> -> memref<1024xf32, #tpu.memory_space<hbm>>
    %dma_wait3A_1938 = tpu.memref_slice %arg11[%add3A_1605] : memref<1048576xf32, #tpu.memory_space<vmem_shared>> -> memref<1024xf32, #tpu.memory_space<vmem_shared>>
    tpu.wait_dma2 semaphore(%arg12 : memref<!tpu.dma_semaphore, #tpu.memory_space<semaphore_mem>>) src(%dma_wait3A_1938 : memref<1024xf32, #tpu.memory_space<vmem_shared>>) dst(%dma_wait3A_1937 : memref<1024xf32, #tpu.memory_space<hbm>>)
    %dma_wait3A_1939 = arith.constant 0 : i32
    %dma_wait3A_1940 = tpu.memref_slice %arg4[%arg0, %add3A_1615, %dma_wait3A_1939] : memref<2x1024x1024xf32, #tpu.memory_space<hbm>> -> memref<1x1x1024xf32, #tpu.memory_space<hbm>>
    %dma_wait3A_1941 = tpu.memref_squeeze %dma_wait3A_1940 : memref<1x1x1024xf32, #tpu.memory_space<hbm>> -> memref<1024xf32, #tpu.memory_space<hbm>>
    %dma_wait3A_1942 = tpu.memref_slice %arg11[%add3A_1613] : memref<1048576xf32, #tpu.memory_space<vmem_shared>> -> memref<1024xf32, #tpu.memory_space<vmem_shared>>
    tpu.wait_dma2 semaphore(%arg12 : memref<!tpu.dma_semaphore, #tpu.memory_space<semaphore_mem>>) src(%dma_wait3A_1942 : memref<1024xf32, #tpu.memory_space<vmem_shared>>) dst(%dma_wait3A_1941 : memref<1024xf32, #tpu.memory_space<hbm>>)
    %dma_wait3A_1943 = arith.constant 0 : i32
    %dma_wait3A_1944 = tpu.memref_slice %arg4[%arg0, %add3A_1623, %dma_wait3A_1943] : memref<2x1024x1024xf32, #tpu.memory_space<hbm>> -> memref<1x1x1024xf32, #tpu.memory_space<hbm>>
    %dma_wait3A_1945 = tpu.memref_squeeze %dma_wait3A_1944 : memref<1x1x1024xf32, #tpu.memory_space<hbm>> -> memref<1024xf32, #tpu.memory_space<hbm>>
    %dma_wait3A_1946 = tpu.memref_slice %arg11[%add3A_1621] : memref<1048576xf32, #tpu.memory_space<vmem_shared>> -> memref<1024xf32, #tpu.memory_space<vmem_shared>>
    tpu.wait_dma2 semaphore(%arg12 : memref<!tpu.dma_semaphore, #tpu.memory_space<semaphore_mem>>) src(%dma_wait3A_1946 : memref<1024xf32, #tpu.memory_space<vmem_shared>>) dst(%dma_wait3A_1945 : memref<1024xf32, #tpu.memory_space<hbm>>)
    %dma_wait3A_1947 = arith.constant 0 : i32
    %dma_wait3A_1948 = tpu.memref_slice %arg4[%arg0, %add3A_1631, %dma_wait3A_1947] : memref<2x1024x1024xf32, #tpu.memory_space<hbm>> -> memref<1x1x1024xf32, #tpu.memory_space<hbm>>
    %dma_wait3A_1949 = tpu.memref_squeeze %dma_wait3A_1948 : memref<1x1x1024xf32, #tpu.memory_space<hbm>> -> memref<1024xf32, #tpu.memory_space<hbm>>
    %dma_wait3A_1950 = tpu.memref_slice %arg11[%add3A_1629] : memref<1048576xf32, #tpu.memory_space<vmem_shared>> -> memref<1024xf32, #tpu.memory_space<vmem_shared>>
    tpu.wait_dma2 semaphore(%arg12 : memref<!tpu.dma_semaphore, #tpu.memory_space<semaphore_mem>>) src(%dma_wait3A_1950 : memref<1024xf32, #tpu.memory_space<vmem_shared>>) dst(%dma_wait3A_1949 : memref<1024xf32, #tpu.memory_space<hbm>>)
    %dma_wait3A_1951 = arith.constant 0 : i32
    %dma_wait3A_1952 = tpu.memref_slice %arg4[%arg0, %add3A_1639, %dma_wait3A_1951] : memref<2x1024x1024xf32, #tpu.memory_space<hbm>> -> memref<1x1x1024xf32, #tpu.memory_space<hbm>>
    %dma_wait3A_1953 = tpu.memref_squeeze %dma_wait3A_1952 : memref<1x1x1024xf32, #tpu.memory_space<hbm>> -> memref<1024xf32, #tpu.memory_space<hbm>>
    %dma_wait3A_1954 = tpu.memref_slice %arg11[%add3A_1637] : memref<1048576xf32, #tpu.memory_space<vmem_shared>> -> memref<1024xf32, #tpu.memory_space<vmem_shared>>
    tpu.wait_dma2 semaphore(%arg12 : memref<!tpu.dma_semaphore, #tpu.memory_space<semaphore_mem>>) src(%dma_wait3A_1954 : memref<1024xf32, #tpu.memory_space<vmem_shared>>) dst(%dma_wait3A_1953 : memref<1024xf32, #tpu.memory_space<hbm>>)
    %dma_wait3A_1955 = arith.constant 0 : i32
    %dma_wait3A_1956 = tpu.memref_slice %arg4[%arg0, %add3A_1647, %dma_wait3A_1955] : memref<2x1024x1024xf32, #tpu.memory_space<hbm>> -> memref<1x1x1024xf32, #tpu.memory_space<hbm>>
    %dma_wait3A_1957 = tpu.memref_squeeze %dma_wait3A_1956 : memref<1x1x1024xf32, #tpu.memory_space<hbm>> -> memref<1024xf32, #tpu.memory_space<hbm>>
    %dma_wait3A_1958 = tpu.memref_slice %arg11[%add3A_1645] : memref<1048576xf32, #tpu.memory_space<vmem_shared>> -> memref<1024xf32, #tpu.memory_space<vmem_shared>>
    tpu.wait_dma2 semaphore(%arg12 : memref<!tpu.dma_semaphore, #tpu.memory_space<semaphore_mem>>) src(%dma_wait3A_1958 : memref<1024xf32, #tpu.memory_space<vmem_shared>>) dst(%dma_wait3A_1957 : memref<1024xf32, #tpu.memory_space<hbm>>)
    %dma_wait3A_1959 = arith.constant 0 : i32
    %dma_wait3A_1960 = tpu.memref_slice %arg4[%arg0, %add3A_1655, %dma_wait3A_1959] : memref<2x1024x1024xf32, #tpu.memory_space<hbm>> -> memref<1x1x1024xf32, #tpu.memory_space<hbm>>
    %dma_wait3A_1961 = tpu.memref_squeeze %dma_wait3A_1960 : memref<1x1x1024xf32, #tpu.memory_space<hbm>> -> memref<1024xf32, #tpu.memory_space<hbm>>
    %dma_wait3A_1962 = tpu.memref_slice %arg11[%add3A_1653] : memref<1048576xf32, #tpu.memory_space<vmem_shared>> -> memref<1024xf32, #tpu.memory_space<vmem_shared>>
    tpu.wait_dma2 semaphore(%arg12 : memref<!tpu.dma_semaphore, #tpu.memory_space<semaphore_mem>>) src(%dma_wait3A_1962 : memref<1024xf32, #tpu.memory_space<vmem_shared>>) dst(%dma_wait3A_1961 : memref<1024xf32, #tpu.memory_space<hbm>>)
    %dma_wait3A_1963 = arith.constant 0 : i32
    %dma_wait3A_1964 = tpu.memref_slice %arg4[%arg0, %add3A_1663, %dma_wait3A_1963] : memref<2x1024x1024xf32, #tpu.memory_space<hbm>> -> memref<1x1x1024xf32, #tpu.memory_space<hbm>>
    %dma_wait3A_1965 = tpu.memref_squeeze %dma_wait3A_1964 : memref<1x1x1024xf32, #tpu.memory_space<hbm>> -> memref<1024xf32, #tpu.memory_space<hbm>>
    %dma_wait3A_1966 = tpu.memref_slice %arg11[%add3A_1661] : memref<1048576xf32, #tpu.memory_space<vmem_shared>> -> memref<1024xf32, #tpu.memory_space<vmem_shared>>
    tpu.wait_dma2 semaphore(%arg12 : memref<!tpu.dma_semaphore, #tpu.memory_space<semaphore_mem>>) src(%dma_wait3A_1966 : memref<1024xf32, #tpu.memory_space<vmem_shared>>) dst(%dma_wait3A_1965 : memref<1024xf32, #tpu.memory_space<hbm>>)
    %dma_wait3A_1967 = arith.constant 0 : i32
    %dma_wait3A_1968 = tpu.memref_slice %arg4[%arg0, %add3A_1671, %dma_wait3A_1967] : memref<2x1024x1024xf32, #tpu.memory_space<hbm>> -> memref<1x1x1024xf32, #tpu.memory_space<hbm>>
    %dma_wait3A_1969 = tpu.memref_squeeze %dma_wait3A_1968 : memref<1x1x1024xf32, #tpu.memory_space<hbm>> -> memref<1024xf32, #tpu.memory_space<hbm>>
    %dma_wait3A_1970 = tpu.memref_slice %arg11[%add3A_1669] : memref<1048576xf32, #tpu.memory_space<vmem_shared>> -> memref<1024xf32, #tpu.memory_space<vmem_shared>>
    tpu.wait_dma2 semaphore(%arg12 : memref<!tpu.dma_semaphore, #tpu.memory_space<semaphore_mem>>) src(%dma_wait3A_1970 : memref<1024xf32, #tpu.memory_space<vmem_shared>>) dst(%dma_wait3A_1969 : memref<1024xf32, #tpu.memory_space<hbm>>)
    %dma_wait3A_1971 = arith.constant 0 : i32
    %dma_wait3A_1972 = tpu.memref_slice %arg4[%arg0, %add3A_1679, %dma_wait3A_1971] : memref<2x1024x1024xf32, #tpu.memory_space<hbm>> -> memref<1x1x1024xf32, #tpu.memory_space<hbm>>
    %dma_wait3A_1973 = tpu.memref_squeeze %dma_wait3A_1972 : memref<1x1x1024xf32, #tpu.memory_space<hbm>> -> memref<1024xf32, #tpu.memory_space<hbm>>
    %dma_wait3A_1974 = tpu.memref_slice %arg11[%add3A_1677] : memref<1048576xf32, #tpu.memory_space<vmem_shared>> -> memref<1024xf32, #tpu.memory_space<vmem_shared>>
    tpu.wait_dma2 semaphore(%arg12 : memref<!tpu.dma_semaphore, #tpu.memory_space<semaphore_mem>>) src(%dma_wait3A_1974 : memref<1024xf32, #tpu.memory_space<vmem_shared>>) dst(%dma_wait3A_1973 : memref<1024xf32, #tpu.memory_space<hbm>>)
    %dma_wait3A_1975 = arith.constant 0 : i32
    %dma_wait3A_1976 = tpu.memref_slice %arg4[%arg0, %add3A_1687, %dma_wait3A_1975] : memref<2x1024x1024xf32, #tpu.memory_space<hbm>> -> memref<1x1x1024xf32, #tpu.memory_space<hbm>>
    %dma_wait3A_1977 = tpu.memref_squeeze %dma_wait3A_1976 : memref<1x1x1024xf32, #tpu.memory_space<hbm>> -> memref<1024xf32, #tpu.memory_space<hbm>>
    %dma_wait3A_1978 = tpu.memref_slice %arg11[%add3A_1685] : memref<1048576xf32, #tpu.memory_space<vmem_shared>> -> memref<1024xf32, #tpu.memory_space<vmem_shared>>
    tpu.wait_dma2 semaphore(%arg12 : memref<!tpu.dma_semaphore, #tpu.memory_space<semaphore_mem>>) src(%dma_wait3A_1978 : memref<1024xf32, #tpu.memory_space<vmem_shared>>) dst(%dma_wait3A_1977 : memref<1024xf32, #tpu.memory_space<hbm>>)
    %dma_wait3A_1979 = arith.constant 0 : i32
    %dma_wait3A_1980 = tpu.memref_slice %arg4[%arg0, %add3A_1695, %dma_wait3A_1979] : memref<2x1024x1024xf32, #tpu.memory_space<hbm>> -> memref<1x1x1024xf32, #tpu.memory_space<hbm>>
    %dma_wait3A_1981 = tpu.memref_squeeze %dma_wait3A_1980 : memref<1x1x1024xf32, #tpu.memory_space<hbm>> -> memref<1024xf32, #tpu.memory_space<hbm>>
    %dma_wait3A_1982 = tpu.memref_slice %arg11[%add3A_1693] : memref<1048576xf32, #tpu.memory_space<vmem_shared>> -> memref<1024xf32, #tpu.memory_space<vmem_shared>>
    tpu.wait_dma2 semaphore(%arg12 : memref<!tpu.dma_semaphore, #tpu.memory_space<semaphore_mem>>) src(%dma_wait3A_1982 : memref<1024xf32, #tpu.memory_space<vmem_shared>>) dst(%dma_wait3A_1981 : memref<1024xf32, #tpu.memory_space<hbm>>)
    %dma_wait3A_1983 = arith.constant 0 : i32
    %dma_wait3A_1984 = tpu.memref_slice %arg4[%arg0, %add3A_1703, %dma_wait3A_1983] : memref<2x1024x1024xf32, #tpu.memory_space<hbm>> -> memref<1x1x1024xf32, #tpu.memory_space<hbm>>
    %dma_wait3A_1985 = tpu.memref_squeeze %dma_wait3A_1984 : memref<1x1x1024xf32, #tpu.memory_space<hbm>> -> memref<1024xf32, #tpu.memory_space<hbm>>
    %dma_wait3A_1986 = tpu.memref_slice %arg11[%add3A_1701] : memref<1048576xf32, #tpu.memory_space<vmem_shared>> -> memref<1024xf32, #tpu.memory_space<vmem_shared>>
    tpu.wait_dma2 semaphore(%arg12 : memref<!tpu.dma_semaphore, #tpu.memory_space<semaphore_mem>>) src(%dma_wait3A_1986 : memref<1024xf32, #tpu.memory_space<vmem_shared>>) dst(%dma_wait3A_1985 : memref<1024xf32, #tpu.memory_space<hbm>>)
    %dma_wait3A_1987 = arith.constant 0 : i32
    %dma_wait3A_1988 = tpu.memref_slice %arg4[%arg0, %add3A_1711, %dma_wait3A_1987] : memref<2x1024x1024xf32, #tpu.memory_space<hbm>> -> memref<1x1x1024xf32, #tpu.memory_space<hbm>>
    %dma_wait3A_1989 = tpu.memref_squeeze %dma_wait3A_1988 : memref<1x1x1024xf32, #tpu.memory_space<hbm>> -> memref<1024xf32, #tpu.memory_space<hbm>>
    %dma_wait3A_1990 = tpu.memref_slice %arg11[%add3A_1709] : memref<1048576xf32, #tpu.memory_space<vmem_shared>> -> memref<1024xf32, #tpu.memory_space<vmem_shared>>
    tpu.wait_dma2 semaphore(%arg12 : memref<!tpu.dma_semaphore, #tpu.memory_space<semaphore_mem>>) src(%dma_wait3A_1990 : memref<1024xf32, #tpu.memory_space<vmem_shared>>) dst(%dma_wait3A_1989 : memref<1024xf32, #tpu.memory_space<hbm>>)
    %dma_wait3A_1991 = arith.constant 0 : i32
    %dma_wait3A_1992 = tpu.memref_slice %arg4[%arg0, %add3A_1719, %dma_wait3A_1991] : memref<2x1024x1024xf32, #tpu.memory_space<hbm>> -> memref<1x1x1024xf32, #tpu.memory_space<hbm>>
    %dma_wait3A_1993 = tpu.memref_squeeze %dma_wait3A_1992 : memref<1x1x1024xf32, #tpu.memory_space<hbm>> -> memref<1024xf32, #tpu.memory_space<hbm>>
    %dma_wait3A_1994 = tpu.memref_slice %arg11[%add3A_1717] : memref<1048576xf32, #tpu.memory_space<vmem_shared>> -> memref<1024xf32, #tpu.memory_space<vmem_shared>>
    tpu.wait_dma2 semaphore(%arg12 : memref<!tpu.dma_semaphore, #tpu.memory_space<semaphore_mem>>) src(%dma_wait3A_1994 : memref<1024xf32, #tpu.memory_space<vmem_shared>>) dst(%dma_wait3A_1993 : memref<1024xf32, #tpu.memory_space<hbm>>)
    %dma_wait3A_1995 = arith.constant 0 : i32
    %dma_wait3A_1996 = tpu.memref_slice %arg4[%arg0, %add3A_1727, %dma_wait3A_1995] : memref<2x1024x1024xf32, #tpu.memory_space<hbm>> -> memref<1x1x1024xf32, #tpu.memory_space<hbm>>
    %dma_wait3A_1997 = tpu.memref_squeeze %dma_wait3A_1996 : memref<1x1x1024xf32, #tpu.memory_space<hbm>> -> memref<1024xf32, #tpu.memory_space<hbm>>
    %dma_wait3A_1998 = tpu.memref_slice %arg11[%add3A_1725] : memref<1048576xf32, #tpu.memory_space<vmem_shared>> -> memref<1024xf32, #tpu.memory_space<vmem_shared>>
    tpu.wait_dma2 semaphore(%arg12 : memref<!tpu.dma_semaphore, #tpu.memory_space<semaphore_mem>>) src(%dma_wait3A_1998 : memref<1024xf32, #tpu.memory_space<vmem_shared>>) dst(%dma_wait3A_1997 : memref<1024xf32, #tpu.memory_space<hbm>>)
    %dma_wait3A_1999 = arith.constant 0 : i32
    %dma_wait3A_2000 = tpu.memref_slice %arg4[%arg0, %add3A_1735, %dma_wait3A_1999] : memref<2x1024x1024xf32, #tpu.memory_space<hbm>> -> memref<1x1x1024xf32, #tpu.memory_space<hbm>>
    %dma_wait3A_2001 = tpu.memref_squeeze %dma_wait3A_2000 : memref<1x1x1024xf32, #tpu.memory_space<hbm>> -> memref<1024xf32, #tpu.memory_space<hbm>>
    %dma_wait3A_2002 = tpu.memref_slice %arg11[%add3A_1733] : memref<1048576xf32, #tpu.memory_space<vmem_shared>> -> memref<1024xf32, #tpu.memory_space<vmem_shared>>
    tpu.wait_dma2 semaphore(%arg12 : memref<!tpu.dma_semaphore, #tpu.memory_space<semaphore_mem>>) src(%dma_wait3A_2002 : memref<1024xf32, #tpu.memory_space<vmem_shared>>) dst(%dma_wait3A_2001 : memref<1024xf32, #tpu.memory_space<hbm>>)
    %dma_wait3A_2003 = arith.constant 0 : i32
    %dma_wait3A_2004 = tpu.memref_slice %arg4[%arg0, %add3A_1743, %dma_wait3A_2003] : memref<2x1024x1024xf32, #tpu.memory_space<hbm>> -> memref<1x1x1024xf32, #tpu.memory_space<hbm>>
    %dma_wait3A_2005 = tpu.memref_squeeze %dma_wait3A_2004 : memref<1x1x1024xf32, #tpu.memory_space<hbm>> -> memref<1024xf32, #tpu.memory_space<hbm>>
    %dma_wait3A_2006 = tpu.memref_slice %arg11[%add3A_1741] : memref<1048576xf32, #tpu.memory_space<vmem_shared>> -> memref<1024xf32, #tpu.memory_space<vmem_shared>>
    tpu.wait_dma2 semaphore(%arg12 : memref<!tpu.dma_semaphore, #tpu.memory_space<semaphore_mem>>) src(%dma_wait3A_2006 : memref<1024xf32, #tpu.memory_space<vmem_shared>>) dst(%dma_wait3A_2005 : memref<1024xf32, #tpu.memory_space<hbm>>)
    %dma_wait3A_2007 = arith.constant 0 : i32
    %dma_wait3A_2008 = tpu.memref_slice %arg4[%arg0, %add3A_1751, %dma_wait3A_2007] : memref<2x1024x1024xf32, #tpu.memory_space<hbm>> -> memref<1x1x1024xf32, #tpu.memory_space<hbm>>
    %dma_wait3A_2009 = tpu.memref_squeeze %dma_wait3A_2008 : memref<1x1x1024xf32, #tpu.memory_space<hbm>> -> memref<1024xf32, #tpu.memory_space<hbm>>
    %dma_wait3A_2010 = tpu.memref_slice %arg11[%add3A_1749] : memref<1048576xf32, #tpu.memory_space<vmem_shared>> -> memref<1024xf32, #tpu.memory_space<vmem_shared>>
    tpu.wait_dma2 semaphore(%arg12 : memref<!tpu.dma_semaphore, #tpu.memory_space<semaphore_mem>>) src(%dma_wait3A_2010 : memref<1024xf32, #tpu.memory_space<vmem_shared>>) dst(%dma_wait3A_2009 : memref<1024xf32, #tpu.memory_space<hbm>>)
    return
  }
}

module attributes {stable_mosaic.version = 14 : i64} {
  func.func @_conv_body(%arg0: i32, %arg1: memref<1x13x32x1000xf32, #tpu.memory_space<vmem>>, %arg2: memref<64x64xf32, #tpu.memory_space<vmem>>, %arg3: memref<64x1xf32, #tpu.memory_space<vmem>>, %arg4: memref<1x12x32x1000xf32, #tpu.memory_space<vmem>>) attributes {dimension_semantics = [#tpu.dimension_semantics<arbitrary>], iteration_bounds = array<i64: 8>, scalar_prefetch = 0 : i64, scratch_operands = 0 : i64, tpu.core_type = #tpu.core_type<tc>, window_params = [{transform_indices = @transform_0, window_bounds = array<i64: 1, 13, 32, 1000>}, {pipeline_mode = #tpu.pipeline_mode<synchronous>, transform_indices = @transform_1, window_bounds = array<i64: 64, 64>}, {pipeline_mode = #tpu.pipeline_mode<synchronous>, transform_indices = @transform_2, window_bounds = array<i64: 64, 1>}, {transform_indices = @transform_3, window_bounds = array<i64: 1, 12, 32, 1000>}]} {
    %get3A = arith.constant 0 : index
    %get3A_0 = arith.constant 0 : index
    %get3A_1 = arith.constant 0 : index
    %get3A_2 = arith.constant 0 : index
    %get3A_3 = vector.load %arg1[%get3A, %get3A_0, %get3A_1, %get3A_2] : memref<1x13x32x1000xf32, #tpu.memory_space<vmem>>, vector<1x13x32x1000xf32>
    %get3A_4 = vector.shape_cast %get3A_3 : vector<1x13x32x1000xf32> to vector<13x32x1000xf32>
    %get3A_5 = arith.constant 0 : index
    %get3A_6 = arith.constant 0 : index
    %get3A_7 = vector.load %arg2[%get3A_5, %get3A_6] : memref<64x64xf32, #tpu.memory_space<vmem>>, vector<64x64xf32>
    %get3A_8 = arith.constant 0 : index
    %get3A_9 = arith.constant 0 : index
    %get3A_10 = vector.load %arg3[%get3A_8, %get3A_9] : memref<64x1xf32, #tpu.memory_space<vmem>>, vector<64x1xf32>
    %slice3A = vector.extract_strided_slice %get3A_4 {offsets = [0, 0, 0], sizes = [1, 32, 1000], strides = [1, 1, 1]} : vector<13x32x1000xf32> to vector<1x32x1000xf32>
    %squeeze3A = vector.shape_cast %slice3A : vector<1x32x1000xf32> to vector<32x1000xf32>
    %slice3A_11 = vector.extract_strided_slice %get3A_4 {offsets = [1, 0, 0], sizes = [1, 32, 1000], strides = [1, 1, 1]} : vector<13x32x1000xf32> to vector<1x32x1000xf32>
    %squeeze3A_12 = vector.shape_cast %slice3A_11 : vector<1x32x1000xf32> to vector<32x1000xf32>
    %concatenate3A = tpu.concatenate %squeeze3A, %squeeze3A_12 in 0 : vector<32x1000xf32>, vector<32x1000xf32> -> vector<64x1000xf32>
    %dot_general3A = arith.constant dense<0.000000e+00> : vector<64x1000xf32>
    %dot_general3A_13 = tpu.matmul %get3A_7, %concatenate3A, %dot_general3A {dimension_numbers = #tpu.dot_dimension_numbers<[1], [0], [0], [1], [0, 0, 1, 1], [], []>, transpose_lhs_hint = false} : vector<64x64xf32>, vector<64x1000xf32>, vector<64x1000xf32> -> vector<64x1000xf32>
    %add3A = vector.broadcast %get3A_10 : vector<64x1xf32> to vector<64x1000xf32>
    %add3A_14 = arith.addf %dot_general3A_13, %add3A : vector<64x1000xf32>
    %slice3A_15 = vector.extract_strided_slice %add3A_14 {offsets = [0, 0], sizes = [32, 1000], strides = [1, 1]} : vector<64x1000xf32> to vector<32x1000xf32>
    %tanh3A = math.tanh %slice3A_15 : vector<32x1000xf32>
    %slice3A_16 = vector.extract_strided_slice %add3A_14 {offsets = [32, 0], sizes = [32, 1000], strides = [1, 1]} : vector<64x1000xf32> to vector<32x1000xf32>
    %logistic3A = arith.negf %slice3A_16 : vector<32x1000xf32>
    %logistic3A_17 = math.exp %logistic3A : vector<32x1000xf32>
    %logistic3A_18 = arith.constant 1.000000e+00 : f32
    %logistic3A_19 = vector.broadcast %logistic3A_18 : f32 to vector<32x1000xf32>
    %logistic3A_20 = arith.addf %logistic3A_19, %logistic3A_17 : vector<32x1000xf32>
    %logistic3A_21 = arith.divf %logistic3A_19, %logistic3A_20 : vector<32x1000xf32>
    %mul3A = arith.mulf %tanh3A, %logistic3A_21 : vector<32x1000xf32>
    %swap3A = arith.constant 0 : index
    %swap3A_22 = arith.constant 0 : index
    %swap3A_23 = arith.constant 0 : index
    %swap3A_24 = arith.constant 0 : index
    %swap3A_25 = vector.load %arg4[%swap3A, %swap3A_22, %swap3A_23, %swap3A_24] : memref<1x12x32x1000xf32, #tpu.memory_space<vmem>>, vector<1x1x32x1000xf32>
    %swap3A_26 = vector.shape_cast %swap3A_25 : vector<1x1x32x1000xf32> to vector<32x1000xf32>
    %swap3A_27 = vector.shape_cast %mul3A : vector<32x1000xf32> to vector<1x1x32x1000xf32>
    tpu.vector_store %arg4[%swap3A, %swap3A_22, %swap3A_23, %swap3A_24], %swap3A_27 {strides = array<i32>} : memref<1x12x32x1000xf32, #tpu.memory_space<vmem>>, vector<1x1x32x1000xf32>,
    %slice3A_28 = vector.extract_strided_slice %get3A_4 {offsets = [1, 0, 0], sizes = [1, 32, 1000], strides = [1, 1, 1]} : vector<13x32x1000xf32> to vector<1x32x1000xf32>
    %squeeze3A_29 = vector.shape_cast %slice3A_28 : vector<1x32x1000xf32> to vector<32x1000xf32>
    %slice3A_30 = vector.extract_strided_slice %get3A_4 {offsets = [2, 0, 0], sizes = [1, 32, 1000], strides = [1, 1, 1]} : vector<13x32x1000xf32> to vector<1x32x1000xf32>
    %squeeze3A_31 = vector.shape_cast %slice3A_30 : vector<1x32x1000xf32> to vector<32x1000xf32>
    %concatenate3A_32 = tpu.concatenate %squeeze3A_29, %squeeze3A_31 in 0 : vector<32x1000xf32>, vector<32x1000xf32> -> vector<64x1000xf32>
    %dot_general3A_33 = arith.constant dense<0.000000e+00> : vector<64x1000xf32>
    %dot_general3A_34 = tpu.matmul %get3A_7, %concatenate3A_32, %dot_general3A_33 {dimension_numbers = #tpu.dot_dimension_numbers<[1], [0], [0], [1], [0, 0, 1, 1], [], []>, transpose_lhs_hint = false} : vector<64x64xf32>, vector<64x1000xf32>, vector<64x1000xf32> -> vector<64x1000xf32>
    %add3A_35 = vector.broadcast %get3A_10 : vector<64x1xf32> to vector<64x1000xf32>
    %add3A_36 = arith.addf %dot_general3A_34, %add3A_35 : vector<64x1000xf32>
    %slice3A_37 = vector.extract_strided_slice %add3A_36 {offsets = [0, 0], sizes = [32, 1000], strides = [1, 1]} : vector<64x1000xf32> to vector<32x1000xf32>
    %tanh3A_38 = math.tanh %slice3A_37 : vector<32x1000xf32>
    %slice3A_39 = vector.extract_strided_slice %add3A_36 {offsets = [32, 0], sizes = [32, 1000], strides = [1, 1]} : vector<64x1000xf32> to vector<32x1000xf32>
    %logistic3A_40 = arith.negf %slice3A_39 : vector<32x1000xf32>
    %logistic3A_41 = math.exp %logistic3A_40 : vector<32x1000xf32>
    %logistic3A_42 = arith.constant 1.000000e+00 : f32
    %logistic3A_43 = vector.broadcast %logistic3A_42 : f32 to vector<32x1000xf32>
    %logistic3A_44 = arith.addf %logistic3A_43, %logistic3A_41 : vector<32x1000xf32>
    %logistic3A_45 = arith.divf %logistic3A_43, %logistic3A_44 : vector<32x1000xf32>
    %mul3A_46 = arith.mulf %tanh3A_38, %logistic3A_45 : vector<32x1000xf32>
    %swap3A_47 = arith.constant 0 : index
    %swap3A_48 = arith.constant 1 : index
    %swap3A_49 = arith.constant 0 : index
    %swap3A_50 = arith.constant 0 : index
    %swap3A_51 = vector.load %arg4[%swap3A_47, %swap3A_48, %swap3A_49, %swap3A_50] : memref<1x12x32x1000xf32, #tpu.memory_space<vmem>>, vector<1x1x32x1000xf32>
    %swap3A_52 = vector.shape_cast %swap3A_51 : vector<1x1x32x1000xf32> to vector<32x1000xf32>
    %swap3A_53 = vector.shape_cast %mul3A_46 : vector<32x1000xf32> to vector<1x1x32x1000xf32>
    tpu.vector_store %arg4[%swap3A_47, %swap3A_48, %swap3A_49, %swap3A_50], %swap3A_53 {strides = array<i32>} : memref<1x12x32x1000xf32, #tpu.memory_space<vmem>>, vector<1x1x32x1000xf32>,
    %slice3A_54 = vector.extract_strided_slice %get3A_4 {offsets = [2, 0, 0], sizes = [1, 32, 1000], strides = [1, 1, 1]} : vector<13x32x1000xf32> to vector<1x32x1000xf32>
    %squeeze3A_55 = vector.shape_cast %slice3A_54 : vector<1x32x1000xf32> to vector<32x1000xf32>
    %slice3A_56 = vector.extract_strided_slice %get3A_4 {offsets = [3, 0, 0], sizes = [1, 32, 1000], strides = [1, 1, 1]} : vector<13x32x1000xf32> to vector<1x32x1000xf32>
    %squeeze3A_57 = vector.shape_cast %slice3A_56 : vector<1x32x1000xf32> to vector<32x1000xf32>
    %concatenate3A_58 = tpu.concatenate %squeeze3A_55, %squeeze3A_57 in 0 : vector<32x1000xf32>, vector<32x1000xf32> -> vector<64x1000xf32>
    %dot_general3A_59 = arith.constant dense<0.000000e+00> : vector<64x1000xf32>
    %dot_general3A_60 = tpu.matmul %get3A_7, %concatenate3A_58, %dot_general3A_59 {dimension_numbers = #tpu.dot_dimension_numbers<[1], [0], [0], [1], [0, 0, 1, 1], [], []>, transpose_lhs_hint = false} : vector<64x64xf32>, vector<64x1000xf32>, vector<64x1000xf32> -> vector<64x1000xf32>
    %add3A_61 = vector.broadcast %get3A_10 : vector<64x1xf32> to vector<64x1000xf32>
    %add3A_62 = arith.addf %dot_general3A_60, %add3A_61 : vector<64x1000xf32>
    %slice3A_63 = vector.extract_strided_slice %add3A_62 {offsets = [0, 0], sizes = [32, 1000], strides = [1, 1]} : vector<64x1000xf32> to vector<32x1000xf32>
    %tanh3A_64 = math.tanh %slice3A_63 : vector<32x1000xf32>
    %slice3A_65 = vector.extract_strided_slice %add3A_62 {offsets = [32, 0], sizes = [32, 1000], strides = [1, 1]} : vector<64x1000xf32> to vector<32x1000xf32>
    %logistic3A_66 = arith.negf %slice3A_65 : vector<32x1000xf32>
    %logistic3A_67 = math.exp %logistic3A_66 : vector<32x1000xf32>
    %logistic3A_68 = arith.constant 1.000000e+00 : f32
    %logistic3A_69 = vector.broadcast %logistic3A_68 : f32 to vector<32x1000xf32>
    %logistic3A_70 = arith.addf %logistic3A_69, %logistic3A_67 : vector<32x1000xf32>
    %logistic3A_71 = arith.divf %logistic3A_69, %logistic3A_70 : vector<32x1000xf32>
    %mul3A_72 = arith.mulf %tanh3A_64, %logistic3A_71 : vector<32x1000xf32>
    %swap3A_73 = arith.constant 0 : index
    %swap3A_74 = arith.constant 2 : index
    %swap3A_75 = arith.constant 0 : index
    %swap3A_76 = arith.constant 0 : index
    %swap3A_77 = vector.load %arg4[%swap3A_73, %swap3A_74, %swap3A_75, %swap3A_76] : memref<1x12x32x1000xf32, #tpu.memory_space<vmem>>, vector<1x1x32x1000xf32>
    %swap3A_78 = vector.shape_cast %swap3A_77 : vector<1x1x32x1000xf32> to vector<32x1000xf32>
    %swap3A_79 = vector.shape_cast %mul3A_72 : vector<32x1000xf32> to vector<1x1x32x1000xf32>
    tpu.vector_store %arg4[%swap3A_73, %swap3A_74, %swap3A_75, %swap3A_76], %swap3A_79 {strides = array<i32>} : memref<1x12x32x1000xf32, #tpu.memory_space<vmem>>, vector<1x1x32x1000xf32>,
    %slice3A_80 = vector.extract_strided_slice %get3A_4 {offsets = [3, 0, 0], sizes = [1, 32, 1000], strides = [1, 1, 1]} : vector<13x32x1000xf32> to vector<1x32x1000xf32>
    %squeeze3A_81 = vector.shape_cast %slice3A_80 : vector<1x32x1000xf32> to vector<32x1000xf32>
    %slice3A_82 = vector.extract_strided_slice %get3A_4 {offsets = [4, 0, 0], sizes = [1, 32, 1000], strides = [1, 1, 1]} : vector<13x32x1000xf32> to vector<1x32x1000xf32>
    %squeeze3A_83 = vector.shape_cast %slice3A_82 : vector<1x32x1000xf32> to vector<32x1000xf32>
    %concatenate3A_84 = tpu.concatenate %squeeze3A_81, %squeeze3A_83 in 0 : vector<32x1000xf32>, vector<32x1000xf32> -> vector<64x1000xf32>
    %dot_general3A_85 = arith.constant dense<0.000000e+00> : vector<64x1000xf32>
    %dot_general3A_86 = tpu.matmul %get3A_7, %concatenate3A_84, %dot_general3A_85 {dimension_numbers = #tpu.dot_dimension_numbers<[1], [0], [0], [1], [0, 0, 1, 1], [], []>, transpose_lhs_hint = false} : vector<64x64xf32>, vector<64x1000xf32>, vector<64x1000xf32> -> vector<64x1000xf32>
    %add3A_87 = vector.broadcast %get3A_10 : vector<64x1xf32> to vector<64x1000xf32>
    %add3A_88 = arith.addf %dot_general3A_86, %add3A_87 : vector<64x1000xf32>
    %slice3A_89 = vector.extract_strided_slice %add3A_88 {offsets = [0, 0], sizes = [32, 1000], strides = [1, 1]} : vector<64x1000xf32> to vector<32x1000xf32>
    %tanh3A_90 = math.tanh %slice3A_89 : vector<32x1000xf32>
    %slice3A_91 = vector.extract_strided_slice %add3A_88 {offsets = [32, 0], sizes = [32, 1000], strides = [1, 1]} : vector<64x1000xf32> to vector<32x1000xf32>
    %logistic3A_92 = arith.negf %slice3A_91 : vector<32x1000xf32>
    %logistic3A_93 = math.exp %logistic3A_92 : vector<32x1000xf32>
    %logistic3A_94 = arith.constant 1.000000e+00 : f32
    %logistic3A_95 = vector.broadcast %logistic3A_94 : f32 to vector<32x1000xf32>
    %logistic3A_96 = arith.addf %logistic3A_95, %logistic3A_93 : vector<32x1000xf32>
    %logistic3A_97 = arith.divf %logistic3A_95, %logistic3A_96 : vector<32x1000xf32>
    %mul3A_98 = arith.mulf %tanh3A_90, %logistic3A_97 : vector<32x1000xf32>
    %swap3A_99 = arith.constant 0 : index
    %swap3A_100 = arith.constant 3 : index
    %swap3A_101 = arith.constant 0 : index
    %swap3A_102 = arith.constant 0 : index
    %swap3A_103 = vector.load %arg4[%swap3A_99, %swap3A_100, %swap3A_101, %swap3A_102] : memref<1x12x32x1000xf32, #tpu.memory_space<vmem>>, vector<1x1x32x1000xf32>
    %swap3A_104 = vector.shape_cast %swap3A_103 : vector<1x1x32x1000xf32> to vector<32x1000xf32>
    %swap3A_105 = vector.shape_cast %mul3A_98 : vector<32x1000xf32> to vector<1x1x32x1000xf32>
    tpu.vector_store %arg4[%swap3A_99, %swap3A_100, %swap3A_101, %swap3A_102], %swap3A_105 {strides = array<i32>} : memref<1x12x32x1000xf32, #tpu.memory_space<vmem>>, vector<1x1x32x1000xf32>,
    %slice3A_106 = vector.extract_strided_slice %get3A_4 {offsets = [4, 0, 0], sizes = [1, 32, 1000], strides = [1, 1, 1]} : vector<13x32x1000xf32> to vector<1x32x1000xf32>
    %squeeze3A_107 = vector.shape_cast %slice3A_106 : vector<1x32x1000xf32> to vector<32x1000xf32>
    %slice3A_108 = vector.extract_strided_slice %get3A_4 {offsets = [5, 0, 0], sizes = [1, 32, 1000], strides = [1, 1, 1]} : vector<13x32x1000xf32> to vector<1x32x1000xf32>
    %squeeze3A_109 = vector.shape_cast %slice3A_108 : vector<1x32x1000xf32> to vector<32x1000xf32>
    %concatenate3A_110 = tpu.concatenate %squeeze3A_107, %squeeze3A_109 in 0 : vector<32x1000xf32>, vector<32x1000xf32> -> vector<64x1000xf32>
    %dot_general3A_111 = arith.constant dense<0.000000e+00> : vector<64x1000xf32>
    %dot_general3A_112 = tpu.matmul %get3A_7, %concatenate3A_110, %dot_general3A_111 {dimension_numbers = #tpu.dot_dimension_numbers<[1], [0], [0], [1], [0, 0, 1, 1], [], []>, transpose_lhs_hint = false} : vector<64x64xf32>, vector<64x1000xf32>, vector<64x1000xf32> -> vector<64x1000xf32>
    %add3A_113 = vector.broadcast %get3A_10 : vector<64x1xf32> to vector<64x1000xf32>
    %add3A_114 = arith.addf %dot_general3A_112, %add3A_113 : vector<64x1000xf32>
    %slice3A_115 = vector.extract_strided_slice %add3A_114 {offsets = [0, 0], sizes = [32, 1000], strides = [1, 1]} : vector<64x1000xf32> to vector<32x1000xf32>
    %tanh3A_116 = math.tanh %slice3A_115 : vector<32x1000xf32>
    %slice3A_117 = vector.extract_strided_slice %add3A_114 {offsets = [32, 0], sizes = [32, 1000], strides = [1, 1]} : vector<64x1000xf32> to vector<32x1000xf32>
    %logistic3A_118 = arith.negf %slice3A_117 : vector<32x1000xf32>
    %logistic3A_119 = math.exp %logistic3A_118 : vector<32x1000xf32>
    %logistic3A_120 = arith.constant 1.000000e+00 : f32
    %logistic3A_121 = vector.broadcast %logistic3A_120 : f32 to vector<32x1000xf32>
    %logistic3A_122 = arith.addf %logistic3A_121, %logistic3A_119 : vector<32x1000xf32>
    %logistic3A_123 = arith.divf %logistic3A_121, %logistic3A_122 : vector<32x1000xf32>
    %mul3A_124 = arith.mulf %tanh3A_116, %logistic3A_123 : vector<32x1000xf32>
    %swap3A_125 = arith.constant 0 : index
    %swap3A_126 = arith.constant 4 : index
    %swap3A_127 = arith.constant 0 : index
    %swap3A_128 = arith.constant 0 : index
    %swap3A_129 = vector.load %arg4[%swap3A_125, %swap3A_126, %swap3A_127, %swap3A_128] : memref<1x12x32x1000xf32, #tpu.memory_space<vmem>>, vector<1x1x32x1000xf32>
    %swap3A_130 = vector.shape_cast %swap3A_129 : vector<1x1x32x1000xf32> to vector<32x1000xf32>
    %swap3A_131 = vector.shape_cast %mul3A_124 : vector<32x1000xf32> to vector<1x1x32x1000xf32>
    tpu.vector_store %arg4[%swap3A_125, %swap3A_126, %swap3A_127, %swap3A_128], %swap3A_131 {strides = array<i32>} : memref<1x12x32x1000xf32, #tpu.memory_space<vmem>>, vector<1x1x32x1000xf32>,
    %slice3A_132 = vector.extract_strided_slice %get3A_4 {offsets = [5, 0, 0], sizes = [1, 32, 1000], strides = [1, 1, 1]} : vector<13x32x1000xf32> to vector<1x32x1000xf32>
    %squeeze3A_133 = vector.shape_cast %slice3A_132 : vector<1x32x1000xf32> to vector<32x1000xf32>
    %slice3A_134 = vector.extract_strided_slice %get3A_4 {offsets = [6, 0, 0], sizes = [1, 32, 1000], strides = [1, 1, 1]} : vector<13x32x1000xf32> to vector<1x32x1000xf32>
    %squeeze3A_135 = vector.shape_cast %slice3A_134 : vector<1x32x1000xf32> to vector<32x1000xf32>
    %concatenate3A_136 = tpu.concatenate %squeeze3A_133, %squeeze3A_135 in 0 : vector<32x1000xf32>, vector<32x1000xf32> -> vector<64x1000xf32>
    %dot_general3A_137 = arith.constant dense<0.000000e+00> : vector<64x1000xf32>
    %dot_general3A_138 = tpu.matmul %get3A_7, %concatenate3A_136, %dot_general3A_137 {dimension_numbers = #tpu.dot_dimension_numbers<[1], [0], [0], [1], [0, 0, 1, 1], [], []>, transpose_lhs_hint = false} : vector<64x64xf32>, vector<64x1000xf32>, vector<64x1000xf32> -> vector<64x1000xf32>
    %add3A_139 = vector.broadcast %get3A_10 : vector<64x1xf32> to vector<64x1000xf32>
    %add3A_140 = arith.addf %dot_general3A_138, %add3A_139 : vector<64x1000xf32>
    %slice3A_141 = vector.extract_strided_slice %add3A_140 {offsets = [0, 0], sizes = [32, 1000], strides = [1, 1]} : vector<64x1000xf32> to vector<32x1000xf32>
    %tanh3A_142 = math.tanh %slice3A_141 : vector<32x1000xf32>
    %slice3A_143 = vector.extract_strided_slice %add3A_140 {offsets = [32, 0], sizes = [32, 1000], strides = [1, 1]} : vector<64x1000xf32> to vector<32x1000xf32>
    %logistic3A_144 = arith.negf %slice3A_143 : vector<32x1000xf32>
    %logistic3A_145 = math.exp %logistic3A_144 : vector<32x1000xf32>
    %logistic3A_146 = arith.constant 1.000000e+00 : f32
    %logistic3A_147 = vector.broadcast %logistic3A_146 : f32 to vector<32x1000xf32>
    %logistic3A_148 = arith.addf %logistic3A_147, %logistic3A_145 : vector<32x1000xf32>
    %logistic3A_149 = arith.divf %logistic3A_147, %logistic3A_148 : vector<32x1000xf32>
    %mul3A_150 = arith.mulf %tanh3A_142, %logistic3A_149 : vector<32x1000xf32>
    %swap3A_151 = arith.constant 0 : index
    %swap3A_152 = arith.constant 5 : index
    %swap3A_153 = arith.constant 0 : index
    %swap3A_154 = arith.constant 0 : index
    %swap3A_155 = vector.load %arg4[%swap3A_151, %swap3A_152, %swap3A_153, %swap3A_154] : memref<1x12x32x1000xf32, #tpu.memory_space<vmem>>, vector<1x1x32x1000xf32>
    %swap3A_156 = vector.shape_cast %swap3A_155 : vector<1x1x32x1000xf32> to vector<32x1000xf32>
    %swap3A_157 = vector.shape_cast %mul3A_150 : vector<32x1000xf32> to vector<1x1x32x1000xf32>
    tpu.vector_store %arg4[%swap3A_151, %swap3A_152, %swap3A_153, %swap3A_154], %swap3A_157 {strides = array<i32>} : memref<1x12x32x1000xf32, #tpu.memory_space<vmem>>, vector<1x1x32x1000xf32>,
    %slice3A_158 = vector.extract_strided_slice %get3A_4 {offsets = [6, 0, 0], sizes = [1, 32, 1000], strides = [1, 1, 1]} : vector<13x32x1000xf32> to vector<1x32x1000xf32>
    %squeeze3A_159 = vector.shape_cast %slice3A_158 : vector<1x32x1000xf32> to vector<32x1000xf32>
    %slice3A_160 = vector.extract_strided_slice %get3A_4 {offsets = [7, 0, 0], sizes = [1, 32, 1000], strides = [1, 1, 1]} : vector<13x32x1000xf32> to vector<1x32x1000xf32>
    %squeeze3A_161 = vector.shape_cast %slice3A_160 : vector<1x32x1000xf32> to vector<32x1000xf32>
    %concatenate3A_162 = tpu.concatenate %squeeze3A_159, %squeeze3A_161 in 0 : vector<32x1000xf32>, vector<32x1000xf32> -> vector<64x1000xf32>
    %dot_general3A_163 = arith.constant dense<0.000000e+00> : vector<64x1000xf32>
    %dot_general3A_164 = tpu.matmul %get3A_7, %concatenate3A_162, %dot_general3A_163 {dimension_numbers = #tpu.dot_dimension_numbers<[1], [0], [0], [1], [0, 0, 1, 1], [], []>, transpose_lhs_hint = false} : vector<64x64xf32>, vector<64x1000xf32>, vector<64x1000xf32> -> vector<64x1000xf32>
    %add3A_165 = vector.broadcast %get3A_10 : vector<64x1xf32> to vector<64x1000xf32>
    %add3A_166 = arith.addf %dot_general3A_164, %add3A_165 : vector<64x1000xf32>
    %slice3A_167 = vector.extract_strided_slice %add3A_166 {offsets = [0, 0], sizes = [32, 1000], strides = [1, 1]} : vector<64x1000xf32> to vector<32x1000xf32>
    %tanh3A_168 = math.tanh %slice3A_167 : vector<32x1000xf32>
    %slice3A_169 = vector.extract_strided_slice %add3A_166 {offsets = [32, 0], sizes = [32, 1000], strides = [1, 1]} : vector<64x1000xf32> to vector<32x1000xf32>
    %logistic3A_170 = arith.negf %slice3A_169 : vector<32x1000xf32>
    %logistic3A_171 = math.exp %logistic3A_170 : vector<32x1000xf32>
    %logistic3A_172 = arith.constant 1.000000e+00 : f32
    %logistic3A_173 = vector.broadcast %logistic3A_172 : f32 to vector<32x1000xf32>
    %logistic3A_174 = arith.addf %logistic3A_173, %logistic3A_171 : vector<32x1000xf32>
    %logistic3A_175 = arith.divf %logistic3A_173, %logistic3A_174 : vector<32x1000xf32>
    %mul3A_176 = arith.mulf %tanh3A_168, %logistic3A_175 : vector<32x1000xf32>
    %swap3A_177 = arith.constant 0 : index
    %swap3A_178 = arith.constant 6 : index
    %swap3A_179 = arith.constant 0 : index
    %swap3A_180 = arith.constant 0 : index
    %swap3A_181 = vector.load %arg4[%swap3A_177, %swap3A_178, %swap3A_179, %swap3A_180] : memref<1x12x32x1000xf32, #tpu.memory_space<vmem>>, vector<1x1x32x1000xf32>
    %swap3A_182 = vector.shape_cast %swap3A_181 : vector<1x1x32x1000xf32> to vector<32x1000xf32>
    %swap3A_183 = vector.shape_cast %mul3A_176 : vector<32x1000xf32> to vector<1x1x32x1000xf32>
    tpu.vector_store %arg4[%swap3A_177, %swap3A_178, %swap3A_179, %swap3A_180], %swap3A_183 {strides = array<i32>} : memref<1x12x32x1000xf32, #tpu.memory_space<vmem>>, vector<1x1x32x1000xf32>,
    %slice3A_184 = vector.extract_strided_slice %get3A_4 {offsets = [7, 0, 0], sizes = [1, 32, 1000], strides = [1, 1, 1]} : vector<13x32x1000xf32> to vector<1x32x1000xf32>
    %squeeze3A_185 = vector.shape_cast %slice3A_184 : vector<1x32x1000xf32> to vector<32x1000xf32>
    %slice3A_186 = vector.extract_strided_slice %get3A_4 {offsets = [8, 0, 0], sizes = [1, 32, 1000], strides = [1, 1, 1]} : vector<13x32x1000xf32> to vector<1x32x1000xf32>
    %squeeze3A_187 = vector.shape_cast %slice3A_186 : vector<1x32x1000xf32> to vector<32x1000xf32>
    %concatenate3A_188 = tpu.concatenate %squeeze3A_185, %squeeze3A_187 in 0 : vector<32x1000xf32>, vector<32x1000xf32> -> vector<64x1000xf32>
    %dot_general3A_189 = arith.constant dense<0.000000e+00> : vector<64x1000xf32>
    %dot_general3A_190 = tpu.matmul %get3A_7, %concatenate3A_188, %dot_general3A_189 {dimension_numbers = #tpu.dot_dimension_numbers<[1], [0], [0], [1], [0, 0, 1, 1], [], []>, transpose_lhs_hint = false} : vector<64x64xf32>, vector<64x1000xf32>, vector<64x1000xf32> -> vector<64x1000xf32>
    %add3A_191 = vector.broadcast %get3A_10 : vector<64x1xf32> to vector<64x1000xf32>
    %add3A_192 = arith.addf %dot_general3A_190, %add3A_191 : vector<64x1000xf32>
    %slice3A_193 = vector.extract_strided_slice %add3A_192 {offsets = [0, 0], sizes = [32, 1000], strides = [1, 1]} : vector<64x1000xf32> to vector<32x1000xf32>
    %tanh3A_194 = math.tanh %slice3A_193 : vector<32x1000xf32>
    %slice3A_195 = vector.extract_strided_slice %add3A_192 {offsets = [32, 0], sizes = [32, 1000], strides = [1, 1]} : vector<64x1000xf32> to vector<32x1000xf32>
    %logistic3A_196 = arith.negf %slice3A_195 : vector<32x1000xf32>
    %logistic3A_197 = math.exp %logistic3A_196 : vector<32x1000xf32>
    %logistic3A_198 = arith.constant 1.000000e+00 : f32
    %logistic3A_199 = vector.broadcast %logistic3A_198 : f32 to vector<32x1000xf32>
    %logistic3A_200 = arith.addf %logistic3A_199, %logistic3A_197 : vector<32x1000xf32>
    %logistic3A_201 = arith.divf %logistic3A_199, %logistic3A_200 : vector<32x1000xf32>
    %mul3A_202 = arith.mulf %tanh3A_194, %logistic3A_201 : vector<32x1000xf32>
    %swap3A_203 = arith.constant 0 : index
    %swap3A_204 = arith.constant 7 : index
    %swap3A_205 = arith.constant 0 : index
    %swap3A_206 = arith.constant 0 : index
    %swap3A_207 = vector.load %arg4[%swap3A_203, %swap3A_204, %swap3A_205, %swap3A_206] : memref<1x12x32x1000xf32, #tpu.memory_space<vmem>>, vector<1x1x32x1000xf32>
    %swap3A_208 = vector.shape_cast %swap3A_207 : vector<1x1x32x1000xf32> to vector<32x1000xf32>
    %swap3A_209 = vector.shape_cast %mul3A_202 : vector<32x1000xf32> to vector<1x1x32x1000xf32>
    tpu.vector_store %arg4[%swap3A_203, %swap3A_204, %swap3A_205, %swap3A_206], %swap3A_209 {strides = array<i32>} : memref<1x12x32x1000xf32, #tpu.memory_space<vmem>>, vector<1x1x32x1000xf32>,
    %slice3A_210 = vector.extract_strided_slice %get3A_4 {offsets = [8, 0, 0], sizes = [1, 32, 1000], strides = [1, 1, 1]} : vector<13x32x1000xf32> to vector<1x32x1000xf32>
    %squeeze3A_211 = vector.shape_cast %slice3A_210 : vector<1x32x1000xf32> to vector<32x1000xf32>
    %slice3A_212 = vector.extract_strided_slice %get3A_4 {offsets = [9, 0, 0], sizes = [1, 32, 1000], strides = [1, 1, 1]} : vector<13x32x1000xf32> to vector<1x32x1000xf32>
    %squeeze3A_213 = vector.shape_cast %slice3A_212 : vector<1x32x1000xf32> to vector<32x1000xf32>
    %concatenate3A_214 = tpu.concatenate %squeeze3A_211, %squeeze3A_213 in 0 : vector<32x1000xf32>, vector<32x1000xf32> -> vector<64x1000xf32>
    %dot_general3A_215 = arith.constant dense<0.000000e+00> : vector<64x1000xf32>
    %dot_general3A_216 = tpu.matmul %get3A_7, %concatenate3A_214, %dot_general3A_215 {dimension_numbers = #tpu.dot_dimension_numbers<[1], [0], [0], [1], [0, 0, 1, 1], [], []>, transpose_lhs_hint = false} : vector<64x64xf32>, vector<64x1000xf32>, vector<64x1000xf32> -> vector<64x1000xf32>
    %add3A_217 = vector.broadcast %get3A_10 : vector<64x1xf32> to vector<64x1000xf32>
    %add3A_218 = arith.addf %dot_general3A_216, %add3A_217 : vector<64x1000xf32>
    %slice3A_219 = vector.extract_strided_slice %add3A_218 {offsets = [0, 0], sizes = [32, 1000], strides = [1, 1]} : vector<64x1000xf32> to vector<32x1000xf32>
    %tanh3A_220 = math.tanh %slice3A_219 : vector<32x1000xf32>
    %slice3A_221 = vector.extract_strided_slice %add3A_218 {offsets = [32, 0], sizes = [32, 1000], strides = [1, 1]} : vector<64x1000xf32> to vector<32x1000xf32>
    %logistic3A_222 = arith.negf %slice3A_221 : vector<32x1000xf32>
    %logistic3A_223 = math.exp %logistic3A_222 : vector<32x1000xf32>
    %logistic3A_224 = arith.constant 1.000000e+00 : f32
    %logistic3A_225 = vector.broadcast %logistic3A_224 : f32 to vector<32x1000xf32>
    %logistic3A_226 = arith.addf %logistic3A_225, %logistic3A_223 : vector<32x1000xf32>
    %logistic3A_227 = arith.divf %logistic3A_225, %logistic3A_226 : vector<32x1000xf32>
    %mul3A_228 = arith.mulf %tanh3A_220, %logistic3A_227 : vector<32x1000xf32>
    %swap3A_229 = arith.constant 0 : index
    %swap3A_230 = arith.constant 8 : index
    %swap3A_231 = arith.constant 0 : index
    %swap3A_232 = arith.constant 0 : index
    %swap3A_233 = vector.load %arg4[%swap3A_229, %swap3A_230, %swap3A_231, %swap3A_232] : memref<1x12x32x1000xf32, #tpu.memory_space<vmem>>, vector<1x1x32x1000xf32>
    %swap3A_234 = vector.shape_cast %swap3A_233 : vector<1x1x32x1000xf32> to vector<32x1000xf32>
    %swap3A_235 = vector.shape_cast %mul3A_228 : vector<32x1000xf32> to vector<1x1x32x1000xf32>
    tpu.vector_store %arg4[%swap3A_229, %swap3A_230, %swap3A_231, %swap3A_232], %swap3A_235 {strides = array<i32>} : memref<1x12x32x1000xf32, #tpu.memory_space<vmem>>, vector<1x1x32x1000xf32>,
    %slice3A_236 = vector.extract_strided_slice %get3A_4 {offsets = [9, 0, 0], sizes = [1, 32, 1000], strides = [1, 1, 1]} : vector<13x32x1000xf32> to vector<1x32x1000xf32>
    %squeeze3A_237 = vector.shape_cast %slice3A_236 : vector<1x32x1000xf32> to vector<32x1000xf32>
    %slice3A_238 = vector.extract_strided_slice %get3A_4 {offsets = [10, 0, 0], sizes = [1, 32, 1000], strides = [1, 1, 1]} : vector<13x32x1000xf32> to vector<1x32x1000xf32>
    %squeeze3A_239 = vector.shape_cast %slice3A_238 : vector<1x32x1000xf32> to vector<32x1000xf32>
    %concatenate3A_240 = tpu.concatenate %squeeze3A_237, %squeeze3A_239 in 0 : vector<32x1000xf32>, vector<32x1000xf32> -> vector<64x1000xf32>
    %dot_general3A_241 = arith.constant dense<0.000000e+00> : vector<64x1000xf32>
    %dot_general3A_242 = tpu.matmul %get3A_7, %concatenate3A_240, %dot_general3A_241 {dimension_numbers = #tpu.dot_dimension_numbers<[1], [0], [0], [1], [0, 0, 1, 1], [], []>, transpose_lhs_hint = false} : vector<64x64xf32>, vector<64x1000xf32>, vector<64x1000xf32> -> vector<64x1000xf32>
    %add3A_243 = vector.broadcast %get3A_10 : vector<64x1xf32> to vector<64x1000xf32>
    %add3A_244 = arith.addf %dot_general3A_242, %add3A_243 : vector<64x1000xf32>
    %slice3A_245 = vector.extract_strided_slice %add3A_244 {offsets = [0, 0], sizes = [32, 1000], strides = [1, 1]} : vector<64x1000xf32> to vector<32x1000xf32>
    %tanh3A_246 = math.tanh %slice3A_245 : vector<32x1000xf32>
    %slice3A_247 = vector.extract_strided_slice %add3A_244 {offsets = [32, 0], sizes = [32, 1000], strides = [1, 1]} : vector<64x1000xf32> to vector<32x1000xf32>
    %logistic3A_248 = arith.negf %slice3A_247 : vector<32x1000xf32>
    %logistic3A_249 = math.exp %logistic3A_248 : vector<32x1000xf32>
    %logistic3A_250 = arith.constant 1.000000e+00 : f32
    %logistic3A_251 = vector.broadcast %logistic3A_250 : f32 to vector<32x1000xf32>
    %logistic3A_252 = arith.addf %logistic3A_251, %logistic3A_249 : vector<32x1000xf32>
    %logistic3A_253 = arith.divf %logistic3A_251, %logistic3A_252 : vector<32x1000xf32>
    %mul3A_254 = arith.mulf %tanh3A_246, %logistic3A_253 : vector<32x1000xf32>
    %swap3A_255 = arith.constant 0 : index
    %swap3A_256 = arith.constant 9 : index
    %swap3A_257 = arith.constant 0 : index
    %swap3A_258 = arith.constant 0 : index
    %swap3A_259 = vector.load %arg4[%swap3A_255, %swap3A_256, %swap3A_257, %swap3A_258] : memref<1x12x32x1000xf32, #tpu.memory_space<vmem>>, vector<1x1x32x1000xf32>
    %swap3A_260 = vector.shape_cast %swap3A_259 : vector<1x1x32x1000xf32> to vector<32x1000xf32>
    %swap3A_261 = vector.shape_cast %mul3A_254 : vector<32x1000xf32> to vector<1x1x32x1000xf32>
    tpu.vector_store %arg4[%swap3A_255, %swap3A_256, %swap3A_257, %swap3A_258], %swap3A_261 {strides = array<i32>} : memref<1x12x32x1000xf32, #tpu.memory_space<vmem>>, vector<1x1x32x1000xf32>,
    %slice3A_262 = vector.extract_strided_slice %get3A_4 {offsets = [10, 0, 0], sizes = [1, 32, 1000], strides = [1, 1, 1]} : vector<13x32x1000xf32> to vector<1x32x1000xf32>
    %squeeze3A_263 = vector.shape_cast %slice3A_262 : vector<1x32x1000xf32> to vector<32x1000xf32>
    %slice3A_264 = vector.extract_strided_slice %get3A_4 {offsets = [11, 0, 0], sizes = [1, 32, 1000], strides = [1, 1, 1]} : vector<13x32x1000xf32> to vector<1x32x1000xf32>
    %squeeze3A_265 = vector.shape_cast %slice3A_264 : vector<1x32x1000xf32> to vector<32x1000xf32>
    %concatenate3A_266 = tpu.concatenate %squeeze3A_263, %squeeze3A_265 in 0 : vector<32x1000xf32>, vector<32x1000xf32> -> vector<64x1000xf32>
    %dot_general3A_267 = arith.constant dense<0.000000e+00> : vector<64x1000xf32>
    %dot_general3A_268 = tpu.matmul %get3A_7, %concatenate3A_266, %dot_general3A_267 {dimension_numbers = #tpu.dot_dimension_numbers<[1], [0], [0], [1], [0, 0, 1, 1], [], []>, transpose_lhs_hint = false} : vector<64x64xf32>, vector<64x1000xf32>, vector<64x1000xf32> -> vector<64x1000xf32>
    %add3A_269 = vector.broadcast %get3A_10 : vector<64x1xf32> to vector<64x1000xf32>
    %add3A_270 = arith.addf %dot_general3A_268, %add3A_269 : vector<64x1000xf32>
    %slice3A_271 = vector.extract_strided_slice %add3A_270 {offsets = [0, 0], sizes = [32, 1000], strides = [1, 1]} : vector<64x1000xf32> to vector<32x1000xf32>
    %tanh3A_272 = math.tanh %slice3A_271 : vector<32x1000xf32>
    %slice3A_273 = vector.extract_strided_slice %add3A_270 {offsets = [32, 0], sizes = [32, 1000], strides = [1, 1]} : vector<64x1000xf32> to vector<32x1000xf32>
    %logistic3A_274 = arith.negf %slice3A_273 : vector<32x1000xf32>
    %logistic3A_275 = math.exp %logistic3A_274 : vector<32x1000xf32>
    %logistic3A_276 = arith.constant 1.000000e+00 : f32
    %logistic3A_277 = vector.broadcast %logistic3A_276 : f32 to vector<32x1000xf32>
    %logistic3A_278 = arith.addf %logistic3A_277, %logistic3A_275 : vector<32x1000xf32>
    %logistic3A_279 = arith.divf %logistic3A_277, %logistic3A_278 : vector<32x1000xf32>
    %mul3A_280 = arith.mulf %tanh3A_272, %logistic3A_279 : vector<32x1000xf32>
    %swap3A_281 = arith.constant 0 : index
    %swap3A_282 = arith.constant 10 : index
    %swap3A_283 = arith.constant 0 : index
    %swap3A_284 = arith.constant 0 : index
    %swap3A_285 = vector.load %arg4[%swap3A_281, %swap3A_282, %swap3A_283, %swap3A_284] : memref<1x12x32x1000xf32, #tpu.memory_space<vmem>>, vector<1x1x32x1000xf32>
    %swap3A_286 = vector.shape_cast %swap3A_285 : vector<1x1x32x1000xf32> to vector<32x1000xf32>
    %swap3A_287 = vector.shape_cast %mul3A_280 : vector<32x1000xf32> to vector<1x1x32x1000xf32>
    tpu.vector_store %arg4[%swap3A_281, %swap3A_282, %swap3A_283, %swap3A_284], %swap3A_287 {strides = array<i32>} : memref<1x12x32x1000xf32, #tpu.memory_space<vmem>>, vector<1x1x32x1000xf32>,
    %slice3A_288 = vector.extract_strided_slice %get3A_4 {offsets = [11, 0, 0], sizes = [1, 32, 1000], strides = [1, 1, 1]} : vector<13x32x1000xf32> to vector<1x32x1000xf32>
    %squeeze3A_289 = vector.shape_cast %slice3A_288 : vector<1x32x1000xf32> to vector<32x1000xf32>
    %slice3A_290 = vector.extract_strided_slice %get3A_4 {offsets = [12, 0, 0], sizes = [1, 32, 1000], strides = [1, 1, 1]} : vector<13x32x1000xf32> to vector<1x32x1000xf32>
    %squeeze3A_291 = vector.shape_cast %slice3A_290 : vector<1x32x1000xf32> to vector<32x1000xf32>
    %concatenate3A_292 = tpu.concatenate %squeeze3A_289, %squeeze3A_291 in 0 : vector<32x1000xf32>, vector<32x1000xf32> -> vector<64x1000xf32>
    %dot_general3A_293 = arith.constant dense<0.000000e+00> : vector<64x1000xf32>
    %dot_general3A_294 = tpu.matmul %get3A_7, %concatenate3A_292, %dot_general3A_293 {dimension_numbers = #tpu.dot_dimension_numbers<[1], [0], [0], [1], [0, 0, 1, 1], [], []>, transpose_lhs_hint = false} : vector<64x64xf32>, vector<64x1000xf32>, vector<64x1000xf32> -> vector<64x1000xf32>
    %add3A_295 = vector.broadcast %get3A_10 : vector<64x1xf32> to vector<64x1000xf32>
    %add3A_296 = arith.addf %dot_general3A_294, %add3A_295 : vector<64x1000xf32>
    %slice3A_297 = vector.extract_strided_slice %add3A_296 {offsets = [0, 0], sizes = [32, 1000], strides = [1, 1]} : vector<64x1000xf32> to vector<32x1000xf32>
    %tanh3A_298 = math.tanh %slice3A_297 : vector<32x1000xf32>
    %slice3A_299 = vector.extract_strided_slice %add3A_296 {offsets = [32, 0], sizes = [32, 1000], strides = [1, 1]} : vector<64x1000xf32> to vector<32x1000xf32>
    %logistic3A_300 = arith.negf %slice3A_299 : vector<32x1000xf32>
    %logistic3A_301 = math.exp %logistic3A_300 : vector<32x1000xf32>
    %logistic3A_302 = arith.constant 1.000000e+00 : f32
    %logistic3A_303 = vector.broadcast %logistic3A_302 : f32 to vector<32x1000xf32>
    %logistic3A_304 = arith.addf %logistic3A_303, %logistic3A_301 : vector<32x1000xf32>
    %logistic3A_305 = arith.divf %logistic3A_303, %logistic3A_304 : vector<32x1000xf32>
    %mul3A_306 = arith.mulf %tanh3A_298, %logistic3A_305 : vector<32x1000xf32>
    %swap3A_307 = arith.constant 0 : index
    %swap3A_308 = arith.constant 11 : index
    %swap3A_309 = arith.constant 0 : index
    %swap3A_310 = arith.constant 0 : index
    %swap3A_311 = vector.load %arg4[%swap3A_307, %swap3A_308, %swap3A_309, %swap3A_310] : memref<1x12x32x1000xf32, #tpu.memory_space<vmem>>, vector<1x1x32x1000xf32>
    %swap3A_312 = vector.shape_cast %swap3A_311 : vector<1x1x32x1000xf32> to vector<32x1000xf32>
    %swap3A_313 = vector.shape_cast %mul3A_306 : vector<32x1000xf32> to vector<1x1x32x1000xf32>
    tpu.vector_store %arg4[%swap3A_307, %swap3A_308, %swap3A_309, %swap3A_310], %swap3A_313 {strides = array<i32>} : memref<1x12x32x1000xf32, #tpu.memory_space<vmem>>, vector<1x1x32x1000xf32>,
    return
  }
  func.func @transform_0(%arg0: i32) -> (i32, i32, i32, i32) {
    %c0_i32 = arith.constant 0 : i32
    %c0_i32_0 = arith.constant 0 : i32
    %c0_i32_1 = arith.constant 0 : i32
    %c0_i32_2 = arith.constant 0 : i32
    return %arg0, %c0_i32, %c0_i32_0, %c0_i32_1 : i32, i32, i32, i32
  }
  func.func @transform_1(%arg0: i32) -> (i32, i32) {
    %c0_i32 = arith.constant 0 : i32
    %c0_i32_0 = arith.constant 0 : i32
    %c0_i32_1 = arith.constant 0 : i32
    return %c0_i32, %c0_i32_0 : i32, i32
  }
  func.func @transform_2(%arg0: i32) -> (i32, i32) {
    %c0_i32 = arith.constant 0 : i32
    %c0_i32_0 = arith.constant 0 : i32
    %c0_i32_1 = arith.constant 0 : i32
    return %c0_i32, %c0_i32_0 : i32, i32
  }
  func.func @transform_3(%arg0: i32) -> (i32, i32, i32, i32) {
    %c0_i32 = arith.constant 0 : i32
    %c0_i32_0 = arith.constant 0 : i32
    %c0_i32_1 = arith.constant 0 : i32
    %c0_i32_2 = arith.constant 0 : i32
    return %arg0, %c0_i32, %c0_i32_0, %c0_i32_1 : i32, i32, i32, i32
  }
}

module attributes {stable_mosaic.version = 14 : i64} {
  func.func @_gcn_body(%arg0: i32, %arg1: memref<2x1024x1024xf32, #tpu.memory_space<vmem>>, %arg2: memref<8x32x1000xf32, #tpu.memory_space<vmem>>, %arg3: memref<64x32xf32, #tpu.memory_space<vmem>>, %arg4: memref<64x1xf32, #tpu.memory_space<vmem>>, %arg5: memref<8x64x1000xf32, #tpu.memory_space<vmem>>, %arg6: memref<1000x1024xbf16, #tpu.memory_space<vmem>>, %arg7: memref<1x1024xf32, #tpu.memory_space<vmem>>) attributes {dimension_semantics = [#tpu.dimension_semantics<arbitrary>], iteration_bounds = array<i64: 12>, scalar_prefetch = 0 : i64, scratch_operands = 2 : i64, tpu.core_type = #tpu.core_type<tc>, window_params = [{pipeline_mode = #tpu.pipeline_mode<synchronous>, transform_indices = @transform_0, window_bounds = array<i64: 2, 1024, 1024>}, {transform_indices = @transform_1, window_bounds = array<i64: 8, 32, 1000>}, {pipeline_mode = #tpu.pipeline_mode<synchronous>, transform_indices = @transform_2, window_bounds = array<i64: 64, 32>}, {pipeline_mode = #tpu.pipeline_mode<synchronous>, transform_indices = @transform_3, window_bounds = array<i64: 64, 1>}, {transform_indices = @transform_4, window_bounds = array<i64: 8, 64, 1000>}]} {
    %eq3A = arith.constant 0 : i32
    %eq3A_0 = arith.cmpi eq, %arg0, %eq3A : i32
    %convert_element_type3A = arith.extui %eq3A_0 : i1 to i32
    %cond3A = arith.constant 0 : i32
    %cond3A_1 = arith.cmpi ne, %convert_element_type3A, %cond3A : i32
    scf.if %cond3A_1 {
      %get3A_110 = arith.constant 0 : index
      %get3A_111 = arith.constant 0 : index
      %get3A_112 = arith.constant 0 : index
      %get3A_113 = vector.load %arg1[%get3A_110, %get3A_111, %get3A_112] : memref<2x1024x1024xf32, #tpu.memory_space<vmem>>, vector<1x1024x1024xf32>
      %get3A_114 = vector.shape_cast %get3A_113 : vector<1x1024x1024xf32> to vector<1024x1024xf32>
      %get3A_115 = arith.constant 1 : index
      %get3A_116 = arith.constant 0 : index
      %get3A_117 = arith.constant 0 : index
      %get3A_118 = vector.load %arg1[%get3A_115, %get3A_116, %get3A_117] : memref<2x1024x1024xf32, #tpu.memory_space<vmem>>, vector<1x1024x1024xf32>
      %get3A_119 = vector.shape_cast %get3A_118 : vector<1x1024x1024xf32> to vector<1024x1024xf32>
      %add3A_120 = arith.addf %get3A_114, %get3A_119 : vector<1024x1024xf32>
      %slice3A_121 = vector.extract_strided_slice %add3A_120 {offsets = [0, 0], sizes = [1000, 1024], strides = [1, 1]} : vector<1024x1024xf32> to vector<1000x1024xf32>
      %convert_element_type3A_122 = arith.truncf %slice3A_121 : vector<1000x1024xf32> to vector<1000x1024xbf16>
      %swap3A_123 = arith.constant 0 : index
      %swap3A_124 = arith.constant 0 : index
      %swap3A_125 = vector.load %arg6[%swap3A_123, %swap3A_124] : memref<1000x1024xbf16, #tpu.memory_space<vmem>>, vector<1000x1024xbf16>
      tpu.vector_store %arg6[%swap3A_123, %swap3A_124], %convert_element_type3A_122 {strides = array<i32>} : memref<1000x1024xbf16, #tpu.memory_space<vmem>>, vector<1000x1024xbf16>,
      %reduce_sum3A = arith.constant dense<0.000000e+00> : vector<1024xf32>
      %reduce_sum3A_126 = vector.multi_reduction <add>, %add3A_120, %reduce_sum3A [0] : vector<1024x1024xf32> to vector<1024xf32>
      %broadcast_in_dim3A = vector.shape_cast %reduce_sum3A_126 : vector<1024xf32> to vector<1x1024xf32>
      %add3A_127 = arith.constant 1.000000e+00 : f32
      %add3A_128 = vector.broadcast %add3A_127 : f32 to vector<1x1024xf32>
      %add3A_129 = arith.addf %broadcast_in_dim3A, %add3A_128 : vector<1x1024xf32>
      %gt3A = arith.constant 0.000000e+00 : f32
      %gt3A_130 = vector.broadcast %gt3A : f32 to vector<1x1024xf32>
      %gt3A_131 = arith.cmpf ogt, %add3A_129, %gt3A_130 : vector<1x1024xf32>
      %rsqrt3A = math.rsqrt %add3A_129 : vector<1x1024xf32>
      %jit3A = arith.constant 0.000000e+00 : f32
      %broadcast_in_dim3A_132 = vector.broadcast %jit3A : f32 to vector<1x1024xf32>
      %select_n3A = arith.select %gt3A_131, %rsqrt3A, %broadcast_in_dim3A_132 : vector<1x1024xi1>, vector<1x1024xf32>
      %swap3A_133 = arith.constant 0 : index
      %swap3A_134 = arith.constant 0 : index
      %swap3A_135 = vector.load %arg7[%swap3A_133, %swap3A_134] : memref<1x1024xf32, #tpu.memory_space<vmem>>, vector<1x1024xf32>
      tpu.vector_store %arg7[%swap3A_133, %swap3A_134], %select_n3A {strides = array<i32>} : memref<1x1024xf32, #tpu.memory_space<vmem>>, vector<1x1024xf32>,
    } else {
    }
    %get3A = arith.constant 0 : index
    %get3A_2 = arith.constant 0 : index
    %get3A_3 = vector.load %arg7[%get3A, %get3A_2] : memref<1x1024xf32, #tpu.memory_space<vmem>>, vector<1x1024xf32>
    %slice3A = vector.extract_strided_slice %get3A_3 {offsets = [0, 0], sizes = [1, 1000], strides = [1, 1]} : vector<1x1024xf32> to vector<1x1000xf32>
    %get3A_4 = arith.constant 0 : index
    %get3A_5 = arith.constant 0 : index
    %get3A_6 = arith.constant 0 : index
    %get3A_7 = vector.load %arg2[%get3A_4, %get3A_5, %get3A_6] : memref<8x32x1000xf32, #tpu.memory_space<vmem>>, vector<8x32x1000xf32>
    %reshape3A = vector.shape_cast %get3A_7 : vector<8x32x1000xf32> to vector<256x1000xf32>
    %mul3A = vector.broadcast %slice3A : vector<1x1000xf32> to vector<256x1000xf32>
    %mul3A_8 = arith.mulf %reshape3A, %mul3A : vector<256x1000xf32>
    %convert_element_type3A_9 = arith.truncf %mul3A_8 : vector<256x1000xf32> to vector<256x1000xbf16>
    %get3A_10 = arith.constant 0 : index
    %get3A_11 = arith.constant 0 : index
    %get3A_12 = vector.load %arg6[%get3A_10, %get3A_11] : memref<1000x1024xbf16, #tpu.memory_space<vmem>>, vector<1000x1024xbf16>
    %dot_general3A = arith.constant dense<0.000000e+00> : vector<256x1024xf32>
    %dot_general3A_13 = tpu.matmul %convert_element_type3A_9, %get3A_12, %dot_general3A {dimension_numbers = #tpu.dot_dimension_numbers<[1], [0], [0], [1], [0, 0, 1, 1], [], []>, transpose_lhs_hint = false} : vector<256x1000xbf16>, vector<1000x1024xbf16>, vector<256x1024xf32> -> vector<256x1024xf32>
    %slice3A_14 = vector.extract_strided_slice %dot_general3A_13 {offsets = [0, 0], sizes = [256, 1000], strides = [1, 1]} : vector<256x1024xf32> to vector<256x1000xf32>
    %add3A = arith.addf %slice3A_14, %mul3A_8 : vector<256x1000xf32>
    %mul3A_15 = vector.broadcast %slice3A : vector<1x1000xf32> to vector<256x1000xf32>
    %mul3A_16 = arith.mulf %add3A, %mul3A_15 : vector<256x1000xf32>
    %get3A_17 = arith.constant 0 : index
    %get3A_18 = arith.constant 0 : index
    %get3A_19 = vector.load %arg3[%get3A_17, %get3A_18] : memref<64x32xf32, #tpu.memory_space<vmem>>, vector<64x32xf32>
    %get3A_20 = arith.constant 0 : index
    %get3A_21 = arith.constant 0 : index
    %get3A_22 = vector.load %arg4[%get3A_20, %get3A_21] : memref<64x1xf32, #tpu.memory_space<vmem>>, vector<64x1xf32>
    %slice3A_23 = vector.extract_strided_slice %mul3A_16 {offsets = [0, 0], sizes = [32, 1000], strides = [1, 1]} : vector<256x1000xf32> to vector<32x1000xf32>
    %dot_general3A_24 = arith.constant dense<0.000000e+00> : vector<64x1000xf32>
    %dot_general3A_25 = tpu.matmul %get3A_19, %slice3A_23, %dot_general3A_24 {dimension_numbers = #tpu.dot_dimension_numbers<[1], [0], [0], [1], [0, 0, 1, 1], [], []>, transpose_lhs_hint = false} : vector<64x32xf32>, vector<32x1000xf32>, vector<64x1000xf32> -> vector<64x1000xf32>
    %add3A_26 = vector.broadcast %get3A_22 : vector<64x1xf32> to vector<64x1000xf32>
    %add3A_27 = arith.addf %dot_general3A_25, %add3A_26 : vector<64x1000xf32>
    %swap3A = arith.constant 0 : index
    %swap3A_28 = arith.constant 0 : index
    %swap3A_29 = arith.constant 0 : index
    %swap3A_30 = vector.load %arg5[%swap3A, %swap3A_28, %swap3A_29] : memref<8x64x1000xf32, #tpu.memory_space<vmem>>, vector<1x64x1000xf32>
    %swap3A_31 = vector.shape_cast %swap3A_30 : vector<1x64x1000xf32> to vector<64x1000xf32>
    %swap3A_32 = vector.shape_cast %add3A_27 : vector<64x1000xf32> to vector<1x64x1000xf32>
    tpu.vector_store %arg5[%swap3A, %swap3A_28, %swap3A_29], %swap3A_32 {strides = array<i32>} : memref<8x64x1000xf32, #tpu.memory_space<vmem>>, vector<1x64x1000xf32>,
    %slice3A_33 = vector.extract_strided_slice %mul3A_16 {offsets = [32, 0], sizes = [32, 1000], strides = [1, 1]} : vector<256x1000xf32> to vector<32x1000xf32>
    %dot_general3A_34 = arith.constant dense<0.000000e+00> : vector<64x1000xf32>
    %dot_general3A_35 = tpu.matmul %get3A_19, %slice3A_33, %dot_general3A_34 {dimension_numbers = #tpu.dot_dimension_numbers<[1], [0], [0], [1], [0, 0, 1, 1], [], []>, transpose_lhs_hint = false} : vector<64x32xf32>, vector<32x1000xf32>, vector<64x1000xf32> -> vector<64x1000xf32>
    %add3A_36 = vector.broadcast %get3A_22 : vector<64x1xf32> to vector<64x1000xf32>
    %add3A_37 = arith.addf %dot_general3A_35, %add3A_36 : vector<64x1000xf32>
    %swap3A_38 = arith.constant 1 : index
    %swap3A_39 = arith.constant 0 : index
    %swap3A_40 = arith.constant 0 : index
    %swap3A_41 = vector.load %arg5[%swap3A_38, %swap3A_39, %swap3A_40] : memref<8x64x1000xf32, #tpu.memory_space<vmem>>, vector<1x64x1000xf32>
    %swap3A_42 = vector.shape_cast %swap3A_41 : vector<1x64x1000xf32> to vector<64x1000xf32>
    %swap3A_43 = vector.shape_cast %add3A_37 : vector<64x1000xf32> to vector<1x64x1000xf32>
    tpu.vector_store %arg5[%swap3A_38, %swap3A_39, %swap3A_40], %swap3A_43 {strides = array<i32>} : memref<8x64x1000xf32, #tpu.memory_space<vmem>>, vector<1x64x1000xf32>,
    %slice3A_44 = vector.extract_strided_slice %mul3A_16 {offsets = [64, 0], sizes = [32, 1000], strides = [1, 1]} : vector<256x1000xf32> to vector<32x1000xf32>
    %dot_general3A_45 = arith.constant dense<0.000000e+00> : vector<64x1000xf32>
    %dot_general3A_46 = tpu.matmul %get3A_19, %slice3A_44, %dot_general3A_45 {dimension_numbers = #tpu.dot_dimension_numbers<[1], [0], [0], [1], [0, 0, 1, 1], [], []>, transpose_lhs_hint = false} : vector<64x32xf32>, vector<32x1000xf32>, vector<64x1000xf32> -> vector<64x1000xf32>
    %add3A_47 = vector.broadcast %get3A_22 : vector<64x1xf32> to vector<64x1000xf32>
    %add3A_48 = arith.addf %dot_general3A_46, %add3A_47 : vector<64x1000xf32>
    %swap3A_49 = arith.constant 2 : index
    %swap3A_50 = arith.constant 0 : index
    %swap3A_51 = arith.constant 0 : index
    %swap3A_52 = vector.load %arg5[%swap3A_49, %swap3A_50, %swap3A_51] : memref<8x64x1000xf32, #tpu.memory_space<vmem>>, vector<1x64x1000xf32>
    %swap3A_53 = vector.shape_cast %swap3A_52 : vector<1x64x1000xf32> to vector<64x1000xf32>
    %swap3A_54 = vector.shape_cast %add3A_48 : vector<64x1000xf32> to vector<1x64x1000xf32>
    tpu.vector_store %arg5[%swap3A_49, %swap3A_50, %swap3A_51], %swap3A_54 {strides = array<i32>} : memref<8x64x1000xf32, #tpu.memory_space<vmem>>, vector<1x64x1000xf32>,
    %slice3A_55 = vector.extract_strided_slice %mul3A_16 {offsets = [96, 0], sizes = [32, 1000], strides = [1, 1]} : vector<256x1000xf32> to vector<32x1000xf32>
    %dot_general3A_56 = arith.constant dense<0.000000e+00> : vector<64x1000xf32>
    %dot_general3A_57 = tpu.matmul %get3A_19, %slice3A_55, %dot_general3A_56 {dimension_numbers = #tpu.dot_dimension_numbers<[1], [0], [0], [1], [0, 0, 1, 1], [], []>, transpose_lhs_hint = false} : vector<64x32xf32>, vector<32x1000xf32>, vector<64x1000xf32> -> vector<64x1000xf32>
    %add3A_58 = vector.broadcast %get3A_22 : vector<64x1xf32> to vector<64x1000xf32>
    %add3A_59 = arith.addf %dot_general3A_57, %add3A_58 : vector<64x1000xf32>
    %swap3A_60 = arith.constant 3 : index
    %swap3A_61 = arith.constant 0 : index
    %swap3A_62 = arith.constant 0 : index
    %swap3A_63 = vector.load %arg5[%swap3A_60, %swap3A_61, %swap3A_62] : memref<8x64x1000xf32, #tpu.memory_space<vmem>>, vector<1x64x1000xf32>
    %swap3A_64 = vector.shape_cast %swap3A_63 : vector<1x64x1000xf32> to vector<64x1000xf32>
    %swap3A_65 = vector.shape_cast %add3A_59 : vector<64x1000xf32> to vector<1x64x1000xf32>
    tpu.vector_store %arg5[%swap3A_60, %swap3A_61, %swap3A_62], %swap3A_65 {strides = array<i32>} : memref<8x64x1000xf32, #tpu.memory_space<vmem>>, vector<1x64x1000xf32>,
    %slice3A_66 = vector.extract_strided_slice %mul3A_16 {offsets = [128, 0], sizes = [32, 1000], strides = [1, 1]} : vector<256x1000xf32> to vector<32x1000xf32>
    %dot_general3A_67 = arith.constant dense<0.000000e+00> : vector<64x1000xf32>
    %dot_general3A_68 = tpu.matmul %get3A_19, %slice3A_66, %dot_general3A_67 {dimension_numbers = #tpu.dot_dimension_numbers<[1], [0], [0], [1], [0, 0, 1, 1], [], []>, transpose_lhs_hint = false} : vector<64x32xf32>, vector<32x1000xf32>, vector<64x1000xf32> -> vector<64x1000xf32>
    %add3A_69 = vector.broadcast %get3A_22 : vector<64x1xf32> to vector<64x1000xf32>
    %add3A_70 = arith.addf %dot_general3A_68, %add3A_69 : vector<64x1000xf32>
    %swap3A_71 = arith.constant 4 : index
    %swap3A_72 = arith.constant 0 : index
    %swap3A_73 = arith.constant 0 : index
    %swap3A_74 = vector.load %arg5[%swap3A_71, %swap3A_72, %swap3A_73] : memref<8x64x1000xf32, #tpu.memory_space<vmem>>, vector<1x64x1000xf32>
    %swap3A_75 = vector.shape_cast %swap3A_74 : vector<1x64x1000xf32> to vector<64x1000xf32>
    %swap3A_76 = vector.shape_cast %add3A_70 : vector<64x1000xf32> to vector<1x64x1000xf32>
    tpu.vector_store %arg5[%swap3A_71, %swap3A_72, %swap3A_73], %swap3A_76 {strides = array<i32>} : memref<8x64x1000xf32, #tpu.memory_space<vmem>>, vector<1x64x1000xf32>,
    %slice3A_77 = vector.extract_strided_slice %mul3A_16 {offsets = [160, 0], sizes = [32, 1000], strides = [1, 1]} : vector<256x1000xf32> to vector<32x1000xf32>
    %dot_general3A_78 = arith.constant dense<0.000000e+00> : vector<64x1000xf32>
    %dot_general3A_79 = tpu.matmul %get3A_19, %slice3A_77, %dot_general3A_78 {dimension_numbers = #tpu.dot_dimension_numbers<[1], [0], [0], [1], [0, 0, 1, 1], [], []>, transpose_lhs_hint = false} : vector<64x32xf32>, vector<32x1000xf32>, vector<64x1000xf32> -> vector<64x1000xf32>
    %add3A_80 = vector.broadcast %get3A_22 : vector<64x1xf32> to vector<64x1000xf32>
    %add3A_81 = arith.addf %dot_general3A_79, %add3A_80 : vector<64x1000xf32>
    %swap3A_82 = arith.constant 5 : index
    %swap3A_83 = arith.constant 0 : index
    %swap3A_84 = arith.constant 0 : index
    %swap3A_85 = vector.load %arg5[%swap3A_82, %swap3A_83, %swap3A_84] : memref<8x64x1000xf32, #tpu.memory_space<vmem>>, vector<1x64x1000xf32>
    %swap3A_86 = vector.shape_cast %swap3A_85 : vector<1x64x1000xf32> to vector<64x1000xf32>
    %swap3A_87 = vector.shape_cast %add3A_81 : vector<64x1000xf32> to vector<1x64x1000xf32>
    tpu.vector_store %arg5[%swap3A_82, %swap3A_83, %swap3A_84], %swap3A_87 {strides = array<i32>} : memref<8x64x1000xf32, #tpu.memory_space<vmem>>, vector<1x64x1000xf32>,
    %slice3A_88 = vector.extract_strided_slice %mul3A_16 {offsets = [192, 0], sizes = [32, 1000], strides = [1, 1]} : vector<256x1000xf32> to vector<32x1000xf32>
    %dot_general3A_89 = arith.constant dense<0.000000e+00> : vector<64x1000xf32>
    %dot_general3A_90 = tpu.matmul %get3A_19, %slice3A_88, %dot_general3A_89 {dimension_numbers = #tpu.dot_dimension_numbers<[1], [0], [0], [1], [0, 0, 1, 1], [], []>, transpose_lhs_hint = false} : vector<64x32xf32>, vector<32x1000xf32>, vector<64x1000xf32> -> vector<64x1000xf32>
    %add3A_91 = vector.broadcast %get3A_22 : vector<64x1xf32> to vector<64x1000xf32>
    %add3A_92 = arith.addf %dot_general3A_90, %add3A_91 : vector<64x1000xf32>
    %swap3A_93 = arith.constant 6 : index
    %swap3A_94 = arith.constant 0 : index
    %swap3A_95 = arith.constant 0 : index
    %swap3A_96 = vector.load %arg5[%swap3A_93, %swap3A_94, %swap3A_95] : memref<8x64x1000xf32, #tpu.memory_space<vmem>>, vector<1x64x1000xf32>
    %swap3A_97 = vector.shape_cast %swap3A_96 : vector<1x64x1000xf32> to vector<64x1000xf32>
    %swap3A_98 = vector.shape_cast %add3A_92 : vector<64x1000xf32> to vector<1x64x1000xf32>
    tpu.vector_store %arg5[%swap3A_93, %swap3A_94, %swap3A_95], %swap3A_98 {strides = array<i32>} : memref<8x64x1000xf32, #tpu.memory_space<vmem>>, vector<1x64x1000xf32>,
    %slice3A_99 = vector.extract_strided_slice %mul3A_16 {offsets = [224, 0], sizes = [32, 1000], strides = [1, 1]} : vector<256x1000xf32> to vector<32x1000xf32>
    %dot_general3A_100 = arith.constant dense<0.000000e+00> : vector<64x1000xf32>
    %dot_general3A_101 = tpu.matmul %get3A_19, %slice3A_99, %dot_general3A_100 {dimension_numbers = #tpu.dot_dimension_numbers<[1], [0], [0], [1], [0, 0, 1, 1], [], []>, transpose_lhs_hint = false} : vector<64x32xf32>, vector<32x1000xf32>, vector<64x1000xf32> -> vector<64x1000xf32>
    %add3A_102 = vector.broadcast %get3A_22 : vector<64x1xf32> to vector<64x1000xf32>
    %add3A_103 = arith.addf %dot_general3A_101, %add3A_102 : vector<64x1000xf32>
    %swap3A_104 = arith.constant 7 : index
    %swap3A_105 = arith.constant 0 : index
    %swap3A_106 = arith.constant 0 : index
    %swap3A_107 = vector.load %arg5[%swap3A_104, %swap3A_105, %swap3A_106] : memref<8x64x1000xf32, #tpu.memory_space<vmem>>, vector<1x64x1000xf32>
    %swap3A_108 = vector.shape_cast %swap3A_107 : vector<1x64x1000xf32> to vector<64x1000xf32>
    %swap3A_109 = vector.shape_cast %add3A_103 : vector<64x1000xf32> to vector<1x64x1000xf32>
    tpu.vector_store %arg5[%swap3A_104, %swap3A_105, %swap3A_106], %swap3A_109 {strides = array<i32>} : memref<8x64x1000xf32, #tpu.memory_space<vmem>>, vector<1x64x1000xf32>,
    return
  }
  func.func @transform_0(%arg0: i32) -> (i32, i32, i32) {
    %c0_i32 = arith.constant 0 : i32
    %c0_i32_0 = arith.constant 0 : i32
    %c0_i32_1 = arith.constant 0 : i32
    %c0_i32_2 = arith.constant 0 : i32
    return %c0_i32, %c0_i32_0, %c0_i32_1 : i32, i32, i32
  }
  func.func @transform_1(%arg0: i32) -> (i32, i32, i32) {
    %c0_i32 = arith.constant 0 : i32
    %c0_i32_0 = arith.constant 0 : i32
    %c0_i32_1 = arith.constant 0 : i32
    return %arg0, %c0_i32, %c0_i32_0 : i32, i32, i32
  }
  func.func @transform_2(%arg0: i32) -> (i32, i32) {
    %c0_i32 = arith.constant 0 : i32
    %c0_i32_0 = arith.constant 0 : i32
    %c0_i32_1 = arith.constant 0 : i32
    return %c0_i32, %c0_i32_0 : i32, i32
  }
  func.func @transform_3(%arg0: i32) -> (i32, i32) {
    %c0_i32 = arith.constant 0 : i32
    %c0_i32_0 = arith.constant 0 : i32
    %c0_i32_1 = arith.constant 0 : i32
    return %c0_i32, %c0_i32_0 : i32, i32
  }
  func.func @transform_4(%arg0: i32) -> (i32, i32, i32) {
    %c0_i32 = arith.constant 0 : i32
    %c0_i32_0 = arith.constant 0 : i32
    %c0_i32_1 = arith.constant 0 : i32
    return %arg0, %c0_i32, %c0_i32_0 : i32, i32, i32
  }
}

</mosaic_0001>

<sc_bundles>
// kernel: kernel.5.cloned.1.call-start
scs
__scs_entry_jumppad:
0x0: {  	(pc) =	sbr.rel $0x88, $3  }
0x1: {  	(tag) =	ssettag $0x0;
	lr =	simm.s32 $0x1  }
0x2: {  	[smem:$0x3F96] =	sst lr;
	_ =	strace $0xD0000000  }
0x3: {  	_ = 	snop  }
0x4: {  	_ = 	snop  }
0x5: {  	_ = 	snop  }
0x6: {  	_ = 	snop  }
0x7: {  	_ = 	snop  }
__scs_overlays_trampoline_lowered:
0x8: {  	[smem:$0x3FA5] =	sst s0  }
0x9: {  	[smem:$0x3FA6] =	sst s1  }
0xa: {  	[smem:$0x3FA7] =	sst s2  }
0xb: {  	[smem:$0x3FA8] =	sst s3  }
0xc: {  	[smem:$0x3FA9] =	sst s4  }
0xd: {  	[smem:$0x3FAA] =	sst s5  }
0xe: {  	[smem:$0x3FAB] =	sst s6  }
0xf: {  	[smem:$0x3FAC] =	sst s7  }
0x10: {  	[smem:$0x3FAD] =	sst s8  }
0x11: {  	[smem:$0x3FAE] =	sst s9;
	s0 =	simm.s32 @!p0 $0x0  }
0x12: {  	s1 =	sld [smem:$0x3F94];
	s0 =	simm.s32 @p0 $0x1  }
0x13: {  	[smem:$0x3FAF] =	sst s0;
	s0 =	simm.s32 @!p1 $0x0  }
0x14: {  	s2 =	sld [smem:$0x3F93];
	s0 =	simm.s32 @p1 $0x1  }
0x15: {  	[smem:$0x3FB0] =	sst s0;
	s0 =	simm.s32 @!p2 $0x0  }
0x16: {  	s3 =	sld [smem:$0x3FDB];
	s0 =	simm.s32 @p2 $0x1  }
0x17: {  	s4 =	simm.s32 $0x1BF5;
	[smem:$0x3FB2] =	sst s0  }
0x18: {  	s0 =	sld [smem:$0x3F95];
	_ =	swait.ge [sflag:s4], $0x0  }
0x19: {  	s7 =	sld [smem:$0x3F96]  }
0x1a: {  	s8 =	sadd.s32 $0xFFFFE003, lr  }
0x1b: {  	s9 =	sadd.s32 $0xFFFFFEF7, lr;
	s5 =	simm.s32 $0xFFFFFFFF;
	p2 =	slt.u32 s8, $0xFFFFF086  }
0x1c: {  	p1 =	slt.u32 s9, $0xF7A;
	s5 =	simm.s32 @!p2 $0x0  }
0x1d: {  	s5 =	simm.s32 @p1 $0x1;
	p0 =	seq.s32 s7, s2  }
0x1e: {  	s7 =	smul.u32 @!p0 $0xF7A, s2;
	p2 =	seq.s32 @!p0 s5, $0x0  }
0x1f: {  	s9 =	smul.u32 $0xF7A, s1;
	s8 =	simm.s32 @!p0 $0x1BF5;
	p2 =	por !p2, p0  }
0x20: {  	[sflag:s8] =	ssyncset.s32 @!p0 $0xFFFFF086;
	s6 =	sadd.s32 @!p0 s3, s7;
	s7 =	simm.s32 @!p0 $0x108  }
0x21: {  	s3 =	sadd.s32 s3, s9;
	s6 =	sadd.s32 @!p0 $0x88, s6;
	s7 =	simm.s32 @p2 $0x1082  }
0x22: {  	[simem:s7], [sflag:s8] =	dma.local @!p0 [hbm:s6], $0xF7A  }
0x23: {  	s9 =	sor.u32 $0xD0000000, s2;
	s6 =	simm.s32 $0x108;
	_ =	swait.ge @!p0 [sflag:s8], $0x0  }
0x24: {  	s3 =	sadd.s32 $0x88, s3;
	s6 =	simm.s32 @!p1 $0x1082;
	[sflag:s4] =	ssyncset.s32 $0xFFFFF086  }
0x25: {  	[simem:s6], [sflag:s4] =	dma.local [hbm:s3], $0xF7A  }
0x26: {  	[smem:$0x3F96] =	sst s1;
	(tag) =	ssettag s2;
	_ =	strace s9  }
0x27: {  	s1 =	sld [smem:$0x3FA6]  }
0x28: {  	s2 =	sld [smem:$0x3FA7]  }
0x29: {  	s4 =	sld [smem:$0x3FA9]  }
0x2a: {  	p0 =	seq.s32 s5, $0x0;
	s5 =	sld [smem:$0x3FAA]  }
0x2b: {  	s6 =	sld [smem:$0x3FAB]  }
0x2c: {  	s7 =	sld [smem:$0x3FAC]  }
0x2d: {  	s3 =	simm.s32 $0x108;
	s8 =	sld [smem:$0x3FAD]  }
0x2e: {  	s3 =	simm.s32 @!p0 $0x1082;
	s9 =	sld [smem:$0x3FAE]  }
0x2f: {  	lr =	sadd.s32 s0, s3;
	s0 =	sld [smem:$0x3FA5]  }
0x30: {  	s3 =	sld [smem:$0x3FA8]  }
0x31: {  	[smem:$0x3FB1] =	sst s10  }
0x32: {  	s10 =	sld [smem:$0x3FAF];
	_ =	sdelay $0x3  }
0x33: {  	p0 =	seq.s32 s10, $0x1;
	s10 =	sld [smem:$0x3FB1];
	_ =	sdelay $0x3  }
0x34: {  	[smem:$0x3FB1] =	sst s10  }
0x35: {  	s10 =	sld [smem:$0x3FB0];
	_ =	sdelay $0x3  }
0x36: {  	p1 =	seq.s32 s10, $0x1;
	s10 =	sld [smem:$0x3FB1];
	_ =	sdelay $0x3  }
0x37: {  	[smem:$0x3FB1] =	sst s10  }
0x38: {  	s10 =	sld [smem:$0x3FB2]  }
0x39: {  	_ = 	snop;
	(pc) =	sbr.ind lr, $3  }
0x3a: {  	_ = 	snop  }
0x3b: {  	_ = 	snop  }
0x3c: {  	p2 =	seq.s32 s10, $0x1;
	s10 =	sld [smem:$0x3FB1]  }
0x3d: {  	_ =	shalt  }
0x3e: {  	_ =	shalt  }
0x3f: {  	_ =	shalt  }
0x40: {  	_ =	shalt  }
0x41: {  	_ =	shalt  }
0x42: {  	_ =	shalt  }
0x43: {  	_ =	shalt  }
0x44: {  	_ =	shalt  }
0x45: {  	_ =	shalt  }
0x46: {  	_ =	shalt  }
0x47: {  	_ =	shalt  }
0x48: {  	_ =	shalt  }
0x49: {  	_ =	shalt  }
0x4a: {  	_ =	shalt  }
0x4b: {  	_ =	shalt  }
0x4c: {  	_ =	shalt  }
0x4d: {  	_ =	shalt  }
0x4e: {  	_ =	shalt  }
0x4f: {  	_ =	shalt  }
0x50: {  	_ =	shalt  }
0x51: {  	_ =	shalt  }
0x52: {  	_ =	shalt  }
0x53: {  	_ =	shalt  }
0x54: {  	_ =	shalt  }
0x55: {  	_ =	shalt  }
0x56: {  	_ =	shalt  }
0x57: {  	_ =	shalt  }
0x58: {  	_ =	shalt  }
0x59: {  	_ =	shalt  }
0x5a: {  	_ =	shalt  }
0x5b: {  	_ =	shalt  }
0x5c: {  	_ =	shalt  }
0x5d: {  	_ =	shalt  }
0x5e: {  	_ =	shalt  }
0x5f: {  	_ =	shalt  }
0x60: {  	_ =	shalt  }
0x61: {  	_ =	shalt  }
0x62: {  	_ =	shalt  }
0x63: {  	_ =	shalt  }
0x64: {  	_ =	shalt  }
0x65: {  	_ =	shalt  }
0x66: {  	_ =	shalt  }
0x67: {  	_ =	shalt  }
0x68: {  	_ =	shalt  }
0x69: {  	_ =	shalt  }
0x6a: {  	_ =	shalt  }
0x6b: {  	_ =	shalt  }
0x6c: {  	_ =	shalt  }
0x6d: {  	_ =	shalt  }
0x6e: {  	_ =	shalt  }
0x6f: {  	_ =	shalt  }
0x70: {  	_ =	shalt  }
0x71: {  	_ =	shalt  }
0x72: {  	_ =	shalt  }
0x73: {  	_ =	shalt  }
0x74: {  	_ =	shalt  }
0x75: {  	_ =	shalt  }
0x76: {  	_ =	shalt  }
0x77: {  	_ =	shalt  }
0x78: {  	_ =	shalt  }
0x79: {  	_ =	shalt  }
0x7a: {  	_ =	shalt  }
0x7b: {  	_ =	shalt  }
0x7c: {  	_ =	shalt  }
0x7d: {  	_ =	shalt  }
0x7e: {  	_ =	shalt  }
0x7f: {  	_ =	shalt  }
0x80: {  	_ =	shalt  }
0x81: {  	_ =	shalt  }
0x82: {  	_ =	shalt  }
0x83: {  	_ =	shalt  }
0x84: {  	_ =	shalt  }
0x85: {  	_ =	shalt  }
0x86: {  	_ =	shalt  }
0x87: {  	_ =	shalt  }
.Lfunc_end0:
.L_simem_size_0:
called_computation_lowered:
.L_overlay_start_0:
0x88: {  	s2 =	sld [smem:$0x3FD9]  }
0x89: {  	s3 =	sld [smem:$0x3FFE];
	_ =	sdelay $0x1  }
0x8a: {  	s1 =	srdreg.scid  }
0x8b: {  	s0 =	sand.u32 $0x1, s1  }
0x8c: {  	s15 =	sshll.u32 s0, $0xA;
	s2 =	sadd.s32 s3, s2  }
0x8d: {  	s2 =	sadd.s32 s2, s15  }
0x8e: {  	[smem:$0x3FBD] =	sst s2  }
0x8f: {  	_ = 	snop  }
0x90: {  	s2 =	sld [smem:$0x3FD0];
	_ =	sdelay $0x1  }
0x91: {  	s16 =	sld [smem:$0x3FC8]  }
0x92: {  	s5 =	simm.s32 $0xA;
	s6 =	simm.s32 $0x10;
	s4 =	sld [smem:$0x3FC7]  }
0x93: {  	[smem:s6], [sflag:s5] =	dma.local [hbm:s2], $0x1  }
0x94: {  	_ =	swait.eq [sflag:s5], $0x1  }
0x95: {  	[sflag:s5] =	ssyncset.done $0x0  }
0x96: {  	[sflag:s5] =	ssyncadd.s32 $0xFFFFFFFF  }
0x97: {  	s17 =	sld [smem:$0x11];
	(tm) =	ssettm $0x1  }
0x98: {  	s18 =	sld [smem:$0x3FFB];
	_ =	sdelay $0x3  }
0x99: {  	_ =	strace s18  }
0x9a: {  	s5 =	sld [smem:$0x3FFC];
	_ =	sdelay $0x3  }
0x9b: {  	_ =	strace s5  }
0x9c: {  	s5 =	sld [smem:$0x3FFD];
	_ =	sdelay $0x3  }
0x9d: {  	_ =	strace s5  }
0x9e: {  	_ =	strace $0x8FFFFFFF  }
0x9f: {  	s19 =	sld [smem:$0x3FDB];
	_ =	sdelay $0x1  }
0xa0: {  	s20 =	simm.s32 $_scs_section_size  }
0xa1: {  	s7 =	simm.s32 $_size__tile_overlayer_lowered;
	s8 =	simm.s32 $_tile_overlayer_lowered  }
0xa2: {  	s23 =	simm.s32 $0x1BFF;
	s22 =	sshll.u32 s8, $0x1;
	s5 =	sadd.s32 s20, s19  }
0xa3: {  	s9 =	simm.s32 $0x0;
	s21 =	sshll.u32 s7, $0x1;
	s7 =	sadd.s32 s22, s5  }
0xa4: {  	[timem:s9], [sflag:s23] =	dma.local [hbm:s7], s21  }
0xa5: {  	_ =	swait.ge [sflag:s23], s21  }
0xa6: {  	s6 =	ssub.s32 $0x0, s21;
	[sflag:s23] =	ssyncset.done $0x0  }
0xa7: {  	[sflag:s23] =	ssyncadd.s32 s6;
	_ =	sdelay $0x1  }
0xa8: {  	s24 =	simm.s32 $0x1B8B  }
0xa9: {  	_ =	swait.ge [sflag:s24], $0x1  }
0xaa: {  	[sflag:s24] =	ssyncset.done $0x0  }
0xab: {  	s25 =	simm.s32 $0x1B8E;
	[sflag:s24] =	ssyncadd.s32 $0xFFFFFFFF  }
0xac: {  	s26 =	simm.s32 $execute0_lowered;
	[smem:$0x3FD2] =	sst s25  }
0xad: {  	s6 =	sshll.u32 s26, $0x1;
	_ =	strace $0x80000046;
	[dreg:$0x1] =	wrdreg $0xFFFFFFFF  }
0xae: {  	s28 =	simm.s32 $_size_execute0_lowered;
	s5 =	sadd.s32 s5, s6;
	[dreg:$0x0] =	wrdreg $0x0  }
0xaf: {  	s6 =	sshll.u32 s28, $0x1;
	[dreg:$0x2] =	wrdreg s5  }
0xb0: {  	[dreg:$0x3] =	wrdreg s6  }
0xb1: {  	[dreg:$0x4] =	wrdreg $0xC0  }
0xb2: {  	_ =	task [dreg:s9], $0x5FFFF  }
0xb3: {  	[dreg:$0x1] =	wrdreg $0xFFFFFFFF  }
0xb4: {  	[dreg:$0x0] =	wrdreg $0x60  }
0xb5: {  	[dreg:$0x2] =	wrdreg s16  }
0xb6: {  	[dreg:$0x3] =	wrdreg s4  }
0xb7: {  	[dreg:$0x4] =	wrdreg s17  }
0xb8: {  	[dreg:$0x5] =	wrdreg $0x2A000  }
0xb9: {  	[dreg:$0x6] =	wrdreg $0x9  }
0xba: {  	_ =	task.clear_ibuf [dreg:s9], $0x7FFFF;
	_ =	strace $0x90000046  }
0xbb: {  	s29 =	simm.s32 $0x9;
	_ =	strace $0x80000048  }
0xbc: {  	_ =	swait.ge [sflag:s29], $0x1  }
0xbd: {  	[sflag:s29] =	ssyncadd.s32 $0xFFFFFFFF  }
0xbe: {  	_ =	strace $0x90000048  }
0xbf: {  	_ =	sfence  }
0xc0: {  	s30 =	sld [smem:$0x0];
	_ =	sdelay $0x2  }
0xc1: {  	s31 =	sshll.u32 s1, $0xD;
	s1 =	sshrl.u32 s1, $0x2  }
0xc2: {  	s3 =	sand.u32 $0x4000, s31;
	s1 =	sadd.s32 s1, s30  }
0xc3: {  	s0 =	sor.u32 s3, s0;
	s1 =	sshll.u32 s1, $0x11  }
0xc4: {  	s0 =	sor.u32 s1, s0  }
0xc5: {  	s0 =	sadd.s32 $0x8F2B, s0  }
0xc6: {  	[sflag:s0] =	ssyncadd.remote.s32 $0x1  }
0xc7: {  	_ =	sfence.sel $0xFFFF  }
0xc8: {  	[dreg:$0x0] =	wrdreg $0xFFFFFFFF;
	(pc) =	sbr.abs _section_cstart, $3  }
0xc9: {  	[dreg:$0x1] =	wrdreg $0xFFFFFFFF  }
0xca: {  	_ =	task.clear_ibuf [dreg:s9], $0x2FFFF;
	_ =	strace $0x9FFFFFFF  }
0xcb: {  	(tm) =	ssettm $0x7FFFFFFF  }
tec
execute0_lowered:
.L_overlay_start_1:
0x0: {  	(tag) =	ssettag $0x1  }
0x1: {  	s0 =	srdreg.scid  }
0x2: {  	s4 =	rddreg [dreg:$0x2];
	s7 =	stileid.u32;
	s5 =	sand.u32 $0x1, s0  }
0x3: {  	s1 =	simm.s32 $0x0;
	s0 =	sshll.u32 s5, $0x4;
	s2 =	ssub.s32 $0x2, s5  }
0x4: {  	[smem:$0x7FF] =	sst s1;
	s3 =	sor.u32 s7, s0;
	s22 =	sshrl.u32 s2, $0x1  }
0x5: {  	s5 =	sshll.u32 s5, $0x14;
	s6 =	sshll.u32 s3, $0x9;
	s0 =	ssub.s32 s2, s22  }
0x6: {  	s2 =	sshll.u32 s7, $0x10;
	s23 =	sor.u32 $0x80, s6;
	s24 =	sor.u32 $0x90, s6  }
0x7: {  	s8 =	sor.u32 $0xA0, s6;
	s25 =	sor.u32 $0xB0, s6;
	s26 =	sor.u32 $0xC0, s6  }
0x8: {  	s28 =	sor.u32 $0xD0, s6;
	s29 =	sor.u32 $0xE0, s6;
	s30 =	sor.u32 $0xF0, s6  }
0x9: {  	s9 =	sor.u32 $0x100, s6;
	s10 =	sor.u32 $0x110, s6;
	s11 =	sor.u32 $0x120, s6  }
0xa: {  	s12 =	sor.u32 $0x130, s6;
	s13 =	sor.u32 $0x140, s6;
	p0 =	slt.u32 s23, $0x3E80  }
0xb: {  	s14 =	sor.u32 $0x150, s6;
	s15 =	sor.u32 $0x160, s6;
	s7 =	simm.s32 @!p0 $0x0  }
0xc: {  	s16 =	sor.u32 $0x170, s6;
	s7 =	simm.s32 @p0 $0x1;
	p0 =	slt.u32 s24, $0x3E80  }
0xd: {  	s17 =	sor.u32 $0x180, s6;
	[smem:$0x792] =	sst s7;
	s7 =	simm.s32 @!p0 $0x0  }
0xe: {  	s18 =	sor.u32 $0x190, s6;
	s7 =	simm.s32 @p0 $0x1;
	p0 =	slt.u32 s8, $0x3E80  }
0xf: {  	s19 =	sor.u32 $0x1A0, s6;
	[smem:$0x793] =	sst s7;
	s7 =	simm.s32 @!p0 $0x0  }
0x10: {  	s20 =	sor.u32 $0x1B0, s6;
	s7 =	simm.s32 @p0 $0x1;
	p0 =	slt.u32 s25, $0x3E80  }
0x11: {  	s21 =	sor.u32 $0x1C0, s6;
	[smem:$0x794] =	sst s7;
	s7 =	simm.s32 @!p0 $0x0  }
0x12: {  	s22 =	sor.u32 $0x1D0, s6;
	s7 =	simm.s32 @p0 $0x1;
	p0 =	slt.u32 s26, $0x3E80  }
0x13: {  	s5 =	sor.u32 s2, s5;
	[smem:$0x795] =	sst s7;
	s7 =	simm.s32 @!p0 $0x0  }
0x14: {  	s23 =	sor.u32 $0x1E0, s6;
	s7 =	simm.s32 @p0 $0x1;
	p0 =	slt.u32 s28, $0x3E80  }
0x15: {  	p6 =	slt.u32 s21, $0x3E80;
	[smem:$0x796] =	sst s7;
	s7 =	simm.s32 @!p0 $0x0  }
0x16: {  	p1 =	slt.u32 s23, $0x3E80;
	s7 =	simm.s32 @p0 $0x1;
	p0 =	slt.u32 s29, $0x3E80  }
0x17: {  	s24 =	sor.u32 $0x1F0, s6;
	[smem:$0x797] =	sst s7;
	s7 =	simm.s32 @!p0 $0x0  }
0x18: {  	s6 =	sadd.s32 $0x20, s4;
	s7 =	simm.s32 @p0 $0x1;
	p0 =	slt.u32 s30, $0x3E80  }
0x19: {  	p2 =	slt.u32 s24, $0x3E80;
	[smem:$0x798] =	sst s7;
	s8 =	simm.s32 @!p0 $0x0  }
0x1a: {  	s7 =	sshrl.u32 s5, $0x3;
	s8 =	simm.s32 @p0 $0x1;
	p0 =	slt.u32 s9, $0x3E80  }
0x1b: {  	s5 =	sadd.s32 $0x10, s4;
	s21 =	sor.u32 $0xC00, s7;
	s9 =	simm.s32 @!p0 $0x0  }
0x1c: {  	[smem:$0x799] =	sst s8;
	s9 =	simm.s32 @p0 $0x1;
	p0 =	slt.u32 s10, $0x3E80  }
0x1d: {  	s23 =	sadd.s32 s21, s5;
	s24 =	sadd.s32 s21, s6;
	s10 =	simm.s32 @!p0 $0x0  }
0x1e: {  	[dreg:$0x16] =	wrdreg s23;
	s10 =	simm.s32 @p0 $0x1;
	p0 =	slt.u32 s11, $0x3E80  }
0x1f: {  	p5 =	slt.u32 s20, $0x3E80;
	[dreg:$0x17] =	wrdreg s24;
	s11 =	simm.s32 @!p0 $0x0  }
0x20: {  	[smem:$0x79A] =	sst s9;
	s11 =	simm.s32 @p0 $0x1;
	p0 =	slt.u32 s12, $0x3E80  }
0x21: {  	s30 =	sor.u32 $0x800, s7;
	[smem:$0x79C] =	sst s11;
	s12 =	simm.s32 @!p0 $0x0  }
0x22: {  	s11 =	sadd.s32 $0x60, s4;
	s12 =	simm.s32 @p0 $0x1;
	p0 =	slt.u32 s13, $0x3E80  }
0x23: {  	[smem:$0x79B] =	sst s10;
	s20 =	sadd.s32 s30, s11;
	s13 =	simm.s32 @!p0 $0x0  }
0x24: {  	[smem:$0x79D] =	sst s12;
	s13 =	simm.s32 @p0 $0x1;
	p0 =	slt.u32 s14, $0x3E80  }
0x25: {  	[dreg:$0x13] =	wrdreg s20;
	s14 =	simm.s32 @!p0 $0x0  }
0x26: {  	[smem:$0x79E] =	sst s13;
	s13 =	sor.u32 $0x400, s7;
	s14 =	simm.s32 @p0 $0x1  }
0x27: {  	s8 =	sadd.s32 $0x30, s4;
	s31 =	sadd.s32 s4, s13;
	[smem:$0x79F] =	sst s14  }
0x28: {  	p0 =	slt.u32 s15, $0x3E80;
	s15 =	sadd.s32 s13, s5;
	[dreg:$0x5] =	wrdreg s31  }
0x29: {  	s9 =	sadd.s32 $0x40, s4;
	s25 =	sadd.s32 s13, s8;
	[dreg:$0x6] =	wrdreg s15  }
0x2a: {  	s10 =	sadd.s32 $0x50, s4;
	s26 =	sadd.s32 s13, s9;
	[dreg:$0x8] =	wrdreg s25  }
0x2b: {  	s28 =	sadd.s32 s13, s10;
	[dreg:$0x9] =	wrdreg s26  }
0x2c: {  	s29 =	sadd.s32 s13, s11;
	[dreg:$0xa] =	wrdreg s28  }
0x2d: {  	[dreg:$0xb] =	wrdreg s29;
	s31 =	sadd.s32 s4, s30  }
0x2e: {  	s15 =	sadd.s32 s30, s5;
	[dreg:$0xd] =	wrdreg s31  }
0x2f: {  	s25 =	sadd.s32 s21, s8;
	[dreg:$0xe] =	wrdreg s15  }
0x30: {  	s26 =	sadd.s32 s21, s9;
	[dreg:$0x18] =	wrdreg s25  }
0x31: {  	s28 =	sadd.s32 s21, s10;
	[dreg:$0x19] =	wrdreg s26  }
0x32: {  	s14 =	simm.s32 @!p0 $0x0;
	s29 =	sadd.s32 s21, s11;
	[dreg:$0x1a] =	wrdreg s28  }
0x33: {  	s12 =	sadd.s32 $0x70, s4;
	s14 =	simm.s32 @p0 $0x1;
	[dreg:$0x1b] =	wrdreg s29  }
0x34: {  	p0 =	slt.u32 s16, $0x3E80;
	s16 =	sadd.s32 s13, s6;
	[smem:$0x7A0] =	sst s14  }
0x35: {  	s13 =	sadd.s32 s13, s12;
	[dreg:$0x7] =	wrdreg s16  }
0x36: {  	[dreg:$0xc] =	wrdreg s13;
	s16 =	sadd.s32 s30, s6  }
0x37: {  	s14 =	simm.s32 @!p0 $0x0;
	s13 =	sadd.s32 s21, s12;
	[dreg:$0xf] =	wrdreg s16  }
0x38: {  	s14 =	simm.s32 @p0 $0x1;
	p0 =	slt.u32 s17, $0x3E80;
	[dreg:$0x1c] =	wrdreg s13  }
0x39: {  	s17 =	sadd.s32 s30, s8;
	[smem:$0x7A1] =	sst s14;
	s14 =	simm.s32 @!p0 $0x0  }
0x3a: {  	[dreg:$0x10] =	wrdreg s17;
	s14 =	simm.s32 @p0 $0x1;
	p0 =	slt.u32 s18, $0x3E80  }
0x3b: {  	s18 =	sadd.s32 s30, s9;
	[smem:$0x7A2] =	sst s14;
	s14 =	simm.s32 @!p0 $0x0  }
0x3c: {  	[dreg:$0x11] =	wrdreg s18;
	s14 =	simm.s32 @p0 $0x1;
	p0 =	slt.u32 s19, $0x3E80  }
0x3d: {  	s19 =	sadd.s32 s30, s10;
	[smem:$0x7A3] =	sst s14;
	s14 =	simm.s32 @!p0 $0x0  }
0x3e: {  	[dreg:$0x12] =	wrdreg s19;
	s14 =	simm.s32 @p0 $0x1  }
0x3f: {  	p0 =	slt.u32 s22, $0x3E80;
	s22 =	sadd.s32 s4, s21;
	[smem:$0x7A4] =	sst s14  }
0x40: {  	s21 =	sor.u32 $0x1400, s7;
	s14 =	sadd.s32 s30, s12;
	[dreg:$0x15] =	wrdreg s22  }
0x41: {  	s22 =	sadd.s32 s4, s21;
	[dreg:$0x14] =	wrdreg s14  }
0x42: {  	s23 =	sadd.s32 s21, s5;
	[smem:$0x7AA] =	sst s22  }
0x43: {  	s24 =	sadd.s32 s21, s6;
	[smem:$0x7AB] =	sst s23  }
0x44: {  	s25 =	sadd.s32 s21, s8;
	[smem:$0x7AC] =	sst s24  }
0x45: {  	s26 =	sadd.s32 s21, s9;
	[smem:$0x7AD] =	sst s25  }
0x46: {  	s28 =	sadd.s32 s21, s10;
	[smem:$0x7AE] =	sst s26  }
0x47: {  	s29 =	sadd.s32 s21, s11;
	[smem:$0x7AF] =	sst s28  }
0x48: {  	s13 =	sadd.s32 s21, s12;
	[smem:$0x7B0] =	sst s29  }
0x49: {  	s30 =	sor.u32 $0x1000, s7;
	[smem:$0x7B1] =	sst s13  }
0x4a: {  	s31 =	sadd.s32 s4, s30;
	s13 =	rddreg [dreg:$0x1]  }
0x4b: {  	s15 =	sadd.s32 s30, s5;
	[dreg:$0x1d] =	wrdreg s31  }
0x4c: {  	s16 =	sadd.s32 s30, s6;
	[dreg:$0x1e] =	wrdreg s15  }
0x4d: {  	s17 =	sadd.s32 s30, s8;
	[dreg:$0x1f] =	wrdreg s16  }
0x4e: {  	s18 =	sadd.s32 s30, s9;
	[smem:$0x7A5] =	sst s17  }
0x4f: {  	s19 =	sadd.s32 s30, s10;
	[smem:$0x7A6] =	sst s18  }
0x50: {  	s20 =	sadd.s32 s30, s11;
	[smem:$0x7A7] =	sst s19  }
0x51: {  	s14 =	sadd.s32 s30, s12;
	[smem:$0x7A8] =	sst s20  }
0x52: {  	s22 =	sadd.s32 s4, s7;
	[smem:$0x7A9] =	sst s14  }
0x53: {  	s23 =	sadd.s32 s7, s5;
	[smem:$0x7BA] =	sst s22  }
0x54: {  	s24 =	sadd.s32 s7, s6;
	[smem:$0x7BB] =	sst s23  }
0x55: {  	s25 =	sadd.s32 s7, s8;
	[smem:$0x7BC] =	sst s24  }
0x56: {  	s26 =	sadd.s32 s7, s9;
	[smem:$0x7BD] =	sst s25  }
0x57: {  	s28 =	sadd.s32 s7, s10;
	[smem:$0x7BE] =	sst s26  }
0x58: {  	s30 =	sor.u32 $0x1800, s7;
	s29 =	sadd.s32 s7, s11;
	[smem:$0x7BF] =	sst s28  }
0x59: {  	s31 =	sadd.s32 s4, s30;
	[smem:$0x7C0] =	sst s29  }
0x5a: {  	s15 =	sadd.s32 s30, s5;
	[smem:$0x7B2] =	sst s31  }
0x5b: {  	s16 =	sadd.s32 s30, s6;
	[smem:$0x7B3] =	sst s15  }
0x5c: {  	s17 =	sadd.s32 s30, s8;
	[smem:$0x7B4] =	sst s16  }
0x5d: {  	s18 =	sadd.s32 s30, s9;
	[smem:$0x7B5] =	sst s17  }
0x5e: {  	s19 =	sadd.s32 s30, s10;
	[smem:$0x7B6] =	sst s18  }
0x5f: {  	s20 =	sadd.s32 s30, s11;
	[smem:$0x7B7] =	sst s19  }
0x60: {  	s21 =	sadd.s32 s30, s12;
	[smem:$0x7B8] =	sst s20  }
0x61: {  	s30 =	sadd.s32 s7, s12;
	[smem:$0x7B9] =	sst s21  }
0x62: {  	s7 =	sor.u32 $0x1C00, s7;
	[smem:$0x7C1] =	sst s30  }
0x63: {  	s4 =	sadd.s32 s4, s7;
	s31 =	sadd.s32 s7, s5;
	s5 =	sadd.s32 s7, s6  }
0x64: {  	s6 =	sadd.s32 s7, s8;
	s8 =	sadd.s32 s7, s9;
	s9 =	rddreg [dreg:$0x0]  }
0x65: {  	[smem:$0x7C2] =	sst s4  }
0x66: {  	[smem:$0x7C3] =	sst s31  }
0x67: {  	[smem:$0x7C4] =	sst s5  }
0x68: {  	[smem:$0x7C5] =	sst s6  }
0x69: {  	s10 =	sadd.s32 s7, s10;
	[smem:$0x7C6] =	sst s8  }
0x6a: {  	s11 =	sadd.s32 s7, s11;
	[smem:$0x7C7] =	sst s10  }
0x6b: {  	p3 =	seq.s32 s3, $0x1F;
	s14 =	sadd.s32 s7, s12;
	[smem:$0x7C8] =	sst s11  }
0x6c: {  	s15 =	sshll.u32 s3, $0x7;
	s3 =	sshll.u32 s3, $0x6;
	[smem:$0x7C9] =	sst s14  }
0x6d: {  	s6 =	rddreg [dreg:$0x3];
	s3 =	sadd.s32 s13, s3  }
0x6e: {  	s16 =	sadd.s32 $0xF80, s9;
	_ =	strace $0x80000047;
	[smem:$0x7CA] =	sst s3  }
0x6f: {  	s17 =	sadd.s32 $0xF90, s9;
	[smem:$0x7CB] =	sst s16  }
0x70: {  	s0 =	smax.u32 s0, $0x1;
	s18 =	sadd.s32 $0x7C0, s13;
	[smem:$0x7CC] =	sst s17  }
0x71: {  	s15 =	sadd.s32 s9, s15;
	s11 =	sadd.s32 s2, s6;
	[smem:$0x7CD] =	sst s18  }
0x72: {  	[smem:$0x7CE] =	sst s0;
	s19 =	sadd.s32 $0x400, s11;
	s20 =	sadd.s32 $0x800, s11  }
0x73: {  	s23 =	sadd.s32 $0xC00, s11;
	s24 =	sadd.s32 $0x1000, s11;
	s25 =	sadd.s32 $0x1400, s11  }
0x74: {  	s29 =	sadd.s32 $0x1800, s11;
	s30 =	sadd.s32 $0x1C00, s11;
	s31 =	sadd.s32 $0x2400, s11  }
0x75: {  	s5 =	sadd.s32 $0x2800, s11;
	s7 =	sadd.s32 $0x2C00, s11;
	s8 =	sadd.s32 $0x3000, s11  }
0x76: {  	s12 =	sadd.s32 $0x3400, s11;
	s13 =	sadd.s32 $0x3800, s11;
	s14 =	sadd.s32 $0x3C00, s11  }
0x77: {  	s18 =	sadd.s32 $0x4400, s11;
	s21 =	sshrl.u32 s19, $0x3;
	s22 =	sshrl.u32 s20, $0x3  }
0x78: {  	s0 =	sshrl.u32 s23, $0x3;
	s26 =	sshrl.u32 s24, $0x3;
	[smem:$0x7CF] =	sst s21  }
0x79: {  	s28 =	sshrl.u32 s25, $0x3;
	s2 =	sshrl.u32 s30, $0x3;
	[smem:$0x7D0] =	sst s22  }
0x7a: {  	s4 =	sshrl.u32 s31, $0x3;
	s9 =	sshrl.u32 s7, $0x3;
	[smem:$0x7D1] =	sst s0  }
0x7b: {  	s10 =	sshrl.u32 s8, $0x3;
	s16 =	sshrl.u32 s13, $0x3;
	[smem:$0x7D2] =	sst s26  }
0x7c: {  	s17 =	sshrl.u32 s14, $0x3;
	s19 =	sadd.s32 $0x4800, s11;
	[smem:$0x7D3] =	sst s28  }
0x7d: {  	s20 =	sadd.s32 $0x4C00, s11;
	s23 =	sadd.s32 $0x5000, s11;
	[smem:$0x7D5] =	sst s2  }
0x7e: {  	s24 =	sadd.s32 $0x5400, s11;
	s25 =	sadd.s32 $0x5800, s11;
	[smem:$0x7D6] =	sst s4  }
0x7f: {  	s30 =	sadd.s32 $0x6400, s11;
	s31 =	sadd.s32 $0x6800, s11;
	[smem:$0x7D8] =	sst s9  }
0x80: {  	s7 =	sadd.s32 $0x7000, s11;
	s8 =	sadd.s32 $0x7400, s11;
	[smem:$0x7D9] =	sst s10  }
0x81: {  	s13 =	sadd.s32 $0x7C00, s11;
	s14 =	sadd.s32 $0x8400, s11;
	[smem:$0x7DB] =	sst s16  }
0x82: {  	s0 =	sshrl.u32 s29, $0x3;
	[smem:$0x7DC] =	sst s17;
	s21 =	sshrl.u32 s19, $0x3  }
0x83: {  	s22 =	sshrl.u32 s20, $0x3;
	s26 =	sshrl.u32 s24, $0x3;
	[smem:$0x7D4] =	sst s0  }
0x84: {  	s28 =	sshrl.u32 s25, $0x3;
	s29 =	sadd.s32 $0x5C00, s11;
	[smem:$0x7DE] =	sst s21  }
0x85: {  	s2 =	sshrl.u32 s30, $0x3;
	s4 =	sshrl.u32 s31, $0x3;
	[smem:$0x7DF] =	sst s22  }
0x86: {  	s9 =	sshrl.u32 s7, $0x3;
	s10 =	sshrl.u32 s8, $0x3;
	[smem:$0x7E1] =	sst s26  }
0x87: {  	s16 =	sshrl.u32 s13, $0x3;
	s17 =	sshrl.u32 s14, $0x3;
	[smem:$0x7E2] =	sst s28  }
0x88: {  	s19 =	sadd.s32 $0x8C00, s11;
	s20 =	sadd.s32 $0x9000, s11;
	[smem:$0x7E4] =	sst s2  }
0x89: {  	s24 =	sadd.s32 $0x9800, s11;
	s25 =	sadd.s32 $0x9C00, s11;
	[smem:$0x7E5] =	sst s4  }
0x8a: {  	s30 =	sadd.s32 $0xA800, s11;
	s31 =	sadd.s32 $0xAC00, s11;
	[smem:$0x7E7] =	sst s9  }
0x8b: {  	s7 =	sadd.s32 $0xB800, s11;
	s13 =	sadd.s32 $0xC800, s11;
	[smem:$0x7E8] =	sst s10  }
0x8c: {  	s0 =	sshrl.u32 s5, $0x3;
	s5 =	sadd.s32 $0x6C00, s11;
	[smem:$0x7EA] =	sst s16  }
0x8d: {  	[smem:$0x7EB] =	sst s17;
	s21 =	sshrl.u32 s19, $0x3;
	s22 =	sshrl.u32 s20, $0x3  }
0x8e: {  	s26 =	sshrl.u32 s24, $0x3;
	s28 =	sshrl.u32 s25, $0x3;
	[smem:$0x7D7] =	sst s0  }
0x8f: {  	s2 =	sshrl.u32 s30, $0x3;
	s3 =	sshrl.u32 s31, $0x3;
	[smem:$0x7ED] =	sst s21  }
0x90: {  	s4 =	sadd.s32 $0xB000, s11;
	s9 =	sshrl.u32 s7, $0x3;
	[smem:$0x7EE] =	sst s22  }
0x91: {  	s10 =	sadd.s32 $0xBC00, s11;
	s16 =	sshrl.u32 s13, $0x3;
	[smem:$0x7F0] =	sst s26  }
0x92: {  	s17 =	sadd.s32 $0xCC00, s11;
	s19 =	sadd.s32 $0xD400, s11;
	[smem:$0x7F1] =	sst s28  }
0x93: {  	s24 =	sadd.s32 $0xE400, s11;
	s25 =	sadd.s32 $0xE800, s11;
	[smem:$0x7F3] =	sst s2  }
0x94: {  	s30 =	sadd.s32 $0xF800, s11;
	s31 =	sadd.s32 $0xFC00, s11;
	[smem:$0x7F4] =	sst s3  }
0x95: {  	s7 =	sadd.s32 $0xE000, s11;
	s0 =	sshrl.u32 s12, $0x3;
	[smem:$0x7F7] =	sst s9  }
0x96: {  	s12 =	sadd.s32 $0x7800, s11;
	[smem:$0x7FA] =	sst s16;
	s21 =	sshrl.u32 s19, $0x3  }
0x97: {  	s22 =	sadd.s32 $0xD800, s11;
	s26 =	sadd.s32 $0xEC00, s11;
	s28 =	sadd.s32 $0xF000, s11  }
0x98: {  	s13 =	sshrl.u32 s30, $0x3;
	s2 =	smov.u32 s15;
	s15 =	sadd.s32 $0x10, s15  }
0x99: {  	s16 =	sadd.s32 $0x2000, s11;
	s19 =	sadd.s32 $0x8000, s11;
	[smem:$0x7DA] =	sst s0  }
0x9a: {  	s0 =	sshrl.u32 s18, $0x3;
	s18 =	sadd.s32 $0x8800, s11;
	[smem:$0x7FD] =	sst s21  }
0x9b: {  	s3 =	sshrl.u32 s22, $0x3;
	s9 =	sshrl.u32 s26, $0x3;
	s21 =	sadd.s32 $0xC000, s11  }
0x9c: {  	s22 =	simm.s32 $0xA00;
	[smem:$0x7DD] =	sst s0;
	s0 =	sshrl.u32 s23, $0x3  }
0x9d: {  	s26 =	simm.s32 $0x10;
	[smem:$0x7E0] =	sst s0;
	s0 =	sshrl.u32 s29, $0x3  }
0x9e: {  	s23 =	sadd.s32 $0x9400, s11;
	[smem:$0x7E3] =	sst s0;
	s0 =	sshrl.u32 s5, $0x3  }
0x9f: {  	s29 =	sadd.s32 $0xA400, s11;
	s5 =	sadd.s32 $0xB400, s11;
	[smem:$0x7E6] =	sst s0  }
0xa0: {  	s0 =	sshrl.u32 s12, $0x3;
	s8 =	sshrl.u32 s5, $0x3;
	s12 =	sadd.s32 $0xC400, s11  }
0xa1: {  	s5 =	sshrl.u32 s24, $0x3;
	s24 =	simm.s32 $0x80;
	[smem:$0x7E9] =	sst s0  }
0xa2: {  	s0 =	sshrl.u32 s18, $0x3;
	[smem:$0x7F6] =	sst s8;
	s14 =	sshrl.u32 s12, $0x3  }
0xa3: {  	s18 =	sadd.s32 $0xD000, s11;
	s8 =	sshrl.u32 s25, $0x3;
	[smem:$0x7EC] =	sst s0  }
0xa4: {  	s25 =	simm.s32 $0x1;
	s0 =	sshrl.u32 s23, $0x3;
	[smem:$0x7F9] =	sst s14  }
0xa5: {  	s20 =	sshrl.u32 s18, $0x3;
	s23 =	sadd.s32 $0xDC00, s11;
	s14 =	sshrl.u32 s31, $0x3  }
0xa6: {  	s18 =	sadd.s32 $0x6000, s11;
	[smem:$0x7EF] =	sst s0;
	s0 =	sshrl.u32 s29, $0x3  }
0xa7: {  	[smem:$0x7FC] =	sst s20;
	s29 =	sadd.s32 $0xF400, s11;
	s20 =	sadd.s32 $0xA000, s11  }
0xa8: {  	[smem:$0x7F2] =	sst s0;
	s0 =	sshrl.u32 s4, $0x3;
	s4 =	sshrl.u32 s23, $0x3  }
0xa9: {  	s12 =	sshrl.u32 s29, $0x3;
	[smem:$0x7F5] =	sst s0;
	s0 =	sshrl.u32 s10, $0x3  }
0xaa: {  	s23 =	simm.s32 $0x2;
	[smem:$0x7F8] =	sst s0;
	s0 =	sshrl.u32 s17, $0x3  }
0xab: {  	v0 =	vimm.f32 $0.0e+00;
	s10 =	sshrl.u32 s28, $0x3;
	s17 =	sadd.s32 $0x4000, s11;
	[smem:$0x7FB] =	sst s0  }
.LBB2_1:
0xac: {  	s0 =	sld [smem:$0x7CB];
	_ =	sdelay $0x1  }
0xad: {  	s28 =	simm.s32 @p3 $0x0;
	s29 =	simm.s32 @p3 $0x2  }
0xae: {  	[tilespmem:s28], [sflag:$0x2] =	stream.linear.gather @p3 [hbm4b:s0+s28], $0x80, $0x38;
	[tilespmem:$0x12A00] =	vst v63  }
0xaf: {  	_ =	swait.ge @p3 [sflag:s29], $0x80  }
0xb0: {  	s0 =	sld [smem:$0x7CC]  }
0xb1: {  	[sflag:s29] =	ssyncset.done @p3 $0x0  }
0xb2: {  	s30 =	simm.s32 @p3 $0x200;
	[sflag:s29] =	ssyncadd.s32 @p3 $0xFFFFFF80  }
0xb3: {  	[tilespmem:s30], [sflag:$0x2] =	stream.linear.gather @p3 [hbm4b:s0+s28], $0x80, $0x38;
	[tilespmem:$0x12A00] =	vst v63  }
0xb4: {  	_ =	swait.ge @p3 [sflag:s29], $0x80  }
0xb5: {  	s0 =	sld [smem:$0x7CD]  }
0xb6: {  	[sflag:s29] =	ssyncset.done @p3 $0x0  }
0xb7: {  	s30 =	simm.s32 @p3 $0x400;
	[sflag:s29] =	ssyncadd.s32 @p3 $0xFFFFFF80  }
0xb8: {  	[tilespmem:s30], [sflag:$0x2] =	stream.linear.gather @p3 [hbm4b:s0+s28], $0x80, $0x38;
	[tilespmem:$0x12A00] =	vst v63  }
0xb9: {  	_ =	swait.ge @p3 [sflag:s29], $0x80  }
0xba: {  	s31 =	simm.s32 @!p3 $0x2;
	s28 =	simm.s32 @!p3 $0x80;
	[sflag:s29] =	ssyncset.done @p3 $0x0  }
0xbb: {  	s30 =	simm.s32 @!p3 $0x0;
	[sflag:s29] =	ssyncadd.s32 @p3 $0xFFFFFF80;
	s29 =	simm.s32 @!p3 $0x100  }
0xbc: {  	[tilespmem:s30], [sflag:$0x2] =	stream.strided.gather @!p3 [hbm4b:s2+s28], $0x200, s29, s28, $0x38;
	[tilespmem:$0x12A00] =	vst v63  }
0xbd: {  	_ =	swait.ge @!p3 [sflag:s31], $0x200  }
0xbe: {  	[sflag:s31] =	ssyncset.done @!p3 $0x0  }
0xbf: {  	s0 =	simm.s32 @!p3 $0x200;
	[sflag:s31] =	ssyncadd.s32 @!p3 $0xFFFFFE00  }
0xc0: {  	[tilespmem:s0], [sflag:$0x2] =	stream.strided.gather @!p3 [hbm4b:s15+s28], $0x200, s29, s28, $0x38;
	[tilespmem:$0x12A00] =	vst v63  }
0xc1: {  	_ =	swait.ge @!p3 [sflag:s31], $0x200  }
0xc2: {  	s28 =	sld [smem:$0x7CA]  }
0xc3: {  	[sflag:s31] =	ssyncset.done @!p3 $0x0  }
0xc4: {  	s0 =	simm.s32 @!p3 $0x400;
	[sflag:s31] =	ssyncadd.s32 @!p3 $0xFFFFFE00  }
0xc5: {  	[tilespmem:s0], [sflag:$0x2] =	stream.linear.gather @!p3 [hbm4b:s28+s30], $0x200, $0x38;
	[tilespmem:$0x12A00] =	vst v63  }
0xc6: {  	_ =	swait.ge @!p3 [sflag:s31], $0x200  }
0xc7: {  	[sflag:s31] =	ssyncset.done @!p3 $0x0  }
0xc8: {  	s29 =	simm.s32 $0x0;
	s28 =	simm.s32 $0x40;
	[sflag:s31] =	ssyncadd.s32 @!p3 $0xFFFFFE00  }
.LBB2_2:
0xc9: {  	p4 =	sne.s32 s28, $0x7FC0;
	[tilespmem:s29+$0xA00] =	vst v0;
	s0 =	smov.u32 s28;
	s28 =	sadd.s32 $0x40, s28  }
.Ltmp0:
0xca: {  	(pc) =	sbr.rel @p4 .LBB2_2-.Ltmp0, $2  }
0xcb: {  	_ =	sdelay $0x2  }
0xcc: {  	s29 =	sshra.s32 s0, $0x2  }
0xcd: {  	[tilespmem:s29+$0xA00] =	vst v0  }
0xce: {  	[spmem:s11] =	stream.linear.scatter [tilespmem:s22], [sflag:$0x2], $0x2000, $0x38;
	[tilespmem:$0x12A00] =	vst v63  }
0xcf: {  	_ =	swait.ge [sflag:s23], $0x2000  }
0xd0: {  	[sflag:s23] =	ssyncset.done $0x0  }
0xd1: {  	[sflag:s23] =	ssyncadd.s32 $0xFFFFE000  }
0xd2: {  	[spmem:s16] =	stream.linear.scatter [tilespmem:s22], [sflag:$0x2], $0x2000, $0x38;
	[tilespmem:$0x12A00] =	vst v63  }
0xd3: {  	_ =	swait.ge [sflag:s23], $0x2000  }
0xd4: {  	[sflag:s23] =	ssyncset.done $0x0  }
0xd5: {  	[sflag:s23] =	ssyncadd.s32 $0xFFFFE000  }
0xd6: {  	[spmem:s17] =	stream.linear.scatter [tilespmem:s22], [sflag:$0x2], $0x2000, $0x38;
	[tilespmem:$0x12A00] =	vst v63  }
0xd7: {  	_ =	swait.ge [sflag:s23], $0x2000  }
0xd8: {  	[sflag:s23] =	ssyncset.done $0x0  }
0xd9: {  	[sflag:s23] =	ssyncadd.s32 $0xFFFFE000  }
0xda: {  	[spmem:s18] =	stream.linear.scatter [tilespmem:s22], [sflag:$0x2], $0x2000, $0x38;
	[tilespmem:$0x12A00] =	vst v63  }
0xdb: {  	_ =	swait.ge [sflag:s23], $0x2000  }
0xdc: {  	[sflag:s23] =	ssyncset.done $0x0  }
0xdd: {  	[sflag:s23] =	ssyncadd.s32 $0xFFFFE000  }
0xde: {  	[spmem:s19] =	stream.linear.scatter [tilespmem:s22], [sflag:$0x2], $0x2000, $0x38;
	[tilespmem:$0x12A00] =	vst v63  }
0xdf: {  	_ =	swait.ge [sflag:s23], $0x2000  }
0xe0: {  	[sflag:s23] =	ssyncset.done $0x0  }
0xe1: {  	[sflag:s23] =	ssyncadd.s32 $0xFFFFE000  }
0xe2: {  	[spmem:s20] =	stream.linear.scatter [tilespmem:s22], [sflag:$0x2], $0x2000, $0x38;
	[tilespmem:$0x12A00] =	vst v63  }
0xe3: {  	_ =	swait.ge [sflag:s23], $0x2000  }
0xe4: {  	[sflag:s23] =	ssyncset.done $0x0  }
0xe5: {  	[sflag:s23] =	ssyncadd.s32 $0xFFFFE000  }
0xe6: {  	[spmem:s21] =	stream.linear.scatter [tilespmem:s22], [sflag:$0x2], $0x2000, $0x38;
	[tilespmem:$0x12A00] =	vst v63  }
0xe7: {  	_ =	swait.ge [sflag:s23], $0x2000  }
0xe8: {  	[sflag:s23] =	ssyncset.done $0x0  }
0xe9: {  	[sflag:s23] =	ssyncadd.s32 $0xFFFFE000  }
0xea: {  	[spmem:s7] =	stream.linear.scatter [tilespmem:s22], [sflag:$0x2], $0x2000, $0x38;
	[tilespmem:$0x12A00] =	vst v63  }
0xeb: {  	_ =	swait.ge [sflag:s23], $0x2000  }
0xec: {  	[sflag:s23] =	ssyncset.done $0x0  }
0xed: {  	[sflag:s23] =	ssyncadd.s32 $0xFFFFE000  }
0xee: {  	v1 =	vld [tilespmem:$0x0]  }
0xef: {  	v2 =	vld [tilespmem:$0x200]  }
0xf0: {  	v3 =	vld [tilespmem:$0x400]  }
0xf1: {  	v4 =	vld [tilespmem:$0x10]  }
0xf2: {  	v5 =	vld [tilespmem:$0x210]  }
0xf3: {  	v6 =	vld [tilespmem:$0x410]  }
0xf4: {  	v7 =	vld [tilespmem:$0x20]  }
0xf5: {  	v8 =	vld [tilespmem:$0x220]  }
0xf6: {  	v9 =	vld [tilespmem:$0x420]  }
0xf7: {  	v10 =	vld [tilespmem:$0x30]  }
0xf8: {  	v11 =	vld [tilespmem:$0x230]  }
0xf9: {  	v12 =	vld [tilespmem:$0x430]  }
0xfa: {  	v13 =	vld [tilespmem:$0x40]  }
0xfb: {  	v14 =	vld [tilespmem:$0x240]  }
0xfc: {  	v15 =	vld [tilespmem:$0x440]  }
0xfd: {  	v16 =	vld [tilespmem:$0x50]  }
0xfe: {  	v17 =	vld [tilespmem:$0x250]  }
0xff: {  	v18 =	vld [tilespmem:$0x450]  }
0x100: {  	v19 =	vld [tilespmem:$0x60]  }
0x101: {  	v20 =	vld [tilespmem:$0x260]  }
0x102: {  	v21 =	vld [tilespmem:$0x460]  }
0x103: {  	v22 =	vld [tilespmem:$0x70]  }
0x104: {  	v23 =	vld [tilespmem:$0x270]  }
0x105: {  	v24 =	vld [tilespmem:$0x470]  }
0x106: {  	v25 =	vld [tilespmem:$0x80]  }
0x107: {  	v26 =	vld [tilespmem:$0x280]  }
0x108: {  	v27 =	vld [tilespmem:$0x480]  }
0x109: {  	v28 =	vld [tilespmem:$0x90]  }
0x10a: {  	v29 =	vld [tilespmem:$0x290]  }
0x10b: {  	v30 =	vld [tilespmem:$0x490]  }
0x10c: {  	v31 =	vld [tilespmem:$0xA0]  }
0x10d: {  	v32 =	vld [tilespmem:$0x2A0]  }
0x10e: {  	v33 =	vld [tilespmem:$0x4A0]  }
0x10f: {  	v34 =	vld [tilespmem:$0xB0]  }
0x110: {  	v35 =	vld [tilespmem:$0x2B0]  }
0x111: {  	v36 =	vld [tilespmem:$0x4B0]  }
0x112: {  	v37 =	vld [tilespmem:$0xC0]  }
0x113: {  	v38 =	vld [tilespmem:$0x2C0];
	v1 =	vshll.u32 v1, $0xA  }
0x114: {  	v43 =	vld [tilespmem:$0xD0];
	v1 =	vadd.s32 v2, v1  }
0x115: {  	v44 =	vld [tilespmem:$0x4D0];
	[tilespmem:$0x600] =	vst v1;
	v1 =	vshll.u32 v4, $0xA  }
0x116: {  	v45 =	vld [tilespmem:$0xE0];
	[tilespmem:$0x800] =	vst v3;
	v1 =	vadd.s32 v5, v1  }
0x117: {  	v46 =	vld [tilespmem:$0x2E0];
	[tilespmem:$0x610] =	vst v1;
	v1 =	vshll.u32 v7, $0xA  }
0x118: {  	v47 =	vld [tilespmem:$0x4E0];
	[tilespmem:$0x810] =	vst v6;
	v1 =	vadd.s32 v8, v1  }
0x119: {  	v48 =	vld [tilespmem:$0xF0];
	[tilespmem:$0x620] =	vst v1;
	v1 =	vshll.u32 v10, $0xA  }
0x11a: {  	v49 =	vld [tilespmem:$0x2F0];
	[tilespmem:$0x820] =	vst v9;
	v1 =	vadd.s32 v11, v1  }
0x11b: {  	v50 =	vld [tilespmem:$0x4F0];
	[tilespmem:$0x630] =	vst v1;
	v1 =	vshll.u32 v13, $0xA  }
0x11c: {  	v51 =	vld [tilespmem:$0x100];
	[tilespmem:$0x830] =	vst v12;
	v1 =	vadd.s32 v14, v1  }
0x11d: {  	v52 =	vld [tilespmem:$0x300];
	[tilespmem:$0x640] =	vst v1;
	v1 =	vshll.u32 v16, $0xA  }
0x11e: {  	v53 =	vld [tilespmem:$0x500];
	[tilespmem:$0x840] =	vst v15;
	v1 =	vadd.s32 v17, v1  }
0x11f: {  	v54 =	vld [tilespmem:$0x110];
	[tilespmem:$0x650] =	vst v1;
	v1 =	vshll.u32 v19, $0xA  }
0x120: {  	s0 =	sld [smem:$0x792];
	v56 =	vld [tilespmem:$0x310];
	[tilespmem:$0x850] =	vst v18;
	v1 =	vadd.s32 v20, v1  }
0x121: {  	v57 =	vld [tilespmem:$0x510];
	[tilespmem:$0x660] =	vst v1;
	v1 =	vshll.u32 v22, $0xA  }
0x122: {  	s31 =	sld [smem:$0x793];
	v59 =	vld [tilespmem:$0x120];
	[tilespmem:$0x860] =	vst v21;
	v55 =	vshll.u32 v25, $0xA;
	v1 =	vadd.s32 v23, v1  }
0x123: {  	v60 =	vld [tilespmem:$0x320];
	p4 =	seq.s32 s0, $0x1;
	[tilespmem:$0x670] =	vst v1;
	v1 =	vadd.s32 v26, v55  }
0x124: {  	s28 =	sld [smem:$0x794];
	v62 =	vld [tilespmem:$0x520];
	[tilespmem:$0x870] =	vst v24;
	v58 =	vshll.u32 v28, $0xA;
	v1 =	vpsel !p4, $0x0, v1  }
0x125: {  	v63 =	vld [tilespmem:$0x130];
	v18 =	vadd.s32 v29, v58;
	[tilespmem:$0x680] =	vst v1;
	v1 =	vpsel !p4, $0x0, v27;
	p4 =	seq.s32 s31, $0x1  }
0x126: {  	s29 =	sld [smem:$0x795];
	v39 =	vld [tilespmem:$0x560];
	v61 =	vshll.u32 v31, $0xA;
	[tilespmem:$0x880] =	vst v1;
	v1 =	vpsel !p4, $0x0, v18  }
0x127: {  	v3 =	vld [tilespmem:$0x2D0];
	v18 =	vadd.s32 v32, v61;
	[tilespmem:$0x690] =	vst v1;
	v1 =	vpsel !p4, $0x0, v30;
	p4 =	seq.s32 s28, $0x1  }
0x128: {  	s30 =	sld [smem:$0x796];
	v28 =	vshll.u32 v34, $0xA;
	v2 =	vld [tilespmem:$0x4C0];
	[tilespmem:$0x890] =	vst v1;
	v1 =	vpsel !p4, $0x0, v18  }
0x129: {  	v40 =	vld [tilespmem:$0x170];
	v18 =	vadd.s32 v35, v28;
	[tilespmem:$0x6A0] =	vst v1;
	v1 =	vpsel !p4, $0x0, v33;
	p4 =	seq.s32 s29, $0x1  }
0x12a: {  	v41 =	vld [tilespmem:$0x370];
	v31 =	vshll.u32 v37, $0xA;
	s31 =	sld [smem:$0x797];
	[tilespmem:$0x8A0] =	vst v1;
	v1 =	vpsel !p4, $0x0, v18  }
0x12b: {  	v42 =	vld [tilespmem:$0x570];
	v18 =	vadd.s32 v38, v31;
	[tilespmem:$0x6B0] =	vst v1;
	v1 =	vpsel !p4, $0x0, v36;
	p4 =	seq.s32 s30, $0x1  }
0x12c: {  	v34 =	vld [tilespmem:$0x540];
	v4 =	vshll.u32 v43, $0xA;
	s28 =	sld [smem:$0x798];
	[tilespmem:$0x8B0] =	vst v1;
	v1 =	vpsel !p4, $0x0, v18  }
0x12d: {  	v37 =	vld [tilespmem:$0x160];
	[tilespmem:$0x6C0] =	vst v1;
	v1 =	vpsel !p4, $0x0, v2;
	v2 =	vadd.s32 v3, v4;
	p4 =	seq.s32 s31, $0x1  }
0x12e: {  	v29 =	vld [tilespmem:$0x330];
	s29 =	sld [smem:$0x799];
	[tilespmem:$0x8C0] =	vst v1;
	v1 =	vpsel !p4, $0x0, v2;
	v2 =	vshll.u32 v45, $0xA  }
0x12f: {  	v58 =	vld [tilespmem:$0x5D0];
	[tilespmem:$0x6D0] =	vst v1;
	v1 =	vpsel !p4, $0x0, v44;
	v2 =	vadd.s32 v46, v2;
	p4 =	seq.s32 s28, $0x1  }
0x130: {  	v43 =	vld [tilespmem:$0x180];
	s30 =	sld [smem:$0x79A];
	[tilespmem:$0x8D0] =	vst v1;
	v1 =	vpsel !p4, $0x0, v2;
	v2 =	vshll.u32 v48, $0xA  }
0x131: {  	v55 =	vld [tilespmem:$0x3C0];
	[tilespmem:$0x6E0] =	vst v1;
	v1 =	vpsel !p4, $0x0, v47;
	v2 =	vadd.s32 v49, v2;
	p4 =	seq.s32 s29, $0x1  }
0x132: {  	v32 =	vld [tilespmem:$0x140];
	s31 =	sld [smem:$0x79B];
	[tilespmem:$0x8E0] =	vst v1;
	v1 =	vpsel !p4, $0x0, v2;
	v2 =	vshll.u32 v51, $0xA  }
0x133: {  	v61 =	vld [tilespmem:$0x5E0];
	[tilespmem:$0x6F0] =	vst v1;
	v1 =	vpsel !p4, $0x0, v50;
	v2 =	vadd.s32 v52, v2;
	p4 =	seq.s32 s30, $0x1  }
0x134: {  	v30 =	vld [tilespmem:$0x530];
	s28 =	sld [smem:$0x79C];
	[tilespmem:$0x8F0] =	vst v1;
	v1 =	vpsel !p4, $0x0, v2;
	v2 =	vshll.u32 v54, $0xA  }
0x135: {  	v35 =	vld [tilespmem:$0x350];
	[tilespmem:$0x700] =	vst v1;
	v1 =	vpsel !p4, $0x0, v53;
	v2 =	vadd.s32 v56, v2;
	p4 =	seq.s32 s31, $0x1  }
0x136: {  	v33 =	vld [tilespmem:$0x340];
	s29 =	sld [smem:$0x79D];
	[tilespmem:$0x900] =	vst v1;
	v1 =	vpsel !p4, $0x0, v2;
	v2 =	vshll.u32 v59, $0xA  }
0x137: {  	v3 =	vld [tilespmem:$0x150];
	[tilespmem:$0x710] =	vst v1;
	v1 =	vpsel !p4, $0x0, v57;
	v2 =	vadd.s32 v60, v2;
	p4 =	seq.s32 s28, $0x1  }
0x138: {  	v38 =	vld [tilespmem:$0x360];
	s30 =	sld [smem:$0x79E];
	[tilespmem:$0x910] =	vst v1;
	v1 =	vpsel !p4, $0x0, v2;
	v2 =	vshll.u32 v63, $0xA  }
0x139: {  	v36 =	vld [tilespmem:$0x550];
	[tilespmem:$0x720] =	vst v1;
	v1 =	vpsel !p4, $0x0, v62;
	v2 =	vadd.s32 v29, v2;
	p4 =	seq.s32 s29, $0x1  }
0x13a: {  	v45 =	vld [tilespmem:$0x580];
	s31 =	sld [smem:$0x79F];
	[tilespmem:$0x920] =	vst v1;
	v1 =	vpsel !p4, $0x0, v2;
	v2 =	vshll.u32 v32, $0xA  }
0x13b: {  	v44 =	vld [tilespmem:$0x380];
	[tilespmem:$0x730] =	vst v1;
	v1 =	vpsel !p4, $0x0, v30;
	v2 =	vadd.s32 v33, v2;
	p4 =	seq.s32 s30, $0x1  }
0x13c: {  	v46 =	vld [tilespmem:$0x190];
	s28 =	sld [smem:$0x7A0];
	[tilespmem:$0x930] =	vst v1;
	v1 =	vpsel !p4, $0x0, v2;
	v2 =	vshll.u32 v3, $0xA  }
0x13d: {  	v48 =	vld [tilespmem:$0x590];
	[tilespmem:$0x740] =	vst v1;
	v1 =	vpsel !p4, $0x0, v34;
	v2 =	vadd.s32 v35, v2;
	p4 =	seq.s32 s31, $0x1  }
0x13e: {  	v47 =	vld [tilespmem:$0x390];
	s29 =	sld [smem:$0x7A1];
	[tilespmem:$0x940] =	vst v1;
	v1 =	vpsel !p4, $0x0, v2;
	v2 =	vshll.u32 v37, $0xA  }
0x13f: {  	v49 =	vld [tilespmem:$0x3A0];
	[tilespmem:$0x750] =	vst v1;
	v1 =	vpsel !p4, $0x0, v36;
	v2 =	vadd.s32 v38, v2;
	p4 =	seq.s32 s28, $0x1  }
0x140: {  	v51 =	vld [tilespmem:$0x1B0];
	s30 =	sld [smem:$0x7A2];
	[tilespmem:$0x950] =	vst v1;
	v1 =	vpsel !p4, $0x0, v2;
	v2 =	vshll.u32 v40, $0xA  }
0x141: {  	v3 =	vld [tilespmem:$0x1A0];
	[tilespmem:$0x760] =	vst v1;
	v1 =	vpsel !p4, $0x0, v39;
	v2 =	vadd.s32 v41, v2;
	p4 =	seq.s32 s29, $0x1  }
0x142: {  	v50 =	vld [tilespmem:$0x5A0];
	s31 =	sld [smem:$0x7A3];
	[tilespmem:$0x960] =	vst v1;
	v1 =	vpsel !p4, $0x0, v2;
	v2 =	vshll.u32 v43, $0xA  }
0x143: {  	v52 =	vld [tilespmem:$0x3B0];
	[tilespmem:$0x770] =	vst v1;
	v1 =	vpsel !p4, $0x0, v42;
	v2 =	vadd.s32 v44, v2;
	p4 =	seq.s32 s30, $0x1  }
0x144: {  	v54 =	vld [tilespmem:$0x1C0];
	s28 =	sld [smem:$0x7A4];
	[tilespmem:$0x970] =	vst v1;
	v1 =	vpsel !p4, $0x0, v2;
	v2 =	vshll.u32 v46, $0xA  }
0x145: {  	v53 =	vld [tilespmem:$0x5B0];
	[tilespmem:$0x780] =	vst v1;
	v1 =	vpsel !p4, $0x0, v45;
	v2 =	vadd.s32 v47, v2;
	p4 =	seq.s32 s31, $0x1  }
0x146: {  	v56 =	vld [tilespmem:$0x5C0];
	[tilespmem:$0x980] =	vst v1;
	v1 =	vpsel !p4, $0x0, v2;
	v2 =	vshll.u32 v3, $0xA  }
0x147: {  	v57 =	vld [tilespmem:$0x1D0];
	[tilespmem:$0x790] =	vst v1;
	v1 =	vpsel !p4, $0x0, v48;
	v2 =	vadd.s32 v49, v2;
	p4 =	seq.s32 s28, $0x1  }
0x148: {  	v3 =	vld [tilespmem:$0x3D0];
	[tilespmem:$0x990] =	vst v1;
	v1 =	vpsel !p4, $0x0, v2;
	v2 =	vshll.u32 v51, $0xA  }
0x149: {  	v59 =	vld [tilespmem:$0x1E0];
	[tilespmem:$0x7A0] =	vst v1;
	v1 =	vpsel !p4, $0x0, v50;
	v2 =	vadd.s32 v52, v2  }
0x14a: {  	v60 =	vld [tilespmem:$0x3E0];
	[tilespmem:$0x9A0] =	vst v1;
	v1 =	vpsel !p5, $0x0, v2;
	v2 =	vshll.u32 v54, $0xA  }
0x14b: {  	v62 =	vld [tilespmem:$0x1F0];
	[tilespmem:$0x7B0] =	vst v1;
	v1 =	vpsel !p5, $0x0, v53;
	v2 =	vadd.s32 v55, v2  }
0x14c: {  	v63 =	vld [tilespmem:$0x3F0];
	[tilespmem:$0x9B0] =	vst v1;
	v1 =	vpsel !p6, $0x0, v2;
	v2 =	vshll.u32 v57, $0xA  }
0x14d: {  	[tilespmem:$0x7C0] =	vst v1;
	v1 =	vadd.s32 v3, v2;
	v2 =	vpsel !p6, $0x0, v56  }
0x14e: {  	v3 =	vld [tilespmem:$0x5F0];
	[tilespmem:$0x9C0] =	vst v2;
	v1 =	vpsel !p0, $0x0, v1;
	v2 =	vshll.u32 v59, $0xA  }
0x14f: {  	[tilespmem:$0x7D0] =	vst v1;
	v1 =	vadd.s32 v60, v2;
	v2 =	vpsel !p0, $0x0, v58  }
0x150: {  	[tilespmem:$0x9D0] =	vst v2;
	v1 =	vpsel !p1, $0x0, v1;
	v2 =	vshll.u32 v62, $0xA  }
0x151: {  	[tilespmem:$0x7E0] =	vst v1;
	v1 =	vadd.s32 v63, v2;
	v2 =	vpsel !p1, $0x0, v61  }
0x152: {  	[tilespmem:$0x9E0] =	vst v2;
	v1 =	vpsel !p2, $0x0, v1  }
0x153: {  	[tilespmem:$0x7F0] =	vst v1;
	v1 =	vpsel !p2, $0x0, v3  }
0x154: {  	[tilespmem:$0x9F0] =	vst v1  }
0x155: {  	s29 =	simm.s32 $0x600;
	s28 =	simm.s32 $0x800;
	[bflag:$0x0] =	sbarrier.arrive $0xFFFF  }
0x156: {  	[spmem:s6] =	stream.indirect.scatter.add.f32 [tilespmem:s28], [sflag:$0x2], $0x1, s29, s24, $0xb8;
	[tilespmem:$0x12A00] =	vst v63  }
0x157: {  	_ =	swait.ge [sflag:s23], $0x80  }
0x158: {  	[sflag:s23] =	ssyncset.done $0x0  }
0x159: {  	s30 =	simm.s32 $0x680;
	s31 =	simm.s32 $0x880;
	[sflag:s23] =	ssyncadd.s32 $0xFFFFFF80  }
0x15a: {  	[spmem:s6] =	stream.indirect.scatter.add.f32 [tilespmem:s31], [sflag:$0x2], $0x1, s30, s24, $0xb8;
	[tilespmem:$0x12A00] =	vst v63  }
0x15b: {  	_ =	swait.ge [sflag:s23], $0x80  }
0x15c: {  	[sflag:s23] =	ssyncset.done $0x0  }
0x15d: {  	s29 =	simm.s32 $0x700;
	s30 =	simm.s32 $0x900;
	[sflag:s23] =	ssyncadd.s32 $0xFFFFFF80  }
0x15e: {  	[spmem:s6] =	stream.indirect.scatter.add.f32 [tilespmem:s30], [sflag:$0x2], $0x1, s29, s24, $0xb8;
	[tilespmem:$0x12A00] =	vst v63  }
0x15f: {  	_ =	swait.ge [sflag:s23], $0x80  }
0x160: {  	[sflag:s23] =	ssyncset.done $0x0  }
0x161: {  	s31 =	simm.s32 $0x780;
	s29 =	simm.s32 $0x980;
	[sflag:s23] =	ssyncadd.s32 $0xFFFFFF80  }
0x162: {  	[spmem:s6] =	stream.indirect.scatter.add.f32 [tilespmem:s29], [sflag:$0x2], $0x1, s31, s24, $0xb8;
	[tilespmem:$0x12A00] =	vst v63  }
0x163: {  	_ =	swait.ge [sflag:s23], $0x80  }
0x164: {  	[sflag:s23] =	ssyncset.done $0x0  }
0x165: {  	[sflag:s23] =	ssyncadd.s32 $0xFFFFFF80  }
0x166: {  	s30 =	stileid.u32;
	[bflag:$0x0] =	sbarrier.arrive $0xFFFF  }
0x167: {  	s0 =	sshll.u32 s30, $0x6;
	s30 =	sld [smem:$0x7BA];
	_ =	sdelay $0x1  }
0x168: {  	s28 =	sor.u32 $0x1C01, s0;
	s31 =	sshrl.u32 s11, $0x3  }
0x169: {  	[hbm:s30@s24], [sflag:s28] =	dma.strided [spmem:s31@s26], $0x80, s25, $0x10   }
0x16a: {  	s0 =	sld [smem:$0x7BB]  }
0x16b: {  	s29 =	sld [smem:$0x7CF];
	_ =	sdelay $0x2  }
0x16c: {  	[hbm:s0@s24], [sflag:s28] =	dma.strided [spmem:s29@s26], $0x80, s25, $0x10   }
0x16d: {  	s0 =	sld [smem:$0x7BC]  }
0x16e: {  	s29 =	sld [smem:$0x7D0];
	_ =	sdelay $0x2  }
0x16f: {  	[hbm:s0@s24], [sflag:s28] =	dma.strided [spmem:s29@s26], $0x80, s25, $0x10   }
0x170: {  	s0 =	sld [smem:$0x7BD]  }
0x171: {  	s29 =	sld [smem:$0x7D1];
	_ =	sdelay $0x2  }
0x172: {  	[hbm:s0@s24], [sflag:s28] =	dma.strided [spmem:s29@s26], $0x80, s25, $0x10   }
0x173: {  	s0 =	sld [smem:$0x7BE]  }
0x174: {  	s29 =	sld [smem:$0x7D2];
	_ =	sdelay $0x2  }
0x175: {  	[hbm:s0@s24], [sflag:s28] =	dma.strided [spmem:s29@s26], $0x80, s25, $0x10   }
0x176: {  	s0 =	sld [smem:$0x7BF]  }
0x177: {  	s29 =	sld [smem:$0x7D3];
	_ =	sdelay $0x2  }
0x178: {  	[hbm:s0@s24], [sflag:s28] =	dma.strided [spmem:s29@s26], $0x80, s25, $0x10   }
0x179: {  	s0 =	sld [smem:$0x7C0]  }
0x17a: {  	s29 =	sld [smem:$0x7D4];
	_ =	sdelay $0x2  }
0x17b: {  	[hbm:s0@s24], [sflag:s28] =	dma.strided [spmem:s29@s26], $0x80, s25, $0x10   }
0x17c: {  	s0 =	sld [smem:$0x7C1]  }
0x17d: {  	s29 =	sld [smem:$0x7D5];
	_ =	sdelay $0x2  }
0x17e: {  	[hbm:s0@s24], [sflag:s28] =	dma.strided [spmem:s29@s26], $0x80, s25, $0x10   }
0x17f: {  	s31 =	sshrl.u32 s16, $0x3;
	s29 =	rddreg [dreg:$0x5]  }
0x180: {  	[hbm:s29@s24], [sflag:s28] =	dma.strided [spmem:s31@s26], $0x80, s25, $0x10   }
0x181: {  	s29 =	sld [smem:$0x7D6];
	_ =	sdelay $0x1  }
0x182: {  	s0 =	rddreg [dreg:$0x6]  }
0x183: {  	[hbm:s0@s24], [sflag:s28] =	dma.strided [spmem:s29@s26], $0x80, s25, $0x10   }
0x184: {  	s29 =	sld [smem:$0x7D7];
	_ =	sdelay $0x1  }
0x185: {  	s0 =	rddreg [dreg:$0x7]  }
0x186: {  	[hbm:s0@s24], [sflag:s28] =	dma.strided [spmem:s29@s26], $0x80, s25, $0x10   }
0x187: {  	s29 =	sld [smem:$0x7D8];
	_ =	sdelay $0x1  }
0x188: {  	s0 =	rddreg [dreg:$0x8]  }
0x189: {  	[hbm:s0@s24], [sflag:s28] =	dma.strided [spmem:s29@s26], $0x80, s25, $0x10   }
0x18a: {  	s29 =	sld [smem:$0x7D9];
	_ =	sdelay $0x1  }
0x18b: {  	s0 =	rddreg [dreg:$0x9]  }
0x18c: {  	[hbm:s0@s24], [sflag:s28] =	dma.strided [spmem:s29@s26], $0x80, s25, $0x10   }
0x18d: {  	s29 =	sld [smem:$0x7DA];
	_ =	sdelay $0x1  }
0x18e: {  	s0 =	rddreg [dreg:$0xa]  }
0x18f: {  	[hbm:s0@s24], [sflag:s28] =	dma.strided [spmem:s29@s26], $0x80, s25, $0x10   }
0x190: {  	s29 =	sld [smem:$0x7DB];
	_ =	sdelay $0x1  }
0x191: {  	s0 =	rddreg [dreg:$0xb]  }
0x192: {  	[hbm:s0@s24], [sflag:s28] =	dma.strided [spmem:s29@s26], $0x80, s25, $0x10   }
0x193: {  	s29 =	sld [smem:$0x7DC];
	_ =	sdelay $0x1  }
0x194: {  	s0 =	rddreg [dreg:$0xc]  }
0x195: {  	[hbm:s0@s24], [sflag:s28] =	dma.strided [spmem:s29@s26], $0x80, s25, $0x10   }
0x196: {  	s30 =	sshrl.u32 s17, $0x3;
	s29 =	rddreg [dreg:$0xd]  }
0x197: {  	[hbm:s29@s24], [sflag:s28] =	dma.strided [spmem:s30@s26], $0x80, s25, $0x10   }
0x198: {  	s29 =	sld [smem:$0x7DD];
	_ =	sdelay $0x1  }
0x199: {  	s0 =	rddreg [dreg:$0xe]  }
0x19a: {  	[hbm:s0@s24], [sflag:s28] =	dma.strided [spmem:s29@s26], $0x80, s25, $0x10   }
0x19b: {  	s29 =	sld [smem:$0x7DE];
	_ =	sdelay $0x1  }
0x19c: {  	s0 =	rddreg [dreg:$0xf]  }
0x19d: {  	[hbm:s0@s24], [sflag:s28] =	dma.strided [spmem:s29@s26], $0x80, s25, $0x10   }
0x19e: {  	s29 =	sld [smem:$0x7DF];
	_ =	sdelay $0x1  }
0x19f: {  	s0 =	rddreg [dreg:$0x10]  }
0x1a0: {  	[hbm:s0@s24], [sflag:s28] =	dma.strided [spmem:s29@s26], $0x80, s25, $0x10   }
0x1a1: {  	s29 =	sld [smem:$0x7E0];
	_ =	sdelay $0x1  }
0x1a2: {  	s0 =	rddreg [dreg:$0x11]  }
0x1a3: {  	[hbm:s0@s24], [sflag:s28] =	dma.strided [spmem:s29@s26], $0x80, s25, $0x10   }
0x1a4: {  	s29 =	sld [smem:$0x7E1];
	_ =	sdelay $0x1  }
0x1a5: {  	s0 =	rddreg [dreg:$0x12]  }
0x1a6: {  	[hbm:s0@s24], [sflag:s28] =	dma.strided [spmem:s29@s26], $0x80, s25, $0x10   }
0x1a7: {  	s29 =	sld [smem:$0x7E2];
	_ =	sdelay $0x1  }
0x1a8: {  	s0 =	rddreg [dreg:$0x13]  }
0x1a9: {  	[hbm:s0@s24], [sflag:s28] =	dma.strided [spmem:s29@s26], $0x80, s25, $0x10   }
0x1aa: {  	s29 =	sld [smem:$0x7E3];
	_ =	sdelay $0x1  }
0x1ab: {  	s0 =	rddreg [dreg:$0x14]  }
0x1ac: {  	[hbm:s0@s24], [sflag:s28] =	dma.strided [spmem:s29@s26], $0x80, s25, $0x10   }
0x1ad: {  	s31 =	sshrl.u32 s18, $0x3;
	s29 =	rddreg [dreg:$0x15]  }
0x1ae: {  	[hbm:s29@s24], [sflag:s28] =	dma.strided [spmem:s31@s26], $0x80, s25, $0x10   }
0x1af: {  	s29 =	sld [smem:$0x7E4];
	_ =	sdelay $0x1  }
0x1b0: {  	s0 =	rddreg [dreg:$0x16]  }
0x1b1: {  	[hbm:s0@s24], [sflag:s28] =	dma.strided [spmem:s29@s26], $0x80, s25, $0x10   }
0x1b2: {  	s29 =	sld [smem:$0x7E5];
	_ =	sdelay $0x1  }
0x1b3: {  	s0 =	rddreg [dreg:$0x17]  }
0x1b4: {  	[hbm:s0@s24], [sflag:s28] =	dma.strided [spmem:s29@s26], $0x80, s25, $0x10   }
0x1b5: {  	s29 =	sld [smem:$0x7E6];
	_ =	sdelay $0x1  }
0x1b6: {  	s0 =	rddreg [dreg:$0x18]  }
0x1b7: {  	[hbm:s0@s24], [sflag:s28] =	dma.strided [spmem:s29@s26], $0x80, s25, $0x10   }
0x1b8: {  	s29 =	sld [smem:$0x7E7];
	_ =	sdelay $0x1  }
0x1b9: {  	s0 =	rddreg [dreg:$0x19]  }
0x1ba: {  	[hbm:s0@s24], [sflag:s28] =	dma.strided [spmem:s29@s26], $0x80, s25, $0x10   }
0x1bb: {  	s29 =	sld [smem:$0x7E8];
	_ =	sdelay $0x1  }
0x1bc: {  	s0 =	rddreg [dreg:$0x1a]  }
0x1bd: {  	[hbm:s0@s24], [sflag:s28] =	dma.strided [spmem:s29@s26], $0x80, s25, $0x10   }
0x1be: {  	s29 =	sld [smem:$0x7E9];
	_ =	sdelay $0x1  }
0x1bf: {  	s0 =	rddreg [dreg:$0x1b]  }
0x1c0: {  	[hbm:s0@s24], [sflag:s28] =	dma.strided [spmem:s29@s26], $0x80, s25, $0x10   }
0x1c1: {  	s29 =	sld [smem:$0x7EA];
	_ =	sdelay $0x1  }
0x1c2: {  	s0 =	rddreg [dreg:$0x1c]  }
0x1c3: {  	[hbm:s0@s24], [sflag:s28] =	dma.strided [spmem:s29@s26], $0x80, s25, $0x10   }
0x1c4: {  	s30 =	sshrl.u32 s19, $0x3;
	s29 =	rddreg [dreg:$0x1d]  }
0x1c5: {  	[hbm:s29@s24], [sflag:s28] =	dma.strided [spmem:s30@s26], $0x80, s25, $0x10   }
0x1c6: {  	s29 =	sld [smem:$0x7EB];
	_ =	sdelay $0x1  }
0x1c7: {  	s0 =	rddreg [dreg:$0x1e]  }
0x1c8: {  	[hbm:s0@s24], [sflag:s28] =	dma.strided [spmem:s29@s26], $0x80, s25, $0x10   }
0x1c9: {  	s29 =	sld [smem:$0x7EC];
	_ =	sdelay $0x1  }
0x1ca: {  	s0 =	rddreg [dreg:$0x1f]  }
0x1cb: {  	[hbm:s0@s24], [sflag:s28] =	dma.strided [spmem:s29@s26], $0x80, s25, $0x10   }
0x1cc: {  	s0 =	sld [smem:$0x7A5]  }
0x1cd: {  	s29 =	sld [smem:$0x7ED];
	_ =	sdelay $0x2  }
0x1ce: {  	[hbm:s0@s24], [sflag:s28] =	dma.strided [spmem:s29@s26], $0x80, s25, $0x10   }
0x1cf: {  	s0 =	sld [smem:$0x7A6]  }
0x1d0: {  	s29 =	sld [smem:$0x7EE];
	_ =	sdelay $0x2  }
0x1d1: {  	[hbm:s0@s24], [sflag:s28] =	dma.strided [spmem:s29@s26], $0x80, s25, $0x10   }
0x1d2: {  	s0 =	sld [smem:$0x7A7]  }
0x1d3: {  	s29 =	sld [smem:$0x7EF];
	_ =	sdelay $0x2  }
0x1d4: {  	[hbm:s0@s24], [sflag:s28] =	dma.strided [spmem:s29@s26], $0x80, s25, $0x10   }
0x1d5: {  	s0 =	sld [smem:$0x7A8]  }
0x1d6: {  	s29 =	sld [smem:$0x7F0];
	_ =	sdelay $0x2  }
0x1d7: {  	[hbm:s0@s24], [sflag:s28] =	dma.strided [spmem:s29@s26], $0x80, s25, $0x10   }
0x1d8: {  	s0 =	sld [smem:$0x7A9]  }
0x1d9: {  	s29 =	sld [smem:$0x7F1];
	_ =	sdelay $0x2  }
0x1da: {  	[hbm:s0@s24], [sflag:s28] =	dma.strided [spmem:s29@s26], $0x80, s25, $0x10   }
0x1db: {  	s29 =	sld [smem:$0x7AA];
	_ =	sdelay $0x1  }
0x1dc: {  	s31 =	sshrl.u32 s20, $0x3  }
0x1dd: {  	[hbm:s29@s24], [sflag:s28] =	dma.strided [spmem:s31@s26], $0x80, s25, $0x10   }
0x1de: {  	s0 =	sld [smem:$0x7AB]  }
0x1df: {  	s29 =	sld [smem:$0x7F2];
	_ =	sdelay $0x2  }
0x1e0: {  	[hbm:s0@s24], [sflag:s28] =	dma.strided [spmem:s29@s26], $0x80, s25, $0x10   }
0x1e1: {  	s0 =	sld [smem:$0x7AC]  }
0x1e2: {  	s29 =	sld [smem:$0x7F3];
	_ =	sdelay $0x2  }
0x1e3: {  	[hbm:s0@s24], [sflag:s28] =	dma.strided [spmem:s29@s26], $0x80, s25, $0x10   }
0x1e4: {  	s0 =	sld [smem:$0x7AD]  }
0x1e5: {  	s29 =	sld [smem:$0x7F4];
	_ =	sdelay $0x2  }
0x1e6: {  	[hbm:s0@s24], [sflag:s28] =	dma.strided [spmem:s29@s26], $0x80, s25, $0x10   }
0x1e7: {  	s0 =	sld [smem:$0x7AE]  }
0x1e8: {  	s29 =	sld [smem:$0x7F5];
	_ =	sdelay $0x2  }
0x1e9: {  	[hbm:s0@s24], [sflag:s28] =	dma.strided [spmem:s29@s26], $0x80, s25, $0x10   }
0x1ea: {  	s0 =	sld [smem:$0x7AF]  }
0x1eb: {  	s29 =	sld [smem:$0x7F6];
	_ =	sdelay $0x2  }
0x1ec: {  	[hbm:s0@s24], [sflag:s28] =	dma.strided [spmem:s29@s26], $0x80, s25, $0x10   }
0x1ed: {  	s0 =	sld [smem:$0x7B0]  }
0x1ee: {  	s29 =	sld [smem:$0x7F7];
	_ =	sdelay $0x2  }
0x1ef: {  	[hbm:s0@s24], [sflag:s28] =	dma.strided [spmem:s29@s26], $0x80, s25, $0x10   }
0x1f0: {  	s0 =	sld [smem:$0x7B1]  }
0x1f1: {  	s29 =	sld [smem:$0x7F8];
	_ =	sdelay $0x2  }
0x1f2: {  	[hbm:s0@s24], [sflag:s28] =	dma.strided [spmem:s29@s26], $0x80, s25, $0x10   }
0x1f3: {  	s29 =	sld [smem:$0x7B2];
	_ =	sdelay $0x1  }
0x1f4: {  	s30 =	sshrl.u32 s21, $0x3  }
0x1f5: {  	[hbm:s29@s24], [sflag:s28] =	dma.strided [spmem:s30@s26], $0x80, s25, $0x10   }
0x1f6: {  	s0 =	sld [smem:$0x7B3]  }
0x1f7: {  	s29 =	sld [smem:$0x7F9];
	_ =	sdelay $0x2  }
0x1f8: {  	[hbm:s0@s24], [sflag:s28] =	dma.strided [spmem:s29@s26], $0x80, s25, $0x10   }
0x1f9: {  	s0 =	sld [smem:$0x7B4]  }
0x1fa: {  	s29 =	sld [smem:$0x7FA];
	_ =	sdelay $0x2  }
0x1fb: {  	[hbm:s0@s24], [sflag:s28] =	dma.strided [spmem:s29@s26], $0x80, s25, $0x10   }
0x1fc: {  	s0 =	sld [smem:$0x7B5]  }
0x1fd: {  	s29 =	sld [smem:$0x7FB];
	_ =	sdelay $0x2  }
0x1fe: {  	[hbm:s0@s24], [sflag:s28] =	dma.strided [spmem:s29@s26], $0x80, s25, $0x10   }
0x1ff: {  	s0 =	sld [smem:$0x7B6]  }
0x200: {  	s29 =	sld [smem:$0x7FC];
	_ =	sdelay $0x2  }
0x201: {  	[hbm:s0@s24], [sflag:s28] =	dma.strided [spmem:s29@s26], $0x80, s25, $0x10   }
0x202: {  	s0 =	sld [smem:$0x7B7]  }
0x203: {  	s29 =	sld [smem:$0x7FD];
	_ =	sdelay $0x2  }
0x204: {  	[hbm:s0@s24], [sflag:s28] =	dma.strided [spmem:s29@s26], $0x80, s25, $0x10   }
0x205: {  	s0 =	sld [smem:$0x7B8];
	_ =	sdelay $0x2  }
0x206: {  	[hbm:s0@s24], [sflag:s28] =	dma.strided [spmem:s3@s26], $0x80, s25, $0x10   }
0x207: {  	s0 =	sld [smem:$0x7B9];
	_ =	sdelay $0x2  }
0x208: {  	[hbm:s0@s24], [sflag:s28] =	dma.strided [spmem:s4@s26], $0x80, s25, $0x10   }
0x209: {  	s30 =	sld [smem:$0x7C2];
	_ =	sdelay $0x1  }
0x20a: {  	s31 =	sshrl.u32 s7, $0x3  }
0x20b: {  	[hbm:s30@s24], [sflag:s28] =	dma.strided [spmem:s31@s26], $0x80, s25, $0x10   }
0x20c: {  	s0 =	sld [smem:$0x7C3];
	_ =	sdelay $0x2  }
0x20d: {  	[hbm:s0@s24], [sflag:s28] =	dma.strided [spmem:s5@s26], $0x80, s25, $0x10   }
0x20e: {  	s0 =	sld [smem:$0x7C4];
	_ =	sdelay $0x2  }
0x20f: {  	[hbm:s0@s24], [sflag:s28] =	dma.strided [spmem:s8@s26], $0x80, s25, $0x10   }
0x210: {  	s0 =	sld [smem:$0x7C5];
	_ =	sdelay $0x2  }
0x211: {  	[hbm:s0@s24], [sflag:s28] =	dma.strided [spmem:s9@s26], $0x80, s25, $0x10   }
0x212: {  	s0 =	sld [smem:$0x7C6];
	_ =	sdelay $0x2  }
0x213: {  	[hbm:s0@s24], [sflag:s28] =	dma.strided [spmem:s10@s26], $0x80, s25, $0x10   }
0x214: {  	s0 =	sld [smem:$0x7C7];
	_ =	sdelay $0x2  }
0x215: {  	[hbm:s0@s24], [sflag:s28] =	dma.strided [spmem:s12@s26], $0x80, s25, $0x10   }
0x216: {  	s0 =	sld [smem:$0x7C8];
	_ =	sdelay $0x2  }
0x217: {  	[hbm:s0@s24], [sflag:s28] =	dma.strided [spmem:s13@s26], $0x80, s25, $0x10   }
0x218: {  	s0 =	sld [smem:$0x7C9];
	_ =	sdelay $0x2  }
0x219: {  	[hbm:s0@s24], [sflag:s28] =	dma.strided [spmem:s14@s26], $0x80, s25, $0x10   }
0x21a: {  	_ =	swait.ge [sflag:s25], $0x80  }
0x21b: {  	[sflag:s25] =	ssyncset.done $0x0  }
0x21c: {  	[sflag:s25] =	ssyncadd.s32 $0xFFFFFF80  }
0x21d: {  	_ =	swait.ge [sflag:s25], $0x80  }
0x21e: {  	[sflag:s25] =	ssyncset.done $0x0  }
0x21f: {  	[sflag:s25] =	ssyncadd.s32 $0xFFFFFF80  }
0x220: {  	_ =	swait.ge [sflag:s25], $0x80  }
0x221: {  	[sflag:s25] =	ssyncset.done $0x0  }
0x222: {  	[sflag:s25] =	ssyncadd.s32 $0xFFFFFF80  }
0x223: {  	_ =	swait.ge [sflag:s25], $0x80  }
0x224: {  	[sflag:s25] =	ssyncset.done $0x0  }
0x225: {  	[sflag:s25] =	ssyncadd.s32 $0xFFFFFF80  }
0x226: {  	_ =	swait.ge [sflag:s25], $0x80  }
0x227: {  	[sflag:s25] =	ssyncset.done $0x0  }
0x228: {  	[sflag:s25] =	ssyncadd.s32 $0xFFFFFF80  }
0x229: {  	_ =	swait.ge [sflag:s25], $0x80  }
0x22a: {  	[sflag:s25] =	ssyncset.done $0x0  }
0x22b: {  	[sflag:s25] =	ssyncadd.s32 $0xFFFFFF80  }
0x22c: {  	_ =	swait.ge [sflag:s25], $0x80  }
0x22d: {  	[sflag:s25] =	ssyncset.done $0x0  }
0x22e: {  	[sflag:s25] =	ssyncadd.s32 $0xFFFFFF80  }
0x22f: {  	_ =	swait.ge [sflag:s25], $0x80  }
0x230: {  	[sflag:s25] =	ssyncset.done $0x0  }
0x231: {  	[sflag:s25] =	ssyncadd.s32 $0xFFFFFF80  }
0x232: {  	_ =	swait.ge [sflag:s25], $0x80  }
0x233: {  	[sflag:s25] =	ssyncset.done $0x0  }
0x234: {  	[sflag:s25] =	ssyncadd.s32 $0xFFFFFF80  }
0x235: {  	_ =	swait.ge [sflag:s25], $0x80  }
0x236: {  	[sflag:s25] =	ssyncset.done $0x0  }
0x237: {  	[sflag:s25] =	ssyncadd.s32 $0xFFFFFF80  }
0x238: {  	_ =	swait.ge [sflag:s25], $0x80  }
0x239: {  	[sflag:s25] =	ssyncset.done $0x0  }
0x23a: {  	[sflag:s25] =	ssyncadd.s32 $0xFFFFFF80  }
0x23b: {  	_ =	swait.ge [sflag:s25], $0x80  }
0x23c: {  	[sflag:s25] =	ssyncset.done $0x0  }
0x23d: {  	[sflag:s25] =	ssyncadd.s32 $0xFFFFFF80  }
0x23e: {  	_ =	swait.ge [sflag:s25], $0x80  }
0x23f: {  	[sflag:s25] =	ssyncset.done $0x0  }
0x240: {  	[sflag:s25] =	ssyncadd.s32 $0xFFFFFF80  }
0x241: {  	_ =	swait.ge [sflag:s25], $0x80  }
0x242: {  	[sflag:s25] =	ssyncset.done $0x0  }
0x243: {  	[sflag:s25] =	ssyncadd.s32 $0xFFFFFF80  }
0x244: {  	_ =	swait.ge [sflag:s25], $0x80  }
0x245: {  	[sflag:s25] =	ssyncset.done $0x0  }
0x246: {  	[sflag:s25] =	ssyncadd.s32 $0xFFFFFF80  }
0x247: {  	_ =	swait.ge [sflag:s25], $0x80  }
0x248: {  	[sflag:s25] =	ssyncset.done $0x0  }
0x249: {  	[sflag:s25] =	ssyncadd.s32 $0xFFFFFF80  }
0x24a: {  	_ =	swait.ge [sflag:s25], $0x80  }
0x24b: {  	[sflag:s25] =	ssyncset.done $0x0  }
0x24c: {  	[sflag:s25] =	ssyncadd.s32 $0xFFFFFF80  }
0x24d: {  	_ =	swait.ge [sflag:s25], $0x80  }
0x24e: {  	[sflag:s25] =	ssyncset.done $0x0  }
0x24f: {  	[sflag:s25] =	ssyncadd.s32 $0xFFFFFF80  }
0x250: {  	_ =	swait.ge [sflag:s25], $0x80  }
0x251: {  	[sflag:s25] =	ssyncset.done $0x0  }
0x252: {  	[sflag:s25] =	ssyncadd.s32 $0xFFFFFF80  }
0x253: {  	_ =	swait.ge [sflag:s25], $0x80  }
0x254: {  	[sflag:s25] =	ssyncset.done $0x0  }
0x255: {  	[sflag:s25] =	ssyncadd.s32 $0xFFFFFF80  }
0x256: {  	_ =	swait.ge [sflag:s25], $0x80  }
0x257: {  	[sflag:s25] =	ssyncset.done $0x0  }
0x258: {  	[sflag:s25] =	ssyncadd.s32 $0xFFFFFF80  }
0x259: {  	_ =	swait.ge [sflag:s25], $0x80  }
0x25a: {  	[sflag:s25] =	ssyncset.done $0x0  }
0x25b: {  	[sflag:s25] =	ssyncadd.s32 $0xFFFFFF80  }
0x25c: {  	_ =	swait.ge [sflag:s25], $0x80  }
0x25d: {  	[sflag:s25] =	ssyncset.done $0x0  }
0x25e: {  	[sflag:s25] =	ssyncadd.s32 $0xFFFFFF80  }
0x25f: {  	_ =	swait.ge [sflag:s25], $0x80  }
0x260: {  	[sflag:s25] =	ssyncset.done $0x0  }
0x261: {  	[sflag:s25] =	ssyncadd.s32 $0xFFFFFF80  }
0x262: {  	_ =	swait.ge [sflag:s25], $0x80  }
0x263: {  	[sflag:s25] =	ssyncset.done $0x0  }
0x264: {  	[sflag:s25] =	ssyncadd.s32 $0xFFFFFF80  }
0x265: {  	_ =	swait.ge [sflag:s25], $0x80  }
0x266: {  	[sflag:s25] =	ssyncset.done $0x0  }
0x267: {  	[sflag:s25] =	ssyncadd.s32 $0xFFFFFF80  }
0x268: {  	_ =	swait.ge [sflag:s25], $0x80  }
0x269: {  	[sflag:s25] =	ssyncset.done $0x0  }
0x26a: {  	[sflag:s25] =	ssyncadd.s32 $0xFFFFFF80  }
0x26b: {  	_ =	swait.ge [sflag:s25], $0x80  }
0x26c: {  	[sflag:s25] =	ssyncset.done $0x0  }
0x26d: {  	[sflag:s25] =	ssyncadd.s32 $0xFFFFFF80  }
0x26e: {  	_ =	swait.ge [sflag:s25], $0x80  }
0x26f: {  	[sflag:s25] =	ssyncset.done $0x0  }
0x270: {  	[sflag:s25] =	ssyncadd.s32 $0xFFFFFF80  }
0x271: {  	_ =	swait.ge [sflag:s25], $0x80  }
0x272: {  	[sflag:s25] =	ssyncset.done $0x0  }
0x273: {  	[sflag:s25] =	ssyncadd.s32 $0xFFFFFF80  }
0x274: {  	_ =	swait.ge [sflag:s25], $0x80  }
0x275: {  	[sflag:s25] =	ssyncset.done $0x0  }
0x276: {  	[sflag:s25] =	ssyncadd.s32 $0xFFFFFF80  }
0x277: {  	_ =	swait.ge [sflag:s25], $0x80  }
0x278: {  	[sflag:s25] =	ssyncset.done $0x0  }
0x279: {  	[sflag:s25] =	ssyncadd.s32 $0xFFFFFF80  }
0x27a: {  	_ =	swait.ge [sflag:s25], $0x80  }
0x27b: {  	[sflag:s25] =	ssyncset.done $0x0  }
0x27c: {  	[sflag:s25] =	ssyncadd.s32 $0xFFFFFF80  }
0x27d: {  	_ =	swait.ge [sflag:s25], $0x80  }
0x27e: {  	[sflag:s25] =	ssyncset.done $0x0  }
0x27f: {  	[sflag:s25] =	ssyncadd.s32 $0xFFFFFF80  }
0x280: {  	_ =	swait.ge [sflag:s25], $0x80  }
0x281: {  	[sflag:s25] =	ssyncset.done $0x0  }
0x282: {  	[sflag:s25] =	ssyncadd.s32 $0xFFFFFF80  }
0x283: {  	_ =	swait.ge [sflag:s25], $0x80  }
0x284: {  	[sflag:s25] =	ssyncset.done $0x0  }
0x285: {  	[sflag:s25] =	ssyncadd.s32 $0xFFFFFF80  }
0x286: {  	_ =	swait.ge [sflag:s25], $0x80  }
0x287: {  	[sflag:s25] =	ssyncset.done $0x0  }
0x288: {  	[sflag:s25] =	ssyncadd.s32 $0xFFFFFF80  }
0x289: {  	_ =	swait.ge [sflag:s25], $0x80  }
0x28a: {  	[sflag:s25] =	ssyncset.done $0x0  }
0x28b: {  	[sflag:s25] =	ssyncadd.s32 $0xFFFFFF80  }
0x28c: {  	_ =	swait.ge [sflag:s25], $0x80  }
0x28d: {  	[sflag:s25] =	ssyncset.done $0x0  }
0x28e: {  	[sflag:s25] =	ssyncadd.s32 $0xFFFFFF80  }
0x28f: {  	_ =	swait.ge [sflag:s25], $0x80  }
0x290: {  	[sflag:s25] =	ssyncset.done $0x0  }
0x291: {  	[sflag:s25] =	ssyncadd.s32 $0xFFFFFF80  }
0x292: {  	_ =	swait.ge [sflag:s25], $0x80  }
0x293: {  	[sflag:s25] =	ssyncset.done $0x0  }
0x294: {  	[sflag:s25] =	ssyncadd.s32 $0xFFFFFF80  }
0x295: {  	_ =	swait.ge [sflag:s25], $0x80  }
0x296: {  	[sflag:s25] =	ssyncset.done $0x0  }
0x297: {  	[sflag:s25] =	ssyncadd.s32 $0xFFFFFF80  }
0x298: {  	_ =	swait.ge [sflag:s25], $0x80  }
0x299: {  	[sflag:s25] =	ssyncset.done $0x0  }
0x29a: {  	[sflag:s25] =	ssyncadd.s32 $0xFFFFFF80  }
0x29b: {  	_ =	swait.ge [sflag:s25], $0x80  }
0x29c: {  	[sflag:s25] =	ssyncset.done $0x0  }
0x29d: {  	[sflag:s25] =	ssyncadd.s32 $0xFFFFFF80  }
0x29e: {  	_ =	swait.ge [sflag:s25], $0x80  }
0x29f: {  	[sflag:s25] =	ssyncset.done $0x0  }
0x2a0: {  	[sflag:s25] =	ssyncadd.s32 $0xFFFFFF80  }
0x2a1: {  	_ =	swait.ge [sflag:s25], $0x80  }
0x2a2: {  	[sflag:s25] =	ssyncset.done $0x0  }
0x2a3: {  	[sflag:s25] =	ssyncadd.s32 $0xFFFFFF80  }
0x2a4: {  	_ =	swait.ge [sflag:s25], $0x80  }
0x2a5: {  	[sflag:s25] =	ssyncset.done $0x0  }
0x2a6: {  	[sflag:s25] =	ssyncadd.s32 $0xFFFFFF80  }
0x2a7: {  	_ =	swait.ge [sflag:s25], $0x80  }
0x2a8: {  	[sflag:s25] =	ssyncset.done $0x0  }
0x2a9: {  	[sflag:s25] =	ssyncadd.s32 $0xFFFFFF80  }
0x2aa: {  	_ =	swait.ge [sflag:s25], $0x80  }
0x2ab: {  	[sflag:s25] =	ssyncset.done $0x0  }
0x2ac: {  	[sflag:s25] =	ssyncadd.s32 $0xFFFFFF80  }
0x2ad: {  	_ =	swait.ge [sflag:s25], $0x80  }
0x2ae: {  	[sflag:s25] =	ssyncset.done $0x0  }
0x2af: {  	[sflag:s25] =	ssyncadd.s32 $0xFFFFFF80  }
0x2b0: {  	_ =	swait.ge [sflag:s25], $0x80  }
0x2b1: {  	[sflag:s25] =	ssyncset.done $0x0  }
0x2b2: {  	[sflag:s25] =	ssyncadd.s32 $0xFFFFFF80  }
0x2b3: {  	_ =	swait.ge [sflag:s25], $0x80  }
0x2b4: {  	[sflag:s25] =	ssyncset.done $0x0  }
0x2b5: {  	[sflag:s25] =	ssyncadd.s32 $0xFFFFFF80  }
0x2b6: {  	_ =	swait.ge [sflag:s25], $0x80  }
0x2b7: {  	[sflag:s25] =	ssyncset.done $0x0  }
0x2b8: {  	[sflag:s25] =	ssyncadd.s32 $0xFFFFFF80  }
0x2b9: {  	_ =	swait.ge [sflag:s25], $0x80  }
0x2ba: {  	[sflag:s25] =	ssyncset.done $0x0  }
0x2bb: {  	[sflag:s25] =	ssyncadd.s32 $0xFFFFFF80  }
0x2bc: {  	_ =	swait.ge [sflag:s25], $0x80  }
0x2bd: {  	[sflag:s25] =	ssyncset.done $0x0  }
0x2be: {  	[sflag:s25] =	ssyncadd.s32 $0xFFFFFF80  }
0x2bf: {  	_ =	swait.ge [sflag:s25], $0x80  }
0x2c0: {  	[sflag:s25] =	ssyncset.done $0x0  }
0x2c1: {  	[sflag:s25] =	ssyncadd.s32 $0xFFFFFF80  }
0x2c2: {  	_ =	swait.ge [sflag:s25], $0x80  }
0x2c3: {  	[sflag:s25] =	ssyncset.done $0x0  }
0x2c4: {  	[sflag:s25] =	ssyncadd.s32 $0xFFFFFF80  }
0x2c5: {  	_ =	swait.ge [sflag:s25], $0x80  }
0x2c6: {  	[sflag:s25] =	ssyncset.done $0x0  }
0x2c7: {  	[sflag:s25] =	ssyncadd.s32 $0xFFFFFF80  }
0x2c8: {  	_ =	swait.ge [sflag:s25], $0x80  }
0x2c9: {  	[sflag:s25] =	ssyncset.done $0x0  }
0x2ca: {  	[sflag:s25] =	ssyncadd.s32 $0xFFFFFF80  }
0x2cb: {  	_ =	swait.ge [sflag:s25], $0x80  }
0x2cc: {  	[sflag:s25] =	ssyncset.done $0x0  }
0x2cd: {  	[sflag:s25] =	ssyncadd.s32 $0xFFFFFF80  }
0x2ce: {  	_ =	swait.ge [sflag:s25], $0x80  }
0x2cf: {  	[sflag:s25] =	ssyncset.done $0x0  }
0x2d0: {  	[sflag:s25] =	ssyncadd.s32 $0xFFFFFF80  }
0x2d1: {  	_ =	swait.ge [sflag:s25], $0x80  }
0x2d2: {  	[sflag:s25] =	ssyncset.done $0x0  }
0x2d3: {  	[sflag:s25] =	ssyncadd.s32 $0xFFFFFF80  }
0x2d4: {  	_ =	swait.ge [sflag:s25], $0x80  }
0x2d5: {  	[sflag:s25] =	ssyncset.done $0x0  }
0x2d6: {  	[sflag:s25] =	ssyncadd.s32 $0xFFFFFF80  }
0x2d7: {  	_ =	swait.ge [sflag:s25], $0x80  }
0x2d8: {  	s31 =	sld [smem:$0x7CE];
	_ =	sdelay $0x1  }
0x2d9: {  	s1 =	sadd.s32 $0x1, s1  }
0x2da: {  	p4 =	sne.s32 s1, s31  }
.Ltmp1:
0x2db: {  	_ = 	snop;
	(pc) =	sbr.rel @p4 .LBB2_1-.Ltmp1, $3  }
0x2dc: {  	_ =	sdelay $0x1  }
0x2dd: {  	[sflag:s25] =	ssyncset.done $0x0  }
0x2de: {  	[sflag:s25] =	ssyncadd.s32 $0xFFFFFF80  }
0x2df: {  	_ =	sfence.sel $0x180000  }
0x2e0: {  	[bflag:$0x0] =	sbarrier.arrive $0xFFFF  }
0x2e1: {  	_ =	strace $0x90000047  }
0x2e2: {  	s0 =	stileid.u32;
	[bflag:$0x2] =	sbarrier.arrive $0xFFFF  }
0x2e3: {  	p0 =	sne.s32 s0, $0x0;
	s0 =	rddreg [dreg:$0x4]  }
0x2e4: {  	s0 =	sadd.s32 @!p0 $0x100000, s0  }
0x2e5: {  	[sflag:s0] =	ssyncadd.tile.s32 @!p0 $0x1;
	_ =	shalt  }
.Lfunc_end2:
_tile_overlayer_lowered:
.L_overlay_start_2:
0x2e6: {  	(tag) =	ssettag $0x2  }
0x2e7: {  	s0 =	rddreg [dreg:$0x0];
	s2 =	stileid.u32  }
0x2e8: {  	s1 =	rddreg [dreg:$0x1];
	p0 =	sne.s32 s2, $0x0  }
0x2e9: {  	s3 =	rddreg [dreg:$0x2];
	[bflag:$0x3] =	sbarrier.arrive $0xFFFF;
	s2 =	simm.s32 @!p0 $0x1C02  }
0x2ea: {  	[timem:s3], [sflag:s2] =	dma.local @!p0 [hbm:s0], s1  }
0x2eb: {  	s0 =	simm.s32 @!p0 $0x2  }
0x2ec: {  	_ =	swait.ge @!p0 [sflag:s0], s1  }
0x2ed: {  	s1 =	ssub.s32 @!p0 $0x0, s1;
	[sflag:s0] =	ssyncset.done @!p0 $0x0  }
0x2ee: {  	[sflag:s0] =	ssyncadd.s32 @!p0 s1  }
0x2ef: {  	[bflag:$0x3] =	sbarrier.arrive $0xFFFF  }
0x2f0: {  	_ =	shalt  }

</sc_bundles>
